<compile_context>
chip_gen: v7x
topology: tpu7x:2x2x1
jax: 0.10.2.dev20260603
libtpu: 0.0.44.dev20260713+nightly
codegen_flags: <defaults>
</compile_context>

<pallas_src>
import functools
import math

import jax
import jax.numpy as jnp
from jax import lax
from jax.experimental import pallas as pl
from jax.experimental.pallas import tpu as pltpu
from jax.experimental.pallas import tpu_sc as plsc

B = 128
N = 32768
K = math.ceil(0.05 * N)

NC = 2
NS = 16
L = 16
NW = NC * NS
ROWS_PER_W = B // NW
NV = N // L
NBKT = 256
HSTRIDE = 257
HWORDS = 264 * L
TW = 128


def _scal(v):
    if getattr(v, "ndim", 0) == 1:
        return jnp.max(v)
    return v


_mesh = plsc.VectorSubcoreMesh(core_axis_name="c", subcore_axis_name="s")


@functools.partial(
    pl.kernel,
    mesh=_mesh,
    out_type=jax.ShapeDtypeStruct((B * TW,), jnp.float32),
    compiler_params=pltpu.CompilerParams(needs_layout_passes=False),
    scratch_types=[
        pltpu.VMEM((N,), jnp.float32),
        pltpu.VMEM((N,), jnp.float32),
        pltpu.VMEM((N,), jnp.int32),
        pltpu.VMEM((HWORDS,), jnp.int32),
        pltpu.VMEM((NBKT,), jnp.int32),
        pltpu.VMEM((ROWS_PER_W * TW,), jnp.float32),
        pltpu.SemaphoreType.DMA,
        pltpu.SemaphoreType.DMA,
    ],
)
def _select_thr(x_hbm, thr_hbm, xv0, xv1, ca, hist, merged, tbuf, sema, semb):
    wid = lax.axis_index("s") * NC + lax.axis_index("c")
    lanes = lax.iota(jnp.int32, L)
    laneoff = lanes * HSTRIDE
    ones = jnp.ones((L,), jnp.int32)
    zero16 = jnp.zeros((L,), jnp.int32)
    true16 = lanes >= 0
    row0 = wid * ROWS_PER_W

    def clear_hist():
        @plsc.parallel_loop(0, HWORDS // L, unroll=8)
        def _(i):
            hist[pl.ds(i * L, L)] = zero16

    def search(r0):
        def ga_body(t, carry):
            r, found, grp, rg = carry
            g = 15 - t
            hs = [hist[pl.ds(l * HSTRIDE + g * L, L)] for l in range(L)]
            while len(hs) > 1:
                hs = [hs[i] + hs[i + 1] for i in range(0, len(hs), 2)]
            acc = hs[0]
            merged[pl.ds(g * L, L)] = acc
            tot = jnp.sum(acc)
            hit = jnp.logical_and(found == 0, tot >= r)
            grp = jnp.where(hit, g, grp)
            rg = jnp.where(hit, r, rg)
            r = jnp.where(jnp.logical_and(found == 0, jnp.logical_not(hit)),
                          r - tot, r)
            found = jnp.where(hit, jnp.int32(1), found)
            return (r, found, grp, rg)

        r, _found, grp, rg = lax.fori_loop(
            0, 16, ga_body,
            (r0, jnp.int32(0), jnp.int32(0), jnp.int32(1)))

        acc = merged[pl.ds(grp * L, L)]
        rev = lax.rev(acc, (0,))
        c = plsc.cumsum(rev)
        mge = c >= rg
        i0 = _scal(plsc.all_reduce_ffs(mge))
        msel = lanes == i0
        above = jnp.sum(jnp.where(msel, c - rev, zero16))
        bucket = grp * L + (15 - i0)
        r_next = rg - above
        return bucket, r_next

    def histo(n_src, shift):
        clear_hist()
        nv = (n_src + L - 1) // L

        @plsc.parallel_loop(0, nv, unroll=8)
        def _(i):
            sv = ca[pl.ds(i * L, L)]
            inb = (i * L + lanes) < n_src
            bkt = ((sv >> shift) & 0xFF) + laneoff
            plsc.addupdate_scatter(hist, [bkt], ones, mask=inb)

    def compact(n_src, shift, p):
        nv = (n_src + L - 1) // L

        @plsc.parallel_loop(0, nv, unroll=8, carry=zero16)
        def off(i, off):
            sv = ca[pl.ds(i * L, L)]
            inb = (i * L + lanes) < n_src
            m = jnp.logical_and((sv >> shift) == p, inb)
            mi = jnp.where(m, ones, zero16)
            pos = off + plsc.cumsum(mi) - 1
            plsc.store_scatter(ca, [pos], sv, mask=m)
            return off + plsc.all_reduce_population_count(m)

        return jnp.max(off)

    def process(xv, rr):
        clear_hist()

        @plsc.parallel_loop(0, NV, unroll=8)
        def _(i):
            xf = xv[pl.ds(i * L, L)]
            b = lax.bitcast_convert_type(xf, jnp.int32)
            s = jnp.where(b < 0, b ^ jnp.int32(0x7FFFFFFF), b)
            bkt = (s >> 24) + 128 + laneoff
            plsc.addupdate_scatter(hist, [bkt], ones, mask=true16)

        b1, r = search(jnp.int32(K))
        p1 = b1 - 128

        @plsc.parallel_loop(0, NV, unroll=8, carry=zero16)
        def off1(i, off):
            xf = xv[pl.ds(i * L, L)]
            b = lax.bitcast_convert_type(xf, jnp.int32)
            s = jnp.where(b < 0, b ^ jnp.int32(0x7FFFFFFF), b)
            m = (s >> 24) == p1
            mi = jnp.where(m, ones, zero16)
            pos = off + plsc.cumsum(mi) - 1
            plsc.store_scatter(ca, [pos], s, mask=m)
            return off + plsc.all_reduce_population_count(m)

        n1 = jnp.max(off1)

        histo(n1, 16)
        b2, r = search(r)
        p2 = (p1 << 8) | b2
        n2 = compact(n1, 16, p2)

        histo(n2, 8)
        b3, r = search(r)
        p3 = (p2 << 8) | b3
        n3 = compact(n2, 8, p3)

        histo(n3, 0)
        b4, r = search(r)
        thr = (p3 << 8) | b4

        tv = zero16 + thr
        bv = jnp.where(tv >= 0, tv, tv ^ jnp.int32(0x7FFFFFFF))
        fv = lax.bitcast_convert_type(bv, jnp.float32)
        for j in range(TW // L):
            tbuf[pl.ds(rr * TW + j * L, L)] = fv

    pltpu.async_copy(x_hbm.at[pl.ds(row0 * N, N)], xv0, sema)

    def pair_body(pp, _):
        r_even = row0 + 2 * pp
        pltpu.make_async_copy(
            x_hbm.at[pl.ds(r_even * N, N)], xv0, sema).wait()
        pltpu.async_copy(x_hbm.at[pl.ds((r_even + 1) * N, N)], xv1, semb)
        process(xv0, 2 * pp)
        pltpu.make_async_copy(
            x_hbm.at[pl.ds((r_even + 1) * N, N)], xv1, semb).wait()

        @pl.when(pp == 0)
        def _():
            pltpu.async_copy(
                x_hbm.at[pl.ds((r_even + 2) * N, N)], xv0, sema)

        process(xv1, 2 * pp + 1)
        return 0

    lax.fori_loop(0, ROWS_PER_W // 2, pair_body, 0)
    pltpu.sync_copy(tbuf, thr_hbm.at[pl.ds(wid * (ROWS_PER_W * TW),
                                           ROWS_PER_W * TW)])


def _mask_body(thr_ref, x_ref, o_ref):
    t = thr_ref[:, 0:1]
    xb = x_ref[...]
    o_ref[...] = jnp.where(xb >= t, xb, 0.0)


_mask = pl.pallas_call(
    _mask_body,
    grid=(16,),
    in_specs=[
        pl.BlockSpec((8, TW), lambda i: (i, 0)),
        pl.BlockSpec((8, N), lambda i: (i, 0)),
    ],
    out_specs=pl.BlockSpec((8, N), lambda i: (i, 0)),
    out_shape=jax.ShapeDtypeStruct((B, N), jnp.float32),
)


def kernel(x):
    thr = _select_thr(x.reshape(B * N)).reshape(B, TW)
    return _mask(thr, x)

# --- scband reference (transcript-rebuilt; emitter-appended) ---
"""Pipeline reference for scband-batch-top-k-1365799600583 (READ-ONLY COPY).

The authoritative reference and input builder live on the scoring server;
editing this copy changes nothing except your own understanding.
"""

import jax, jax.numpy as jnp
import numpy as np
import math

K_RATIO = 0.05

def setup_inputs(seed: int = 0) -> dict:
    key = jax.random.key(seed)
    x = jax.random.normal(key, (128, 32768), dtype=jnp.float32)
    return {"x": x}

def reference(x):
    # BatchTopK with batchwise=False: top-k along last dim (k_dim = -1)
    emb_size = x.shape[-1]
    k = math.ceil(K_RATIO * emb_size)
    _, indices = jax.lax.top_k(x, k)  # indices: [B, k]
    row_idx = jnp.arange(x.shape[0])[:, None]
    mask = jnp.zeros(x.shape, dtype=x.dtype).at[row_idx, indices].set(1.0)
    output = x * mask
    return output

if __name__ == "__main__":
    import jax
    _d = setup_inputs()
    print(jax.jit(kernel)(*tuple(_d.values())))

</pallas_src>

<mosaic_0001>
#map = affine_map<(d0, d1) -> (0)>
module attributes {stable_mosaic.version = 14 : i64} {
  func.func @_select_thr(%arg0: i32, %arg1: i32, %arg2: memref<4194304xf32, #tpu.memory_space<hbm>>, %arg3: memref<16384xf32, #tpu.memory_space<hbm>>, %arg4: memref<32768xf32, #tpu.memory_space<vmem>>, %arg5: memref<32768xf32, #tpu.memory_space<vmem>>, %arg6: memref<32768xi32, #tpu.memory_space<vmem>>, %arg7: memref<4224xi32, #tpu.memory_space<vmem>>, %arg8: memref<256xi32, #tpu.memory_space<vmem>>, %arg9: memref<512xf32, #tpu.memory_space<vmem>>, %arg10: memref<!tpu.dma_semaphore, #tpu.memory_space<semaphore_mem>>, %arg11: memref<!tpu.dma_semaphore, #tpu.memory_space<semaphore_mem>>) attributes {dimension_semantics = [#tpu.dimension_semantics<core_parallel>, #tpu.dimension_semantics<subcore_parallel>], iteration_bounds = array<i64: 2, 16>, scalar_prefetch = 0 : i64, scratch_operands = 8 : i64, tpu.core_type = #tpu.core_type<sc_vector_subcore>, window_params = [{transform_indices = #map}, {transform_indices = #map}]} {
    %mul3A = arith.constant 2 : i32
    %mul3A_0 = arith.muli %arg1, %mul3A : i32
    %add3A = arith.addi %mul3A_0, %arg0 : i32
    %iota3A = tpu.iota {dimensions = array<i32: 0>} : vector<16xi32>
    %mul3A_1 = arith.constant 257 : i32
    %mul3A_2 = vector.broadcast %mul3A_1 : i32 to vector<16xi32>
    %mul3A_3 = arith.muli %iota3A, %mul3A_2 : vector<16xi32>
    %broadcast_in_dim3A = arith.constant 1 : i32
    %broadcast_in_dim3A_4 = vector.broadcast %broadcast_in_dim3A : i32 to vector<16xi32>
    %broadcast_in_dim3A_5 = arith.constant 0 : i32
    %broadcast_in_dim3A_6 = vector.broadcast %broadcast_in_dim3A_5 : i32 to vector<16xi32>
    %ge3A = arith.constant 0 : i32
    %ge3A_7 = vector.broadcast %ge3A : i32 to vector<16xi32>
    %ge3A_8 = arith.cmpi sge, %iota3A, %ge3A_7 : vector<16xi32>
    %mul3A_9 = arith.constant 4 : i32
    %mul3A_10 = arith.muli %add3A, %mul3A_9 : i32
    %mul3A_11 = arith.constant 32768 : i32
    %mul3A_12 = arith.muli %mul3A_10, %mul3A_11 : i32
    %dma_start3A = tpu.memref_slice %arg2[%mul3A_12] : memref<4194304xf32, #tpu.memory_space<hbm>> -> memref<32768xf32, #tpu.memory_space<hbm>>
    %dma_start3A_13 = tpu.memref_slice %arg2[%mul3A_12] : memref<4194304xf32, #tpu.memory_space<hbm>> -> memref<32768xf32, #tpu.memory_space<hbm>>
    tpu.enqueue_dma source(%dma_start3A_13 : memref<32768xf32, #tpu.memory_space<hbm>>) target(%arg4 : memref<32768xf32, #tpu.memory_space<vmem>>) target_semaphore(%arg10 : memref<!tpu.dma_semaphore, #tpu.memory_space<semaphore_mem>>)
    %scan3A = arith.constant 0 : i32
    %scan3A_14 = arith.constant 0 : i32
    %scan3A_15 = arith.constant 2 : i32
    %scan3A_16 = arith.addi %scan3A_14, %scan3A_15 : i32
    %scan3A_17 = arith.constant 1 : i32
    %scan3A_18 = scf.for %scan3A_22 = %scan3A_14 to %scan3A_16 step %scan3A_17 iter_args(%scan3A_23 = %scan3A) -> (i32)  : i32 {
      %mul3A_24 = arith.constant 2 : i32
      %mul3A_25 = arith.muli %mul3A_24, %scan3A_22 : i32
      %add3A_26 = arith.addi %mul3A_10, %mul3A_25 : i32
      %mul3A_27 = arith.constant 32768 : i32
      %mul3A_28 = arith.muli %add3A_26, %mul3A_27 : i32
      %dma_wait3A = tpu.memref_slice %arg2[%mul3A_28] : memref<4194304xf32, #tpu.memory_space<hbm>> -> memref<32768xf32, #tpu.memory_space<hbm>>
      %dma_wait3A_29 = tpu.memref_slice %arg2[%mul3A_28] : memref<4194304xf32, #tpu.memory_space<hbm>> -> memref<32768xf32, #tpu.memory_space<hbm>>
      tpu.wait_dma2 semaphore(%arg10 : memref<!tpu.dma_semaphore, #tpu.memory_space<semaphore_mem>>) src(%dma_wait3A_29 : memref<32768xf32, #tpu.memory_space<hbm>>) dst(%arg4 : memref<32768xf32, #tpu.memory_space<vmem>>)
      %add3A_30 = arith.constant 1 : i32
      %add3A_31 = arith.addi %add3A_26, %add3A_30 : i32
      %mul3A_32 = arith.constant 32768 : i32
      %mul3A_33 = arith.muli %add3A_31, %mul3A_32 : i32
      %dma_start3A_34 = tpu.memref_slice %arg2[%mul3A_33] : memref<4194304xf32, #tpu.memory_space<hbm>> -> memref<32768xf32, #tpu.memory_space<hbm>>
      %dma_start3A_35 = tpu.memref_slice %arg2[%mul3A_33] : memref<4194304xf32, #tpu.memory_space<hbm>> -> memref<32768xf32, #tpu.memory_space<hbm>>
      tpu.enqueue_dma source(%dma_start3A_35 : memref<32768xf32, #tpu.memory_space<hbm>>) target(%arg5 : memref<32768xf32, #tpu.memory_space<vmem>>) target_semaphore(%arg11 : memref<!tpu.dma_semaphore, #tpu.memory_space<semaphore_mem>>)
      %mul3A_36 = arith.constant 2 : i32
      %mul3A_37 = arith.muli %mul3A_36, %scan3A_22 : i32
      %parallel_loop3A = arith.constant 0 : i32
      %parallel_loop3A_38 = arith.constant 264 : i32
      %parallel_loop3A_39 = arith.constant 1 : i32
      scf.for %parallel_loop3A_929 = %parallel_loop3A to %parallel_loop3A_38 step %parallel_loop3A_39  : i32 {
        %parallel_loop3A_930 = arith.constant 16 : i32
        %parallel_loop3A_931 = arith.muli %parallel_loop3A_929, %parallel_loop3A_930 : i32
        %parallel_loop3A_932 = arith.index_cast %parallel_loop3A_931 : i32 to index
        %parallel_loop3A_933 = tpu.vector_load %arg7[%parallel_loop3A_932] {strides = array<i32>} : memref<4224xi32, #tpu.memory_space<vmem>>, vector<16xi32>,
        tpu.vector_store %arg7[%parallel_loop3A_932], %broadcast_in_dim3A_6 {strides = array<i32>} : memref<4224xi32, #tpu.memory_space<vmem>>, vector<16xi32>,
      } {sc.loop_unroll_factor = 8 : i64, sc.parallel_access}
      %parallel_loop3A_40 = arith.constant 0 : i32
      %parallel_loop3A_41 = arith.constant 2048 : i32
      %parallel_loop3A_42 = arith.constant 1 : i32
      scf.for %parallel_loop3A_929 = %parallel_loop3A_40 to %parallel_loop3A_41 step %parallel_loop3A_42  : i32 {
        %parallel_loop3A_930 = arith.constant 16 : i32
        %parallel_loop3A_931 = arith.muli %parallel_loop3A_929, %parallel_loop3A_930 : i32
        %parallel_loop3A_932 = arith.index_cast %parallel_loop3A_931 : i32 to index
        %parallel_loop3A_933 = tpu.vector_load %arg4[%parallel_loop3A_932] {strides = array<i32>} : memref<32768xf32, #tpu.memory_space<vmem>>, vector<16xf32>,
        %parallel_loop3A_934 = tpu.bitcast %parallel_loop3A_933 : vector<16xf32> -> vector<16xi32>
        %parallel_loop3A_935 = arith.constant 0 : i32
        %parallel_loop3A_936 = vector.broadcast %parallel_loop3A_935 : i32 to vector<16xi32>
        %parallel_loop3A_937 = arith.cmpi slt, %parallel_loop3A_934, %parallel_loop3A_936 : vector<16xi32>
        %parallel_loop3A_938 = arith.constant 2147483647 : i32
        %parallel_loop3A_939 = vector.broadcast %parallel_loop3A_938 : i32 to vector<16xi32>
        %parallel_loop3A_940 = arith.xori %parallel_loop3A_934, %parallel_loop3A_939 : vector<16xi32>
        %parallel_loop3A_941 = arith.select %parallel_loop3A_937, %parallel_loop3A_940, %parallel_loop3A_934 : vector<16xi1>, vector<16xi32>
        %parallel_loop3A_942 = arith.constant 24 : i32
        %parallel_loop3A_943 = vector.broadcast %parallel_loop3A_942 : i32 to vector<16xi32>
        %parallel_loop3A_944 = arith.shrsi %parallel_loop3A_941, %parallel_loop3A_943 : vector<16xi32>
        %parallel_loop3A_945 = arith.constant 128 : i32
        %parallel_loop3A_946 = vector.broadcast %parallel_loop3A_945 : i32 to vector<16xi32>
        %parallel_loop3A_947 = arith.addi %parallel_loop3A_944, %parallel_loop3A_946 : vector<16xi32>
        %parallel_loop3A_948 = arith.addi %parallel_loop3A_947, %mul3A_3 : vector<16xi32>
        tpu.vector_store_idx %arg7[%parallel_loop3A_948], %broadcast_in_dim3A_4 masked %ge3A_8 {add = true} : memref<4224xi32, #tpu.memory_space<vmem>>[vector<16xi32>], vector<16xi32>, vector<16xi1>
      } {sc.loop_unroll_factor = 8 : i64, sc.parallel_access}
      %scan3A_43 = arith.constant 1639 : i32
      %scan3A_44 = arith.constant 0 : i32
      %scan3A_45 = arith.constant 0 : i32
      %scan3A_46 = arith.constant 1 : i32
      %scan3A_47 = arith.constant 0 : i32
      %scan3A_48 = arith.constant 16 : i32
      %scan3A_49 = arith.addi %scan3A_47, %scan3A_48 : i32
      %scan3A_50 = arith.constant 1 : i32
      %scan3A_51:4 = scf.for %scan3A_929 = %scan3A_47 to %scan3A_49 step %scan3A_50 iter_args(%scan3A_930 = %scan3A_43, %scan3A_931 = %scan3A_44, %scan3A_932 = %scan3A_45, %scan3A_933 = %scan3A_46) -> (i32, i32, i32, i32)  : i32 {
        %sub3A_934 = arith.constant 15 : i32
        %sub3A_935 = arith.subi %sub3A_934, %scan3A_929 : i32
        %mul3A_936 = arith.constant 16 : i32
        %mul3A_937 = arith.muli %sub3A_935, %mul3A_936 : i32
        %add3A_938 = arith.constant 0 : i32
        %add3A_939 = arith.addi %add3A_938, %mul3A_937 : i32
        %get3A_940 = arith.index_cast %add3A_939 : i32 to index
        %get3A_941 = tpu.vector_load %arg7[%get3A_940] {strides = array<i32>} : memref<4224xi32, #tpu.memory_space<vmem>>, vector<16xi32>,
        %mul3A_942 = arith.constant 16 : i32
        %mul3A_943 = arith.muli %sub3A_935, %mul3A_942 : i32
        %add3A_944 = arith.constant 257 : i32
        %add3A_945 = arith.addi %add3A_944, %mul3A_943 : i32
        %get3A_946 = arith.index_cast %add3A_945 : i32 to index
        %get3A_947 = tpu.vector_load %arg7[%get3A_946] {strides = array<i32>} : memref<4224xi32, #tpu.memory_space<vmem>>, vector<16xi32>,
        %mul3A_948 = arith.constant 16 : i32
        %mul3A_949 = arith.muli %sub3A_935, %mul3A_948 : i32
        %add3A_950 = arith.constant 514 : i32
        %add3A_951 = arith.addi %add3A_950, %mul3A_949 : i32
        %get3A_952 = arith.index_cast %add3A_951 : i32 to index
        %get3A_953 = tpu.vector_load %arg7[%get3A_952] {strides = array<i32>} : memref<4224xi32, #tpu.memory_space<vmem>>, vector<16xi32>,
        %mul3A_954 = arith.constant 16 : i32
        %mul3A_955 = arith.muli %sub3A_935, %mul3A_954 : i32
        %add3A_956 = arith.constant 771 : i32
        %add3A_957 = arith.addi %add3A_956, %mul3A_955 : i32
        %get3A_958 = arith.index_cast %add3A_957 : i32 to index
        %get3A_959 = tpu.vector_load %arg7[%get3A_958] {strides = array<i32>} : memref<4224xi32, #tpu.memory_space<vmem>>, vector<16xi32>,
        %mul3A_960 = arith.constant 16 : i32
        %mul3A_961 = arith.muli %sub3A_935, %mul3A_960 : i32
        %add3A_962 = arith.constant 1028 : i32
        %add3A_963 = arith.addi %add3A_962, %mul3A_961 : i32
        %get3A_964 = arith.index_cast %add3A_963 : i32 to index
        %get3A_965 = tpu.vector_load %arg7[%get3A_964] {strides = array<i32>} : memref<4224xi32, #tpu.memory_space<vmem>>, vector<16xi32>,
        %mul3A_966 = arith.constant 16 : i32
        %mul3A_967 = arith.muli %sub3A_935, %mul3A_966 : i32
        %add3A_968 = arith.constant 1285 : i32
        %add3A_969 = arith.addi %add3A_968, %mul3A_967 : i32
        %get3A_970 = arith.index_cast %add3A_969 : i32 to index
        %get3A_971 = tpu.vector_load %arg7[%get3A_970] {strides = array<i32>} : memref<4224xi32, #tpu.memory_space<vmem>>, vector<16xi32>,
        %mul3A_972 = arith.constant 16 : i32
        %mul3A_973 = arith.muli %sub3A_935, %mul3A_972 : i32
        %add3A_974 = arith.constant 1542 : i32
        %add3A_975 = arith.addi %add3A_974, %mul3A_973 : i32
        %get3A_976 = arith.index_cast %add3A_975 : i32 to index
        %get3A_977 = tpu.vector_load %arg7[%get3A_976] {strides = array<i32>} : memref<4224xi32, #tpu.memory_space<vmem>>, vector<16xi32>,
        %mul3A_978 = arith.constant 16 : i32
        %mul3A_979 = arith.muli %sub3A_935, %mul3A_978 : i32
        %add3A_980 = arith.constant 1799 : i32
        %add3A_981 = arith.addi %add3A_980, %mul3A_979 : i32
        %get3A_982 = arith.index_cast %add3A_981 : i32 to index
        %get3A_983 = tpu.vector_load %arg7[%get3A_982] {strides = array<i32>} : memref<4224xi32, #tpu.memory_space<vmem>>, vector<16xi32>,
        %mul3A_984 = arith.constant 16 : i32
        %mul3A_985 = arith.muli %sub3A_935, %mul3A_984 : i32
        %add3A_986 = arith.constant 2056 : i32
        %add3A_987 = arith.addi %add3A_986, %mul3A_985 : i32
        %get3A_988 = arith.index_cast %add3A_987 : i32 to index
        %get3A_989 = tpu.vector_load %arg7[%get3A_988] {strides = array<i32>} : memref<4224xi32, #tpu.memory_space<vmem>>, vector<16xi32>,
        %mul3A_990 = arith.constant 16 : i32
        %mul3A_991 = arith.muli %sub3A_935, %mul3A_990 : i32
        %add3A_992 = arith.constant 2313 : i32
        %add3A_993 = arith.addi %add3A_992, %mul3A_991 : i32
        %get3A_994 = arith.index_cast %add3A_993 : i32 to index
        %get3A_995 = tpu.vector_load %arg7[%get3A_994] {strides = array<i32>} : memref<4224xi32, #tpu.memory_space<vmem>>, vector<16xi32>,
        %mul3A_996 = arith.constant 16 : i32
        %mul3A_997 = arith.muli %sub3A_935, %mul3A_996 : i32
        %add3A_998 = arith.constant 2570 : i32
        %add3A_999 = arith.addi %add3A_998, %mul3A_997 : i32
        %get3A_1000 = arith.index_cast %add3A_999 : i32 to index
        %get3A_1001 = tpu.vector_load %arg7[%get3A_1000] {strides = array<i32>} : memref<4224xi32, #tpu.memory_space<vmem>>, vector<16xi32>,
        %mul3A_1002 = arith.constant 16 : i32
        %mul3A_1003 = arith.muli %sub3A_935, %mul3A_1002 : i32
        %add3A_1004 = arith.constant 2827 : i32
        %add3A_1005 = arith.addi %add3A_1004, %mul3A_1003 : i32
        %get3A_1006 = arith.index_cast %add3A_1005 : i32 to index
        %get3A_1007 = tpu.vector_load %arg7[%get3A_1006] {strides = array<i32>} : memref<4224xi32, #tpu.memory_space<vmem>>, vector<16xi32>,
        %mul3A_1008 = arith.constant 16 : i32
        %mul3A_1009 = arith.muli %sub3A_935, %mul3A_1008 : i32
        %add3A_1010 = arith.constant 3084 : i32
        %add3A_1011 = arith.addi %add3A_1010, %mul3A_1009 : i32
        %get3A_1012 = arith.index_cast %add3A_1011 : i32 to index
        %get3A_1013 = tpu.vector_load %arg7[%get3A_1012] {strides = array<i32>} : memref<4224xi32, #tpu.memory_space<vmem>>, vector<16xi32>,
        %mul3A_1014 = arith.constant 16 : i32
        %mul3A_1015 = arith.muli %sub3A_935, %mul3A_1014 : i32
        %add3A_1016 = arith.constant 3341 : i32
        %add3A_1017 = arith.addi %add3A_1016, %mul3A_1015 : i32
        %get3A_1018 = arith.index_cast %add3A_1017 : i32 to index
        %get3A_1019 = tpu.vector_load %arg7[%get3A_1018] {strides = array<i32>} : memref<4224xi32, #tpu.memory_space<vmem>>, vector<16xi32>,
        %mul3A_1020 = arith.constant 16 : i32
        %mul3A_1021 = arith.muli %sub3A_935, %mul3A_1020 : i32
        %add3A_1022 = arith.constant 3598 : i32
        %add3A_1023 = arith.addi %add3A_1022, %mul3A_1021 : i32
        %get3A_1024 = arith.index_cast %add3A_1023 : i32 to index
        %get3A_1025 = tpu.vector_load %arg7[%get3A_1024] {strides = array<i32>} : memref<4224xi32, #tpu.memory_space<vmem>>, vector<16xi32>,
        %mul3A_1026 = arith.constant 16 : i32
        %mul3A_1027 = arith.muli %sub3A_935, %mul3A_1026 : i32
        %add3A_1028 = arith.constant 3855 : i32
        %add3A_1029 = arith.addi %add3A_1028, %mul3A_1027 : i32
        %get3A_1030 = arith.index_cast %add3A_1029 : i32 to index
        %get3A_1031 = tpu.vector_load %arg7[%get3A_1030] {strides = array<i32>} : memref<4224xi32, #tpu.memory_space<vmem>>, vector<16xi32>,
        %add3A_1032 = arith.addi %get3A_941, %get3A_947 : vector<16xi32>
        %add3A_1033 = arith.addi %get3A_953, %get3A_959 : vector<16xi32>
        %add3A_1034 = arith.addi %get3A_965, %get3A_971 : vector<16xi32>
        %add3A_1035 = arith.addi %get3A_977, %get3A_983 : vector<16xi32>
        %add3A_1036 = arith.addi %get3A_989, %get3A_995 : vector<16xi32>
        %add3A_1037 = arith.addi %get3A_1001, %get3A_1007 : vector<16xi32>
        %add3A_1038 = arith.addi %get3A_1013, %get3A_1019 : vector<16xi32>
        %add3A_1039 = arith.addi %get3A_1025, %get3A_1031 : vector<16xi32>
        %add3A_1040 = arith.addi %add3A_1032, %add3A_1033 : vector<16xi32>
        %add3A_1041 = arith.addi %add3A_1034, %add3A_1035 : vector<16xi32>
        %add3A_1042 = arith.addi %add3A_1036, %add3A_1037 : vector<16xi32>
        %add3A_1043 = arith.addi %add3A_1038, %add3A_1039 : vector<16xi32>
        %add3A_1044 = arith.addi %add3A_1040, %add3A_1041 : vector<16xi32>
        %add3A_1045 = arith.addi %add3A_1042, %add3A_1043 : vector<16xi32>
        %add3A_1046 = arith.addi %add3A_1044, %add3A_1045 : vector<16xi32>
        %mul3A_1047 = arith.constant 16 : i32
        %mul3A_1048 = arith.muli %sub3A_935, %mul3A_1047 : i32
        %swap3A_1049 = arith.index_cast %mul3A_1048 : i32 to index
        %swap3A_1050 = tpu.vector_load %arg8[%swap3A_1049] {strides = array<i32>} : memref<256xi32, #tpu.memory_space<vmem>>, vector<16xi32>,
        tpu.vector_store %arg8[%swap3A_1049], %add3A_1046 {strides = array<i32>} : memref<256xi32, #tpu.memory_space<vmem>>, vector<16xi32>,
        %reduce_sum3A_1051 = arith.constant true
        %reduce_sum3A_1052 = vector.broadcast %reduce_sum3A_1051 : i1 to vector<16xi1>
        %reduce_sum3A_1053 = tpu.scan <sum>, %add3A_1046 masked %reduce_sum3A_1052 : vector<16xi32>, vector<16xi1> -> vector<16xi32>
        %reduce_sum3A_1054 = vector.extract %reduce_sum3A_1053[15] : i32 from vector<16xi32>
        %eq3A_1055 = arith.constant 0 : i32
        %eq3A_1056 = arith.cmpi eq, %scan3A_931, %eq3A_1055 : i32
        %ge3A_1057 = arith.cmpi sge, %reduce_sum3A_1054, %scan3A_930 : i32
        %and3A_1058 = arith.andi %eq3A_1056, %ge3A_1057 : i1
        %select_n3A_1059 = arith.select %and3A_1058, %sub3A_935, %scan3A_932 : i32
        %select_n3A_1060 = arith.select %and3A_1058, %scan3A_930, %scan3A_933 : i32
        %eq3A_1061 = arith.constant 0 : i32
        %eq3A_1062 = arith.cmpi eq, %scan3A_931, %eq3A_1061 : i32
        %not3A = arith.constant true
        %not3A_1063 = arith.xori %and3A_1058, %not3A : i1
        %and3A_1064 = arith.andi %eq3A_1062, %not3A_1063 : i1
        %sub3A_1065 = arith.subi %scan3A_930, %reduce_sum3A_1054 : i32
        %select_n3A_1066 = arith.select %and3A_1064, %sub3A_1065, %scan3A_930 : i32
        %jit3A_1067 = arith.constant 1 : i32
        %select_n3A_1068 = arith.select %and3A_1058, %jit3A_1067, %scan3A_931 : i32
        scf.yield %select_n3A_1066, %select_n3A_1068, %select_n3A_1059, %select_n3A_1060 : i32, i32, i32, i32
      }
      %scan3A_52 = arith.constant 16 : i32
      %mul3A_53 = arith.constant 16 : i32
      %mul3A_54 = arith.muli %scan3A_51#2, %mul3A_53 : i32
      %get3A = arith.index_cast %mul3A_54 : i32 to index
      %get3A_55 = tpu.vector_load %arg8[%get3A] {strides = array<i32>} : memref<256xi32, #tpu.memory_space<vmem>>, vector<16xi32>,
      %rev3A = arith.constant 15 : i32
      %rev3A_56 = vector.broadcast %rev3A : i32 to vector<16xi32>
      %rev3A_57 = tpu.iota {dimensions = array<i32: 0>} : vector<16xi32>
      %rev3A_58 = arith.subi %rev3A_56, %rev3A_57 : vector<16xi32>
      %rev3A_59 = tpu.dynamic_gather %get3A_55[%rev3A_58] in [0] : vector<16xi32>, vector<16xi32> -> vector<16xi32>
      %broadcast_in_dim3A_60 = arith.constant true
      %broadcast_in_dim3A_61 = vector.broadcast %broadcast_in_dim3A_60 : i1 to vector<16xi1>
      %masked_cumsum3A = tpu.scan <sum>, %rev3A_59 masked %broadcast_in_dim3A_61 : vector<16xi32>, vector<16xi1> -> vector<16xi32>
      %ge3A_62 = vector.broadcast %scan3A_51#3 : i32 to vector<16xi32>
      %ge3A_63 = arith.cmpi sge, %masked_cumsum3A, %ge3A_62 : vector<16xi32>
      %all_reduce_ffs3A = tpu.all_reduce %ge3A_63 {dim = 0 : i64, kind = #tpu.reduction_kind<find_first_set>} : vector<16xi1> -> vector<16xi32>
      %reduce_max3A = arith.constant true
      %reduce_max3A_64 = vector.broadcast %reduce_max3A : i1 to vector<16xi1>
      %reduce_max3A_65 = arith.constant -2147483648 : i32
      %reduce_max3A_66 = vector.broadcast %reduce_max3A_65 : i32 to vector<16xi32>
      %reduce_max3A_67 = arith.xori %all_reduce_ffs3A, %reduce_max3A_66 : vector<16xi32>
      %reduce_max3A_68 = tpu.scan <max>, %reduce_max3A_67 masked %reduce_max3A_64 : vector<16xi32>, vector<16xi1> -> vector<16xi32>
      %reduce_max3A_69 = arith.xori %reduce_max3A_68, %reduce_max3A_66 : vector<16xi32>
      %reduce_max3A_70 = vector.extract %reduce_max3A_69[15] : i32 from vector<16xi32>
      %eq3A = vector.broadcast %reduce_max3A_70 : i32 to vector<16xi32>
      %eq3A_71 = arith.cmpi eq, %iota3A, %eq3A : vector<16xi32>
      %sub3A = arith.subi %masked_cumsum3A, %rev3A_59 : vector<16xi32>
      %select_n3A = arith.select %eq3A_71, %sub3A, %broadcast_in_dim3A_6 : vector<16xi1>, vector<16xi32>
      %reduce_sum3A = arith.constant true
      %reduce_sum3A_72 = vector.broadcast %reduce_sum3A : i1 to vector<16xi1>
      %reduce_sum3A_73 = tpu.scan <sum>, %select_n3A masked %reduce_sum3A_72 : vector<16xi32>, vector<16xi1> -> vector<16xi32>
      %reduce_sum3A_74 = vector.extract %reduce_sum3A_73[15] : i32 from vector<16xi32>
      %mul3A_75 = arith.constant 16 : i32
      %mul3A_76 = arith.muli %scan3A_51#2, %mul3A_75 : i32
      %sub3A_77 = arith.constant 15 : i32
      %sub3A_78 = arith.subi %sub3A_77, %reduce_max3A_70 : i32
      %add3A_79 = arith.addi %mul3A_76, %sub3A_78 : i32
      %sub3A_80 = arith.subi %scan3A_51#3, %reduce_sum3A_74 : i32
      %sub3A_81 = arith.constant 128 : i32
      %sub3A_82 = arith.subi %add3A_79, %sub3A_81 : i32
      %parallel_loop3A_83 = arith.constant 0 : i32
      %parallel_loop3A_84 = arith.constant 2048 : i32
      %parallel_loop3A_85 = arith.constant 1 : i32
      %parallel_loop3A_86 = scf.for %parallel_loop3A_929 = %parallel_loop3A_83 to %parallel_loop3A_84 step %parallel_loop3A_85 iter_args(%parallel_loop3A_930 = %broadcast_in_dim3A_6) -> (vector<16xi32>)  : i32 {
        %parallel_loop3A_931 = arith.constant 16 : i32
        %parallel_loop3A_932 = arith.muli %parallel_loop3A_929, %parallel_loop3A_931 : i32
        %parallel_loop3A_933 = arith.index_cast %parallel_loop3A_932 : i32 to index
        %parallel_loop3A_934 = tpu.vector_load %arg4[%parallel_loop3A_933] {strides = array<i32>} : memref<32768xf32, #tpu.memory_space<vmem>>, vector<16xf32>,
        %parallel_loop3A_935 = tpu.bitcast %parallel_loop3A_934 : vector<16xf32> -> vector<16xi32>
        %parallel_loop3A_936 = arith.constant 0 : i32
        %parallel_loop3A_937 = vector.broadcast %parallel_loop3A_936 : i32 to vector<16xi32>
        %parallel_loop3A_938 = arith.cmpi slt, %parallel_loop3A_935, %parallel_loop3A_937 : vector<16xi32>
        %parallel_loop3A_939 = arith.constant 2147483647 : i32
        %parallel_loop3A_940 = vector.broadcast %parallel_loop3A_939 : i32 to vector<16xi32>
        %parallel_loop3A_941 = arith.xori %parallel_loop3A_935, %parallel_loop3A_940 : vector<16xi32>
        %parallel_loop3A_942 = arith.select %parallel_loop3A_938, %parallel_loop3A_941, %parallel_loop3A_935 : vector<16xi1>, vector<16xi32>
        %parallel_loop3A_943 = arith.constant 24 : i32
        %parallel_loop3A_944 = vector.broadcast %parallel_loop3A_943 : i32 to vector<16xi32>
        %parallel_loop3A_945 = arith.shrsi %parallel_loop3A_942, %parallel_loop3A_944 : vector<16xi32>
        %parallel_loop3A_946 = vector.broadcast %sub3A_82 : i32 to vector<16xi32>
        %parallel_loop3A_947 = arith.cmpi eq, %parallel_loop3A_945, %parallel_loop3A_946 : vector<16xi32>
        %parallel_loop3A_948 = arith.select %parallel_loop3A_947, %broadcast_in_dim3A_4, %broadcast_in_dim3A_6 : vector<16xi1>, vector<16xi32>
        %parallel_loop3A_949 = arith.constant true
        %parallel_loop3A_950 = vector.broadcast %parallel_loop3A_949 : i1 to vector<16xi1>
        %parallel_loop3A_951 = tpu.scan <sum>, %parallel_loop3A_948 masked %parallel_loop3A_950 : vector<16xi32>, vector<16xi1> -> vector<16xi32>
        %parallel_loop3A_952 = arith.addi %parallel_loop3A_930, %parallel_loop3A_951 : vector<16xi32>
        %parallel_loop3A_953 = arith.constant 1 : i32
        %parallel_loop3A_954 = vector.broadcast %parallel_loop3A_953 : i32 to vector<16xi32>
        %parallel_loop3A_955 = arith.subi %parallel_loop3A_952, %parallel_loop3A_954 : vector<16xi32>
        tpu.vector_store_idx %arg6[%parallel_loop3A_955], %parallel_loop3A_942 masked %parallel_loop3A_947 : memref<32768xi32, #tpu.memory_space<vmem>>[vector<16xi32>], vector<16xi32>, vector<16xi1>
        %parallel_loop3A_956 = tpu.all_reduce %parallel_loop3A_947 {dim = 0 : i64, kind = #tpu.reduction_kind<sum>} : vector<16xi1> -> vector<16xi32>
        %parallel_loop3A_957 = arith.addi %parallel_loop3A_930, %parallel_loop3A_956 : vector<16xi32>
        scf.yield %parallel_loop3A_957 : vector<16xi32>
      } {sc.loop_unroll_factor = 8 : i64, sc.parallel_access}
      %reduce_max3A_87 = arith.constant true
      %reduce_max3A_88 = vector.broadcast %reduce_max3A_87 : i1 to vector<16xi1>
      %reduce_max3A_89 = arith.constant -2147483648 : i32
      %reduce_max3A_90 = vector.broadcast %reduce_max3A_89 : i32 to vector<16xi32>
      %reduce_max3A_91 = arith.xori %parallel_loop3A_86, %reduce_max3A_90 : vector<16xi32>
      %reduce_max3A_92 = tpu.scan <max>, %reduce_max3A_91 masked %reduce_max3A_88 : vector<16xi32>, vector<16xi1> -> vector<16xi32>
      %reduce_max3A_93 = arith.xori %reduce_max3A_92, %reduce_max3A_90 : vector<16xi32>
      %reduce_max3A_94 = vector.extract %reduce_max3A_93[15] : i32 from vector<16xi32>
      %parallel_loop3A_95 = arith.constant 0 : i32
      %parallel_loop3A_96 = arith.constant 264 : i32
      %parallel_loop3A_97 = arith.constant 1 : i32
      scf.for %parallel_loop3A_929 = %parallel_loop3A_95 to %parallel_loop3A_96 step %parallel_loop3A_97  : i32 {
        %parallel_loop3A_930 = arith.constant 16 : i32
        %parallel_loop3A_931 = arith.muli %parallel_loop3A_929, %parallel_loop3A_930 : i32
        %parallel_loop3A_932 = arith.index_cast %parallel_loop3A_931 : i32 to index
        %parallel_loop3A_933 = tpu.vector_load %arg7[%parallel_loop3A_932] {strides = array<i32>} : memref<4224xi32, #tpu.memory_space<vmem>>, vector<16xi32>,
        tpu.vector_store %arg7[%parallel_loop3A_932], %broadcast_in_dim3A_6 {strides = array<i32>} : memref<4224xi32, #tpu.memory_space<vmem>>, vector<16xi32>,
      } {sc.loop_unroll_factor = 8 : i64, sc.parallel_access}
      %add3A_98 = arith.constant 16 : i32
      %add3A_99 = arith.addi %reduce_max3A_94, %add3A_98 : i32
      %sub3A_100 = arith.constant 1 : i32
      %sub3A_101 = arith.subi %add3A_99, %sub3A_100 : i32
      %jit3A = arith.constant 16 : i32
      %div3A = arith.divsi %sub3A_101, %jit3A : i32
      %sign3A = arith.constant 0 : i32
      %sign3A_102 = arith.cmpi sgt, %sub3A_101, %sign3A : i32
      %sign3A_103 = arith.extui %sign3A_102 : i1 to i32
      %sign3A_104 = arith.constant 0 : i32
      %sign3A_105 = arith.cmpi slt, %sub3A_101, %sign3A_104 : i32
      %sign3A_106 = arith.extui %sign3A_105 : i1 to i32
      %sign3A_107 = arith.subi %sign3A_103, %sign3A_106 : i32
      %sign3A_108 = arith.constant 0 : i32
      %sign3A_109 = arith.cmpi sgt, %jit3A, %sign3A_108 : i32
      %sign3A_110 = arith.extui %sign3A_109 : i1 to i32
      %sign3A_111 = arith.constant 0 : i32
      %sign3A_112 = arith.cmpi slt, %jit3A, %sign3A_111 : i32
      %sign3A_113 = arith.extui %sign3A_112 : i1 to i32
      %sign3A_114 = arith.subi %sign3A_110, %sign3A_113 : i32
      %ne3A = arith.cmpi ne, %sign3A_107, %sign3A_114 : i32
      %rem3A = arith.remsi %sub3A_101, %jit3A : i32
      %ne3A_115 = arith.constant 0 : i32
      %ne3A_116 = arith.cmpi ne, %rem3A, %ne3A_115 : i32
      %and3A = arith.andi %ne3A, %ne3A_116 : i1
      %sub3A_117 = arith.constant 1 : i32
      %sub3A_118 = arith.subi %div3A, %sub3A_117 : i32
      %select_n3A_119 = arith.select %and3A, %sub3A_118, %div3A : i32
      %parallel_loop3A_120 = arith.constant 0 : i32
      %parallel_loop3A_121 = arith.constant 1 : i32
      scf.for %parallel_loop3A_929 = %parallel_loop3A_120 to %select_n3A_119 step %parallel_loop3A_121  : i32 {
        %parallel_loop3A_930 = arith.constant 16 : i32
        %parallel_loop3A_931 = arith.muli %parallel_loop3A_929, %parallel_loop3A_930 : i32
        %parallel_loop3A_932 = arith.index_cast %parallel_loop3A_931 : i32 to index
        %parallel_loop3A_933 = tpu.vector_load %arg6[%parallel_loop3A_932] {strides = array<i32>} : memref<32768xi32, #tpu.memory_space<vmem>>, vector<16xi32>,
        %parallel_loop3A_934 = arith.constant 16 : i32
        %parallel_loop3A_935 = arith.muli %parallel_loop3A_929, %parallel_loop3A_934 : i32
        %parallel_loop3A_936 = vector.broadcast %parallel_loop3A_935 : i32 to vector<16xi32>
        %parallel_loop3A_937 = arith.addi %parallel_loop3A_936, %iota3A : vector<16xi32>
        %parallel_loop3A_938 = vector.broadcast %reduce_max3A_94 : i32 to vector<16xi32>
        %parallel_loop3A_939 = arith.cmpi slt, %parallel_loop3A_937, %parallel_loop3A_938 : vector<16xi32>
        %parallel_loop3A_940 = arith.constant 16 : i32
        %parallel_loop3A_941 = vector.broadcast %parallel_loop3A_940 : i32 to vector<16xi32>
        %parallel_loop3A_942 = arith.shrsi %parallel_loop3A_933, %parallel_loop3A_941 : vector<16xi32>
        %parallel_loop3A_943 = arith.constant 255 : i32
        %parallel_loop3A_944 = vector.broadcast %parallel_loop3A_943 : i32 to vector<16xi32>
        %parallel_loop3A_945 = arith.andi %parallel_loop3A_942, %parallel_loop3A_944 : vector<16xi32>
        %parallel_loop3A_946 = arith.addi %parallel_loop3A_945, %mul3A_3 : vector<16xi32>
        tpu.vector_store_idx %arg7[%parallel_loop3A_946], %broadcast_in_dim3A_4 masked %parallel_loop3A_939 {add = true} : memref<4224xi32, #tpu.memory_space<vmem>>[vector<16xi32>], vector<16xi32>, vector<16xi1>
      } {sc.loop_unroll_factor = 8 : i64, sc.parallel_access}
      %scan3A_122 = arith.constant 0 : i32
      %scan3A_123 = arith.constant 0 : i32
      %scan3A_124 = arith.constant 1 : i32
      %scan3A_125 = arith.constant 0 : i32
      %scan3A_126 = arith.constant 16 : i32
      %scan3A_127 = arith.addi %scan3A_125, %scan3A_126 : i32
      %scan3A_128 = arith.constant 1 : i32
      %scan3A_129:4 = scf.for %scan3A_929 = %scan3A_125 to %scan3A_127 step %scan3A_128 iter_args(%scan3A_930 = %sub3A_80, %scan3A_931 = %scan3A_122, %scan3A_932 = %scan3A_123, %scan3A_933 = %scan3A_124) -> (i32, i32, i32, i32)  : i32 {
        %sub3A_934 = arith.constant 15 : i32
        %sub3A_935 = arith.subi %sub3A_934, %scan3A_929 : i32
        %mul3A_936 = arith.constant 16 : i32
        %mul3A_937 = arith.muli %sub3A_935, %mul3A_936 : i32
        %add3A_938 = arith.constant 0 : i32
        %add3A_939 = arith.addi %add3A_938, %mul3A_937 : i32
        %get3A_940 = arith.index_cast %add3A_939 : i32 to index
        %get3A_941 = tpu.vector_load %arg7[%get3A_940] {strides = array<i32>} : memref<4224xi32, #tpu.memory_space<vmem>>, vector<16xi32>,
        %mul3A_942 = arith.constant 16 : i32
        %mul3A_943 = arith.muli %sub3A_935, %mul3A_942 : i32
        %add3A_944 = arith.constant 257 : i32
        %add3A_945 = arith.addi %add3A_944, %mul3A_943 : i32
        %get3A_946 = arith.index_cast %add3A_945 : i32 to index
        %get3A_947 = tpu.vector_load %arg7[%get3A_946] {strides = array<i32>} : memref<4224xi32, #tpu.memory_space<vmem>>, vector<16xi32>,
        %mul3A_948 = arith.constant 16 : i32
        %mul3A_949 = arith.muli %sub3A_935, %mul3A_948 : i32
        %add3A_950 = arith.constant 514 : i32
        %add3A_951 = arith.addi %add3A_950, %mul3A_949 : i32
        %get3A_952 = arith.index_cast %add3A_951 : i32 to index
        %get3A_953 = tpu.vector_load %arg7[%get3A_952] {strides = array<i32>} : memref<4224xi32, #tpu.memory_space<vmem>>, vector<16xi32>,
        %mul3A_954 = arith.constant 16 : i32
        %mul3A_955 = arith.muli %sub3A_935, %mul3A_954 : i32
        %add3A_956 = arith.constant 771 : i32
        %add3A_957 = arith.addi %add3A_956, %mul3A_955 : i32
        %get3A_958 = arith.index_cast %add3A_957 : i32 to index
        %get3A_959 = tpu.vector_load %arg7[%get3A_958] {strides = array<i32>} : memref<4224xi32, #tpu.memory_space<vmem>>, vector<16xi32>,
        %mul3A_960 = arith.constant 16 : i32
        %mul3A_961 = arith.muli %sub3A_935, %mul3A_960 : i32
        %add3A_962 = arith.constant 1028 : i32
        %add3A_963 = arith.addi %add3A_962, %mul3A_961 : i32
        %get3A_964 = arith.index_cast %add3A_963 : i32 to index
        %get3A_965 = tpu.vector_load %arg7[%get3A_964] {strides = array<i32>} : memref<4224xi32, #tpu.memory_space<vmem>>, vector<16xi32>,
        %mul3A_966 = arith.constant 16 : i32
        %mul3A_967 = arith.muli %sub3A_935, %mul3A_966 : i32
        %add3A_968 = arith.constant 1285 : i32
        %add3A_969 = arith.addi %add3A_968, %mul3A_967 : i32
        %get3A_970 = arith.index_cast %add3A_969 : i32 to index
        %get3A_971 = tpu.vector_load %arg7[%get3A_970] {strides = array<i32>} : memref<4224xi32, #tpu.memory_space<vmem>>, vector<16xi32>,
        %mul3A_972 = arith.constant 16 : i32
        %mul3A_973 = arith.muli %sub3A_935, %mul3A_972 : i32
        %add3A_974 = arith.constant 1542 : i32
        %add3A_975 = arith.addi %add3A_974, %mul3A_973 : i32
        %get3A_976 = arith.index_cast %add3A_975 : i32 to index
        %get3A_977 = tpu.vector_load %arg7[%get3A_976] {strides = array<i32>} : memref<4224xi32, #tpu.memory_space<vmem>>, vector<16xi32>,
        %mul3A_978 = arith.constant 16 : i32
        %mul3A_979 = arith.muli %sub3A_935, %mul3A_978 : i32
        %add3A_980 = arith.constant 1799 : i32
        %add3A_981 = arith.addi %add3A_980, %mul3A_979 : i32
        %get3A_982 = arith.index_cast %add3A_981 : i32 to index
        %get3A_983 = tpu.vector_load %arg7[%get3A_982] {strides = array<i32>} : memref<4224xi32, #tpu.memory_space<vmem>>, vector<16xi32>,
        %mul3A_984 = arith.constant 16 : i32
        %mul3A_985 = arith.muli %sub3A_935, %mul3A_984 : i32
        %add3A_986 = arith.constant 2056 : i32
        %add3A_987 = arith.addi %add3A_986, %mul3A_985 : i32
        %get3A_988 = arith.index_cast %add3A_987 : i32 to index
        %get3A_989 = tpu.vector_load %arg7[%get3A_988] {strides = array<i32>} : memref<4224xi32, #tpu.memory_space<vmem>>, vector<16xi32>,
        %mul3A_990 = arith.constant 16 : i32
        %mul3A_991 = arith.muli %sub3A_935, %mul3A_990 : i32
        %add3A_992 = arith.constant 2313 : i32
        %add3A_993 = arith.addi %add3A_992, %mul3A_991 : i32
        %get3A_994 = arith.index_cast %add3A_993 : i32 to index
        %get3A_995 = tpu.vector_load %arg7[%get3A_994] {strides = array<i32>} : memref<4224xi32, #tpu.memory_space<vmem>>, vector<16xi32>,
        %mul3A_996 = arith.constant 16 : i32
        %mul3A_997 = arith.muli %sub3A_935, %mul3A_996 : i32
        %add3A_998 = arith.constant 2570 : i32
        %add3A_999 = arith.addi %add3A_998, %mul3A_997 : i32
        %get3A_1000 = arith.index_cast %add3A_999 : i32 to index
        %get3A_1001 = tpu.vector_load %arg7[%get3A_1000] {strides = array<i32>} : memref<4224xi32, #tpu.memory_space<vmem>>, vector<16xi32>,
        %mul3A_1002 = arith.constant 16 : i32
        %mul3A_1003 = arith.muli %sub3A_935, %mul3A_1002 : i32
        %add3A_1004 = arith.constant 2827 : i32
        %add3A_1005 = arith.addi %add3A_1004, %mul3A_1003 : i32
        %get3A_1006 = arith.index_cast %add3A_1005 : i32 to index
        %get3A_1007 = tpu.vector_load %arg7[%get3A_1006] {strides = array<i32>} : memref<4224xi32, #tpu.memory_space<vmem>>, vector<16xi32>,
        %mul3A_1008 = arith.constant 16 : i32
        %mul3A_1009 = arith.muli %sub3A_935, %mul3A_1008 : i32
        %add3A_1010 = arith.constant 3084 : i32
        %add3A_1011 = arith.addi %add3A_1010, %mul3A_1009 : i32
        %get3A_1012 = arith.index_cast %add3A_1011 : i32 to index
        %get3A_1013 = tpu.vector_load %arg7[%get3A_1012] {strides = array<i32>} : memref<4224xi32, #tpu.memory_space<vmem>>, vector<16xi32>,
        %mul3A_1014 = arith.constant 16 : i32
        %mul3A_1015 = arith.muli %sub3A_935, %mul3A_1014 : i32
        %add3A_1016 = arith.constant 3341 : i32
        %add3A_1017 = arith.addi %add3A_1016, %mul3A_1015 : i32
        %get3A_1018 = arith.index_cast %add3A_1017 : i32 to index
        %get3A_1019 = tpu.vector_load %arg7[%get3A_1018] {strides = array<i32>} : memref<4224xi32, #tpu.memory_space<vmem>>, vector<16xi32>,
        %mul3A_1020 = arith.constant 16 : i32
        %mul3A_1021 = arith.muli %sub3A_935, %mul3A_1020 : i32
        %add3A_1022 = arith.constant 3598 : i32
        %add3A_1023 = arith.addi %add3A_1022, %mul3A_1021 : i32
        %get3A_1024 = arith.index_cast %add3A_1023 : i32 to index
        %get3A_1025 = tpu.vector_load %arg7[%get3A_1024] {strides = array<i32>} : memref<4224xi32, #tpu.memory_space<vmem>>, vector<16xi32>,
        %mul3A_1026 = arith.constant 16 : i32
        %mul3A_1027 = arith.muli %sub3A_935, %mul3A_1026 : i32
        %add3A_1028 = arith.constant 3855 : i32
        %add3A_1029 = arith.addi %add3A_1028, %mul3A_1027 : i32
        %get3A_1030 = arith.index_cast %add3A_1029 : i32 to index
        %get3A_1031 = tpu.vector_load %arg7[%get3A_1030] {strides = array<i32>} : memref<4224xi32, #tpu.memory_space<vmem>>, vector<16xi32>,
        %add3A_1032 = arith.addi %get3A_941, %get3A_947 : vector<16xi32>
        %add3A_1033 = arith.addi %get3A_953, %get3A_959 : vector<16xi32>
        %add3A_1034 = arith.addi %get3A_965, %get3A_971 : vector<16xi32>
        %add3A_1035 = arith.addi %get3A_977, %get3A_983 : vector<16xi32>
        %add3A_1036 = arith.addi %get3A_989, %get3A_995 : vector<16xi32>
        %add3A_1037 = arith.addi %get3A_1001, %get3A_1007 : vector<16xi32>
        %add3A_1038 = arith.addi %get3A_1013, %get3A_1019 : vector<16xi32>
        %add3A_1039 = arith.addi %get3A_1025, %get3A_1031 : vector<16xi32>
        %add3A_1040 = arith.addi %add3A_1032, %add3A_1033 : vector<16xi32>
        %add3A_1041 = arith.addi %add3A_1034, %add3A_1035 : vector<16xi32>
        %add3A_1042 = arith.addi %add3A_1036, %add3A_1037 : vector<16xi32>
        %add3A_1043 = arith.addi %add3A_1038, %add3A_1039 : vector<16xi32>
        %add3A_1044 = arith.addi %add3A_1040, %add3A_1041 : vector<16xi32>
        %add3A_1045 = arith.addi %add3A_1042, %add3A_1043 : vector<16xi32>
        %add3A_1046 = arith.addi %add3A_1044, %add3A_1045 : vector<16xi32>
        %mul3A_1047 = arith.constant 16 : i32
        %mul3A_1048 = arith.muli %sub3A_935, %mul3A_1047 : i32
        %swap3A_1049 = arith.index_cast %mul3A_1048 : i32 to index
        %swap3A_1050 = tpu.vector_load %arg8[%swap3A_1049] {strides = array<i32>} : memref<256xi32, #tpu.memory_space<vmem>>, vector<16xi32>,
        tpu.vector_store %arg8[%swap3A_1049], %add3A_1046 {strides = array<i32>} : memref<256xi32, #tpu.memory_space<vmem>>, vector<16xi32>,
        %reduce_sum3A_1051 = arith.constant true
        %reduce_sum3A_1052 = vector.broadcast %reduce_sum3A_1051 : i1 to vector<16xi1>
        %reduce_sum3A_1053 = tpu.scan <sum>, %add3A_1046 masked %reduce_sum3A_1052 : vector<16xi32>, vector<16xi1> -> vector<16xi32>
        %reduce_sum3A_1054 = vector.extract %reduce_sum3A_1053[15] : i32 from vector<16xi32>
        %eq3A_1055 = arith.constant 0 : i32
        %eq3A_1056 = arith.cmpi eq, %scan3A_931, %eq3A_1055 : i32
        %ge3A_1057 = arith.cmpi sge, %reduce_sum3A_1054, %scan3A_930 : i32
        %and3A_1058 = arith.andi %eq3A_1056, %ge3A_1057 : i1
        %select_n3A_1059 = arith.select %and3A_1058, %sub3A_935, %scan3A_932 : i32
        %select_n3A_1060 = arith.select %and3A_1058, %scan3A_930, %scan3A_933 : i32
        %eq3A_1061 = arith.constant 0 : i32
        %eq3A_1062 = arith.cmpi eq, %scan3A_931, %eq3A_1061 : i32
        %not3A = arith.constant true
        %not3A_1063 = arith.xori %and3A_1058, %not3A : i1
        %and3A_1064 = arith.andi %eq3A_1062, %not3A_1063 : i1
        %sub3A_1065 = arith.subi %scan3A_930, %reduce_sum3A_1054 : i32
        %select_n3A_1066 = arith.select %and3A_1064, %sub3A_1065, %scan3A_930 : i32
        %jit3A_1067 = arith.constant 1 : i32
        %select_n3A_1068 = arith.select %and3A_1058, %jit3A_1067, %scan3A_931 : i32
        scf.yield %select_n3A_1066, %select_n3A_1068, %select_n3A_1059, %select_n3A_1060 : i32, i32, i32, i32
      }
      %scan3A_130 = arith.constant 16 : i32
      %mul3A_131 = arith.constant 16 : i32
      %mul3A_132 = arith.muli %scan3A_129#2, %mul3A_131 : i32
      %get3A_133 = arith.index_cast %mul3A_132 : i32 to index
      %get3A_134 = tpu.vector_load %arg8[%get3A_133] {strides = array<i32>} : memref<256xi32, #tpu.memory_space<vmem>>, vector<16xi32>,
      %rev3A_135 = arith.constant 15 : i32
      %rev3A_136 = vector.broadcast %rev3A_135 : i32 to vector<16xi32>
      %rev3A_137 = tpu.iota {dimensions = array<i32: 0>} : vector<16xi32>
      %rev3A_138 = arith.subi %rev3A_136, %rev3A_137 : vector<16xi32>
      %rev3A_139 = tpu.dynamic_gather %get3A_134[%rev3A_138] in [0] : vector<16xi32>, vector<16xi32> -> vector<16xi32>
      %broadcast_in_dim3A_140 = arith.constant true
      %broadcast_in_dim3A_141 = vector.broadcast %broadcast_in_dim3A_140 : i1 to vector<16xi1>
      %masked_cumsum3A_142 = tpu.scan <sum>, %rev3A_139 masked %broadcast_in_dim3A_141 : vector<16xi32>, vector<16xi1> -> vector<16xi32>
      %ge3A_143 = vector.broadcast %scan3A_129#3 : i32 to vector<16xi32>
      %ge3A_144 = arith.cmpi sge, %masked_cumsum3A_142, %ge3A_143 : vector<16xi32>
      %all_reduce_ffs3A_145 = tpu.all_reduce %ge3A_144 {dim = 0 : i64, kind = #tpu.reduction_kind<find_first_set>} : vector<16xi1> -> vector<16xi32>
      %reduce_max3A_146 = arith.constant true
      %reduce_max3A_147 = vector.broadcast %reduce_max3A_146 : i1 to vector<16xi1>
      %reduce_max3A_148 = arith.constant -2147483648 : i32
      %reduce_max3A_149 = vector.broadcast %reduce_max3A_148 : i32 to vector<16xi32>
      %reduce_max3A_150 = arith.xori %all_reduce_ffs3A_145, %reduce_max3A_149 : vector<16xi32>
      %reduce_max3A_151 = tpu.scan <max>, %reduce_max3A_150 masked %reduce_max3A_147 : vector<16xi32>, vector<16xi1> -> vector<16xi32>
      %reduce_max3A_152 = arith.xori %reduce_max3A_151, %reduce_max3A_149 : vector<16xi32>
      %reduce_max3A_153 = vector.extract %reduce_max3A_152[15] : i32 from vector<16xi32>
      %eq3A_154 = vector.broadcast %reduce_max3A_153 : i32 to vector<16xi32>
      %eq3A_155 = arith.cmpi eq, %iota3A, %eq3A_154 : vector<16xi32>
      %sub3A_156 = arith.subi %masked_cumsum3A_142, %rev3A_139 : vector<16xi32>
      %select_n3A_157 = arith.select %eq3A_155, %sub3A_156, %broadcast_in_dim3A_6 : vector<16xi1>, vector<16xi32>
      %reduce_sum3A_158 = arith.constant true
      %reduce_sum3A_159 = vector.broadcast %reduce_sum3A_158 : i1 to vector<16xi1>
      %reduce_sum3A_160 = tpu.scan <sum>, %select_n3A_157 masked %reduce_sum3A_159 : vector<16xi32>, vector<16xi1> -> vector<16xi32>
      %reduce_sum3A_161 = vector.extract %reduce_sum3A_160[15] : i32 from vector<16xi32>
      %mul3A_162 = arith.constant 16 : i32
      %mul3A_163 = arith.muli %scan3A_129#2, %mul3A_162 : i32
      %sub3A_164 = arith.constant 15 : i32
      %sub3A_165 = arith.subi %sub3A_164, %reduce_max3A_153 : i32
      %add3A_166 = arith.addi %mul3A_163, %sub3A_165 : i32
      %sub3A_167 = arith.subi %scan3A_129#3, %reduce_sum3A_161 : i32
      %shift_left3A = arith.constant 8 : i32
      %shift_left3A_168 = arith.shli %sub3A_82, %shift_left3A : i32
      %or3A = arith.ori %shift_left3A_168, %add3A_166 : i32
      %add3A_169 = arith.constant 16 : i32
      %add3A_170 = arith.addi %reduce_max3A_94, %add3A_169 : i32
      %sub3A_171 = arith.constant 1 : i32
      %sub3A_172 = arith.subi %add3A_170, %sub3A_171 : i32
      %jit3A_173 = arith.constant 16 : i32
      %div3A_174 = arith.divsi %sub3A_172, %jit3A_173 : i32
      %sign3A_175 = arith.constant 0 : i32
      %sign3A_176 = arith.cmpi sgt, %sub3A_172, %sign3A_175 : i32
      %sign3A_177 = arith.extui %sign3A_176 : i1 to i32
      %sign3A_178 = arith.constant 0 : i32
      %sign3A_179 = arith.cmpi slt, %sub3A_172, %sign3A_178 : i32
      %sign3A_180 = arith.extui %sign3A_179 : i1 to i32
      %sign3A_181 = arith.subi %sign3A_177, %sign3A_180 : i32
      %sign3A_182 = arith.constant 0 : i32
      %sign3A_183 = arith.cmpi sgt, %jit3A_173, %sign3A_182 : i32
      %sign3A_184 = arith.extui %sign3A_183 : i1 to i32
      %sign3A_185 = arith.constant 0 : i32
      %sign3A_186 = arith.cmpi slt, %jit3A_173, %sign3A_185 : i32
      %sign3A_187 = arith.extui %sign3A_186 : i1 to i32
      %sign3A_188 = arith.subi %sign3A_184, %sign3A_187 : i32
      %ne3A_189 = arith.cmpi ne, %sign3A_181, %sign3A_188 : i32
      %rem3A_190 = arith.remsi %sub3A_172, %jit3A_173 : i32
      %ne3A_191 = arith.constant 0 : i32
      %ne3A_192 = arith.cmpi ne, %rem3A_190, %ne3A_191 : i32
      %and3A_193 = arith.andi %ne3A_189, %ne3A_192 : i1
      %sub3A_194 = arith.constant 1 : i32
      %sub3A_195 = arith.subi %div3A_174, %sub3A_194 : i32
      %select_n3A_196 = arith.select %and3A_193, %sub3A_195, %div3A_174 : i32
      %parallel_loop3A_197 = arith.constant 0 : i32
      %parallel_loop3A_198 = arith.constant 1 : i32
      %parallel_loop3A_199 = scf.for %parallel_loop3A_929 = %parallel_loop3A_197 to %select_n3A_196 step %parallel_loop3A_198 iter_args(%parallel_loop3A_930 = %broadcast_in_dim3A_6) -> (vector<16xi32>)  : i32 {
        %parallel_loop3A_931 = arith.constant 16 : i32
        %parallel_loop3A_932 = arith.muli %parallel_loop3A_929, %parallel_loop3A_931 : i32
        %parallel_loop3A_933 = arith.index_cast %parallel_loop3A_932 : i32 to index
        %parallel_loop3A_934 = tpu.vector_load %arg6[%parallel_loop3A_933] {strides = array<i32>} : memref<32768xi32, #tpu.memory_space<vmem>>, vector<16xi32>,
        %parallel_loop3A_935 = arith.constant 16 : i32
        %parallel_loop3A_936 = arith.muli %parallel_loop3A_929, %parallel_loop3A_935 : i32
        %parallel_loop3A_937 = vector.broadcast %parallel_loop3A_936 : i32 to vector<16xi32>
        %parallel_loop3A_938 = arith.addi %parallel_loop3A_937, %iota3A : vector<16xi32>
        %parallel_loop3A_939 = vector.broadcast %reduce_max3A_94 : i32 to vector<16xi32>
        %parallel_loop3A_940 = arith.cmpi slt, %parallel_loop3A_938, %parallel_loop3A_939 : vector<16xi32>
        %parallel_loop3A_941 = arith.constant 16 : i32
        %parallel_loop3A_942 = vector.broadcast %parallel_loop3A_941 : i32 to vector<16xi32>
        %parallel_loop3A_943 = arith.shrsi %parallel_loop3A_934, %parallel_loop3A_942 : vector<16xi32>
        %parallel_loop3A_944 = vector.broadcast %or3A : i32 to vector<16xi32>
        %parallel_loop3A_945 = arith.cmpi eq, %parallel_loop3A_943, %parallel_loop3A_944 : vector<16xi32>
        %parallel_loop3A_946 = arith.andi %parallel_loop3A_945, %parallel_loop3A_940 : vector<16xi1>
        %parallel_loop3A_947 = arith.select %parallel_loop3A_946, %broadcast_in_dim3A_4, %broadcast_in_dim3A_6 : vector<16xi1>, vector<16xi32>
        %parallel_loop3A_948 = arith.constant true
        %parallel_loop3A_949 = vector.broadcast %parallel_loop3A_948 : i1 to vector<16xi1>
        %parallel_loop3A_950 = tpu.scan <sum>, %parallel_loop3A_947 masked %parallel_loop3A_949 : vector<16xi32>, vector<16xi1> -> vector<16xi32>
        %parallel_loop3A_951 = arith.addi %parallel_loop3A_930, %parallel_loop3A_950 : vector<16xi32>
        %parallel_loop3A_952 = arith.constant 1 : i32
        %parallel_loop3A_953 = vector.broadcast %parallel_loop3A_952 : i32 to vector<16xi32>
        %parallel_loop3A_954 = arith.subi %parallel_loop3A_951, %parallel_loop3A_953 : vector<16xi32>
        tpu.vector_store_idx %arg6[%parallel_loop3A_954], %parallel_loop3A_934 masked %parallel_loop3A_946 : memref<32768xi32, #tpu.memory_space<vmem>>[vector<16xi32>], vector<16xi32>, vector<16xi1>
        %parallel_loop3A_955 = tpu.all_reduce %parallel_loop3A_946 {dim = 0 : i64, kind = #tpu.reduction_kind<sum>} : vector<16xi1> -> vector<16xi32>
        %parallel_loop3A_956 = arith.addi %parallel_loop3A_930, %parallel_loop3A_955 : vector<16xi32>
        scf.yield %parallel_loop3A_956 : vector<16xi32>
      } {sc.loop_unroll_factor = 8 : i64, sc.parallel_access}
      %reduce_max3A_200 = arith.constant true
      %reduce_max3A_201 = vector.broadcast %reduce_max3A_200 : i1 to vector<16xi1>
      %reduce_max3A_202 = arith.constant -2147483648 : i32
      %reduce_max3A_203 = vector.broadcast %reduce_max3A_202 : i32 to vector<16xi32>
      %reduce_max3A_204 = arith.xori %parallel_loop3A_199, %reduce_max3A_203 : vector<16xi32>
      %reduce_max3A_205 = tpu.scan <max>, %reduce_max3A_204 masked %reduce_max3A_201 : vector<16xi32>, vector<16xi1> -> vector<16xi32>
      %reduce_max3A_206 = arith.xori %reduce_max3A_205, %reduce_max3A_203 : vector<16xi32>
      %reduce_max3A_207 = vector.extract %reduce_max3A_206[15] : i32 from vector<16xi32>
      %parallel_loop3A_208 = arith.constant 0 : i32
      %parallel_loop3A_209 = arith.constant 264 : i32
      %parallel_loop3A_210 = arith.constant 1 : i32
      scf.for %parallel_loop3A_929 = %parallel_loop3A_208 to %parallel_loop3A_209 step %parallel_loop3A_210  : i32 {
        %parallel_loop3A_930 = arith.constant 16 : i32
        %parallel_loop3A_931 = arith.muli %parallel_loop3A_929, %parallel_loop3A_930 : i32
        %parallel_loop3A_932 = arith.index_cast %parallel_loop3A_931 : i32 to index
        %parallel_loop3A_933 = tpu.vector_load %arg7[%parallel_loop3A_932] {strides = array<i32>} : memref<4224xi32, #tpu.memory_space<vmem>>, vector<16xi32>,
        tpu.vector_store %arg7[%parallel_loop3A_932], %broadcast_in_dim3A_6 {strides = array<i32>} : memref<4224xi32, #tpu.memory_space<vmem>>, vector<16xi32>,
      } {sc.loop_unroll_factor = 8 : i64, sc.parallel_access}
      %add3A_211 = arith.constant 16 : i32
      %add3A_212 = arith.addi %reduce_max3A_207, %add3A_211 : i32
      %sub3A_213 = arith.constant 1 : i32
      %sub3A_214 = arith.subi %add3A_212, %sub3A_213 : i32
      %jit3A_215 = arith.constant 16 : i32
      %div3A_216 = arith.divsi %sub3A_214, %jit3A_215 : i32
      %sign3A_217 = arith.constant 0 : i32
      %sign3A_218 = arith.cmpi sgt, %sub3A_214, %sign3A_217 : i32
      %sign3A_219 = arith.extui %sign3A_218 : i1 to i32
      %sign3A_220 = arith.constant 0 : i32
      %sign3A_221 = arith.cmpi slt, %sub3A_214, %sign3A_220 : i32
      %sign3A_222 = arith.extui %sign3A_221 : i1 to i32
      %sign3A_223 = arith.subi %sign3A_219, %sign3A_222 : i32
      %sign3A_224 = arith.constant 0 : i32
      %sign3A_225 = arith.cmpi sgt, %jit3A_215, %sign3A_224 : i32
      %sign3A_226 = arith.extui %sign3A_225 : i1 to i32
      %sign3A_227 = arith.constant 0 : i32
      %sign3A_228 = arith.cmpi slt, %jit3A_215, %sign3A_227 : i32
      %sign3A_229 = arith.extui %sign3A_228 : i1 to i32
      %sign3A_230 = arith.subi %sign3A_226, %sign3A_229 : i32
      %ne3A_231 = arith.cmpi ne, %sign3A_223, %sign3A_230 : i32
      %rem3A_232 = arith.remsi %sub3A_214, %jit3A_215 : i32
      %ne3A_233 = arith.constant 0 : i32
      %ne3A_234 = arith.cmpi ne, %rem3A_232, %ne3A_233 : i32
      %and3A_235 = arith.andi %ne3A_231, %ne3A_234 : i1
      %sub3A_236 = arith.constant 1 : i32
      %sub3A_237 = arith.subi %div3A_216, %sub3A_236 : i32
      %select_n3A_238 = arith.select %and3A_235, %sub3A_237, %div3A_216 : i32
      %parallel_loop3A_239 = arith.constant 0 : i32
      %parallel_loop3A_240 = arith.constant 1 : i32
      scf.for %parallel_loop3A_929 = %parallel_loop3A_239 to %select_n3A_238 step %parallel_loop3A_240  : i32 {
        %parallel_loop3A_930 = arith.constant 16 : i32
        %parallel_loop3A_931 = arith.muli %parallel_loop3A_929, %parallel_loop3A_930 : i32
        %parallel_loop3A_932 = arith.index_cast %parallel_loop3A_931 : i32 to index
        %parallel_loop3A_933 = tpu.vector_load %arg6[%parallel_loop3A_932] {strides = array<i32>} : memref<32768xi32, #tpu.memory_space<vmem>>, vector<16xi32>,
        %parallel_loop3A_934 = arith.constant 16 : i32
        %parallel_loop3A_935 = arith.muli %parallel_loop3A_929, %parallel_loop3A_934 : i32
        %parallel_loop3A_936 = vector.broadcast %parallel_loop3A_935 : i32 to vector<16xi32>
        %parallel_loop3A_937 = arith.addi %parallel_loop3A_936, %iota3A : vector<16xi32>
        %parallel_loop3A_938 = vector.broadcast %reduce_max3A_207 : i32 to vector<16xi32>
        %parallel_loop3A_939 = arith.cmpi slt, %parallel_loop3A_937, %parallel_loop3A_938 : vector<16xi32>
        %parallel_loop3A_940 = arith.constant 8 : i32
        %parallel_loop3A_941 = vector.broadcast %parallel_loop3A_940 : i32 to vector<16xi32>
        %parallel_loop3A_942 = arith.shrsi %parallel_loop3A_933, %parallel_loop3A_941 : vector<16xi32>
        %parallel_loop3A_943 = arith.constant 255 : i32
        %parallel_loop3A_944 = vector.broadcast %parallel_loop3A_943 : i32 to vector<16xi32>
        %parallel_loop3A_945 = arith.andi %parallel_loop3A_942, %parallel_loop3A_944 : vector<16xi32>
        %parallel_loop3A_946 = arith.addi %parallel_loop3A_945, %mul3A_3 : vector<16xi32>
        tpu.vector_store_idx %arg7[%parallel_loop3A_946], %broadcast_in_dim3A_4 masked %parallel_loop3A_939 {add = true} : memref<4224xi32, #tpu.memory_space<vmem>>[vector<16xi32>], vector<16xi32>, vector<16xi1>
      } {sc.loop_unroll_factor = 8 : i64, sc.parallel_access}
      %scan3A_241 = arith.constant 0 : i32
      %scan3A_242 = arith.constant 0 : i32
      %scan3A_243 = arith.constant 1 : i32
      %scan3A_244 = arith.constant 0 : i32
      %scan3A_245 = arith.constant 16 : i32
      %scan3A_246 = arith.addi %scan3A_244, %scan3A_245 : i32
      %scan3A_247 = arith.constant 1 : i32
      %scan3A_248:4 = scf.for %scan3A_929 = %scan3A_244 to %scan3A_246 step %scan3A_247 iter_args(%scan3A_930 = %sub3A_167, %scan3A_931 = %scan3A_241, %scan3A_932 = %scan3A_242, %scan3A_933 = %scan3A_243) -> (i32, i32, i32, i32)  : i32 {
        %sub3A_934 = arith.constant 15 : i32
        %sub3A_935 = arith.subi %sub3A_934, %scan3A_929 : i32
        %mul3A_936 = arith.constant 16 : i32
        %mul3A_937 = arith.muli %sub3A_935, %mul3A_936 : i32
        %add3A_938 = arith.constant 0 : i32
        %add3A_939 = arith.addi %add3A_938, %mul3A_937 : i32
        %get3A_940 = arith.index_cast %add3A_939 : i32 to index
        %get3A_941 = tpu.vector_load %arg7[%get3A_940] {strides = array<i32>} : memref<4224xi32, #tpu.memory_space<vmem>>, vector<16xi32>,
        %mul3A_942 = arith.constant 16 : i32
        %mul3A_943 = arith.muli %sub3A_935, %mul3A_942 : i32
        %add3A_944 = arith.constant 257 : i32
        %add3A_945 = arith.addi %add3A_944, %mul3A_943 : i32
        %get3A_946 = arith.index_cast %add3A_945 : i32 to index
        %get3A_947 = tpu.vector_load %arg7[%get3A_946] {strides = array<i32>} : memref<4224xi32, #tpu.memory_space<vmem>>, vector<16xi32>,
        %mul3A_948 = arith.constant 16 : i32
        %mul3A_949 = arith.muli %sub3A_935, %mul3A_948 : i32
        %add3A_950 = arith.constant 514 : i32
        %add3A_951 = arith.addi %add3A_950, %mul3A_949 : i32
        %get3A_952 = arith.index_cast %add3A_951 : i32 to index
        %get3A_953 = tpu.vector_load %arg7[%get3A_952] {strides = array<i32>} : memref<4224xi32, #tpu.memory_space<vmem>>, vector<16xi32>,
        %mul3A_954 = arith.constant 16 : i32
        %mul3A_955 = arith.muli %sub3A_935, %mul3A_954 : i32
        %add3A_956 = arith.constant 771 : i32
        %add3A_957 = arith.addi %add3A_956, %mul3A_955 : i32
        %get3A_958 = arith.index_cast %add3A_957 : i32 to index
        %get3A_959 = tpu.vector_load %arg7[%get3A_958] {strides = array<i32>} : memref<4224xi32, #tpu.memory_space<vmem>>, vector<16xi32>,
        %mul3A_960 = arith.constant 16 : i32
        %mul3A_961 = arith.muli %sub3A_935, %mul3A_960 : i32
        %add3A_962 = arith.constant 1028 : i32
        %add3A_963 = arith.addi %add3A_962, %mul3A_961 : i32
        %get3A_964 = arith.index_cast %add3A_963 : i32 to index
        %get3A_965 = tpu.vector_load %arg7[%get3A_964] {strides = array<i32>} : memref<4224xi32, #tpu.memory_space<vmem>>, vector<16xi32>,
        %mul3A_966 = arith.constant 16 : i32
        %mul3A_967 = arith.muli %sub3A_935, %mul3A_966 : i32
        %add3A_968 = arith.constant 1285 : i32
        %add3A_969 = arith.addi %add3A_968, %mul3A_967 : i32
        %get3A_970 = arith.index_cast %add3A_969 : i32 to index
        %get3A_971 = tpu.vector_load %arg7[%get3A_970] {strides = array<i32>} : memref<4224xi32, #tpu.memory_space<vmem>>, vector<16xi32>,
        %mul3A_972 = arith.constant 16 : i32
        %mul3A_973 = arith.muli %sub3A_935, %mul3A_972 : i32
        %add3A_974 = arith.constant 1542 : i32
        %add3A_975 = arith.addi %add3A_974, %mul3A_973 : i32
        %get3A_976 = arith.index_cast %add3A_975 : i32 to index
        %get3A_977 = tpu.vector_load %arg7[%get3A_976] {strides = array<i32>} : memref<4224xi32, #tpu.memory_space<vmem>>, vector<16xi32>,
        %mul3A_978 = arith.constant 16 : i32
        %mul3A_979 = arith.muli %sub3A_935, %mul3A_978 : i32
        %add3A_980 = arith.constant 1799 : i32
        %add3A_981 = arith.addi %add3A_980, %mul3A_979 : i32
        %get3A_982 = arith.index_cast %add3A_981 : i32 to index
        %get3A_983 = tpu.vector_load %arg7[%get3A_982] {strides = array<i32>} : memref<4224xi32, #tpu.memory_space<vmem>>, vector<16xi32>,
        %mul3A_984 = arith.constant 16 : i32
        %mul3A_985 = arith.muli %sub3A_935, %mul3A_984 : i32
        %add3A_986 = arith.constant 2056 : i32
        %add3A_987 = arith.addi %add3A_986, %mul3A_985 : i32
        %get3A_988 = arith.index_cast %add3A_987 : i32 to index
        %get3A_989 = tpu.vector_load %arg7[%get3A_988] {strides = array<i32>} : memref<4224xi32, #tpu.memory_space<vmem>>, vector<16xi32>,
        %mul3A_990 = arith.constant 16 : i32
        %mul3A_991 = arith.muli %sub3A_935, %mul3A_990 : i32
        %add3A_992 = arith.constant 2313 : i32
        %add3A_993 = arith.addi %add3A_992, %mul3A_991 : i32
        %get3A_994 = arith.index_cast %add3A_993 : i32 to index
        %get3A_995 = tpu.vector_load %arg7[%get3A_994] {strides = array<i32>} : memref<4224xi32, #tpu.memory_space<vmem>>, vector<16xi32>,
        %mul3A_996 = arith.constant 16 : i32
        %mul3A_997 = arith.muli %sub3A_935, %mul3A_996 : i32
        %add3A_998 = arith.constant 2570 : i32
        %add3A_999 = arith.addi %add3A_998, %mul3A_997 : i32
        %get3A_1000 = arith.index_cast %add3A_999 : i32 to index
        %get3A_1001 = tpu.vector_load %arg7[%get3A_1000] {strides = array<i32>} : memref<4224xi32, #tpu.memory_space<vmem>>, vector<16xi32>,
        %mul3A_1002 = arith.constant 16 : i32
        %mul3A_1003 = arith.muli %sub3A_935, %mul3A_1002 : i32
        %add3A_1004 = arith.constant 2827 : i32
        %add3A_1005 = arith.addi %add3A_1004, %mul3A_1003 : i32
        %get3A_1006 = arith.index_cast %add3A_1005 : i32 to index
        %get3A_1007 = tpu.vector_load %arg7[%get3A_1006] {strides = array<i32>} : memref<4224xi32, #tpu.memory_space<vmem>>, vector<16xi32>,
        %mul3A_1008 = arith.constant 16 : i32
        %mul3A_1009 = arith.muli %sub3A_935, %mul3A_1008 : i32
        %add3A_1010 = arith.constant 3084 : i32
        %add3A_1011 = arith.addi %add3A_1010, %mul3A_1009 : i32
        %get3A_1012 = arith.index_cast %add3A_1011 : i32 to index
        %get3A_1013 = tpu.vector_load %arg7[%get3A_1012] {strides = array<i32>} : memref<4224xi32, #tpu.memory_space<vmem>>, vector<16xi32>,
        %mul3A_1014 = arith.constant 16 : i32
        %mul3A_1015 = arith.muli %sub3A_935, %mul3A_1014 : i32
        %add3A_1016 = arith.constant 3341 : i32
        %add3A_1017 = arith.addi %add3A_1016, %mul3A_1015 : i32
        %get3A_1018 = arith.index_cast %add3A_1017 : i32 to index
        %get3A_1019 = tpu.vector_load %arg7[%get3A_1018] {strides = array<i32>} : memref<4224xi32, #tpu.memory_space<vmem>>, vector<16xi32>,
        %mul3A_1020 = arith.constant 16 : i32
        %mul3A_1021 = arith.muli %sub3A_935, %mul3A_1020 : i32
        %add3A_1022 = arith.constant 3598 : i32
        %add3A_1023 = arith.addi %add3A_1022, %mul3A_1021 : i32
        %get3A_1024 = arith.index_cast %add3A_1023 : i32 to index
        %get3A_1025 = tpu.vector_load %arg7[%get3A_1024] {strides = array<i32>} : memref<4224xi32, #tpu.memory_space<vmem>>, vector<16xi32>,
        %mul3A_1026 = arith.constant 16 : i32
        %mul3A_1027 = arith.muli %sub3A_935, %mul3A_1026 : i32
        %add3A_1028 = arith.constant 3855 : i32
        %add3A_1029 = arith.addi %add3A_1028, %mul3A_1027 : i32
        %get3A_1030 = arith.index_cast %add3A_1029 : i32 to index
        %get3A_1031 = tpu.vector_load %arg7[%get3A_1030] {strides = array<i32>} : memref<4224xi32, #tpu.memory_space<vmem>>, vector<16xi32>,
        %add3A_1032 = arith.addi %get3A_941, %get3A_947 : vector<16xi32>
        %add3A_1033 = arith.addi %get3A_953, %get3A_959 : vector<16xi32>
        %add3A_1034 = arith.addi %get3A_965, %get3A_971 : vector<16xi32>
        %add3A_1035 = arith.addi %get3A_977, %get3A_983 : vector<16xi32>
        %add3A_1036 = arith.addi %get3A_989, %get3A_995 : vector<16xi32>
        %add3A_1037 = arith.addi %get3A_1001, %get3A_1007 : vector<16xi32>
        %add3A_1038 = arith.addi %get3A_1013, %get3A_1019 : vector<16xi32>
        %add3A_1039 = arith.addi %get3A_1025, %get3A_1031 : vector<16xi32>
        %add3A_1040 = arith.addi %add3A_1032, %add3A_1033 : vector<16xi32>
        %add3A_1041 = arith.addi %add3A_1034, %add3A_1035 : vector<16xi32>
        %add3A_1042 = arith.addi %add3A_1036, %add3A_1037 : vector<16xi32>
        %add3A_1043 = arith.addi %add3A_1038, %add3A_1039 : vector<16xi32>
        %add3A_1044 = arith.addi %add3A_1040, %add3A_1041 : vector<16xi32>
        %add3A_1045 = arith.addi %add3A_1042, %add3A_1043 : vector<16xi32>
        %add3A_1046 = arith.addi %add3A_1044, %add3A_1045 : vector<16xi32>
        %mul3A_1047 = arith.constant 16 : i32
        %mul3A_1048 = arith.muli %sub3A_935, %mul3A_1047 : i32
        %swap3A_1049 = arith.index_cast %mul3A_1048 : i32 to index
        %swap3A_1050 = tpu.vector_load %arg8[%swap3A_1049] {strides = array<i32>} : memref<256xi32, #tpu.memory_space<vmem>>, vector<16xi32>,
        tpu.vector_store %arg8[%swap3A_1049], %add3A_1046 {strides = array<i32>} : memref<256xi32, #tpu.memory_space<vmem>>, vector<16xi32>,
        %reduce_sum3A_1051 = arith.constant true
        %reduce_sum3A_1052 = vector.broadcast %reduce_sum3A_1051 : i1 to vector<16xi1>
        %reduce_sum3A_1053 = tpu.scan <sum>, %add3A_1046 masked %reduce_sum3A_1052 : vector<16xi32>, vector<16xi1> -> vector<16xi32>
        %reduce_sum3A_1054 = vector.extract %reduce_sum3A_1053[15] : i32 from vector<16xi32>
        %eq3A_1055 = arith.constant 0 : i32
        %eq3A_1056 = arith.cmpi eq, %scan3A_931, %eq3A_1055 : i32
        %ge3A_1057 = arith.cmpi sge, %reduce_sum3A_1054, %scan3A_930 : i32
        %and3A_1058 = arith.andi %eq3A_1056, %ge3A_1057 : i1
        %select_n3A_1059 = arith.select %and3A_1058, %sub3A_935, %scan3A_932 : i32
        %select_n3A_1060 = arith.select %and3A_1058, %scan3A_930, %scan3A_933 : i32
        %eq3A_1061 = arith.constant 0 : i32
        %eq3A_1062 = arith.cmpi eq, %scan3A_931, %eq3A_1061 : i32
        %not3A = arith.constant true
        %not3A_1063 = arith.xori %and3A_1058, %not3A : i1
        %and3A_1064 = arith.andi %eq3A_1062, %not3A_1063 : i1
        %sub3A_1065 = arith.subi %scan3A_930, %reduce_sum3A_1054 : i32
        %select_n3A_1066 = arith.select %and3A_1064, %sub3A_1065, %scan3A_930 : i32
        %jit3A_1067 = arith.constant 1 : i32
        %select_n3A_1068 = arith.select %and3A_1058, %jit3A_1067, %scan3A_931 : i32
        scf.yield %select_n3A_1066, %select_n3A_1068, %select_n3A_1059, %select_n3A_1060 : i32, i32, i32, i32
      }
      %scan3A_249 = arith.constant 16 : i32
      %mul3A_250 = arith.constant 16 : i32
      %mul3A_251 = arith.muli %scan3A_248#2, %mul3A_250 : i32
      %get3A_252 = arith.index_cast %mul3A_251 : i32 to index
      %get3A_253 = tpu.vector_load %arg8[%get3A_252] {strides = array<i32>} : memref<256xi32, #tpu.memory_space<vmem>>, vector<16xi32>,
      %rev3A_254 = arith.constant 15 : i32
      %rev3A_255 = vector.broadcast %rev3A_254 : i32 to vector<16xi32>
      %rev3A_256 = tpu.iota {dimensions = array<i32: 0>} : vector<16xi32>
      %rev3A_257 = arith.subi %rev3A_255, %rev3A_256 : vector<16xi32>
      %rev3A_258 = tpu.dynamic_gather %get3A_253[%rev3A_257] in [0] : vector<16xi32>, vector<16xi32> -> vector<16xi32>
      %broadcast_in_dim3A_259 = arith.constant true
      %broadcast_in_dim3A_260 = vector.broadcast %broadcast_in_dim3A_259 : i1 to vector<16xi1>
      %masked_cumsum3A_261 = tpu.scan <sum>, %rev3A_258 masked %broadcast_in_dim3A_260 : vector<16xi32>, vector<16xi1> -> vector<16xi32>
      %ge3A_262 = vector.broadcast %scan3A_248#3 : i32 to vector<16xi32>
      %ge3A_263 = arith.cmpi sge, %masked_cumsum3A_261, %ge3A_262 : vector<16xi32>
      %all_reduce_ffs3A_264 = tpu.all_reduce %ge3A_263 {dim = 0 : i64, kind = #tpu.reduction_kind<find_first_set>} : vector<16xi1> -> vector<16xi32>
      %reduce_max3A_265 = arith.constant true
      %reduce_max3A_266 = vector.broadcast %reduce_max3A_265 : i1 to vector<16xi1>
      %reduce_max3A_267 = arith.constant -2147483648 : i32
      %reduce_max3A_268 = vector.broadcast %reduce_max3A_267 : i32 to vector<16xi32>
      %reduce_max3A_269 = arith.xori %all_reduce_ffs3A_264, %reduce_max3A_268 : vector<16xi32>
      %reduce_max3A_270 = tpu.scan <max>, %reduce_max3A_269 masked %reduce_max3A_266 : vector<16xi32>, vector<16xi1> -> vector<16xi32>
      %reduce_max3A_271 = arith.xori %reduce_max3A_270, %reduce_max3A_268 : vector<16xi32>
      %reduce_max3A_272 = vector.extract %reduce_max3A_271[15] : i32 from vector<16xi32>
      %eq3A_273 = vector.broadcast %reduce_max3A_272 : i32 to vector<16xi32>
      %eq3A_274 = arith.cmpi eq, %iota3A, %eq3A_273 : vector<16xi32>
      %sub3A_275 = arith.subi %masked_cumsum3A_261, %rev3A_258 : vector<16xi32>
      %select_n3A_276 = arith.select %eq3A_274, %sub3A_275, %broadcast_in_dim3A_6 : vector<16xi1>, vector<16xi32>
      %reduce_sum3A_277 = arith.constant true
      %reduce_sum3A_278 = vector.broadcast %reduce_sum3A_277 : i1 to vector<16xi1>
      %reduce_sum3A_279 = tpu.scan <sum>, %select_n3A_276 masked %reduce_sum3A_278 : vector<16xi32>, vector<16xi1> -> vector<16xi32>
      %reduce_sum3A_280 = vector.extract %reduce_sum3A_279[15] : i32 from vector<16xi32>
      %mul3A_281 = arith.constant 16 : i32
      %mul3A_282 = arith.muli %scan3A_248#2, %mul3A_281 : i32
      %sub3A_283 = arith.constant 15 : i32
      %sub3A_284 = arith.subi %sub3A_283, %reduce_max3A_272 : i32
      %add3A_285 = arith.addi %mul3A_282, %sub3A_284 : i32
      %sub3A_286 = arith.subi %scan3A_248#3, %reduce_sum3A_280 : i32
      %shift_left3A_287 = arith.constant 8 : i32
      %shift_left3A_288 = arith.shli %or3A, %shift_left3A_287 : i32
      %or3A_289 = arith.ori %shift_left3A_288, %add3A_285 : i32
      %add3A_290 = arith.constant 16 : i32
      %add3A_291 = arith.addi %reduce_max3A_207, %add3A_290 : i32
      %sub3A_292 = arith.constant 1 : i32
      %sub3A_293 = arith.subi %add3A_291, %sub3A_292 : i32
      %jit3A_294 = arith.constant 16 : i32
      %div3A_295 = arith.divsi %sub3A_293, %jit3A_294 : i32
      %sign3A_296 = arith.constant 0 : i32
      %sign3A_297 = arith.cmpi sgt, %sub3A_293, %sign3A_296 : i32
      %sign3A_298 = arith.extui %sign3A_297 : i1 to i32
      %sign3A_299 = arith.constant 0 : i32
      %sign3A_300 = arith.cmpi slt, %sub3A_293, %sign3A_299 : i32
      %sign3A_301 = arith.extui %sign3A_300 : i1 to i32
      %sign3A_302 = arith.subi %sign3A_298, %sign3A_301 : i32
      %sign3A_303 = arith.constant 0 : i32
      %sign3A_304 = arith.cmpi sgt, %jit3A_294, %sign3A_303 : i32
      %sign3A_305 = arith.extui %sign3A_304 : i1 to i32
      %sign3A_306 = arith.constant 0 : i32
      %sign3A_307 = arith.cmpi slt, %jit3A_294, %sign3A_306 : i32
      %sign3A_308 = arith.extui %sign3A_307 : i1 to i32
      %sign3A_309 = arith.subi %sign3A_305, %sign3A_308 : i32
      %ne3A_310 = arith.cmpi ne, %sign3A_302, %sign3A_309 : i32
      %rem3A_311 = arith.remsi %sub3A_293, %jit3A_294 : i32
      %ne3A_312 = arith.constant 0 : i32
      %ne3A_313 = arith.cmpi ne, %rem3A_311, %ne3A_312 : i32
      %and3A_314 = arith.andi %ne3A_310, %ne3A_313 : i1
      %sub3A_315 = arith.constant 1 : i32
      %sub3A_316 = arith.subi %div3A_295, %sub3A_315 : i32
      %select_n3A_317 = arith.select %and3A_314, %sub3A_316, %div3A_295 : i32
      %parallel_loop3A_318 = arith.constant 0 : i32
      %parallel_loop3A_319 = arith.constant 1 : i32
      %parallel_loop3A_320 = scf.for %parallel_loop3A_929 = %parallel_loop3A_318 to %select_n3A_317 step %parallel_loop3A_319 iter_args(%parallel_loop3A_930 = %broadcast_in_dim3A_6) -> (vector<16xi32>)  : i32 {
        %parallel_loop3A_931 = arith.constant 16 : i32
        %parallel_loop3A_932 = arith.muli %parallel_loop3A_929, %parallel_loop3A_931 : i32
        %parallel_loop3A_933 = arith.index_cast %parallel_loop3A_932 : i32 to index
        %parallel_loop3A_934 = tpu.vector_load %arg6[%parallel_loop3A_933] {strides = array<i32>} : memref<32768xi32, #tpu.memory_space<vmem>>, vector<16xi32>,
        %parallel_loop3A_935 = arith.constant 16 : i32
        %parallel_loop3A_936 = arith.muli %parallel_loop3A_929, %parallel_loop3A_935 : i32
        %parallel_loop3A_937 = vector.broadcast %parallel_loop3A_936 : i32 to vector<16xi32>
        %parallel_loop3A_938 = arith.addi %parallel_loop3A_937, %iota3A : vector<16xi32>
        %parallel_loop3A_939 = vector.broadcast %reduce_max3A_207 : i32 to vector<16xi32>
        %parallel_loop3A_940 = arith.cmpi slt, %parallel_loop3A_938, %parallel_loop3A_939 : vector<16xi32>
        %parallel_loop3A_941 = arith.constant 8 : i32
        %parallel_loop3A_942 = vector.broadcast %parallel_loop3A_941 : i32 to vector<16xi32>
        %parallel_loop3A_943 = arith.shrsi %parallel_loop3A_934, %parallel_loop3A_942 : vector<16xi32>
        %parallel_loop3A_944 = vector.broadcast %or3A_289 : i32 to vector<16xi32>
        %parallel_loop3A_945 = arith.cmpi eq, %parallel_loop3A_943, %parallel_loop3A_944 : vector<16xi32>
        %parallel_loop3A_946 = arith.andi %parallel_loop3A_945, %parallel_loop3A_940 : vector<16xi1>
        %parallel_loop3A_947 = arith.select %parallel_loop3A_946, %broadcast_in_dim3A_4, %broadcast_in_dim3A_6 : vector<16xi1>, vector<16xi32>
        %parallel_loop3A_948 = arith.constant true
        %parallel_loop3A_949 = vector.broadcast %parallel_loop3A_948 : i1 to vector<16xi1>
        %parallel_loop3A_950 = tpu.scan <sum>, %parallel_loop3A_947 masked %parallel_loop3A_949 : vector<16xi32>, vector<16xi1> -> vector<16xi32>
        %parallel_loop3A_951 = arith.addi %parallel_loop3A_930, %parallel_loop3A_950 : vector<16xi32>
        %parallel_loop3A_952 = arith.constant 1 : i32
        %parallel_loop3A_953 = vector.broadcast %parallel_loop3A_952 : i32 to vector<16xi32>
        %parallel_loop3A_954 = arith.subi %parallel_loop3A_951, %parallel_loop3A_953 : vector<16xi32>
        tpu.vector_store_idx %arg6[%parallel_loop3A_954], %parallel_loop3A_934 masked %parallel_loop3A_946 : memref<32768xi32, #tpu.memory_space<vmem>>[vector<16xi32>], vector<16xi32>, vector<16xi1>
        %parallel_loop3A_955 = tpu.all_reduce %parallel_loop3A_946 {dim = 0 : i64, kind = #tpu.reduction_kind<sum>} : vector<16xi1> -> vector<16xi32>
        %parallel_loop3A_956 = arith.addi %parallel_loop3A_930, %parallel_loop3A_955 : vector<16xi32>
        scf.yield %parallel_loop3A_956 : vector<16xi32>
      } {sc.loop_unroll_factor = 8 : i64, sc.parallel_access}
      %reduce_max3A_321 = arith.constant true
      %reduce_max3A_322 = vector.broadcast %reduce_max3A_321 : i1 to vector<16xi1>
      %reduce_max3A_323 = arith.constant -2147483648 : i32
      %reduce_max3A_324 = vector.broadcast %reduce_max3A_323 : i32 to vector<16xi32>
      %reduce_max3A_325 = arith.xori %parallel_loop3A_320, %reduce_max3A_324 : vector<16xi32>
      %reduce_max3A_326 = tpu.scan <max>, %reduce_max3A_325 masked %reduce_max3A_322 : vector<16xi32>, vector<16xi1> -> vector<16xi32>
      %reduce_max3A_327 = arith.xori %reduce_max3A_326, %reduce_max3A_324 : vector<16xi32>
      %reduce_max3A_328 = vector.extract %reduce_max3A_327[15] : i32 from vector<16xi32>
      %parallel_loop3A_329 = arith.constant 0 : i32
      %parallel_loop3A_330 = arith.constant 264 : i32
      %parallel_loop3A_331 = arith.constant 1 : i32
      scf.for %parallel_loop3A_929 = %parallel_loop3A_329 to %parallel_loop3A_330 step %parallel_loop3A_331  : i32 {
        %parallel_loop3A_930 = arith.constant 16 : i32
        %parallel_loop3A_931 = arith.muli %parallel_loop3A_929, %parallel_loop3A_930 : i32
        %parallel_loop3A_932 = arith.index_cast %parallel_loop3A_931 : i32 to index
        %parallel_loop3A_933 = tpu.vector_load %arg7[%parallel_loop3A_932] {strides = array<i32>} : memref<4224xi32, #tpu.memory_space<vmem>>, vector<16xi32>,
        tpu.vector_store %arg7[%parallel_loop3A_932], %broadcast_in_dim3A_6 {strides = array<i32>} : memref<4224xi32, #tpu.memory_space<vmem>>, vector<16xi32>,
      } {sc.loop_unroll_factor = 8 : i64, sc.parallel_access}
      %add3A_332 = arith.constant 16 : i32
      %add3A_333 = arith.addi %reduce_max3A_328, %add3A_332 : i32
      %sub3A_334 = arith.constant 1 : i32
      %sub3A_335 = arith.subi %add3A_333, %sub3A_334 : i32
      %jit3A_336 = arith.constant 16 : i32
      %div3A_337 = arith.divsi %sub3A_335, %jit3A_336 : i32
      %sign3A_338 = arith.constant 0 : i32
      %sign3A_339 = arith.cmpi sgt, %sub3A_335, %sign3A_338 : i32
      %sign3A_340 = arith.extui %sign3A_339 : i1 to i32
      %sign3A_341 = arith.constant 0 : i32
      %sign3A_342 = arith.cmpi slt, %sub3A_335, %sign3A_341 : i32
      %sign3A_343 = arith.extui %sign3A_342 : i1 to i32
      %sign3A_344 = arith.subi %sign3A_340, %sign3A_343 : i32
      %sign3A_345 = arith.constant 0 : i32
      %sign3A_346 = arith.cmpi sgt, %jit3A_336, %sign3A_345 : i32
      %sign3A_347 = arith.extui %sign3A_346 : i1 to i32
      %sign3A_348 = arith.constant 0 : i32
      %sign3A_349 = arith.cmpi slt, %jit3A_336, %sign3A_348 : i32
      %sign3A_350 = arith.extui %sign3A_349 : i1 to i32
      %sign3A_351 = arith.subi %sign3A_347, %sign3A_350 : i32
      %ne3A_352 = arith.cmpi ne, %sign3A_344, %sign3A_351 : i32
      %rem3A_353 = arith.remsi %sub3A_335, %jit3A_336 : i32
      %ne3A_354 = arith.constant 0 : i32
      %ne3A_355 = arith.cmpi ne, %rem3A_353, %ne3A_354 : i32
      %and3A_356 = arith.andi %ne3A_352, %ne3A_355 : i1
      %sub3A_357 = arith.constant 1 : i32
      %sub3A_358 = arith.subi %div3A_337, %sub3A_357 : i32
      %select_n3A_359 = arith.select %and3A_356, %sub3A_358, %div3A_337 : i32
      %parallel_loop3A_360 = arith.constant 0 : i32
      %parallel_loop3A_361 = arith.constant 1 : i32
      scf.for %parallel_loop3A_929 = %parallel_loop3A_360 to %select_n3A_359 step %parallel_loop3A_361  : i32 {
        %parallel_loop3A_930 = arith.constant 16 : i32
        %parallel_loop3A_931 = arith.muli %parallel_loop3A_929, %parallel_loop3A_930 : i32
        %parallel_loop3A_932 = arith.index_cast %parallel_loop3A_931 : i32 to index
        %parallel_loop3A_933 = tpu.vector_load %arg6[%parallel_loop3A_932] {strides = array<i32>} : memref<32768xi32, #tpu.memory_space<vmem>>, vector<16xi32>,
        %parallel_loop3A_934 = arith.constant 16 : i32
        %parallel_loop3A_935 = arith.muli %parallel_loop3A_929, %parallel_loop3A_934 : i32
        %parallel_loop3A_936 = vector.broadcast %parallel_loop3A_935 : i32 to vector<16xi32>
        %parallel_loop3A_937 = arith.addi %parallel_loop3A_936, %iota3A : vector<16xi32>
        %parallel_loop3A_938 = vector.broadcast %reduce_max3A_328 : i32 to vector<16xi32>
        %parallel_loop3A_939 = arith.cmpi slt, %parallel_loop3A_937, %parallel_loop3A_938 : vector<16xi32>
        %parallel_loop3A_940 = arith.constant 0 : i32
        %parallel_loop3A_941 = vector.broadcast %parallel_loop3A_940 : i32 to vector<16xi32>
        %parallel_loop3A_942 = arith.shrsi %parallel_loop3A_933, %parallel_loop3A_941 : vector<16xi32>
        %parallel_loop3A_943 = arith.constant 255 : i32
        %parallel_loop3A_944 = vector.broadcast %parallel_loop3A_943 : i32 to vector<16xi32>
        %parallel_loop3A_945 = arith.andi %parallel_loop3A_942, %parallel_loop3A_944 : vector<16xi32>
        %parallel_loop3A_946 = arith.addi %parallel_loop3A_945, %mul3A_3 : vector<16xi32>
        tpu.vector_store_idx %arg7[%parallel_loop3A_946], %broadcast_in_dim3A_4 masked %parallel_loop3A_939 {add = true} : memref<4224xi32, #tpu.memory_space<vmem>>[vector<16xi32>], vector<16xi32>, vector<16xi1>
      } {sc.loop_unroll_factor = 8 : i64, sc.parallel_access}
      %scan3A_362 = arith.constant 0 : i32
      %scan3A_363 = arith.constant 0 : i32
      %scan3A_364 = arith.constant 1 : i32
      %scan3A_365 = arith.constant 0 : i32
      %scan3A_366 = arith.constant 16 : i32
      %scan3A_367 = arith.addi %scan3A_365, %scan3A_366 : i32
      %scan3A_368 = arith.constant 1 : i32
      %scan3A_369:4 = scf.for %scan3A_929 = %scan3A_365 to %scan3A_367 step %scan3A_368 iter_args(%scan3A_930 = %sub3A_286, %scan3A_931 = %scan3A_362, %scan3A_932 = %scan3A_363, %scan3A_933 = %scan3A_364) -> (i32, i32, i32, i32)  : i32 {
        %sub3A_934 = arith.constant 15 : i32
        %sub3A_935 = arith.subi %sub3A_934, %scan3A_929 : i32
        %mul3A_936 = arith.constant 16 : i32
        %mul3A_937 = arith.muli %sub3A_935, %mul3A_936 : i32
        %add3A_938 = arith.constant 0 : i32
        %add3A_939 = arith.addi %add3A_938, %mul3A_937 : i32
        %get3A_940 = arith.index_cast %add3A_939 : i32 to index
        %get3A_941 = tpu.vector_load %arg7[%get3A_940] {strides = array<i32>} : memref<4224xi32, #tpu.memory_space<vmem>>, vector<16xi32>,
        %mul3A_942 = arith.constant 16 : i32
        %mul3A_943 = arith.muli %sub3A_935, %mul3A_942 : i32
        %add3A_944 = arith.constant 257 : i32
        %add3A_945 = arith.addi %add3A_944, %mul3A_943 : i32
        %get3A_946 = arith.index_cast %add3A_945 : i32 to index
        %get3A_947 = tpu.vector_load %arg7[%get3A_946] {strides = array<i32>} : memref<4224xi32, #tpu.memory_space<vmem>>, vector<16xi32>,
        %mul3A_948 = arith.constant 16 : i32
        %mul3A_949 = arith.muli %sub3A_935, %mul3A_948 : i32
        %add3A_950 = arith.constant 514 : i32
        %add3A_951 = arith.addi %add3A_950, %mul3A_949 : i32
        %get3A_952 = arith.index_cast %add3A_951 : i32 to index
        %get3A_953 = tpu.vector_load %arg7[%get3A_952] {strides = array<i32>} : memref<4224xi32, #tpu.memory_space<vmem>>, vector<16xi32>,
        %mul3A_954 = arith.constant 16 : i32
        %mul3A_955 = arith.muli %sub3A_935, %mul3A_954 : i32
        %add3A_956 = arith.constant 771 : i32
        %add3A_957 = arith.addi %add3A_956, %mul3A_955 : i32
        %get3A_958 = arith.index_cast %add3A_957 : i32 to index
        %get3A_959 = tpu.vector_load %arg7[%get3A_958] {strides = array<i32>} : memref<4224xi32, #tpu.memory_space<vmem>>, vector<16xi32>,
        %mul3A_960 = arith.constant 16 : i32
        %mul3A_961 = arith.muli %sub3A_935, %mul3A_960 : i32
        %add3A_962 = arith.constant 1028 : i32
        %add3A_963 = arith.addi %add3A_962, %mul3A_961 : i32
        %get3A_964 = arith.index_cast %add3A_963 : i32 to index
        %get3A_965 = tpu.vector_load %arg7[%get3A_964] {strides = array<i32>} : memref<4224xi32, #tpu.memory_space<vmem>>, vector<16xi32>,
        %mul3A_966 = arith.constant 16 : i32
        %mul3A_967 = arith.muli %sub3A_935, %mul3A_966 : i32
        %add3A_968 = arith.constant 1285 : i32
        %add3A_969 = arith.addi %add3A_968, %mul3A_967 : i32
        %get3A_970 = arith.index_cast %add3A_969 : i32 to index
        %get3A_971 = tpu.vector_load %arg7[%get3A_970] {strides = array<i32>} : memref<4224xi32, #tpu.memory_space<vmem>>, vector<16xi32>,
        %mul3A_972 = arith.constant 16 : i32
        %mul3A_973 = arith.muli %sub3A_935, %mul3A_972 : i32
        %add3A_974 = arith.constant 1542 : i32
        %add3A_975 = arith.addi %add3A_974, %mul3A_973 : i32
        %get3A_976 = arith.index_cast %add3A_975 : i32 to index
        %get3A_977 = tpu.vector_load %arg7[%get3A_976] {strides = array<i32>} : memref<4224xi32, #tpu.memory_space<vmem>>, vector<16xi32>,
        %mul3A_978 = arith.constant 16 : i32
        %mul3A_979 = arith.muli %sub3A_935, %mul3A_978 : i32
        %add3A_980 = arith.constant 1799 : i32
        %add3A_981 = arith.addi %add3A_980, %mul3A_979 : i32
        %get3A_982 = arith.index_cast %add3A_981 : i32 to index
        %get3A_983 = tpu.vector_load %arg7[%get3A_982] {strides = array<i32>} : memref<4224xi32, #tpu.memory_space<vmem>>, vector<16xi32>,
        %mul3A_984 = arith.constant 16 : i32
        %mul3A_985 = arith.muli %sub3A_935, %mul3A_984 : i32
        %add3A_986 = arith.constant 2056 : i32
        %add3A_987 = arith.addi %add3A_986, %mul3A_985 : i32
        %get3A_988 = arith.index_cast %add3A_987 : i32 to index
        %get3A_989 = tpu.vector_load %arg7[%get3A_988] {strides = array<i32>} : memref<4224xi32, #tpu.memory_space<vmem>>, vector<16xi32>,
        %mul3A_990 = arith.constant 16 : i32
        %mul3A_991 = arith.muli %sub3A_935, %mul3A_990 : i32
        %add3A_992 = arith.constant 2313 : i32
        %add3A_993 = arith.addi %add3A_992, %mul3A_991 : i32
        %get3A_994 = arith.index_cast %add3A_993 : i32 to index
        %get3A_995 = tpu.vector_load %arg7[%get3A_994] {strides = array<i32>} : memref<4224xi32, #tpu.memory_space<vmem>>, vector<16xi32>,
        %mul3A_996 = arith.constant 16 : i32
        %mul3A_997 = arith.muli %sub3A_935, %mul3A_996 : i32
        %add3A_998 = arith.constant 2570 : i32
        %add3A_999 = arith.addi %add3A_998, %mul3A_997 : i32
        %get3A_1000 = arith.index_cast %add3A_999 : i32 to index
        %get3A_1001 = tpu.vector_load %arg7[%get3A_1000] {strides = array<i32>} : memref<4224xi32, #tpu.memory_space<vmem>>, vector<16xi32>,
        %mul3A_1002 = arith.constant 16 : i32
        %mul3A_1003 = arith.muli %sub3A_935, %mul3A_1002 : i32
        %add3A_1004 = arith.constant 2827 : i32
        %add3A_1005 = arith.addi %add3A_1004, %mul3A_1003 : i32
        %get3A_1006 = arith.index_cast %add3A_1005 : i32 to index
        %get3A_1007 = tpu.vector_load %arg7[%get3A_1006] {strides = array<i32>} : memref<4224xi32, #tpu.memory_space<vmem>>, vector<16xi32>,
        %mul3A_1008 = arith.constant 16 : i32
        %mul3A_1009 = arith.muli %sub3A_935, %mul3A_1008 : i32
        %add3A_1010 = arith.constant 3084 : i32
        %add3A_1011 = arith.addi %add3A_1010, %mul3A_1009 : i32
        %get3A_1012 = arith.index_cast %add3A_1011 : i32 to index
        %get3A_1013 = tpu.vector_load %arg7[%get3A_1012] {strides = array<i32>} : memref<4224xi32, #tpu.memory_space<vmem>>, vector<16xi32>,
        %mul3A_1014 = arith.constant 16 : i32
        %mul3A_1015 = arith.muli %sub3A_935, %mul3A_1014 : i32
        %add3A_1016 = arith.constant 3341 : i32
        %add3A_1017 = arith.addi %add3A_1016, %mul3A_1015 : i32
        %get3A_1018 = arith.index_cast %add3A_1017 : i32 to index
        %get3A_1019 = tpu.vector_load %arg7[%get3A_1018] {strides = array<i32>} : memref<4224xi32, #tpu.memory_space<vmem>>, vector<16xi32>,
        %mul3A_1020 = arith.constant 16 : i32
        %mul3A_1021 = arith.muli %sub3A_935, %mul3A_1020 : i32
        %add3A_1022 = arith.constant 3598 : i32
        %add3A_1023 = arith.addi %add3A_1022, %mul3A_1021 : i32
        %get3A_1024 = arith.index_cast %add3A_1023 : i32 to index
        %get3A_1025 = tpu.vector_load %arg7[%get3A_1024] {strides = array<i32>} : memref<4224xi32, #tpu.memory_space<vmem>>, vector<16xi32>,
        %mul3A_1026 = arith.constant 16 : i32
        %mul3A_1027 = arith.muli %sub3A_935, %mul3A_1026 : i32
        %add3A_1028 = arith.constant 3855 : i32
        %add3A_1029 = arith.addi %add3A_1028, %mul3A_1027 : i32
        %get3A_1030 = arith.index_cast %add3A_1029 : i32 to index
        %get3A_1031 = tpu.vector_load %arg7[%get3A_1030] {strides = array<i32>} : memref<4224xi32, #tpu.memory_space<vmem>>, vector<16xi32>,
        %add3A_1032 = arith.addi %get3A_941, %get3A_947 : vector<16xi32>
        %add3A_1033 = arith.addi %get3A_953, %get3A_959 : vector<16xi32>
        %add3A_1034 = arith.addi %get3A_965, %get3A_971 : vector<16xi32>
        %add3A_1035 = arith.addi %get3A_977, %get3A_983 : vector<16xi32>
        %add3A_1036 = arith.addi %get3A_989, %get3A_995 : vector<16xi32>
        %add3A_1037 = arith.addi %get3A_1001, %get3A_1007 : vector<16xi32>
        %add3A_1038 = arith.addi %get3A_1013, %get3A_1019 : vector<16xi32>
        %add3A_1039 = arith.addi %get3A_1025, %get3A_1031 : vector<16xi32>
        %add3A_1040 = arith.addi %add3A_1032, %add3A_1033 : vector<16xi32>
        %add3A_1041 = arith.addi %add3A_1034, %add3A_1035 : vector<16xi32>
        %add3A_1042 = arith.addi %add3A_1036, %add3A_1037 : vector<16xi32>
        %add3A_1043 = arith.addi %add3A_1038, %add3A_1039 : vector<16xi32>
        %add3A_1044 = arith.addi %add3A_1040, %add3A_1041 : vector<16xi32>
        %add3A_1045 = arith.addi %add3A_1042, %add3A_1043 : vector<16xi32>
        %add3A_1046 = arith.addi %add3A_1044, %add3A_1045 : vector<16xi32>
        %mul3A_1047 = arith.constant 16 : i32
        %mul3A_1048 = arith.muli %sub3A_935, %mul3A_1047 : i32
        %swap3A_1049 = arith.index_cast %mul3A_1048 : i32 to index
        %swap3A_1050 = tpu.vector_load %arg8[%swap3A_1049] {strides = array<i32>} : memref<256xi32, #tpu.memory_space<vmem>>, vector<16xi32>,
        tpu.vector_store %arg8[%swap3A_1049], %add3A_1046 {strides = array<i32>} : memref<256xi32, #tpu.memory_space<vmem>>, vector<16xi32>,
        %reduce_sum3A_1051 = arith.constant true
        %reduce_sum3A_1052 = vector.broadcast %reduce_sum3A_1051 : i1 to vector<16xi1>
        %reduce_sum3A_1053 = tpu.scan <sum>, %add3A_1046 masked %reduce_sum3A_1052 : vector<16xi32>, vector<16xi1> -> vector<16xi32>
        %reduce_sum3A_1054 = vector.extract %reduce_sum3A_1053[15] : i32 from vector<16xi32>
        %eq3A_1055 = arith.constant 0 : i32
        %eq3A_1056 = arith.cmpi eq, %scan3A_931, %eq3A_1055 : i32
        %ge3A_1057 = arith.cmpi sge, %reduce_sum3A_1054, %scan3A_930 : i32
        %and3A_1058 = arith.andi %eq3A_1056, %ge3A_1057 : i1
        %select_n3A_1059 = arith.select %and3A_1058, %sub3A_935, %scan3A_932 : i32
        %select_n3A_1060 = arith.select %and3A_1058, %scan3A_930, %scan3A_933 : i32
        %eq3A_1061 = arith.constant 0 : i32
        %eq3A_1062 = arith.cmpi eq, %scan3A_931, %eq3A_1061 : i32
        %not3A = arith.constant true
        %not3A_1063 = arith.xori %and3A_1058, %not3A : i1
        %and3A_1064 = arith.andi %eq3A_1062, %not3A_1063 : i1
        %sub3A_1065 = arith.subi %scan3A_930, %reduce_sum3A_1054 : i32
        %select_n3A_1066 = arith.select %and3A_1064, %sub3A_1065, %scan3A_930 : i32
        %jit3A_1067 = arith.constant 1 : i32
        %select_n3A_1068 = arith.select %and3A_1058, %jit3A_1067, %scan3A_931 : i32
        scf.yield %select_n3A_1066, %select_n3A_1068, %select_n3A_1059, %select_n3A_1060 : i32, i32, i32, i32
      }
      %scan3A_370 = arith.constant 16 : i32
      %mul3A_371 = arith.constant 16 : i32
      %mul3A_372 = arith.muli %scan3A_369#2, %mul3A_371 : i32
      %get3A_373 = arith.index_cast %mul3A_372 : i32 to index
      %get3A_374 = tpu.vector_load %arg8[%get3A_373] {strides = array<i32>} : memref<256xi32, #tpu.memory_space<vmem>>, vector<16xi32>,
      %rev3A_375 = arith.constant 15 : i32
      %rev3A_376 = vector.broadcast %rev3A_375 : i32 to vector<16xi32>
      %rev3A_377 = tpu.iota {dimensions = array<i32: 0>} : vector<16xi32>
      %rev3A_378 = arith.subi %rev3A_376, %rev3A_377 : vector<16xi32>
      %rev3A_379 = tpu.dynamic_gather %get3A_374[%rev3A_378] in [0] : vector<16xi32>, vector<16xi32> -> vector<16xi32>
      %broadcast_in_dim3A_380 = arith.constant true
      %broadcast_in_dim3A_381 = vector.broadcast %broadcast_in_dim3A_380 : i1 to vector<16xi1>
      %masked_cumsum3A_382 = tpu.scan <sum>, %rev3A_379 masked %broadcast_in_dim3A_381 : vector<16xi32>, vector<16xi1> -> vector<16xi32>
      %ge3A_383 = vector.broadcast %scan3A_369#3 : i32 to vector<16xi32>
      %ge3A_384 = arith.cmpi sge, %masked_cumsum3A_382, %ge3A_383 : vector<16xi32>
      %all_reduce_ffs3A_385 = tpu.all_reduce %ge3A_384 {dim = 0 : i64, kind = #tpu.reduction_kind<find_first_set>} : vector<16xi1> -> vector<16xi32>
      %reduce_max3A_386 = arith.constant true
      %reduce_max3A_387 = vector.broadcast %reduce_max3A_386 : i1 to vector<16xi1>
      %reduce_max3A_388 = arith.constant -2147483648 : i32
      %reduce_max3A_389 = vector.broadcast %reduce_max3A_388 : i32 to vector<16xi32>
      %reduce_max3A_390 = arith.xori %all_reduce_ffs3A_385, %reduce_max3A_389 : vector<16xi32>
      %reduce_max3A_391 = tpu.scan <max>, %reduce_max3A_390 masked %reduce_max3A_387 : vector<16xi32>, vector<16xi1> -> vector<16xi32>
      %reduce_max3A_392 = arith.xori %reduce_max3A_391, %reduce_max3A_389 : vector<16xi32>
      %reduce_max3A_393 = vector.extract %reduce_max3A_392[15] : i32 from vector<16xi32>
      %eq3A_394 = vector.broadcast %reduce_max3A_393 : i32 to vector<16xi32>
      %eq3A_395 = arith.cmpi eq, %iota3A, %eq3A_394 : vector<16xi32>
      %sub3A_396 = arith.subi %masked_cumsum3A_382, %rev3A_379 : vector<16xi32>
      %select_n3A_397 = arith.select %eq3A_395, %sub3A_396, %broadcast_in_dim3A_6 : vector<16xi1>, vector<16xi32>
      %reduce_sum3A_398 = arith.constant true
      %reduce_sum3A_399 = vector.broadcast %reduce_sum3A_398 : i1 to vector<16xi1>
      %reduce_sum3A_400 = tpu.scan <sum>, %select_n3A_397 masked %reduce_sum3A_399 : vector<16xi32>, vector<16xi1> -> vector<16xi32>
      %reduce_sum3A_401 = vector.extract %reduce_sum3A_400[15] : i32 from vector<16xi32>
      %mul3A_402 = arith.constant 16 : i32
      %mul3A_403 = arith.muli %scan3A_369#2, %mul3A_402 : i32
      %sub3A_404 = arith.constant 15 : i32
      %sub3A_405 = arith.subi %sub3A_404, %reduce_max3A_393 : i32
      %add3A_406 = arith.addi %mul3A_403, %sub3A_405 : i32
      %sub3A_407 = arith.subi %scan3A_369#3, %reduce_sum3A_401 : i32
      %shift_left3A_408 = arith.constant 8 : i32
      %shift_left3A_409 = arith.shli %or3A_289, %shift_left3A_408 : i32
      %or3A_410 = arith.ori %shift_left3A_409, %add3A_406 : i32
      %add3A_411 = vector.broadcast %or3A_410 : i32 to vector<16xi32>
      %add3A_412 = arith.addi %broadcast_in_dim3A_6, %add3A_411 : vector<16xi32>
      %ge3A_413 = arith.constant 0 : i32
      %ge3A_414 = vector.broadcast %ge3A_413 : i32 to vector<16xi32>
      %ge3A_415 = arith.cmpi sge, %add3A_412, %ge3A_414 : vector<16xi32>
      %xor3A = arith.constant 2147483647 : i32
      %xor3A_416 = vector.broadcast %xor3A : i32 to vector<16xi32>
      %xor3A_417 = arith.xori %add3A_412, %xor3A_416 : vector<16xi32>
      %select_n3A_418 = arith.select %ge3A_415, %add3A_412, %xor3A_417 : vector<16xi1>, vector<16xi32>
      %bitcast_convert_type3A = tpu.bitcast %select_n3A_418 : vector<16xi32> -> vector<16xf32>
      %mul3A_419 = arith.constant 128 : i32
      %mul3A_420 = arith.muli %mul3A_37, %mul3A_419 : i32
      %add3A_421 = arith.constant 0 : i32
      %add3A_422 = arith.addi %mul3A_420, %add3A_421 : i32
      %swap3A = arith.index_cast %add3A_422 : i32 to index
      %swap3A_423 = tpu.vector_load %arg9[%swap3A] {strides = array<i32>} : memref<512xf32, #tpu.memory_space<vmem>>, vector<16xf32>,
      tpu.vector_store %arg9[%swap3A], %bitcast_convert_type3A {strides = array<i32>} : memref<512xf32, #tpu.memory_space<vmem>>, vector<16xf32>,
      %mul3A_424 = arith.constant 128 : i32
      %mul3A_425 = arith.muli %mul3A_37, %mul3A_424 : i32
      %add3A_426 = arith.constant 16 : i32
      %add3A_427 = arith.addi %mul3A_425, %add3A_426 : i32
      %swap3A_428 = arith.index_cast %add3A_427 : i32 to index
      %swap3A_429 = tpu.vector_load %arg9[%swap3A_428] {strides = array<i32>} : memref<512xf32, #tpu.memory_space<vmem>>, vector<16xf32>,
      tpu.vector_store %arg9[%swap3A_428], %bitcast_convert_type3A {strides = array<i32>} : memref<512xf32, #tpu.memory_space<vmem>>, vector<16xf32>,
      %mul3A_430 = arith.constant 128 : i32
      %mul3A_431 = arith.muli %mul3A_37, %mul3A_430 : i32
      %add3A_432 = arith.constant 32 : i32
      %add3A_433 = arith.addi %mul3A_431, %add3A_432 : i32
      %swap3A_434 = arith.index_cast %add3A_433 : i32 to index
      %swap3A_435 = tpu.vector_load %arg9[%swap3A_434] {strides = array<i32>} : memref<512xf32, #tpu.memory_space<vmem>>, vector<16xf32>,
      tpu.vector_store %arg9[%swap3A_434], %bitcast_convert_type3A {strides = array<i32>} : memref<512xf32, #tpu.memory_space<vmem>>, vector<16xf32>,
      %mul3A_436 = arith.constant 128 : i32
      %mul3A_437 = arith.muli %mul3A_37, %mul3A_436 : i32
      %add3A_438 = arith.constant 48 : i32
      %add3A_439 = arith.addi %mul3A_437, %add3A_438 : i32
      %swap3A_440 = arith.index_cast %add3A_439 : i32 to index
      %swap3A_441 = tpu.vector_load %arg9[%swap3A_440] {strides = array<i32>} : memref<512xf32, #tpu.memory_space<vmem>>, vector<16xf32>,
      tpu.vector_store %arg9[%swap3A_440], %bitcast_convert_type3A {strides = array<i32>} : memref<512xf32, #tpu.memory_space<vmem>>, vector<16xf32>,
      %mul3A_442 = arith.constant 128 : i32
      %mul3A_443 = arith.muli %mul3A_37, %mul3A_442 : i32
      %add3A_444 = arith.constant 64 : i32
      %add3A_445 = arith.addi %mul3A_443, %add3A_444 : i32
      %swap3A_446 = arith.index_cast %add3A_445 : i32 to index
      %swap3A_447 = tpu.vector_load %arg9[%swap3A_446] {strides = array<i32>} : memref<512xf32, #tpu.memory_space<vmem>>, vector<16xf32>,
      tpu.vector_store %arg9[%swap3A_446], %bitcast_convert_type3A {strides = array<i32>} : memref<512xf32, #tpu.memory_space<vmem>>, vector<16xf32>,
      %mul3A_448 = arith.constant 128 : i32
      %mul3A_449 = arith.muli %mul3A_37, %mul3A_448 : i32
      %add3A_450 = arith.constant 80 : i32
      %add3A_451 = arith.addi %mul3A_449, %add3A_450 : i32
      %swap3A_452 = arith.index_cast %add3A_451 : i32 to index
      %swap3A_453 = tpu.vector_load %arg9[%swap3A_452] {strides = array<i32>} : memref<512xf32, #tpu.memory_space<vmem>>, vector<16xf32>,
      tpu.vector_store %arg9[%swap3A_452], %bitcast_convert_type3A {strides = array<i32>} : memref<512xf32, #tpu.memory_space<vmem>>, vector<16xf32>,
      %mul3A_454 = arith.constant 128 : i32
      %mul3A_455 = arith.muli %mul3A_37, %mul3A_454 : i32
      %add3A_456 = arith.constant 96 : i32
      %add3A_457 = arith.addi %mul3A_455, %add3A_456 : i32
      %swap3A_458 = arith.index_cast %add3A_457 : i32 to index
      %swap3A_459 = tpu.vector_load %arg9[%swap3A_458] {strides = array<i32>} : memref<512xf32, #tpu.memory_space<vmem>>, vector<16xf32>,
      tpu.vector_store %arg9[%swap3A_458], %bitcast_convert_type3A {strides = array<i32>} : memref<512xf32, #tpu.memory_space<vmem>>, vector<16xf32>,
      %mul3A_460 = arith.constant 128 : i32
      %mul3A_461 = arith.muli %mul3A_37, %mul3A_460 : i32
      %add3A_462 = arith.constant 112 : i32
      %add3A_463 = arith.addi %mul3A_461, %add3A_462 : i32
      %swap3A_464 = arith.index_cast %add3A_463 : i32 to index
      %swap3A_465 = tpu.vector_load %arg9[%swap3A_464] {strides = array<i32>} : memref<512xf32, #tpu.memory_space<vmem>>, vector<16xf32>,
      tpu.vector_store %arg9[%swap3A_464], %bitcast_convert_type3A {strides = array<i32>} : memref<512xf32, #tpu.memory_space<vmem>>, vector<16xf32>,
      %add3A_466 = arith.constant 1 : i32
      %add3A_467 = arith.addi %add3A_26, %add3A_466 : i32
      %mul3A_468 = arith.constant 32768 : i32
      %mul3A_469 = arith.muli %add3A_467, %mul3A_468 : i32
      %dma_wait3A_470 = tpu.memref_slice %arg2[%mul3A_469] : memref<4194304xf32, #tpu.memory_space<hbm>> -> memref<32768xf32, #tpu.memory_space<hbm>>
      %dma_wait3A_471 = tpu.memref_slice %arg2[%mul3A_469] : memref<4194304xf32, #tpu.memory_space<hbm>> -> memref<32768xf32, #tpu.memory_space<hbm>>
      tpu.wait_dma2 semaphore(%arg11 : memref<!tpu.dma_semaphore, #tpu.memory_space<semaphore_mem>>) src(%dma_wait3A_471 : memref<32768xf32, #tpu.memory_space<hbm>>) dst(%arg5 : memref<32768xf32, #tpu.memory_space<vmem>>)
      %eq3A_472 = arith.constant 0 : i32
      %eq3A_473 = arith.cmpi eq, %scan3A_22, %eq3A_472 : i32
      %convert_element_type3A = arith.extui %eq3A_473 : i1 to i32
      %cond3A = arith.constant 0 : i32
      %cond3A_474 = arith.cmpi ne, %convert_element_type3A, %cond3A : i32
      scf.if %cond3A_474 {
        %add3A_929 = arith.constant 2 : i32
        %add3A_930 = arith.addi %add3A_26, %add3A_929 : i32
        %mul3A_931 = arith.constant 32768 : i32
        %mul3A_932 = arith.muli %add3A_930, %mul3A_931 : i32
        %dma_start3A_933 = tpu.memref_slice %arg2[%mul3A_932] : memref<4194304xf32, #tpu.memory_space<hbm>> -> memref<32768xf32, #tpu.memory_space<hbm>>
        %dma_start3A_934 = tpu.memref_slice %arg2[%mul3A_932] : memref<4194304xf32, #tpu.memory_space<hbm>> -> memref<32768xf32, #tpu.memory_space<hbm>>
        tpu.enqueue_dma source(%dma_start3A_934 : memref<32768xf32, #tpu.memory_space<hbm>>) target(%arg4 : memref<32768xf32, #tpu.memory_space<vmem>>) target_semaphore(%arg10 : memref<!tpu.dma_semaphore, #tpu.memory_space<semaphore_mem>>)
      } else {
      }
      %mul3A_475 = arith.constant 2 : i32
      %mul3A_476 = arith.muli %mul3A_475, %scan3A_22 : i32
      %add3A_477 = arith.constant 1 : i32
      %add3A_478 = arith.addi %mul3A_476, %add3A_477 : i32
      %parallel_loop3A_479 = arith.constant 0 : i32
      %parallel_loop3A_480 = arith.constant 264 : i32
      %parallel_loop3A_481 = arith.constant 1 : i32
      scf.for %parallel_loop3A_929 = %parallel_loop3A_479 to %parallel_loop3A_480 step %parallel_loop3A_481  : i32 {
        %parallel_loop3A_930 = arith.constant 16 : i32
        %parallel_loop3A_931 = arith.muli %parallel_loop3A_929, %parallel_loop3A_930 : i32
        %parallel_loop3A_932 = arith.index_cast %parallel_loop3A_931 : i32 to index
        %parallel_loop3A_933 = tpu.vector_load %arg7[%parallel_loop3A_932] {strides = array<i32>} : memref<4224xi32, #tpu.memory_space<vmem>>, vector<16xi32>,
        tpu.vector_store %arg7[%parallel_loop3A_932], %broadcast_in_dim3A_6 {strides = array<i32>} : memref<4224xi32, #tpu.memory_space<vmem>>, vector<16xi32>,
      } {sc.loop_unroll_factor = 8 : i64, sc.parallel_access}
      %parallel_loop3A_482 = arith.constant 0 : i32
      %parallel_loop3A_483 = arith.constant 2048 : i32
      %parallel_loop3A_484 = arith.constant 1 : i32
      scf.for %parallel_loop3A_929 = %parallel_loop3A_482 to %parallel_loop3A_483 step %parallel_loop3A_484  : i32 {
        %parallel_loop3A_930 = arith.constant 16 : i32
        %parallel_loop3A_931 = arith.muli %parallel_loop3A_929, %parallel_loop3A_930 : i32
        %parallel_loop3A_932 = arith.index_cast %parallel_loop3A_931 : i32 to index
        %parallel_loop3A_933 = tpu.vector_load %arg5[%parallel_loop3A_932] {strides = array<i32>} : memref<32768xf32, #tpu.memory_space<vmem>>, vector<16xf32>,
        %parallel_loop3A_934 = tpu.bitcast %parallel_loop3A_933 : vector<16xf32> -> vector<16xi32>
        %parallel_loop3A_935 = arith.constant 0 : i32
        %parallel_loop3A_936 = vector.broadcast %parallel_loop3A_935 : i32 to vector<16xi32>
        %parallel_loop3A_937 = arith.cmpi slt, %parallel_loop3A_934, %parallel_loop3A_936 : vector<16xi32>
        %parallel_loop3A_938 = arith.constant 2147483647 : i32
        %parallel_loop3A_939 = vector.broadcast %parallel_loop3A_938 : i32 to vector<16xi32>
        %parallel_loop3A_940 = arith.xori %parallel_loop3A_934, %parallel_loop3A_939 : vector<16xi32>
        %parallel_loop3A_941 = arith.select %parallel_loop3A_937, %parallel_loop3A_940, %parallel_loop3A_934 : vector<16xi1>, vector<16xi32>
        %parallel_loop3A_942 = arith.constant 24 : i32
        %parallel_loop3A_943 = vector.broadcast %parallel_loop3A_942 : i32 to vector<16xi32>
        %parallel_loop3A_944 = arith.shrsi %parallel_loop3A_941, %parallel_loop3A_943 : vector<16xi32>
        %parallel_loop3A_945 = arith.constant 128 : i32
        %parallel_loop3A_946 = vector.broadcast %parallel_loop3A_945 : i32 to vector<16xi32>
        %parallel_loop3A_947 = arith.addi %parallel_loop3A_944, %parallel_loop3A_946 : vector<16xi32>
        %parallel_loop3A_948 = arith.addi %parallel_loop3A_947, %mul3A_3 : vector<16xi32>
        tpu.vector_store_idx %arg7[%parallel_loop3A_948], %broadcast_in_dim3A_4 masked %ge3A_8 {add = true} : memref<4224xi32, #tpu.memory_space<vmem>>[vector<16xi32>], vector<16xi32>, vector<16xi1>
      } {sc.loop_unroll_factor = 8 : i64, sc.parallel_access}
      %scan3A_485 = arith.constant 1639 : i32
      %scan3A_486 = arith.constant 0 : i32
      %scan3A_487 = arith.constant 0 : i32
      %scan3A_488 = arith.constant 1 : i32
      %scan3A_489 = arith.constant 0 : i32
      %scan3A_490 = arith.constant 16 : i32
      %scan3A_491 = arith.addi %scan3A_489, %scan3A_490 : i32
      %scan3A_492 = arith.constant 1 : i32
      %scan3A_493:4 = scf.for %scan3A_929 = %scan3A_489 to %scan3A_491 step %scan3A_492 iter_args(%scan3A_930 = %scan3A_485, %scan3A_931 = %scan3A_486, %scan3A_932 = %scan3A_487, %scan3A_933 = %scan3A_488) -> (i32, i32, i32, i32)  : i32 {
        %sub3A_934 = arith.constant 15 : i32
        %sub3A_935 = arith.subi %sub3A_934, %scan3A_929 : i32
        %mul3A_936 = arith.constant 16 : i32
        %mul3A_937 = arith.muli %sub3A_935, %mul3A_936 : i32
        %add3A_938 = arith.constant 0 : i32
        %add3A_939 = arith.addi %add3A_938, %mul3A_937 : i32
        %get3A_940 = arith.index_cast %add3A_939 : i32 to index
        %get3A_941 = tpu.vector_load %arg7[%get3A_940] {strides = array<i32>} : memref<4224xi32, #tpu.memory_space<vmem>>, vector<16xi32>,
        %mul3A_942 = arith.constant 16 : i32
        %mul3A_943 = arith.muli %sub3A_935, %mul3A_942 : i32
        %add3A_944 = arith.constant 257 : i32
        %add3A_945 = arith.addi %add3A_944, %mul3A_943 : i32
        %get3A_946 = arith.index_cast %add3A_945 : i32 to index
        %get3A_947 = tpu.vector_load %arg7[%get3A_946] {strides = array<i32>} : memref<4224xi32, #tpu.memory_space<vmem>>, vector<16xi32>,
        %mul3A_948 = arith.constant 16 : i32
        %mul3A_949 = arith.muli %sub3A_935, %mul3A_948 : i32
        %add3A_950 = arith.constant 514 : i32
        %add3A_951 = arith.addi %add3A_950, %mul3A_949 : i32
        %get3A_952 = arith.index_cast %add3A_951 : i32 to index
        %get3A_953 = tpu.vector_load %arg7[%get3A_952] {strides = array<i32>} : memref<4224xi32, #tpu.memory_space<vmem>>, vector<16xi32>,
        %mul3A_954 = arith.constant 16 : i32
        %mul3A_955 = arith.muli %sub3A_935, %mul3A_954 : i32
        %add3A_956 = arith.constant 771 : i32
        %add3A_957 = arith.addi %add3A_956, %mul3A_955 : i32
        %get3A_958 = arith.index_cast %add3A_957 : i32 to index
        %get3A_959 = tpu.vector_load %arg7[%get3A_958] {strides = array<i32>} : memref<4224xi32, #tpu.memory_space<vmem>>, vector<16xi32>,
        %mul3A_960 = arith.constant 16 : i32
        %mul3A_961 = arith.muli %sub3A_935, %mul3A_960 : i32
        %add3A_962 = arith.constant 1028 : i32
        %add3A_963 = arith.addi %add3A_962, %mul3A_961 : i32
        %get3A_964 = arith.index_cast %add3A_963 : i32 to index
        %get3A_965 = tpu.vector_load %arg7[%get3A_964] {strides = array<i32>} : memref<4224xi32, #tpu.memory_space<vmem>>, vector<16xi32>,
        %mul3A_966 = arith.constant 16 : i32
        %mul3A_967 = arith.muli %sub3A_935, %mul3A_966 : i32
        %add3A_968 = arith.constant 1285 : i32
        %add3A_969 = arith.addi %add3A_968, %mul3A_967 : i32
        %get3A_970 = arith.index_cast %add3A_969 : i32 to index
        %get3A_971 = tpu.vector_load %arg7[%get3A_970] {strides = array<i32>} : memref<4224xi32, #tpu.memory_space<vmem>>, vector<16xi32>,
        %mul3A_972 = arith.constant 16 : i32
        %mul3A_973 = arith.muli %sub3A_935, %mul3A_972 : i32
        %add3A_974 = arith.constant 1542 : i32
        %add3A_975 = arith.addi %add3A_974, %mul3A_973 : i32
        %get3A_976 = arith.index_cast %add3A_975 : i32 to index
        %get3A_977 = tpu.vector_load %arg7[%get3A_976] {strides = array<i32>} : memref<4224xi32, #tpu.memory_space<vmem>>, vector<16xi32>,
        %mul3A_978 = arith.constant 16 : i32
        %mul3A_979 = arith.muli %sub3A_935, %mul3A_978 : i32
        %add3A_980 = arith.constant 1799 : i32
        %add3A_981 = arith.addi %add3A_980, %mul3A_979 : i32
        %get3A_982 = arith.index_cast %add3A_981 : i32 to index
        %get3A_983 = tpu.vector_load %arg7[%get3A_982] {strides = array<i32>} : memref<4224xi32, #tpu.memory_space<vmem>>, vector<16xi32>,
        %mul3A_984 = arith.constant 16 : i32
        %mul3A_985 = arith.muli %sub3A_935, %mul3A_984 : i32
        %add3A_986 = arith.constant 2056 : i32
        %add3A_987 = arith.addi %add3A_986, %mul3A_985 : i32
        %get3A_988 = arith.index_cast %add3A_987 : i32 to index
        %get3A_989 = tpu.vector_load %arg7[%get3A_988] {strides = array<i32>} : memref<4224xi32, #tpu.memory_space<vmem>>, vector<16xi32>,
        %mul3A_990 = arith.constant 16 : i32
        %mul3A_991 = arith.muli %sub3A_935, %mul3A_990 : i32
        %add3A_992 = arith.constant 2313 : i32
        %add3A_993 = arith.addi %add3A_992, %mul3A_991 : i32
        %get3A_994 = arith.index_cast %add3A_993 : i32 to index
        %get3A_995 = tpu.vector_load %arg7[%get3A_994] {strides = array<i32>} : memref<4224xi32, #tpu.memory_space<vmem>>, vector<16xi32>,
        %mul3A_996 = arith.constant 16 : i32
        %mul3A_997 = arith.muli %sub3A_935, %mul3A_996 : i32
        %add3A_998 = arith.constant 2570 : i32
        %add3A_999 = arith.addi %add3A_998, %mul3A_997 : i32
        %get3A_1000 = arith.index_cast %add3A_999 : i32 to index
        %get3A_1001 = tpu.vector_load %arg7[%get3A_1000] {strides = array<i32>} : memref<4224xi32, #tpu.memory_space<vmem>>, vector<16xi32>,
        %mul3A_1002 = arith.constant 16 : i32
        %mul3A_1003 = arith.muli %sub3A_935, %mul3A_1002 : i32
        %add3A_1004 = arith.constant 2827 : i32
        %add3A_1005 = arith.addi %add3A_1004, %mul3A_1003 : i32
        %get3A_1006 = arith.index_cast %add3A_1005 : i32 to index
        %get3A_1007 = tpu.vector_load %arg7[%get3A_1006] {strides = array<i32>} : memref<4224xi32, #tpu.memory_space<vmem>>, vector<16xi32>,
        %mul3A_1008 = arith.constant 16 : i32
        %mul3A_1009 = arith.muli %sub3A_935, %mul3A_1008 : i32
        %add3A_1010 = arith.constant 3084 : i32
        %add3A_1011 = arith.addi %add3A_1010, %mul3A_1009 : i32
        %get3A_1012 = arith.index_cast %add3A_1011 : i32 to index
        %get3A_1013 = tpu.vector_load %arg7[%get3A_1012] {strides = array<i32>} : memref<4224xi32, #tpu.memory_space<vmem>>, vector<16xi32>,
        %mul3A_1014 = arith.constant 16 : i32
        %mul3A_1015 = arith.muli %sub3A_935, %mul3A_1014 : i32
        %add3A_1016 = arith.constant 3341 : i32
        %add3A_1017 = arith.addi %add3A_1016, %mul3A_1015 : i32
        %get3A_1018 = arith.index_cast %add3A_1017 : i32 to index
        %get3A_1019 = tpu.vector_load %arg7[%get3A_1018] {strides = array<i32>} : memref<4224xi32, #tpu.memory_space<vmem>>, vector<16xi32>,
        %mul3A_1020 = arith.constant 16 : i32
        %mul3A_1021 = arith.muli %sub3A_935, %mul3A_1020 : i32
        %add3A_1022 = arith.constant 3598 : i32
        %add3A_1023 = arith.addi %add3A_1022, %mul3A_1021 : i32
        %get3A_1024 = arith.index_cast %add3A_1023 : i32 to index
        %get3A_1025 = tpu.vector_load %arg7[%get3A_1024] {strides = array<i32>} : memref<4224xi32, #tpu.memory_space<vmem>>, vector<16xi32>,
        %mul3A_1026 = arith.constant 16 : i32
        %mul3A_1027 = arith.muli %sub3A_935, %mul3A_1026 : i32
        %add3A_1028 = arith.constant 3855 : i32
        %add3A_1029 = arith.addi %add3A_1028, %mul3A_1027 : i32
        %get3A_1030 = arith.index_cast %add3A_1029 : i32 to index
        %get3A_1031 = tpu.vector_load %arg7[%get3A_1030] {strides = array<i32>} : memref<4224xi32, #tpu.memory_space<vmem>>, vector<16xi32>,
        %add3A_1032 = arith.addi %get3A_941, %get3A_947 : vector<16xi32>
        %add3A_1033 = arith.addi %get3A_953, %get3A_959 : vector<16xi32>
        %add3A_1034 = arith.addi %get3A_965, %get3A_971 : vector<16xi32>
        %add3A_1035 = arith.addi %get3A_977, %get3A_983 : vector<16xi32>
        %add3A_1036 = arith.addi %get3A_989, %get3A_995 : vector<16xi32>
        %add3A_1037 = arith.addi %get3A_1001, %get3A_1007 : vector<16xi32>
        %add3A_1038 = arith.addi %get3A_1013, %get3A_1019 : vector<16xi32>
        %add3A_1039 = arith.addi %get3A_1025, %get3A_1031 : vector<16xi32>
        %add3A_1040 = arith.addi %add3A_1032, %add3A_1033 : vector<16xi32>
        %add3A_1041 = arith.addi %add3A_1034, %add3A_1035 : vector<16xi32>
        %add3A_1042 = arith.addi %add3A_1036, %add3A_1037 : vector<16xi32>
        %add3A_1043 = arith.addi %add3A_1038, %add3A_1039 : vector<16xi32>
        %add3A_1044 = arith.addi %add3A_1040, %add3A_1041 : vector<16xi32>
        %add3A_1045 = arith.addi %add3A_1042, %add3A_1043 : vector<16xi32>
        %add3A_1046 = arith.addi %add3A_1044, %add3A_1045 : vector<16xi32>
        %mul3A_1047 = arith.constant 16 : i32
        %mul3A_1048 = arith.muli %sub3A_935, %mul3A_1047 : i32
        %swap3A_1049 = arith.index_cast %mul3A_1048 : i32 to index
        %swap3A_1050 = tpu.vector_load %arg8[%swap3A_1049] {strides = array<i32>} : memref<256xi32, #tpu.memory_space<vmem>>, vector<16xi32>,
        tpu.vector_store %arg8[%swap3A_1049], %add3A_1046 {strides = array<i32>} : memref<256xi32, #tpu.memory_space<vmem>>, vector<16xi32>,
        %reduce_sum3A_1051 = arith.constant true
        %reduce_sum3A_1052 = vector.broadcast %reduce_sum3A_1051 : i1 to vector<16xi1>
        %reduce_sum3A_1053 = tpu.scan <sum>, %add3A_1046 masked %reduce_sum3A_1052 : vector<16xi32>, vector<16xi1> -> vector<16xi32>
        %reduce_sum3A_1054 = vector.extract %reduce_sum3A_1053[15] : i32 from vector<16xi32>
        %eq3A_1055 = arith.constant 0 : i32
        %eq3A_1056 = arith.cmpi eq, %scan3A_931, %eq3A_1055 : i32
        %ge3A_1057 = arith.cmpi sge, %reduce_sum3A_1054, %scan3A_930 : i32
        %and3A_1058 = arith.andi %eq3A_1056, %ge3A_1057 : i1
        %select_n3A_1059 = arith.select %and3A_1058, %sub3A_935, %scan3A_932 : i32
        %select_n3A_1060 = arith.select %and3A_1058, %scan3A_930, %scan3A_933 : i32
        %eq3A_1061 = arith.constant 0 : i32
        %eq3A_1062 = arith.cmpi eq, %scan3A_931, %eq3A_1061 : i32
        %not3A = arith.constant true
        %not3A_1063 = arith.xori %and3A_1058, %not3A : i1
        %and3A_1064 = arith.andi %eq3A_1062, %not3A_1063 : i1
        %sub3A_1065 = arith.subi %scan3A_930, %reduce_sum3A_1054 : i32
        %select_n3A_1066 = arith.select %and3A_1064, %sub3A_1065, %scan3A_930 : i32
        %jit3A_1067 = arith.constant 1 : i32
        %select_n3A_1068 = arith.select %and3A_1058, %jit3A_1067, %scan3A_931 : i32
        scf.yield %select_n3A_1066, %select_n3A_1068, %select_n3A_1059, %select_n3A_1060 : i32, i32, i32, i32
      }
      %scan3A_494 = arith.constant 16 : i32
      %mul3A_495 = arith.constant 16 : i32
      %mul3A_496 = arith.muli %scan3A_493#2, %mul3A_495 : i32
      %get3A_497 = arith.index_cast %mul3A_496 : i32 to index
      %get3A_498 = tpu.vector_load %arg8[%get3A_497] {strides = array<i32>} : memref<256xi32, #tpu.memory_space<vmem>>, vector<16xi32>,
      %rev3A_499 = arith.constant 15 : i32
      %rev3A_500 = vector.broadcast %rev3A_499 : i32 to vector<16xi32>
      %rev3A_501 = tpu.iota {dimensions = array<i32: 0>} : vector<16xi32>
      %rev3A_502 = arith.subi %rev3A_500, %rev3A_501 : vector<16xi32>
      %rev3A_503 = tpu.dynamic_gather %get3A_498[%rev3A_502] in [0] : vector<16xi32>, vector<16xi32> -> vector<16xi32>
      %broadcast_in_dim3A_504 = arith.constant true
      %broadcast_in_dim3A_505 = vector.broadcast %broadcast_in_dim3A_504 : i1 to vector<16xi1>
      %masked_cumsum3A_506 = tpu.scan <sum>, %rev3A_503 masked %broadcast_in_dim3A_505 : vector<16xi32>, vector<16xi1> -> vector<16xi32>
      %ge3A_507 = vector.broadcast %scan3A_493#3 : i32 to vector<16xi32>
      %ge3A_508 = arith.cmpi sge, %masked_cumsum3A_506, %ge3A_507 : vector<16xi32>
      %all_reduce_ffs3A_509 = tpu.all_reduce %ge3A_508 {dim = 0 : i64, kind = #tpu.reduction_kind<find_first_set>} : vector<16xi1> -> vector<16xi32>
      %reduce_max3A_510 = arith.constant true
      %reduce_max3A_511 = vector.broadcast %reduce_max3A_510 : i1 to vector<16xi1>
      %reduce_max3A_512 = arith.constant -2147483648 : i32
      %reduce_max3A_513 = vector.broadcast %reduce_max3A_512 : i32 to vector<16xi32>
      %reduce_max3A_514 = arith.xori %all_reduce_ffs3A_509, %reduce_max3A_513 : vector<16xi32>
      %reduce_max3A_515 = tpu.scan <max>, %reduce_max3A_514 masked %reduce_max3A_511 : vector<16xi32>, vector<16xi1> -> vector<16xi32>
      %reduce_max3A_516 = arith.xori %reduce_max3A_515, %reduce_max3A_513 : vector<16xi32>
      %reduce_max3A_517 = vector.extract %reduce_max3A_516[15] : i32 from vector<16xi32>
      %eq3A_518 = vector.broadcast %reduce_max3A_517 : i32 to vector<16xi32>
      %eq3A_519 = arith.cmpi eq, %iota3A, %eq3A_518 : vector<16xi32>
      %sub3A_520 = arith.subi %masked_cumsum3A_506, %rev3A_503 : vector<16xi32>
      %select_n3A_521 = arith.select %eq3A_519, %sub3A_520, %broadcast_in_dim3A_6 : vector<16xi1>, vector<16xi32>
      %reduce_sum3A_522 = arith.constant true
      %reduce_sum3A_523 = vector.broadcast %reduce_sum3A_522 : i1 to vector<16xi1>
      %reduce_sum3A_524 = tpu.scan <sum>, %select_n3A_521 masked %reduce_sum3A_523 : vector<16xi32>, vector<16xi1> -> vector<16xi32>
      %reduce_sum3A_525 = vector.extract %reduce_sum3A_524[15] : i32 from vector<16xi32>
      %mul3A_526 = arith.constant 16 : i32
      %mul3A_527 = arith.muli %scan3A_493#2, %mul3A_526 : i32
      %sub3A_528 = arith.constant 15 : i32
      %sub3A_529 = arith.subi %sub3A_528, %reduce_max3A_517 : i32
      %add3A_530 = arith.addi %mul3A_527, %sub3A_529 : i32
      %sub3A_531 = arith.subi %scan3A_493#3, %reduce_sum3A_525 : i32
      %sub3A_532 = arith.constant 128 : i32
      %sub3A_533 = arith.subi %add3A_530, %sub3A_532 : i32
      %parallel_loop3A_534 = arith.constant 0 : i32
      %parallel_loop3A_535 = arith.constant 2048 : i32
      %parallel_loop3A_536 = arith.constant 1 : i32
      %parallel_loop3A_537 = scf.for %parallel_loop3A_929 = %parallel_loop3A_534 to %parallel_loop3A_535 step %parallel_loop3A_536 iter_args(%parallel_loop3A_930 = %broadcast_in_dim3A_6) -> (vector<16xi32>)  : i32 {
        %parallel_loop3A_931 = arith.constant 16 : i32
        %parallel_loop3A_932 = arith.muli %parallel_loop3A_929, %parallel_loop3A_931 : i32
        %parallel_loop3A_933 = arith.index_cast %parallel_loop3A_932 : i32 to index
        %parallel_loop3A_934 = tpu.vector_load %arg5[%parallel_loop3A_933] {strides = array<i32>} : memref<32768xf32, #tpu.memory_space<vmem>>, vector<16xf32>,
        %parallel_loop3A_935 = tpu.bitcast %parallel_loop3A_934 : vector<16xf32> -> vector<16xi32>
        %parallel_loop3A_936 = arith.constant 0 : i32
        %parallel_loop3A_937 = vector.broadcast %parallel_loop3A_936 : i32 to vector<16xi32>
        %parallel_loop3A_938 = arith.cmpi slt, %parallel_loop3A_935, %parallel_loop3A_937 : vector<16xi32>
        %parallel_loop3A_939 = arith.constant 2147483647 : i32
        %parallel_loop3A_940 = vector.broadcast %parallel_loop3A_939 : i32 to vector<16xi32>
        %parallel_loop3A_941 = arith.xori %parallel_loop3A_935, %parallel_loop3A_940 : vector<16xi32>
        %parallel_loop3A_942 = arith.select %parallel_loop3A_938, %parallel_loop3A_941, %parallel_loop3A_935 : vector<16xi1>, vector<16xi32>
        %parallel_loop3A_943 = arith.constant 24 : i32
        %parallel_loop3A_944 = vector.broadcast %parallel_loop3A_943 : i32 to vector<16xi32>
        %parallel_loop3A_945 = arith.shrsi %parallel_loop3A_942, %parallel_loop3A_944 : vector<16xi32>
        %parallel_loop3A_946 = vector.broadcast %sub3A_533 : i32 to vector<16xi32>
        %parallel_loop3A_947 = arith.cmpi eq, %parallel_loop3A_945, %parallel_loop3A_946 : vector<16xi32>
        %parallel_loop3A_948 = arith.select %parallel_loop3A_947, %broadcast_in_dim3A_4, %broadcast_in_dim3A_6 : vector<16xi1>, vector<16xi32>
        %parallel_loop3A_949 = arith.constant true
        %parallel_loop3A_950 = vector.broadcast %parallel_loop3A_949 : i1 to vector<16xi1>
        %parallel_loop3A_951 = tpu.scan <sum>, %parallel_loop3A_948 masked %parallel_loop3A_950 : vector<16xi32>, vector<16xi1> -> vector<16xi32>
        %parallel_loop3A_952 = arith.addi %parallel_loop3A_930, %parallel_loop3A_951 : vector<16xi32>
        %parallel_loop3A_953 = arith.constant 1 : i32
        %parallel_loop3A_954 = vector.broadcast %parallel_loop3A_953 : i32 to vector<16xi32>
        %parallel_loop3A_955 = arith.subi %parallel_loop3A_952, %parallel_loop3A_954 : vector<16xi32>
        tpu.vector_store_idx %arg6[%parallel_loop3A_955], %parallel_loop3A_942 masked %parallel_loop3A_947 : memref<32768xi32, #tpu.memory_space<vmem>>[vector<16xi32>], vector<16xi32>, vector<16xi1>
        %parallel_loop3A_956 = tpu.all_reduce %parallel_loop3A_947 {dim = 0 : i64, kind = #tpu.reduction_kind<sum>} : vector<16xi1> -> vector<16xi32>
        %parallel_loop3A_957 = arith.addi %parallel_loop3A_930, %parallel_loop3A_956 : vector<16xi32>
        scf.yield %parallel_loop3A_957 : vector<16xi32>
      } {sc.loop_unroll_factor = 8 : i64, sc.parallel_access}
      %reduce_max3A_538 = arith.constant true
      %reduce_max3A_539 = vector.broadcast %reduce_max3A_538 : i1 to vector<16xi1>
      %reduce_max3A_540 = arith.constant -2147483648 : i32
      %reduce_max3A_541 = vector.broadcast %reduce_max3A_540 : i32 to vector<16xi32>
      %reduce_max3A_542 = arith.xori %parallel_loop3A_537, %reduce_max3A_541 : vector<16xi32>
      %reduce_max3A_543 = tpu.scan <max>, %reduce_max3A_542 masked %reduce_max3A_539 : vector<16xi32>, vector<16xi1> -> vector<16xi32>
      %reduce_max3A_544 = arith.xori %reduce_max3A_543, %reduce_max3A_541 : vector<16xi32>
      %reduce_max3A_545 = vector.extract %reduce_max3A_544[15] : i32 from vector<16xi32>
      %parallel_loop3A_546 = arith.constant 0 : i32
      %parallel_loop3A_547 = arith.constant 264 : i32
      %parallel_loop3A_548 = arith.constant 1 : i32
      scf.for %parallel_loop3A_929 = %parallel_loop3A_546 to %parallel_loop3A_547 step %parallel_loop3A_548  : i32 {
        %parallel_loop3A_930 = arith.constant 16 : i32
        %parallel_loop3A_931 = arith.muli %parallel_loop3A_929, %parallel_loop3A_930 : i32
        %parallel_loop3A_932 = arith.index_cast %parallel_loop3A_931 : i32 to index
        %parallel_loop3A_933 = tpu.vector_load %arg7[%parallel_loop3A_932] {strides = array<i32>} : memref<4224xi32, #tpu.memory_space<vmem>>, vector<16xi32>,
        tpu.vector_store %arg7[%parallel_loop3A_932], %broadcast_in_dim3A_6 {strides = array<i32>} : memref<4224xi32, #tpu.memory_space<vmem>>, vector<16xi32>,
      } {sc.loop_unroll_factor = 8 : i64, sc.parallel_access}
      %add3A_549 = arith.constant 16 : i32
      %add3A_550 = arith.addi %reduce_max3A_545, %add3A_549 : i32
      %sub3A_551 = arith.constant 1 : i32
      %sub3A_552 = arith.subi %add3A_550, %sub3A_551 : i32
      %jit3A_553 = arith.constant 16 : i32
      %div3A_554 = arith.divsi %sub3A_552, %jit3A_553 : i32
      %sign3A_555 = arith.constant 0 : i32
      %sign3A_556 = arith.cmpi sgt, %sub3A_552, %sign3A_555 : i32
      %sign3A_557 = arith.extui %sign3A_556 : i1 to i32
      %sign3A_558 = arith.constant 0 : i32
      %sign3A_559 = arith.cmpi slt, %sub3A_552, %sign3A_558 : i32
      %sign3A_560 = arith.extui %sign3A_559 : i1 to i32
      %sign3A_561 = arith.subi %sign3A_557, %sign3A_560 : i32
      %sign3A_562 = arith.constant 0 : i32
      %sign3A_563 = arith.cmpi sgt, %jit3A_553, %sign3A_562 : i32
      %sign3A_564 = arith.extui %sign3A_563 : i1 to i32
      %sign3A_565 = arith.constant 0 : i32
      %sign3A_566 = arith.cmpi slt, %jit3A_553, %sign3A_565 : i32
      %sign3A_567 = arith.extui %sign3A_566 : i1 to i32
      %sign3A_568 = arith.subi %sign3A_564, %sign3A_567 : i32
      %ne3A_569 = arith.cmpi ne, %sign3A_561, %sign3A_568 : i32
      %rem3A_570 = arith.remsi %sub3A_552, %jit3A_553 : i32
      %ne3A_571 = arith.constant 0 : i32
      %ne3A_572 = arith.cmpi ne, %rem3A_570, %ne3A_571 : i32
      %and3A_573 = arith.andi %ne3A_569, %ne3A_572 : i1
      %sub3A_574 = arith.constant 1 : i32
      %sub3A_575 = arith.subi %div3A_554, %sub3A_574 : i32
      %select_n3A_576 = arith.select %and3A_573, %sub3A_575, %div3A_554 : i32
      %parallel_loop3A_577 = arith.constant 0 : i32
      %parallel_loop3A_578 = arith.constant 1 : i32
      scf.for %parallel_loop3A_929 = %parallel_loop3A_577 to %select_n3A_576 step %parallel_loop3A_578  : i32 {
        %parallel_loop3A_930 = arith.constant 16 : i32
        %parallel_loop3A_931 = arith.muli %parallel_loop3A_929, %parallel_loop3A_930 : i32
        %parallel_loop3A_932 = arith.index_cast %parallel_loop3A_931 : i32 to index
        %parallel_loop3A_933 = tpu.vector_load %arg6[%parallel_loop3A_932] {strides = array<i32>} : memref<32768xi32, #tpu.memory_space<vmem>>, vector<16xi32>,
        %parallel_loop3A_934 = arith.constant 16 : i32
        %parallel_loop3A_935 = arith.muli %parallel_loop3A_929, %parallel_loop3A_934 : i32
        %parallel_loop3A_936 = vector.broadcast %parallel_loop3A_935 : i32 to vector<16xi32>
        %parallel_loop3A_937 = arith.addi %parallel_loop3A_936, %iota3A : vector<16xi32>
        %parallel_loop3A_938 = vector.broadcast %reduce_max3A_545 : i32 to vector<16xi32>
        %parallel_loop3A_939 = arith.cmpi slt, %parallel_loop3A_937, %parallel_loop3A_938 : vector<16xi32>
        %parallel_loop3A_940 = arith.constant 16 : i32
        %parallel_loop3A_941 = vector.broadcast %parallel_loop3A_940 : i32 to vector<16xi32>
        %parallel_loop3A_942 = arith.shrsi %parallel_loop3A_933, %parallel_loop3A_941 : vector<16xi32>
        %parallel_loop3A_943 = arith.constant 255 : i32
        %parallel_loop3A_944 = vector.broadcast %parallel_loop3A_943 : i32 to vector<16xi32>
        %parallel_loop3A_945 = arith.andi %parallel_loop3A_942, %parallel_loop3A_944 : vector<16xi32>
        %parallel_loop3A_946 = arith.addi %parallel_loop3A_945, %mul3A_3 : vector<16xi32>
        tpu.vector_store_idx %arg7[%parallel_loop3A_946], %broadcast_in_dim3A_4 masked %parallel_loop3A_939 {add = true} : memref<4224xi32, #tpu.memory_space<vmem>>[vector<16xi32>], vector<16xi32>, vector<16xi1>
      } {sc.loop_unroll_factor = 8 : i64, sc.parallel_access}
      %scan3A_579 = arith.constant 0 : i32
      %scan3A_580 = arith.constant 0 : i32
      %scan3A_581 = arith.constant 1 : i32
      %scan3A_582 = arith.constant 0 : i32
      %scan3A_583 = arith.constant 16 : i32
      %scan3A_584 = arith.addi %scan3A_582, %scan3A_583 : i32
      %scan3A_585 = arith.constant 1 : i32
      %scan3A_586:4 = scf.for %scan3A_929 = %scan3A_582 to %scan3A_584 step %scan3A_585 iter_args(%scan3A_930 = %sub3A_531, %scan3A_931 = %scan3A_579, %scan3A_932 = %scan3A_580, %scan3A_933 = %scan3A_581) -> (i32, i32, i32, i32)  : i32 {
        %sub3A_934 = arith.constant 15 : i32
        %sub3A_935 = arith.subi %sub3A_934, %scan3A_929 : i32
        %mul3A_936 = arith.constant 16 : i32
        %mul3A_937 = arith.muli %sub3A_935, %mul3A_936 : i32
        %add3A_938 = arith.constant 0 : i32
        %add3A_939 = arith.addi %add3A_938, %mul3A_937 : i32
        %get3A_940 = arith.index_cast %add3A_939 : i32 to index
        %get3A_941 = tpu.vector_load %arg7[%get3A_940] {strides = array<i32>} : memref<4224xi32, #tpu.memory_space<vmem>>, vector<16xi32>,
        %mul3A_942 = arith.constant 16 : i32
        %mul3A_943 = arith.muli %sub3A_935, %mul3A_942 : i32
        %add3A_944 = arith.constant 257 : i32
        %add3A_945 = arith.addi %add3A_944, %mul3A_943 : i32
        %get3A_946 = arith.index_cast %add3A_945 : i32 to index
        %get3A_947 = tpu.vector_load %arg7[%get3A_946] {strides = array<i32>} : memref<4224xi32, #tpu.memory_space<vmem>>, vector<16xi32>,
        %mul3A_948 = arith.constant 16 : i32
        %mul3A_949 = arith.muli %sub3A_935, %mul3A_948 : i32
        %add3A_950 = arith.constant 514 : i32
        %add3A_951 = arith.addi %add3A_950, %mul3A_949 : i32
        %get3A_952 = arith.index_cast %add3A_951 : i32 to index
        %get3A_953 = tpu.vector_load %arg7[%get3A_952] {strides = array<i32>} : memref<4224xi32, #tpu.memory_space<vmem>>, vector<16xi32>,
        %mul3A_954 = arith.constant 16 : i32
        %mul3A_955 = arith.muli %sub3A_935, %mul3A_954 : i32
        %add3A_956 = arith.constant 771 : i32
        %add3A_957 = arith.addi %add3A_956, %mul3A_955 : i32
        %get3A_958 = arith.index_cast %add3A_957 : i32 to index
        %get3A_959 = tpu.vector_load %arg7[%get3A_958] {strides = array<i32>} : memref<4224xi32, #tpu.memory_space<vmem>>, vector<16xi32>,
        %mul3A_960 = arith.constant 16 : i32
        %mul3A_961 = arith.muli %sub3A_935, %mul3A_960 : i32
        %add3A_962 = arith.constant 1028 : i32
        %add3A_963 = arith.addi %add3A_962, %mul3A_961 : i32
        %get3A_964 = arith.index_cast %add3A_963 : i32 to index
        %get3A_965 = tpu.vector_load %arg7[%get3A_964] {strides = array<i32>} : memref<4224xi32, #tpu.memory_space<vmem>>, vector<16xi32>,
        %mul3A_966 = arith.constant 16 : i32
        %mul3A_967 = arith.muli %sub3A_935, %mul3A_966 : i32
        %add3A_968 = arith.constant 1285 : i32
        %add3A_969 = arith.addi %add3A_968, %mul3A_967 : i32
        %get3A_970 = arith.index_cast %add3A_969 : i32 to index
        %get3A_971 = tpu.vector_load %arg7[%get3A_970] {strides = array<i32>} : memref<4224xi32, #tpu.memory_space<vmem>>, vector<16xi32>,
        %mul3A_972 = arith.constant 16 : i32
        %mul3A_973 = arith.muli %sub3A_935, %mul3A_972 : i32
        %add3A_974 = arith.constant 1542 : i32
        %add3A_975 = arith.addi %add3A_974, %mul3A_973 : i32
        %get3A_976 = arith.index_cast %add3A_975 : i32 to index
        %get3A_977 = tpu.vector_load %arg7[%get3A_976] {strides = array<i32>} : memref<4224xi32, #tpu.memory_space<vmem>>, vector<16xi32>,
        %mul3A_978 = arith.constant 16 : i32
        %mul3A_979 = arith.muli %sub3A_935, %mul3A_978 : i32
        %add3A_980 = arith.constant 1799 : i32
        %add3A_981 = arith.addi %add3A_980, %mul3A_979 : i32
        %get3A_982 = arith.index_cast %add3A_981 : i32 to index
        %get3A_983 = tpu.vector_load %arg7[%get3A_982] {strides = array<i32>} : memref<4224xi32, #tpu.memory_space<vmem>>, vector<16xi32>,
        %mul3A_984 = arith.constant 16 : i32
        %mul3A_985 = arith.muli %sub3A_935, %mul3A_984 : i32
        %add3A_986 = arith.constant 2056 : i32
        %add3A_987 = arith.addi %add3A_986, %mul3A_985 : i32
        %get3A_988 = arith.index_cast %add3A_987 : i32 to index
        %get3A_989 = tpu.vector_load %arg7[%get3A_988] {strides = array<i32>} : memref<4224xi32, #tpu.memory_space<vmem>>, vector<16xi32>,
        %mul3A_990 = arith.constant 16 : i32
        %mul3A_991 = arith.muli %sub3A_935, %mul3A_990 : i32
        %add3A_992 = arith.constant 2313 : i32
        %add3A_993 = arith.addi %add3A_992, %mul3A_991 : i32
        %get3A_994 = arith.index_cast %add3A_993 : i32 to index
        %get3A_995 = tpu.vector_load %arg7[%get3A_994] {strides = array<i32>} : memref<4224xi32, #tpu.memory_space<vmem>>, vector<16xi32>,
        %mul3A_996 = arith.constant 16 : i32
        %mul3A_997 = arith.muli %sub3A_935, %mul3A_996 : i32
        %add3A_998 = arith.constant 2570 : i32
        %add3A_999 = arith.addi %add3A_998, %mul3A_997 : i32
        %get3A_1000 = arith.index_cast %add3A_999 : i32 to index
        %get3A_1001 = tpu.vector_load %arg7[%get3A_1000] {strides = array<i32>} : memref<4224xi32, #tpu.memory_space<vmem>>, vector<16xi32>,
        %mul3A_1002 = arith.constant 16 : i32
        %mul3A_1003 = arith.muli %sub3A_935, %mul3A_1002 : i32
        %add3A_1004 = arith.constant 2827 : i32
        %add3A_1005 = arith.addi %add3A_1004, %mul3A_1003 : i32
        %get3A_1006 = arith.index_cast %add3A_1005 : i32 to index
        %get3A_1007 = tpu.vector_load %arg7[%get3A_1006] {strides = array<i32>} : memref<4224xi32, #tpu.memory_space<vmem>>, vector<16xi32>,
        %mul3A_1008 = arith.constant 16 : i32
        %mul3A_1009 = arith.muli %sub3A_935, %mul3A_1008 : i32
        %add3A_1010 = arith.constant 3084 : i32
        %add3A_1011 = arith.addi %add3A_1010, %mul3A_1009 : i32
        %get3A_1012 = arith.index_cast %add3A_1011 : i32 to index
        %get3A_1013 = tpu.vector_load %arg7[%get3A_1012] {strides = array<i32>} : memref<4224xi32, #tpu.memory_space<vmem>>, vector<16xi32>,
        %mul3A_1014 = arith.constant 16 : i32
        %mul3A_1015 = arith.muli %sub3A_935, %mul3A_1014 : i32
        %add3A_1016 = arith.constant 3341 : i32
        %add3A_1017 = arith.addi %add3A_1016, %mul3A_1015 : i32
        %get3A_1018 = arith.index_cast %add3A_1017 : i32 to index
        %get3A_1019 = tpu.vector_load %arg7[%get3A_1018] {strides = array<i32>} : memref<4224xi32, #tpu.memory_space<vmem>>, vector<16xi32>,
        %mul3A_1020 = arith.constant 16 : i32
        %mul3A_1021 = arith.muli %sub3A_935, %mul3A_1020 : i32
        %add3A_1022 = arith.constant 3598 : i32
        %add3A_1023 = arith.addi %add3A_1022, %mul3A_1021 : i32
        %get3A_1024 = arith.index_cast %add3A_1023 : i32 to index
        %get3A_1025 = tpu.vector_load %arg7[%get3A_1024] {strides = array<i32>} : memref<4224xi32, #tpu.memory_space<vmem>>, vector<16xi32>,
        %mul3A_1026 = arith.constant 16 : i32
        %mul3A_1027 = arith.muli %sub3A_935, %mul3A_1026 : i32
        %add3A_1028 = arith.constant 3855 : i32
        %add3A_1029 = arith.addi %add3A_1028, %mul3A_1027 : i32
        %get3A_1030 = arith.index_cast %add3A_1029 : i32 to index
        %get3A_1031 = tpu.vector_load %arg7[%get3A_1030] {strides = array<i32>} : memref<4224xi32, #tpu.memory_space<vmem>>, vector<16xi32>,
        %add3A_1032 = arith.addi %get3A_941, %get3A_947 : vector<16xi32>
        %add3A_1033 = arith.addi %get3A_953, %get3A_959 : vector<16xi32>
        %add3A_1034 = arith.addi %get3A_965, %get3A_971 : vector<16xi32>
        %add3A_1035 = arith.addi %get3A_977, %get3A_983 : vector<16xi32>
        %add3A_1036 = arith.addi %get3A_989, %get3A_995 : vector<16xi32>
        %add3A_1037 = arith.addi %get3A_1001, %get3A_1007 : vector<16xi32>
        %add3A_1038 = arith.addi %get3A_1013, %get3A_1019 : vector<16xi32>
        %add3A_1039 = arith.addi %get3A_1025, %get3A_1031 : vector<16xi32>
        %add3A_1040 = arith.addi %add3A_1032, %add3A_1033 : vector<16xi32>
        %add3A_1041 = arith.addi %add3A_1034, %add3A_1035 : vector<16xi32>
        %add3A_1042 = arith.addi %add3A_1036, %add3A_1037 : vector<16xi32>
        %add3A_1043 = arith.addi %add3A_1038, %add3A_1039 : vector<16xi32>
        %add3A_1044 = arith.addi %add3A_1040, %add3A_1041 : vector<16xi32>
        %add3A_1045 = arith.addi %add3A_1042, %add3A_1043 : vector<16xi32>
        %add3A_1046 = arith.addi %add3A_1044, %add3A_1045 : vector<16xi32>
        %mul3A_1047 = arith.constant 16 : i32
        %mul3A_1048 = arith.muli %sub3A_935, %mul3A_1047 : i32
        %swap3A_1049 = arith.index_cast %mul3A_1048 : i32 to index
        %swap3A_1050 = tpu.vector_load %arg8[%swap3A_1049] {strides = array<i32>} : memref<256xi32, #tpu.memory_space<vmem>>, vector<16xi32>,
        tpu.vector_store %arg8[%swap3A_1049], %add3A_1046 {strides = array<i32>} : memref<256xi32, #tpu.memory_space<vmem>>, vector<16xi32>,
        %reduce_sum3A_1051 = arith.constant true
        %reduce_sum3A_1052 = vector.broadcast %reduce_sum3A_1051 : i1 to vector<16xi1>
        %reduce_sum3A_1053 = tpu.scan <sum>, %add3A_1046 masked %reduce_sum3A_1052 : vector<16xi32>, vector<16xi1> -> vector<16xi32>
        %reduce_sum3A_1054 = vector.extract %reduce_sum3A_1053[15] : i32 from vector<16xi32>
        %eq3A_1055 = arith.constant 0 : i32
        %eq3A_1056 = arith.cmpi eq, %scan3A_931, %eq3A_1055 : i32
        %ge3A_1057 = arith.cmpi sge, %reduce_sum3A_1054, %scan3A_930 : i32
        %and3A_1058 = arith.andi %eq3A_1056, %ge3A_1057 : i1
        %select_n3A_1059 = arith.select %and3A_1058, %sub3A_935, %scan3A_932 : i32
        %select_n3A_1060 = arith.select %and3A_1058, %scan3A_930, %scan3A_933 : i32
        %eq3A_1061 = arith.constant 0 : i32
        %eq3A_1062 = arith.cmpi eq, %scan3A_931, %eq3A_1061 : i32
        %not3A = arith.constant true
        %not3A_1063 = arith.xori %and3A_1058, %not3A : i1
        %and3A_1064 = arith.andi %eq3A_1062, %not3A_1063 : i1
        %sub3A_1065 = arith.subi %scan3A_930, %reduce_sum3A_1054 : i32
        %select_n3A_1066 = arith.select %and3A_1064, %sub3A_1065, %scan3A_930 : i32
        %jit3A_1067 = arith.constant 1 : i32
        %select_n3A_1068 = arith.select %and3A_1058, %jit3A_1067, %scan3A_931 : i32
        scf.yield %select_n3A_1066, %select_n3A_1068, %select_n3A_1059, %select_n3A_1060 : i32, i32, i32, i32
      }
      %scan3A_587 = arith.constant 16 : i32
      %mul3A_588 = arith.constant 16 : i32
      %mul3A_589 = arith.muli %scan3A_586#2, %mul3A_588 : i32
      %get3A_590 = arith.index_cast %mul3A_589 : i32 to index
      %get3A_591 = tpu.vector_load %arg8[%get3A_590] {strides = array<i32>} : memref<256xi32, #tpu.memory_space<vmem>>, vector<16xi32>,
      %rev3A_592 = arith.constant 15 : i32
      %rev3A_593 = vector.broadcast %rev3A_592 : i32 to vector<16xi32>
      %rev3A_594 = tpu.iota {dimensions = array<i32: 0>} : vector<16xi32>
      %rev3A_595 = arith.subi %rev3A_593, %rev3A_594 : vector<16xi32>
      %rev3A_596 = tpu.dynamic_gather %get3A_591[%rev3A_595] in [0] : vector<16xi32>, vector<16xi32> -> vector<16xi32>
      %broadcast_in_dim3A_597 = arith.constant true
      %broadcast_in_dim3A_598 = vector.broadcast %broadcast_in_dim3A_597 : i1 to vector<16xi1>
      %masked_cumsum3A_599 = tpu.scan <sum>, %rev3A_596 masked %broadcast_in_dim3A_598 : vector<16xi32>, vector<16xi1> -> vector<16xi32>
      %ge3A_600 = vector.broadcast %scan3A_586#3 : i32 to vector<16xi32>
      %ge3A_601 = arith.cmpi sge, %masked_cumsum3A_599, %ge3A_600 : vector<16xi32>
      %all_reduce_ffs3A_602 = tpu.all_reduce %ge3A_601 {dim = 0 : i64, kind = #tpu.reduction_kind<find_first_set>} : vector<16xi1> -> vector<16xi32>
      %reduce_max3A_603 = arith.constant true
      %reduce_max3A_604 = vector.broadcast %reduce_max3A_603 : i1 to vector<16xi1>
      %reduce_max3A_605 = arith.constant -2147483648 : i32
      %reduce_max3A_606 = vector.broadcast %reduce_max3A_605 : i32 to vector<16xi32>
      %reduce_max3A_607 = arith.xori %all_reduce_ffs3A_602, %reduce_max3A_606 : vector<16xi32>
      %reduce_max3A_608 = tpu.scan <max>, %reduce_max3A_607 masked %reduce_max3A_604 : vector<16xi32>, vector<16xi1> -> vector<16xi32>
      %reduce_max3A_609 = arith.xori %reduce_max3A_608, %reduce_max3A_606 : vector<16xi32>
      %reduce_max3A_610 = vector.extract %reduce_max3A_609[15] : i32 from vector<16xi32>
      %eq3A_611 = vector.broadcast %reduce_max3A_610 : i32 to vector<16xi32>
      %eq3A_612 = arith.cmpi eq, %iota3A, %eq3A_611 : vector<16xi32>
      %sub3A_613 = arith.subi %masked_cumsum3A_599, %rev3A_596 : vector<16xi32>
      %select_n3A_614 = arith.select %eq3A_612, %sub3A_613, %broadcast_in_dim3A_6 : vector<16xi1>, vector<16xi32>
      %reduce_sum3A_615 = arith.constant true
      %reduce_sum3A_616 = vector.broadcast %reduce_sum3A_615 : i1 to vector<16xi1>
      %reduce_sum3A_617 = tpu.scan <sum>, %select_n3A_614 masked %reduce_sum3A_616 : vector<16xi32>, vector<16xi1> -> vector<16xi32>
      %reduce_sum3A_618 = vector.extract %reduce_sum3A_617[15] : i32 from vector<16xi32>
      %mul3A_619 = arith.constant 16 : i32
      %mul3A_620 = arith.muli %scan3A_586#2, %mul3A_619 : i32
      %sub3A_621 = arith.constant 15 : i32
      %sub3A_622 = arith.subi %sub3A_621, %reduce_max3A_610 : i32
      %add3A_623 = arith.addi %mul3A_620, %sub3A_622 : i32
      %sub3A_624 = arith.subi %scan3A_586#3, %reduce_sum3A_618 : i32
      %shift_left3A_625 = arith.constant 8 : i32
      %shift_left3A_626 = arith.shli %sub3A_533, %shift_left3A_625 : i32
      %or3A_627 = arith.ori %shift_left3A_626, %add3A_623 : i32
      %add3A_628 = arith.constant 16 : i32
      %add3A_629 = arith.addi %reduce_max3A_545, %add3A_628 : i32
      %sub3A_630 = arith.constant 1 : i32
      %sub3A_631 = arith.subi %add3A_629, %sub3A_630 : i32
      %jit3A_632 = arith.constant 16 : i32
      %div3A_633 = arith.divsi %sub3A_631, %jit3A_632 : i32
      %sign3A_634 = arith.constant 0 : i32
      %sign3A_635 = arith.cmpi sgt, %sub3A_631, %sign3A_634 : i32
      %sign3A_636 = arith.extui %sign3A_635 : i1 to i32
      %sign3A_637 = arith.constant 0 : i32
      %sign3A_638 = arith.cmpi slt, %sub3A_631, %sign3A_637 : i32
      %sign3A_639 = arith.extui %sign3A_638 : i1 to i32
      %sign3A_640 = arith.subi %sign3A_636, %sign3A_639 : i32
      %sign3A_641 = arith.constant 0 : i32
      %sign3A_642 = arith.cmpi sgt, %jit3A_632, %sign3A_641 : i32
      %sign3A_643 = arith.extui %sign3A_642 : i1 to i32
      %sign3A_644 = arith.constant 0 : i32
      %sign3A_645 = arith.cmpi slt, %jit3A_632, %sign3A_644 : i32
      %sign3A_646 = arith.extui %sign3A_645 : i1 to i32
      %sign3A_647 = arith.subi %sign3A_643, %sign3A_646 : i32
      %ne3A_648 = arith.cmpi ne, %sign3A_640, %sign3A_647 : i32
      %rem3A_649 = arith.remsi %sub3A_631, %jit3A_632 : i32
      %ne3A_650 = arith.constant 0 : i32
      %ne3A_651 = arith.cmpi ne, %rem3A_649, %ne3A_650 : i32
      %and3A_652 = arith.andi %ne3A_648, %ne3A_651 : i1
      %sub3A_653 = arith.constant 1 : i32
      %sub3A_654 = arith.subi %div3A_633, %sub3A_653 : i32
      %select_n3A_655 = arith.select %and3A_652, %sub3A_654, %div3A_633 : i32
      %parallel_loop3A_656 = arith.constant 0 : i32
      %parallel_loop3A_657 = arith.constant 1 : i32
      %parallel_loop3A_658 = scf.for %parallel_loop3A_929 = %parallel_loop3A_656 to %select_n3A_655 step %parallel_loop3A_657 iter_args(%parallel_loop3A_930 = %broadcast_in_dim3A_6) -> (vector<16xi32>)  : i32 {
        %parallel_loop3A_931 = arith.constant 16 : i32
        %parallel_loop3A_932 = arith.muli %parallel_loop3A_929, %parallel_loop3A_931 : i32
        %parallel_loop3A_933 = arith.index_cast %parallel_loop3A_932 : i32 to index
        %parallel_loop3A_934 = tpu.vector_load %arg6[%parallel_loop3A_933] {strides = array<i32>} : memref<32768xi32, #tpu.memory_space<vmem>>, vector<16xi32>,
        %parallel_loop3A_935 = arith.constant 16 : i32
        %parallel_loop3A_936 = arith.muli %parallel_loop3A_929, %parallel_loop3A_935 : i32
        %parallel_loop3A_937 = vector.broadcast %parallel_loop3A_936 : i32 to vector<16xi32>
        %parallel_loop3A_938 = arith.addi %parallel_loop3A_937, %iota3A : vector<16xi32>
        %parallel_loop3A_939 = vector.broadcast %reduce_max3A_545 : i32 to vector<16xi32>
        %parallel_loop3A_940 = arith.cmpi slt, %parallel_loop3A_938, %parallel_loop3A_939 : vector<16xi32>
        %parallel_loop3A_941 = arith.constant 16 : i32
        %parallel_loop3A_942 = vector.broadcast %parallel_loop3A_941 : i32 to vector<16xi32>
        %parallel_loop3A_943 = arith.shrsi %parallel_loop3A_934, %parallel_loop3A_942 : vector<16xi32>
        %parallel_loop3A_944 = vector.broadcast %or3A_627 : i32 to vector<16xi32>
        %parallel_loop3A_945 = arith.cmpi eq, %parallel_loop3A_943, %parallel_loop3A_944 : vector<16xi32>
        %parallel_loop3A_946 = arith.andi %parallel_loop3A_945, %parallel_loop3A_940 : vector<16xi1>
        %parallel_loop3A_947 = arith.select %parallel_loop3A_946, %broadcast_in_dim3A_4, %broadcast_in_dim3A_6 : vector<16xi1>, vector<16xi32>
        %parallel_loop3A_948 = arith.constant true
        %parallel_loop3A_949 = vector.broadcast %parallel_loop3A_948 : i1 to vector<16xi1>
        %parallel_loop3A_950 = tpu.scan <sum>, %parallel_loop3A_947 masked %parallel_loop3A_949 : vector<16xi32>, vector<16xi1> -> vector<16xi32>
        %parallel_loop3A_951 = arith.addi %parallel_loop3A_930, %parallel_loop3A_950 : vector<16xi32>
        %parallel_loop3A_952 = arith.constant 1 : i32
        %parallel_loop3A_953 = vector.broadcast %parallel_loop3A_952 : i32 to vector<16xi32>
        %parallel_loop3A_954 = arith.subi %parallel_loop3A_951, %parallel_loop3A_953 : vector<16xi32>
        tpu.vector_store_idx %arg6[%parallel_loop3A_954], %parallel_loop3A_934 masked %parallel_loop3A_946 : memref<32768xi32, #tpu.memory_space<vmem>>[vector<16xi32>], vector<16xi32>, vector<16xi1>
        %parallel_loop3A_955 = tpu.all_reduce %parallel_loop3A_946 {dim = 0 : i64, kind = #tpu.reduction_kind<sum>} : vector<16xi1> -> vector<16xi32>
        %parallel_loop3A_956 = arith.addi %parallel_loop3A_930, %parallel_loop3A_955 : vector<16xi32>
        scf.yield %parallel_loop3A_956 : vector<16xi32>
      } {sc.loop_unroll_factor = 8 : i64, sc.parallel_access}
      %reduce_max3A_659 = arith.constant true
      %reduce_max3A_660 = vector.broadcast %reduce_max3A_659 : i1 to vector<16xi1>
      %reduce_max3A_661 = arith.constant -2147483648 : i32
      %reduce_max3A_662 = vector.broadcast %reduce_max3A_661 : i32 to vector<16xi32>
      %reduce_max3A_663 = arith.xori %parallel_loop3A_658, %reduce_max3A_662 : vector<16xi32>
      %reduce_max3A_664 = tpu.scan <max>, %reduce_max3A_663 masked %reduce_max3A_660 : vector<16xi32>, vector<16xi1> -> vector<16xi32>
      %reduce_max3A_665 = arith.xori %reduce_max3A_664, %reduce_max3A_662 : vector<16xi32>
      %reduce_max3A_666 = vector.extract %reduce_max3A_665[15] : i32 from vector<16xi32>
      %parallel_loop3A_667 = arith.constant 0 : i32
      %parallel_loop3A_668 = arith.constant 264 : i32
      %parallel_loop3A_669 = arith.constant 1 : i32
      scf.for %parallel_loop3A_929 = %parallel_loop3A_667 to %parallel_loop3A_668 step %parallel_loop3A_669  : i32 {
        %parallel_loop3A_930 = arith.constant 16 : i32
        %parallel_loop3A_931 = arith.muli %parallel_loop3A_929, %parallel_loop3A_930 : i32
        %parallel_loop3A_932 = arith.index_cast %parallel_loop3A_931 : i32 to index
        %parallel_loop3A_933 = tpu.vector_load %arg7[%parallel_loop3A_932] {strides = array<i32>} : memref<4224xi32, #tpu.memory_space<vmem>>, vector<16xi32>,
        tpu.vector_store %arg7[%parallel_loop3A_932], %broadcast_in_dim3A_6 {strides = array<i32>} : memref<4224xi32, #tpu.memory_space<vmem>>, vector<16xi32>,
      } {sc.loop_unroll_factor = 8 : i64, sc.parallel_access}
      %add3A_670 = arith.constant 16 : i32
      %add3A_671 = arith.addi %reduce_max3A_666, %add3A_670 : i32
      %sub3A_672 = arith.constant 1 : i32
      %sub3A_673 = arith.subi %add3A_671, %sub3A_672 : i32
      %jit3A_674 = arith.constant 16 : i32
      %div3A_675 = arith.divsi %sub3A_673, %jit3A_674 : i32
      %sign3A_676 = arith.constant 0 : i32
      %sign3A_677 = arith.cmpi sgt, %sub3A_673, %sign3A_676 : i32
      %sign3A_678 = arith.extui %sign3A_677 : i1 to i32
      %sign3A_679 = arith.constant 0 : i32
      %sign3A_680 = arith.cmpi slt, %sub3A_673, %sign3A_679 : i32
      %sign3A_681 = arith.extui %sign3A_680 : i1 to i32
      %sign3A_682 = arith.subi %sign3A_678, %sign3A_681 : i32
      %sign3A_683 = arith.constant 0 : i32
      %sign3A_684 = arith.cmpi sgt, %jit3A_674, %sign3A_683 : i32
      %sign3A_685 = arith.extui %sign3A_684 : i1 to i32
      %sign3A_686 = arith.constant 0 : i32
      %sign3A_687 = arith.cmpi slt, %jit3A_674, %sign3A_686 : i32
      %sign3A_688 = arith.extui %sign3A_687 : i1 to i32
      %sign3A_689 = arith.subi %sign3A_685, %sign3A_688 : i32
      %ne3A_690 = arith.cmpi ne, %sign3A_682, %sign3A_689 : i32
      %rem3A_691 = arith.remsi %sub3A_673, %jit3A_674 : i32
      %ne3A_692 = arith.constant 0 : i32
      %ne3A_693 = arith.cmpi ne, %rem3A_691, %ne3A_692 : i32
      %and3A_694 = arith.andi %ne3A_690, %ne3A_693 : i1
      %sub3A_695 = arith.constant 1 : i32
      %sub3A_696 = arith.subi %div3A_675, %sub3A_695 : i32
      %select_n3A_697 = arith.select %and3A_694, %sub3A_696, %div3A_675 : i32
      %parallel_loop3A_698 = arith.constant 0 : i32
      %parallel_loop3A_699 = arith.constant 1 : i32
      scf.for %parallel_loop3A_929 = %parallel_loop3A_698 to %select_n3A_697 step %parallel_loop3A_699  : i32 {
        %parallel_loop3A_930 = arith.constant 16 : i32
        %parallel_loop3A_931 = arith.muli %parallel_loop3A_929, %parallel_loop3A_930 : i32
        %parallel_loop3A_932 = arith.index_cast %parallel_loop3A_931 : i32 to index
        %parallel_loop3A_933 = tpu.vector_load %arg6[%parallel_loop3A_932] {strides = array<i32>} : memref<32768xi32, #tpu.memory_space<vmem>>, vector<16xi32>,
        %parallel_loop3A_934 = arith.constant 16 : i32
        %parallel_loop3A_935 = arith.muli %parallel_loop3A_929, %parallel_loop3A_934 : i32
        %parallel_loop3A_936 = vector.broadcast %parallel_loop3A_935 : i32 to vector<16xi32>
        %parallel_loop3A_937 = arith.addi %parallel_loop3A_936, %iota3A : vector<16xi32>
        %parallel_loop3A_938 = vector.broadcast %reduce_max3A_666 : i32 to vector<16xi32>
        %parallel_loop3A_939 = arith.cmpi slt, %parallel_loop3A_937, %parallel_loop3A_938 : vector<16xi32>
        %parallel_loop3A_940 = arith.constant 8 : i32
        %parallel_loop3A_941 = vector.broadcast %parallel_loop3A_940 : i32 to vector<16xi32>
        %parallel_loop3A_942 = arith.shrsi %parallel_loop3A_933, %parallel_loop3A_941 : vector<16xi32>
        %parallel_loop3A_943 = arith.constant 255 : i32
        %parallel_loop3A_944 = vector.broadcast %parallel_loop3A_943 : i32 to vector<16xi32>
        %parallel_loop3A_945 = arith.andi %parallel_loop3A_942, %parallel_loop3A_944 : vector<16xi32>
        %parallel_loop3A_946 = arith.addi %parallel_loop3A_945, %mul3A_3 : vector<16xi32>
        tpu.vector_store_idx %arg7[%parallel_loop3A_946], %broadcast_in_dim3A_4 masked %parallel_loop3A_939 {add = true} : memref<4224xi32, #tpu.memory_space<vmem>>[vector<16xi32>], vector<16xi32>, vector<16xi1>
      } {sc.loop_unroll_factor = 8 : i64, sc.parallel_access}
      %scan3A_700 = arith.constant 0 : i32
      %scan3A_701 = arith.constant 0 : i32
      %scan3A_702 = arith.constant 1 : i32
      %scan3A_703 = arith.constant 0 : i32
      %scan3A_704 = arith.constant 16 : i32
      %scan3A_705 = arith.addi %scan3A_703, %scan3A_704 : i32
      %scan3A_706 = arith.constant 1 : i32
      %scan3A_707:4 = scf.for %scan3A_929 = %scan3A_703 to %scan3A_705 step %scan3A_706 iter_args(%scan3A_930 = %sub3A_624, %scan3A_931 = %scan3A_700, %scan3A_932 = %scan3A_701, %scan3A_933 = %scan3A_702) -> (i32, i32, i32, i32)  : i32 {
        %sub3A_934 = arith.constant 15 : i32
        %sub3A_935 = arith.subi %sub3A_934, %scan3A_929 : i32
        %mul3A_936 = arith.constant 16 : i32
        %mul3A_937 = arith.muli %sub3A_935, %mul3A_936 : i32
        %add3A_938 = arith.constant 0 : i32
        %add3A_939 = arith.addi %add3A_938, %mul3A_937 : i32
        %get3A_940 = arith.index_cast %add3A_939 : i32 to index
        %get3A_941 = tpu.vector_load %arg7[%get3A_940] {strides = array<i32>} : memref<4224xi32, #tpu.memory_space<vmem>>, vector<16xi32>,
        %mul3A_942 = arith.constant 16 : i32
        %mul3A_943 = arith.muli %sub3A_935, %mul3A_942 : i32
        %add3A_944 = arith.constant 257 : i32
        %add3A_945 = arith.addi %add3A_944, %mul3A_943 : i32
        %get3A_946 = arith.index_cast %add3A_945 : i32 to index
        %get3A_947 = tpu.vector_load %arg7[%get3A_946] {strides = array<i32>} : memref<4224xi32, #tpu.memory_space<vmem>>, vector<16xi32>,
        %mul3A_948 = arith.constant 16 : i32
        %mul3A_949 = arith.muli %sub3A_935, %mul3A_948 : i32
        %add3A_950 = arith.constant 514 : i32
        %add3A_951 = arith.addi %add3A_950, %mul3A_949 : i32
        %get3A_952 = arith.index_cast %add3A_951 : i32 to index
        %get3A_953 = tpu.vector_load %arg7[%get3A_952] {strides = array<i32>} : memref<4224xi32, #tpu.memory_space<vmem>>, vector<16xi32>,
        %mul3A_954 = arith.constant 16 : i32
        %mul3A_955 = arith.muli %sub3A_935, %mul3A_954 : i32
        %add3A_956 = arith.constant 771 : i32
        %add3A_957 = arith.addi %add3A_956, %mul3A_955 : i32
        %get3A_958 = arith.index_cast %add3A_957 : i32 to index
        %get3A_959 = tpu.vector_load %arg7[%get3A_958] {strides = array<i32>} : memref<4224xi32, #tpu.memory_space<vmem>>, vector<16xi32>,
        %mul3A_960 = arith.constant 16 : i32
        %mul3A_961 = arith.muli %sub3A_935, %mul3A_960 : i32
        %add3A_962 = arith.constant 1028 : i32
        %add3A_963 = arith.addi %add3A_962, %mul3A_961 : i32
        %get3A_964 = arith.index_cast %add3A_963 : i32 to index
        %get3A_965 = tpu.vector_load %arg7[%get3A_964] {strides = array<i32>} : memref<4224xi32, #tpu.memory_space<vmem>>, vector<16xi32>,
        %mul3A_966 = arith.constant 16 : i32
        %mul3A_967 = arith.muli %sub3A_935, %mul3A_966 : i32
        %add3A_968 = arith.constant 1285 : i32
        %add3A_969 = arith.addi %add3A_968, %mul3A_967 : i32
        %get3A_970 = arith.index_cast %add3A_969 : i32 to index
        %get3A_971 = tpu.vector_load %arg7[%get3A_970] {strides = array<i32>} : memref<4224xi32, #tpu.memory_space<vmem>>, vector<16xi32>,
        %mul3A_972 = arith.constant 16 : i32
        %mul3A_973 = arith.muli %sub3A_935, %mul3A_972 : i32
        %add3A_974 = arith.constant 1542 : i32
        %add3A_975 = arith.addi %add3A_974, %mul3A_973 : i32
        %get3A_976 = arith.index_cast %add3A_975 : i32 to index
        %get3A_977 = tpu.vector_load %arg7[%get3A_976] {strides = array<i32>} : memref<4224xi32, #tpu.memory_space<vmem>>, vector<16xi32>,
        %mul3A_978 = arith.constant 16 : i32
        %mul3A_979 = arith.muli %sub3A_935, %mul3A_978 : i32
        %add3A_980 = arith.constant 1799 : i32
        %add3A_981 = arith.addi %add3A_980, %mul3A_979 : i32
        %get3A_982 = arith.index_cast %add3A_981 : i32 to index
        %get3A_983 = tpu.vector_load %arg7[%get3A_982] {strides = array<i32>} : memref<4224xi32, #tpu.memory_space<vmem>>, vector<16xi32>,
        %mul3A_984 = arith.constant 16 : i32
        %mul3A_985 = arith.muli %sub3A_935, %mul3A_984 : i32
        %add3A_986 = arith.constant 2056 : i32
        %add3A_987 = arith.addi %add3A_986, %mul3A_985 : i32
        %get3A_988 = arith.index_cast %add3A_987 : i32 to index
        %get3A_989 = tpu.vector_load %arg7[%get3A_988] {strides = array<i32>} : memref<4224xi32, #tpu.memory_space<vmem>>, vector<16xi32>,
        %mul3A_990 = arith.constant 16 : i32
        %mul3A_991 = arith.muli %sub3A_935, %mul3A_990 : i32
        %add3A_992 = arith.constant 2313 : i32
        %add3A_993 = arith.addi %add3A_992, %mul3A_991 : i32
        %get3A_994 = arith.index_cast %add3A_993 : i32 to index
        %get3A_995 = tpu.vector_load %arg7[%get3A_994] {strides = array<i32>} : memref<4224xi32, #tpu.memory_space<vmem>>, vector<16xi32>,
        %mul3A_996 = arith.constant 16 : i32
        %mul3A_997 = arith.muli %sub3A_935, %mul3A_996 : i32
        %add3A_998 = arith.constant 2570 : i32
        %add3A_999 = arith.addi %add3A_998, %mul3A_997 : i32
        %get3A_1000 = arith.index_cast %add3A_999 : i32 to index
        %get3A_1001 = tpu.vector_load %arg7[%get3A_1000] {strides = array<i32>} : memref<4224xi32, #tpu.memory_space<vmem>>, vector<16xi32>,
        %mul3A_1002 = arith.constant 16 : i32
        %mul3A_1003 = arith.muli %sub3A_935, %mul3A_1002 : i32
        %add3A_1004 = arith.constant 2827 : i32
        %add3A_1005 = arith.addi %add3A_1004, %mul3A_1003 : i32
        %get3A_1006 = arith.index_cast %add3A_1005 : i32 to index
        %get3A_1007 = tpu.vector_load %arg7[%get3A_1006] {strides = array<i32>} : memref<4224xi32, #tpu.memory_space<vmem>>, vector<16xi32>,
        %mul3A_1008 = arith.constant 16 : i32
        %mul3A_1009 = arith.muli %sub3A_935, %mul3A_1008 : i32
        %add3A_1010 = arith.constant 3084 : i32
        %add3A_1011 = arith.addi %add3A_1010, %mul3A_1009 : i32
        %get3A_1012 = arith.index_cast %add3A_1011 : i32 to index
        %get3A_1013 = tpu.vector_load %arg7[%get3A_1012] {strides = array<i32>} : memref<4224xi32, #tpu.memory_space<vmem>>, vector<16xi32>,
        %mul3A_1014 = arith.constant 16 : i32
        %mul3A_1015 = arith.muli %sub3A_935, %mul3A_1014 : i32
        %add3A_1016 = arith.constant 3341 : i32
        %add3A_1017 = arith.addi %add3A_1016, %mul3A_1015 : i32
        %get3A_1018 = arith.index_cast %add3A_1017 : i32 to index
        %get3A_1019 = tpu.vector_load %arg7[%get3A_1018] {strides = array<i32>} : memref<4224xi32, #tpu.memory_space<vmem>>, vector<16xi32>,
        %mul3A_1020 = arith.constant 16 : i32
        %mul3A_1021 = arith.muli %sub3A_935, %mul3A_1020 : i32
        %add3A_1022 = arith.constant 3598 : i32
        %add3A_1023 = arith.addi %add3A_1022, %mul3A_1021 : i32
        %get3A_1024 = arith.index_cast %add3A_1023 : i32 to index
        %get3A_1025 = tpu.vector_load %arg7[%get3A_1024] {strides = array<i32>} : memref<4224xi32, #tpu.memory_space<vmem>>, vector<16xi32>,
        %mul3A_1026 = arith.constant 16 : i32
        %mul3A_1027 = arith.muli %sub3A_935, %mul3A_1026 : i32
        %add3A_1028 = arith.constant 3855 : i32
        %add3A_1029 = arith.addi %add3A_1028, %mul3A_1027 : i32
        %get3A_1030 = arith.index_cast %add3A_1029 : i32 to index
        %get3A_1031 = tpu.vector_load %arg7[%get3A_1030] {strides = array<i32>} : memref<4224xi32, #tpu.memory_space<vmem>>, vector<16xi32>,
        %add3A_1032 = arith.addi %get3A_941, %get3A_947 : vector<16xi32>
        %add3A_1033 = arith.addi %get3A_953, %get3A_959 : vector<16xi32>
        %add3A_1034 = arith.addi %get3A_965, %get3A_971 : vector<16xi32>
        %add3A_1035 = arith.addi %get3A_977, %get3A_983 : vector<16xi32>
        %add3A_1036 = arith.addi %get3A_989, %get3A_995 : vector<16xi32>
        %add3A_1037 = arith.addi %get3A_1001, %get3A_1007 : vector<16xi32>
        %add3A_1038 = arith.addi %get3A_1013, %get3A_1019 : vector<16xi32>
        %add3A_1039 = arith.addi %get3A_1025, %get3A_1031 : vector<16xi32>
        %add3A_1040 = arith.addi %add3A_1032, %add3A_1033 : vector<16xi32>
        %add3A_1041 = arith.addi %add3A_1034, %add3A_1035 : vector<16xi32>
        %add3A_1042 = arith.addi %add3A_1036, %add3A_1037 : vector<16xi32>
        %add3A_1043 = arith.addi %add3A_1038, %add3A_1039 : vector<16xi32>
        %add3A_1044 = arith.addi %add3A_1040, %add3A_1041 : vector<16xi32>
        %add3A_1045 = arith.addi %add3A_1042, %add3A_1043 : vector<16xi32>
        %add3A_1046 = arith.addi %add3A_1044, %add3A_1045 : vector<16xi32>
        %mul3A_1047 = arith.constant 16 : i32
        %mul3A_1048 = arith.muli %sub3A_935, %mul3A_1047 : i32
        %swap3A_1049 = arith.index_cast %mul3A_1048 : i32 to index
        %swap3A_1050 = tpu.vector_load %arg8[%swap3A_1049] {strides = array<i32>} : memref<256xi32, #tpu.memory_space<vmem>>, vector<16xi32>,
        tpu.vector_store %arg8[%swap3A_1049], %add3A_1046 {strides = array<i32>} : memref<256xi32, #tpu.memory_space<vmem>>, vector<16xi32>,
        %reduce_sum3A_1051 = arith.constant true
        %reduce_sum3A_1052 = vector.broadcast %reduce_sum3A_1051 : i1 to vector<16xi1>
        %reduce_sum3A_1053 = tpu.scan <sum>, %add3A_1046 masked %reduce_sum3A_1052 : vector<16xi32>, vector<16xi1> -> vector<16xi32>
        %reduce_sum3A_1054 = vector.extract %reduce_sum3A_1053[15] : i32 from vector<16xi32>
        %eq3A_1055 = arith.constant 0 : i32
        %eq3A_1056 = arith.cmpi eq, %scan3A_931, %eq3A_1055 : i32
        %ge3A_1057 = arith.cmpi sge, %reduce_sum3A_1054, %scan3A_930 : i32
        %and3A_1058 = arith.andi %eq3A_1056, %ge3A_1057 : i1
        %select_n3A_1059 = arith.select %and3A_1058, %sub3A_935, %scan3A_932 : i32
        %select_n3A_1060 = arith.select %and3A_1058, %scan3A_930, %scan3A_933 : i32
        %eq3A_1061 = arith.constant 0 : i32
        %eq3A_1062 = arith.cmpi eq, %scan3A_931, %eq3A_1061 : i32
        %not3A = arith.constant true
        %not3A_1063 = arith.xori %and3A_1058, %not3A : i1
        %and3A_1064 = arith.andi %eq3A_1062, %not3A_1063 : i1
        %sub3A_1065 = arith.subi %scan3A_930, %reduce_sum3A_1054 : i32
        %select_n3A_1066 = arith.select %and3A_1064, %sub3A_1065, %scan3A_930 : i32
        %jit3A_1067 = arith.constant 1 : i32
        %select_n3A_1068 = arith.select %and3A_1058, %jit3A_1067, %scan3A_931 : i32
        scf.yield %select_n3A_1066, %select_n3A_1068, %select_n3A_1059, %select_n3A_1060 : i32, i32, i32, i32
      }
      %scan3A_708 = arith.constant 16 : i32
      %mul3A_709 = arith.constant 16 : i32
      %mul3A_710 = arith.muli %scan3A_707#2, %mul3A_709 : i32
      %get3A_711 = arith.index_cast %mul3A_710 : i32 to index
      %get3A_712 = tpu.vector_load %arg8[%get3A_711] {strides = array<i32>} : memref<256xi32, #tpu.memory_space<vmem>>, vector<16xi32>,
      %rev3A_713 = arith.constant 15 : i32
      %rev3A_714 = vector.broadcast %rev3A_713 : i32 to vector<16xi32>
      %rev3A_715 = tpu.iota {dimensions = array<i32: 0>} : vector<16xi32>
      %rev3A_716 = arith.subi %rev3A_714, %rev3A_715 : vector<16xi32>
      %rev3A_717 = tpu.dynamic_gather %get3A_712[%rev3A_716] in [0] : vector<16xi32>, vector<16xi32> -> vector<16xi32>
      %broadcast_in_dim3A_718 = arith.constant true
      %broadcast_in_dim3A_719 = vector.broadcast %broadcast_in_dim3A_718 : i1 to vector<16xi1>
      %masked_cumsum3A_720 = tpu.scan <sum>, %rev3A_717 masked %broadcast_in_dim3A_719 : vector<16xi32>, vector<16xi1> -> vector<16xi32>
      %ge3A_721 = vector.broadcast %scan3A_707#3 : i32 to vector<16xi32>
      %ge3A_722 = arith.cmpi sge, %masked_cumsum3A_720, %ge3A_721 : vector<16xi32>
      %all_reduce_ffs3A_723 = tpu.all_reduce %ge3A_722 {dim = 0 : i64, kind = #tpu.reduction_kind<find_first_set>} : vector<16xi1> -> vector<16xi32>
      %reduce_max3A_724 = arith.constant true
      %reduce_max3A_725 = vector.broadcast %reduce_max3A_724 : i1 to vector<16xi1>
      %reduce_max3A_726 = arith.constant -2147483648 : i32
      %reduce_max3A_727 = vector.broadcast %reduce_max3A_726 : i32 to vector<16xi32>
      %reduce_max3A_728 = arith.xori %all_reduce_ffs3A_723, %reduce_max3A_727 : vector<16xi32>
      %reduce_max3A_729 = tpu.scan <max>, %reduce_max3A_728 masked %reduce_max3A_725 : vector<16xi32>, vector<16xi1> -> vector<16xi32>
      %reduce_max3A_730 = arith.xori %reduce_max3A_729, %reduce_max3A_727 : vector<16xi32>
      %reduce_max3A_731 = vector.extract %reduce_max3A_730[15] : i32 from vector<16xi32>
      %eq3A_732 = vector.broadcast %reduce_max3A_731 : i32 to vector<16xi32>
      %eq3A_733 = arith.cmpi eq, %iota3A, %eq3A_732 : vector<16xi32>
      %sub3A_734 = arith.subi %masked_cumsum3A_720, %rev3A_717 : vector<16xi32>
      %select_n3A_735 = arith.select %eq3A_733, %sub3A_734, %broadcast_in_dim3A_6 : vector<16xi1>, vector<16xi32>
      %reduce_sum3A_736 = arith.constant true
      %reduce_sum3A_737 = vector.broadcast %reduce_sum3A_736 : i1 to vector<16xi1>
      %reduce_sum3A_738 = tpu.scan <sum>, %select_n3A_735 masked %reduce_sum3A_737 : vector<16xi32>, vector<16xi1> -> vector<16xi32>
      %reduce_sum3A_739 = vector.extract %reduce_sum3A_738[15] : i32 from vector<16xi32>
      %mul3A_740 = arith.constant 16 : i32
      %mul3A_741 = arith.muli %scan3A_707#2, %mul3A_740 : i32
      %sub3A_742 = arith.constant 15 : i32
      %sub3A_743 = arith.subi %sub3A_742, %reduce_max3A_731 : i32
      %add3A_744 = arith.addi %mul3A_741, %sub3A_743 : i32
      %sub3A_745 = arith.subi %scan3A_707#3, %reduce_sum3A_739 : i32
      %shift_left3A_746 = arith.constant 8 : i32
      %shift_left3A_747 = arith.shli %or3A_627, %shift_left3A_746 : i32
      %or3A_748 = arith.ori %shift_left3A_747, %add3A_744 : i32
      %add3A_749 = arith.constant 16 : i32
      %add3A_750 = arith.addi %reduce_max3A_666, %add3A_749 : i32
      %sub3A_751 = arith.constant 1 : i32
      %sub3A_752 = arith.subi %add3A_750, %sub3A_751 : i32
      %jit3A_753 = arith.constant 16 : i32
      %div3A_754 = arith.divsi %sub3A_752, %jit3A_753 : i32
      %sign3A_755 = arith.constant 0 : i32
      %sign3A_756 = arith.cmpi sgt, %sub3A_752, %sign3A_755 : i32
      %sign3A_757 = arith.extui %sign3A_756 : i1 to i32
      %sign3A_758 = arith.constant 0 : i32
      %sign3A_759 = arith.cmpi slt, %sub3A_752, %sign3A_758 : i32
      %sign3A_760 = arith.extui %sign3A_759 : i1 to i32
      %sign3A_761 = arith.subi %sign3A_757, %sign3A_760 : i32
      %sign3A_762 = arith.constant 0 : i32
      %sign3A_763 = arith.cmpi sgt, %jit3A_753, %sign3A_762 : i32
      %sign3A_764 = arith.extui %sign3A_763 : i1 to i32
      %sign3A_765 = arith.constant 0 : i32
      %sign3A_766 = arith.cmpi slt, %jit3A_753, %sign3A_765 : i32
      %sign3A_767 = arith.extui %sign3A_766 : i1 to i32
      %sign3A_768 = arith.subi %sign3A_764, %sign3A_767 : i32
      %ne3A_769 = arith.cmpi ne, %sign3A_761, %sign3A_768 : i32
      %rem3A_770 = arith.remsi %sub3A_752, %jit3A_753 : i32
      %ne3A_771 = arith.constant 0 : i32
      %ne3A_772 = arith.cmpi ne, %rem3A_770, %ne3A_771 : i32
      %and3A_773 = arith.andi %ne3A_769, %ne3A_772 : i1
      %sub3A_774 = arith.constant 1 : i32
      %sub3A_775 = arith.subi %div3A_754, %sub3A_774 : i32
      %select_n3A_776 = arith.select %and3A_773, %sub3A_775, %div3A_754 : i32
      %parallel_loop3A_777 = arith.constant 0 : i32
      %parallel_loop3A_778 = arith.constant 1 : i32
      %parallel_loop3A_779 = scf.for %parallel_loop3A_929 = %parallel_loop3A_777 to %select_n3A_776 step %parallel_loop3A_778 iter_args(%parallel_loop3A_930 = %broadcast_in_dim3A_6) -> (vector<16xi32>)  : i32 {
        %parallel_loop3A_931 = arith.constant 16 : i32
        %parallel_loop3A_932 = arith.muli %parallel_loop3A_929, %parallel_loop3A_931 : i32
        %parallel_loop3A_933 = arith.index_cast %parallel_loop3A_932 : i32 to index
        %parallel_loop3A_934 = tpu.vector_load %arg6[%parallel_loop3A_933] {strides = array<i32>} : memref<32768xi32, #tpu.memory_space<vmem>>, vector<16xi32>,
        %parallel_loop3A_935 = arith.constant 16 : i32
        %parallel_loop3A_936 = arith.muli %parallel_loop3A_929, %parallel_loop3A_935 : i32
        %parallel_loop3A_937 = vector.broadcast %parallel_loop3A_936 : i32 to vector<16xi32>
        %parallel_loop3A_938 = arith.addi %parallel_loop3A_937, %iota3A : vector<16xi32>
        %parallel_loop3A_939 = vector.broadcast %reduce_max3A_666 : i32 to vector<16xi32>
        %parallel_loop3A_940 = arith.cmpi slt, %parallel_loop3A_938, %parallel_loop3A_939 : vector<16xi32>
        %parallel_loop3A_941 = arith.constant 8 : i32
        %parallel_loop3A_942 = vector.broadcast %parallel_loop3A_941 : i32 to vector<16xi32>
        %parallel_loop3A_943 = arith.shrsi %parallel_loop3A_934, %parallel_loop3A_942 : vector<16xi32>
        %parallel_loop3A_944 = vector.broadcast %or3A_748 : i32 to vector<16xi32>
        %parallel_loop3A_945 = arith.cmpi eq, %parallel_loop3A_943, %parallel_loop3A_944 : vector<16xi32>
        %parallel_loop3A_946 = arith.andi %parallel_loop3A_945, %parallel_loop3A_940 : vector<16xi1>
        %parallel_loop3A_947 = arith.select %parallel_loop3A_946, %broadcast_in_dim3A_4, %broadcast_in_dim3A_6 : vector<16xi1>, vector<16xi32>
        %parallel_loop3A_948 = arith.constant true
        %parallel_loop3A_949 = vector.broadcast %parallel_loop3A_948 : i1 to vector<16xi1>
        %parallel_loop3A_950 = tpu.scan <sum>, %parallel_loop3A_947 masked %parallel_loop3A_949 : vector<16xi32>, vector<16xi1> -> vector<16xi32>
        %parallel_loop3A_951 = arith.addi %parallel_loop3A_930, %parallel_loop3A_950 : vector<16xi32>
        %parallel_loop3A_952 = arith.constant 1 : i32
        %parallel_loop3A_953 = vector.broadcast %parallel_loop3A_952 : i32 to vector<16xi32>
        %parallel_loop3A_954 = arith.subi %parallel_loop3A_951, %parallel_loop3A_953 : vector<16xi32>
        tpu.vector_store_idx %arg6[%parallel_loop3A_954], %parallel_loop3A_934 masked %parallel_loop3A_946 : memref<32768xi32, #tpu.memory_space<vmem>>[vector<16xi32>], vector<16xi32>, vector<16xi1>
        %parallel_loop3A_955 = tpu.all_reduce %parallel_loop3A_946 {dim = 0 : i64, kind = #tpu.reduction_kind<sum>} : vector<16xi1> -> vector<16xi32>
        %parallel_loop3A_956 = arith.addi %parallel_loop3A_930, %parallel_loop3A_955 : vector<16xi32>
        scf.yield %parallel_loop3A_956 : vector<16xi32>
      } {sc.loop_unroll_factor = 8 : i64, sc.parallel_access}
      %reduce_max3A_780 = arith.constant true
      %reduce_max3A_781 = vector.broadcast %reduce_max3A_780 : i1 to vector<16xi1>
      %reduce_max3A_782 = arith.constant -2147483648 : i32
      %reduce_max3A_783 = vector.broadcast %reduce_max3A_782 : i32 to vector<16xi32>
      %reduce_max3A_784 = arith.xori %parallel_loop3A_779, %reduce_max3A_783 : vector<16xi32>
      %reduce_max3A_785 = tpu.scan <max>, %reduce_max3A_784 masked %reduce_max3A_781 : vector<16xi32>, vector<16xi1> -> vector<16xi32>
      %reduce_max3A_786 = arith.xori %reduce_max3A_785, %reduce_max3A_783 : vector<16xi32>
      %reduce_max3A_787 = vector.extract %reduce_max3A_786[15] : i32 from vector<16xi32>
      %parallel_loop3A_788 = arith.constant 0 : i32
      %parallel_loop3A_789 = arith.constant 264 : i32
      %parallel_loop3A_790 = arith.constant 1 : i32
      scf.for %parallel_loop3A_929 = %parallel_loop3A_788 to %parallel_loop3A_789 step %parallel_loop3A_790  : i32 {
        %parallel_loop3A_930 = arith.constant 16 : i32
        %parallel_loop3A_931 = arith.muli %parallel_loop3A_929, %parallel_loop3A_930 : i32
        %parallel_loop3A_932 = arith.index_cast %parallel_loop3A_931 : i32 to index
        %parallel_loop3A_933 = tpu.vector_load %arg7[%parallel_loop3A_932] {strides = array<i32>} : memref<4224xi32, #tpu.memory_space<vmem>>, vector<16xi32>,
        tpu.vector_store %arg7[%parallel_loop3A_932], %broadcast_in_dim3A_6 {strides = array<i32>} : memref<4224xi32, #tpu.memory_space<vmem>>, vector<16xi32>,
      } {sc.loop_unroll_factor = 8 : i64, sc.parallel_access}
      %add3A_791 = arith.constant 16 : i32
      %add3A_792 = arith.addi %reduce_max3A_787, %add3A_791 : i32
      %sub3A_793 = arith.constant 1 : i32
      %sub3A_794 = arith.subi %add3A_792, %sub3A_793 : i32
      %jit3A_795 = arith.constant 16 : i32
      %div3A_796 = arith.divsi %sub3A_794, %jit3A_795 : i32
      %sign3A_797 = arith.constant 0 : i32
      %sign3A_798 = arith.cmpi sgt, %sub3A_794, %sign3A_797 : i32
      %sign3A_799 = arith.extui %sign3A_798 : i1 to i32
      %sign3A_800 = arith.constant 0 : i32
      %sign3A_801 = arith.cmpi slt, %sub3A_794, %sign3A_800 : i32
      %sign3A_802 = arith.extui %sign3A_801 : i1 to i32
      %sign3A_803 = arith.subi %sign3A_799, %sign3A_802 : i32
      %sign3A_804 = arith.constant 0 : i32
      %sign3A_805 = arith.cmpi sgt, %jit3A_795, %sign3A_804 : i32
      %sign3A_806 = arith.extui %sign3A_805 : i1 to i32
      %sign3A_807 = arith.constant 0 : i32
      %sign3A_808 = arith.cmpi slt, %jit3A_795, %sign3A_807 : i32
      %sign3A_809 = arith.extui %sign3A_808 : i1 to i32
      %sign3A_810 = arith.subi %sign3A_806, %sign3A_809 : i32
      %ne3A_811 = arith.cmpi ne, %sign3A_803, %sign3A_810 : i32
      %rem3A_812 = arith.remsi %sub3A_794, %jit3A_795 : i32
      %ne3A_813 = arith.constant 0 : i32
      %ne3A_814 = arith.cmpi ne, %rem3A_812, %ne3A_813 : i32
      %and3A_815 = arith.andi %ne3A_811, %ne3A_814 : i1
      %sub3A_816 = arith.constant 1 : i32
      %sub3A_817 = arith.subi %div3A_796, %sub3A_816 : i32
      %select_n3A_818 = arith.select %and3A_815, %sub3A_817, %div3A_796 : i32
      %parallel_loop3A_819 = arith.constant 0 : i32
      %parallel_loop3A_820 = arith.constant 1 : i32
      scf.for %parallel_loop3A_929 = %parallel_loop3A_819 to %select_n3A_818 step %parallel_loop3A_820  : i32 {
        %parallel_loop3A_930 = arith.constant 16 : i32
        %parallel_loop3A_931 = arith.muli %parallel_loop3A_929, %parallel_loop3A_930 : i32
        %parallel_loop3A_932 = arith.index_cast %parallel_loop3A_931 : i32 to index
        %parallel_loop3A_933 = tpu.vector_load %arg6[%parallel_loop3A_932] {strides = array<i32>} : memref<32768xi32, #tpu.memory_space<vmem>>, vector<16xi32>,
        %parallel_loop3A_934 = arith.constant 16 : i32
        %parallel_loop3A_935 = arith.muli %parallel_loop3A_929, %parallel_loop3A_934 : i32
        %parallel_loop3A_936 = vector.broadcast %parallel_loop3A_935 : i32 to vector<16xi32>
        %parallel_loop3A_937 = arith.addi %parallel_loop3A_936, %iota3A : vector<16xi32>
        %parallel_loop3A_938 = vector.broadcast %reduce_max3A_787 : i32 to vector<16xi32>
        %parallel_loop3A_939 = arith.cmpi slt, %parallel_loop3A_937, %parallel_loop3A_938 : vector<16xi32>
        %parallel_loop3A_940 = arith.constant 0 : i32
        %parallel_loop3A_941 = vector.broadcast %parallel_loop3A_940 : i32 to vector<16xi32>
        %parallel_loop3A_942 = arith.shrsi %parallel_loop3A_933, %parallel_loop3A_941 : vector<16xi32>
        %parallel_loop3A_943 = arith.constant 255 : i32
        %parallel_loop3A_944 = vector.broadcast %parallel_loop3A_943 : i32 to vector<16xi32>
        %parallel_loop3A_945 = arith.andi %parallel_loop3A_942, %parallel_loop3A_944 : vector<16xi32>
        %parallel_loop3A_946 = arith.addi %parallel_loop3A_945, %mul3A_3 : vector<16xi32>
        tpu.vector_store_idx %arg7[%parallel_loop3A_946], %broadcast_in_dim3A_4 masked %parallel_loop3A_939 {add = true} : memref<4224xi32, #tpu.memory_space<vmem>>[vector<16xi32>], vector<16xi32>, vector<16xi1>
      } {sc.loop_unroll_factor = 8 : i64, sc.parallel_access}
      %scan3A_821 = arith.constant 0 : i32
      %scan3A_822 = arith.constant 0 : i32
      %scan3A_823 = arith.constant 1 : i32
      %scan3A_824 = arith.constant 0 : i32
      %scan3A_825 = arith.constant 16 : i32
      %scan3A_826 = arith.addi %scan3A_824, %scan3A_825 : i32
      %scan3A_827 = arith.constant 1 : i32
      %scan3A_828:4 = scf.for %scan3A_929 = %scan3A_824 to %scan3A_826 step %scan3A_827 iter_args(%scan3A_930 = %sub3A_745, %scan3A_931 = %scan3A_821, %scan3A_932 = %scan3A_822, %scan3A_933 = %scan3A_823) -> (i32, i32, i32, i32)  : i32 {
        %sub3A_934 = arith.constant 15 : i32
        %sub3A_935 = arith.subi %sub3A_934, %scan3A_929 : i32
        %mul3A_936 = arith.constant 16 : i32
        %mul3A_937 = arith.muli %sub3A_935, %mul3A_936 : i32
        %add3A_938 = arith.constant 0 : i32
        %add3A_939 = arith.addi %add3A_938, %mul3A_937 : i32
        %get3A_940 = arith.index_cast %add3A_939 : i32 to index
        %get3A_941 = tpu.vector_load %arg7[%get3A_940] {strides = array<i32>} : memref<4224xi32, #tpu.memory_space<vmem>>, vector<16xi32>,
        %mul3A_942 = arith.constant 16 : i32
        %mul3A_943 = arith.muli %sub3A_935, %mul3A_942 : i32
        %add3A_944 = arith.constant 257 : i32
        %add3A_945 = arith.addi %add3A_944, %mul3A_943 : i32
        %get3A_946 = arith.index_cast %add3A_945 : i32 to index
        %get3A_947 = tpu.vector_load %arg7[%get3A_946] {strides = array<i32>} : memref<4224xi32, #tpu.memory_space<vmem>>, vector<16xi32>,
        %mul3A_948 = arith.constant 16 : i32
        %mul3A_949 = arith.muli %sub3A_935, %mul3A_948 : i32
        %add3A_950 = arith.constant 514 : i32
        %add3A_951 = arith.addi %add3A_950, %mul3A_949 : i32
        %get3A_952 = arith.index_cast %add3A_951 : i32 to index
        %get3A_953 = tpu.vector_load %arg7[%get3A_952] {strides = array<i32>} : memref<4224xi32, #tpu.memory_space<vmem>>, vector<16xi32>,
        %mul3A_954 = arith.constant 16 : i32
        %mul3A_955 = arith.muli %sub3A_935, %mul3A_954 : i32
        %add3A_956 = arith.constant 771 : i32
        %add3A_957 = arith.addi %add3A_956, %mul3A_955 : i32
        %get3A_958 = arith.index_cast %add3A_957 : i32 to index
        %get3A_959 = tpu.vector_load %arg7[%get3A_958] {strides = array<i32>} : memref<4224xi32, #tpu.memory_space<vmem>>, vector<16xi32>,
        %mul3A_960 = arith.constant 16 : i32
        %mul3A_961 = arith.muli %sub3A_935, %mul3A_960 : i32
        %add3A_962 = arith.constant 1028 : i32
        %add3A_963 = arith.addi %add3A_962, %mul3A_961 : i32
        %get3A_964 = arith.index_cast %add3A_963 : i32 to index
        %get3A_965 = tpu.vector_load %arg7[%get3A_964] {strides = array<i32>} : memref<4224xi32, #tpu.memory_space<vmem>>, vector<16xi32>,
        %mul3A_966 = arith.constant 16 : i32
        %mul3A_967 = arith.muli %sub3A_935, %mul3A_966 : i32
        %add3A_968 = arith.constant 1285 : i32
        %add3A_969 = arith.addi %add3A_968, %mul3A_967 : i32
        %get3A_970 = arith.index_cast %add3A_969 : i32 to index
        %get3A_971 = tpu.vector_load %arg7[%get3A_970] {strides = array<i32>} : memref<4224xi32, #tpu.memory_space<vmem>>, vector<16xi32>,
        %mul3A_972 = arith.constant 16 : i32
        %mul3A_973 = arith.muli %sub3A_935, %mul3A_972 : i32
        %add3A_974 = arith.constant 1542 : i32
        %add3A_975 = arith.addi %add3A_974, %mul3A_973 : i32
        %get3A_976 = arith.index_cast %add3A_975 : i32 to index
        %get3A_977 = tpu.vector_load %arg7[%get3A_976] {strides = array<i32>} : memref<4224xi32, #tpu.memory_space<vmem>>, vector<16xi32>,
        %mul3A_978 = arith.constant 16 : i32
        %mul3A_979 = arith.muli %sub3A_935, %mul3A_978 : i32
        %add3A_980 = arith.constant 1799 : i32
        %add3A_981 = arith.addi %add3A_980, %mul3A_979 : i32
        %get3A_982 = arith.index_cast %add3A_981 : i32 to index
        %get3A_983 = tpu.vector_load %arg7[%get3A_982] {strides = array<i32>} : memref<4224xi32, #tpu.memory_space<vmem>>, vector<16xi32>,
        %mul3A_984 = arith.constant 16 : i32
        %mul3A_985 = arith.muli %sub3A_935, %mul3A_984 : i32
        %add3A_986 = arith.constant 2056 : i32
        %add3A_987 = arith.addi %add3A_986, %mul3A_985 : i32
        %get3A_988 = arith.index_cast %add3A_987 : i32 to index
        %get3A_989 = tpu.vector_load %arg7[%get3A_988] {strides = array<i32>} : memref<4224xi32, #tpu.memory_space<vmem>>, vector<16xi32>,
        %mul3A_990 = arith.constant 16 : i32
        %mul3A_991 = arith.muli %sub3A_935, %mul3A_990 : i32
        %add3A_992 = arith.constant 2313 : i32
        %add3A_993 = arith.addi %add3A_992, %mul3A_991 : i32
        %get3A_994 = arith.index_cast %add3A_993 : i32 to index
        %get3A_995 = tpu.vector_load %arg7[%get3A_994] {strides = array<i32>} : memref<4224xi32, #tpu.memory_space<vmem>>, vector<16xi32>,
        %mul3A_996 = arith.constant 16 : i32
        %mul3A_997 = arith.muli %sub3A_935, %mul3A_996 : i32
        %add3A_998 = arith.constant 2570 : i32
        %add3A_999 = arith.addi %add3A_998, %mul3A_997 : i32
        %get3A_1000 = arith.index_cast %add3A_999 : i32 to index
        %get3A_1001 = tpu.vector_load %arg7[%get3A_1000] {strides = array<i32>} : memref<4224xi32, #tpu.memory_space<vmem>>, vector<16xi32>,
        %mul3A_1002 = arith.constant 16 : i32
        %mul3A_1003 = arith.muli %sub3A_935, %mul3A_1002 : i32
        %add3A_1004 = arith.constant 2827 : i32
        %add3A_1005 = arith.addi %add3A_1004, %mul3A_1003 : i32
        %get3A_1006 = arith.index_cast %add3A_1005 : i32 to index
        %get3A_1007 = tpu.vector_load %arg7[%get3A_1006] {strides = array<i32>} : memref<4224xi32, #tpu.memory_space<vmem>>, vector<16xi32>,
        %mul3A_1008 = arith.constant 16 : i32
        %mul3A_1009 = arith.muli %sub3A_935, %mul3A_1008 : i32
        %add3A_1010 = arith.constant 3084 : i32
        %add3A_1011 = arith.addi %add3A_1010, %mul3A_1009 : i32
        %get3A_1012 = arith.index_cast %add3A_1011 : i32 to index
        %get3A_1013 = tpu.vector_load %arg7[%get3A_1012] {strides = array<i32>} : memref<4224xi32, #tpu.memory_space<vmem>>, vector<16xi32>,
        %mul3A_1014 = arith.constant 16 : i32
        %mul3A_1015 = arith.muli %sub3A_935, %mul3A_1014 : i32
        %add3A_1016 = arith.constant 3341 : i32
        %add3A_1017 = arith.addi %add3A_1016, %mul3A_1015 : i32
        %get3A_1018 = arith.index_cast %add3A_1017 : i32 to index
        %get3A_1019 = tpu.vector_load %arg7[%get3A_1018] {strides = array<i32>} : memref<4224xi32, #tpu.memory_space<vmem>>, vector<16xi32>,
        %mul3A_1020 = arith.constant 16 : i32
        %mul3A_1021 = arith.muli %sub3A_935, %mul3A_1020 : i32
        %add3A_1022 = arith.constant 3598 : i32
        %add3A_1023 = arith.addi %add3A_1022, %mul3A_1021 : i32
        %get3A_1024 = arith.index_cast %add3A_1023 : i32 to index
        %get3A_1025 = tpu.vector_load %arg7[%get3A_1024] {strides = array<i32>} : memref<4224xi32, #tpu.memory_space<vmem>>, vector<16xi32>,
        %mul3A_1026 = arith.constant 16 : i32
        %mul3A_1027 = arith.muli %sub3A_935, %mul3A_1026 : i32
        %add3A_1028 = arith.constant 3855 : i32
        %add3A_1029 = arith.addi %add3A_1028, %mul3A_1027 : i32
        %get3A_1030 = arith.index_cast %add3A_1029 : i32 to index
        %get3A_1031 = tpu.vector_load %arg7[%get3A_1030] {strides = array<i32>} : memref<4224xi32, #tpu.memory_space<vmem>>, vector<16xi32>,
        %add3A_1032 = arith.addi %get3A_941, %get3A_947 : vector<16xi32>
        %add3A_1033 = arith.addi %get3A_953, %get3A_959 : vector<16xi32>
        %add3A_1034 = arith.addi %get3A_965, %get3A_971 : vector<16xi32>
        %add3A_1035 = arith.addi %get3A_977, %get3A_983 : vector<16xi32>
        %add3A_1036 = arith.addi %get3A_989, %get3A_995 : vector<16xi32>
        %add3A_1037 = arith.addi %get3A_1001, %get3A_1007 : vector<16xi32>
        %add3A_1038 = arith.addi %get3A_1013, %get3A_1019 : vector<16xi32>
        %add3A_1039 = arith.addi %get3A_1025, %get3A_1031 : vector<16xi32>
        %add3A_1040 = arith.addi %add3A_1032, %add3A_1033 : vector<16xi32>
        %add3A_1041 = arith.addi %add3A_1034, %add3A_1035 : vector<16xi32>
        %add3A_1042 = arith.addi %add3A_1036, %add3A_1037 : vector<16xi32>
        %add3A_1043 = arith.addi %add3A_1038, %add3A_1039 : vector<16xi32>
        %add3A_1044 = arith.addi %add3A_1040, %add3A_1041 : vector<16xi32>
        %add3A_1045 = arith.addi %add3A_1042, %add3A_1043 : vector<16xi32>
        %add3A_1046 = arith.addi %add3A_1044, %add3A_1045 : vector<16xi32>
        %mul3A_1047 = arith.constant 16 : i32
        %mul3A_1048 = arith.muli %sub3A_935, %mul3A_1047 : i32
        %swap3A_1049 = arith.index_cast %mul3A_1048 : i32 to index
        %swap3A_1050 = tpu.vector_load %arg8[%swap3A_1049] {strides = array<i32>} : memref<256xi32, #tpu.memory_space<vmem>>, vector<16xi32>,
        tpu.vector_store %arg8[%swap3A_1049], %add3A_1046 {strides = array<i32>} : memref<256xi32, #tpu.memory_space<vmem>>, vector<16xi32>,
        %reduce_sum3A_1051 = arith.constant true
        %reduce_sum3A_1052 = vector.broadcast %reduce_sum3A_1051 : i1 to vector<16xi1>
        %reduce_sum3A_1053 = tpu.scan <sum>, %add3A_1046 masked %reduce_sum3A_1052 : vector<16xi32>, vector<16xi1> -> vector<16xi32>
        %reduce_sum3A_1054 = vector.extract %reduce_sum3A_1053[15] : i32 from vector<16xi32>
        %eq3A_1055 = arith.constant 0 : i32
        %eq3A_1056 = arith.cmpi eq, %scan3A_931, %eq3A_1055 : i32
        %ge3A_1057 = arith.cmpi sge, %reduce_sum3A_1054, %scan3A_930 : i32
        %and3A_1058 = arith.andi %eq3A_1056, %ge3A_1057 : i1
        %select_n3A_1059 = arith.select %and3A_1058, %sub3A_935, %scan3A_932 : i32
        %select_n3A_1060 = arith.select %and3A_1058, %scan3A_930, %scan3A_933 : i32
        %eq3A_1061 = arith.constant 0 : i32
        %eq3A_1062 = arith.cmpi eq, %scan3A_931, %eq3A_1061 : i32
        %not3A = arith.constant true
        %not3A_1063 = arith.xori %and3A_1058, %not3A : i1
        %and3A_1064 = arith.andi %eq3A_1062, %not3A_1063 : i1
        %sub3A_1065 = arith.subi %scan3A_930, %reduce_sum3A_1054 : i32
        %select_n3A_1066 = arith.select %and3A_1064, %sub3A_1065, %scan3A_930 : i32
        %jit3A_1067 = arith.constant 1 : i32
        %select_n3A_1068 = arith.select %and3A_1058, %jit3A_1067, %scan3A_931 : i32
        scf.yield %select_n3A_1066, %select_n3A_1068, %select_n3A_1059, %select_n3A_1060 : i32, i32, i32, i32
      }
      %scan3A_829 = arith.constant 16 : i32
      %mul3A_830 = arith.constant 16 : i32
      %mul3A_831 = arith.muli %scan3A_828#2, %mul3A_830 : i32
      %get3A_832 = arith.index_cast %mul3A_831 : i32 to index
      %get3A_833 = tpu.vector_load %arg8[%get3A_832] {strides = array<i32>} : memref<256xi32, #tpu.memory_space<vmem>>, vector<16xi32>,
      %rev3A_834 = arith.constant 15 : i32
      %rev3A_835 = vector.broadcast %rev3A_834 : i32 to vector<16xi32>
      %rev3A_836 = tpu.iota {dimensions = array<i32: 0>} : vector<16xi32>
      %rev3A_837 = arith.subi %rev3A_835, %rev3A_836 : vector<16xi32>
      %rev3A_838 = tpu.dynamic_gather %get3A_833[%rev3A_837] in [0] : vector<16xi32>, vector<16xi32> -> vector<16xi32>
      %broadcast_in_dim3A_839 = arith.constant true
      %broadcast_in_dim3A_840 = vector.broadcast %broadcast_in_dim3A_839 : i1 to vector<16xi1>
      %masked_cumsum3A_841 = tpu.scan <sum>, %rev3A_838 masked %broadcast_in_dim3A_840 : vector<16xi32>, vector<16xi1> -> vector<16xi32>
      %ge3A_842 = vector.broadcast %scan3A_828#3 : i32 to vector<16xi32>
      %ge3A_843 = arith.cmpi sge, %masked_cumsum3A_841, %ge3A_842 : vector<16xi32>
      %all_reduce_ffs3A_844 = tpu.all_reduce %ge3A_843 {dim = 0 : i64, kind = #tpu.reduction_kind<find_first_set>} : vector<16xi1> -> vector<16xi32>
      %reduce_max3A_845 = arith.constant true
      %reduce_max3A_846 = vector.broadcast %reduce_max3A_845 : i1 to vector<16xi1>
      %reduce_max3A_847 = arith.constant -2147483648 : i32
      %reduce_max3A_848 = vector.broadcast %reduce_max3A_847 : i32 to vector<16xi32>
      %reduce_max3A_849 = arith.xori %all_reduce_ffs3A_844, %reduce_max3A_848 : vector<16xi32>
      %reduce_max3A_850 = tpu.scan <max>, %reduce_max3A_849 masked %reduce_max3A_846 : vector<16xi32>, vector<16xi1> -> vector<16xi32>
      %reduce_max3A_851 = arith.xori %reduce_max3A_850, %reduce_max3A_848 : vector<16xi32>
      %reduce_max3A_852 = vector.extract %reduce_max3A_851[15] : i32 from vector<16xi32>
      %eq3A_853 = vector.broadcast %reduce_max3A_852 : i32 to vector<16xi32>
      %eq3A_854 = arith.cmpi eq, %iota3A, %eq3A_853 : vector<16xi32>
      %sub3A_855 = arith.subi %masked_cumsum3A_841, %rev3A_838 : vector<16xi32>
      %select_n3A_856 = arith.select %eq3A_854, %sub3A_855, %broadcast_in_dim3A_6 : vector<16xi1>, vector<16xi32>
      %reduce_sum3A_857 = arith.constant true
      %reduce_sum3A_858 = vector.broadcast %reduce_sum3A_857 : i1 to vector<16xi1>
      %reduce_sum3A_859 = tpu.scan <sum>, %select_n3A_856 masked %reduce_sum3A_858 : vector<16xi32>, vector<16xi1> -> vector<16xi32>
      %reduce_sum3A_860 = vector.extract %reduce_sum3A_859[15] : i32 from vector<16xi32>
      %mul3A_861 = arith.constant 16 : i32
      %mul3A_862 = arith.muli %scan3A_828#2, %mul3A_861 : i32
      %sub3A_863 = arith.constant 15 : i32
      %sub3A_864 = arith.subi %sub3A_863, %reduce_max3A_852 : i32
      %add3A_865 = arith.addi %mul3A_862, %sub3A_864 : i32
      %sub3A_866 = arith.subi %scan3A_828#3, %reduce_sum3A_860 : i32
      %shift_left3A_867 = arith.constant 8 : i32
      %shift_left3A_868 = arith.shli %or3A_748, %shift_left3A_867 : i32
      %or3A_869 = arith.ori %shift_left3A_868, %add3A_865 : i32
      %add3A_870 = vector.broadcast %or3A_869 : i32 to vector<16xi32>
      %add3A_871 = arith.addi %broadcast_in_dim3A_6, %add3A_870 : vector<16xi32>
      %ge3A_872 = arith.constant 0 : i32
      %ge3A_873 = vector.broadcast %ge3A_872 : i32 to vector<16xi32>
      %ge3A_874 = arith.cmpi sge, %add3A_871, %ge3A_873 : vector<16xi32>
      %xor3A_875 = arith.constant 2147483647 : i32
      %xor3A_876 = vector.broadcast %xor3A_875 : i32 to vector<16xi32>
      %xor3A_877 = arith.xori %add3A_871, %xor3A_876 : vector<16xi32>
      %select_n3A_878 = arith.select %ge3A_874, %add3A_871, %xor3A_877 : vector<16xi1>, vector<16xi32>
      %bitcast_convert_type3A_879 = tpu.bitcast %select_n3A_878 : vector<16xi32> -> vector<16xf32>
      %mul3A_880 = arith.constant 128 : i32
      %mul3A_881 = arith.muli %add3A_478, %mul3A_880 : i32
      %add3A_882 = arith.constant 0 : i32
      %add3A_883 = arith.addi %mul3A_881, %add3A_882 : i32
      %swap3A_884 = arith.index_cast %add3A_883 : i32 to index
      %swap3A_885 = tpu.vector_load %arg9[%swap3A_884] {strides = array<i32>} : memref<512xf32, #tpu.memory_space<vmem>>, vector<16xf32>,
      tpu.vector_store %arg9[%swap3A_884], %bitcast_convert_type3A_879 {strides = array<i32>} : memref<512xf32, #tpu.memory_space<vmem>>, vector<16xf32>,
      %mul3A_886 = arith.constant 128 : i32
      %mul3A_887 = arith.muli %add3A_478, %mul3A_886 : i32
      %add3A_888 = arith.constant 16 : i32
      %add3A_889 = arith.addi %mul3A_887, %add3A_888 : i32
      %swap3A_890 = arith.index_cast %add3A_889 : i32 to index
      %swap3A_891 = tpu.vector_load %arg9[%swap3A_890] {strides = array<i32>} : memref<512xf32, #tpu.memory_space<vmem>>, vector<16xf32>,
      tpu.vector_store %arg9[%swap3A_890], %bitcast_convert_type3A_879 {strides = array<i32>} : memref<512xf32, #tpu.memory_space<vmem>>, vector<16xf32>,
      %mul3A_892 = arith.constant 128 : i32
      %mul3A_893 = arith.muli %add3A_478, %mul3A_892 : i32
      %add3A_894 = arith.constant 32 : i32
      %add3A_895 = arith.addi %mul3A_893, %add3A_894 : i32
      %swap3A_896 = arith.index_cast %add3A_895 : i32 to index
      %swap3A_897 = tpu.vector_load %arg9[%swap3A_896] {strides = array<i32>} : memref<512xf32, #tpu.memory_space<vmem>>, vector<16xf32>,
      tpu.vector_store %arg9[%swap3A_896], %bitcast_convert_type3A_879 {strides = array<i32>} : memref<512xf32, #tpu.memory_space<vmem>>, vector<16xf32>,
      %mul3A_898 = arith.constant 128 : i32
      %mul3A_899 = arith.muli %add3A_478, %mul3A_898 : i32
      %add3A_900 = arith.constant 48 : i32
      %add3A_901 = arith.addi %mul3A_899, %add3A_900 : i32
      %swap3A_902 = arith.index_cast %add3A_901 : i32 to index
      %swap3A_903 = tpu.vector_load %arg9[%swap3A_902] {strides = array<i32>} : memref<512xf32, #tpu.memory_space<vmem>>, vector<16xf32>,
      tpu.vector_store %arg9[%swap3A_902], %bitcast_convert_type3A_879 {strides = array<i32>} : memref<512xf32, #tpu.memory_space<vmem>>, vector<16xf32>,
      %mul3A_904 = arith.constant 128 : i32
      %mul3A_905 = arith.muli %add3A_478, %mul3A_904 : i32
      %add3A_906 = arith.constant 64 : i32
      %add3A_907 = arith.addi %mul3A_905, %add3A_906 : i32
      %swap3A_908 = arith.index_cast %add3A_907 : i32 to index
      %swap3A_909 = tpu.vector_load %arg9[%swap3A_908] {strides = array<i32>} : memref<512xf32, #tpu.memory_space<vmem>>, vector<16xf32>,
      tpu.vector_store %arg9[%swap3A_908], %bitcast_convert_type3A_879 {strides = array<i32>} : memref<512xf32, #tpu.memory_space<vmem>>, vector<16xf32>,
      %mul3A_910 = arith.constant 128 : i32
      %mul3A_911 = arith.muli %add3A_478, %mul3A_910 : i32
      %add3A_912 = arith.constant 80 : i32
      %add3A_913 = arith.addi %mul3A_911, %add3A_912 : i32
      %swap3A_914 = arith.index_cast %add3A_913 : i32 to index
      %swap3A_915 = tpu.vector_load %arg9[%swap3A_914] {strides = array<i32>} : memref<512xf32, #tpu.memory_space<vmem>>, vector<16xf32>,
      tpu.vector_store %arg9[%swap3A_914], %bitcast_convert_type3A_879 {strides = array<i32>} : memref<512xf32, #tpu.memory_space<vmem>>, vector<16xf32>,
      %mul3A_916 = arith.constant 128 : i32
      %mul3A_917 = arith.muli %add3A_478, %mul3A_916 : i32
      %add3A_918 = arith.constant 96 : i32
      %add3A_919 = arith.addi %mul3A_917, %add3A_918 : i32
      %swap3A_920 = arith.index_cast %add3A_919 : i32 to index
      %swap3A_921 = tpu.vector_load %arg9[%swap3A_920] {strides = array<i32>} : memref<512xf32, #tpu.memory_space<vmem>>, vector<16xf32>,
      tpu.vector_store %arg9[%swap3A_920], %bitcast_convert_type3A_879 {strides = array<i32>} : memref<512xf32, #tpu.memory_space<vmem>>, vector<16xf32>,
      %mul3A_922 = arith.constant 128 : i32
      %mul3A_923 = arith.muli %add3A_478, %mul3A_922 : i32
      %add3A_924 = arith.constant 112 : i32
      %add3A_925 = arith.addi %mul3A_923, %add3A_924 : i32
      %swap3A_926 = arith.index_cast %add3A_925 : i32 to index
      %swap3A_927 = tpu.vector_load %arg9[%swap3A_926] {strides = array<i32>} : memref<512xf32, #tpu.memory_space<vmem>>, vector<16xf32>,
      tpu.vector_store %arg9[%swap3A_926], %bitcast_convert_type3A_879 {strides = array<i32>} : memref<512xf32, #tpu.memory_space<vmem>>, vector<16xf32>,
      %scan3A_928 = arith.constant 0 : i32
      scf.yield %scan3A_928 : i32
    }
    %scan3A_19 = arith.constant 2 : i32
    %mul3A_20 = arith.constant 512 : i32
    %mul3A_21 = arith.muli %add3A, %mul3A_20 : i32
    "tpu.region"() ({
      %run_scoped3A = tpu.sem_alloc : memref<!tpu.dma_semaphore, #tpu.memory_space<semaphore_mem>>
      %dma_start3A_22 = tpu.memref_slice %arg3[%mul3A_21] : memref<16384xf32, #tpu.memory_space<hbm>> -> memref<512xf32, #tpu.memory_space<hbm>>
      %dma_start3A_23 = tpu.memref_slice %arg3[%mul3A_21] : memref<16384xf32, #tpu.memory_space<hbm>> -> memref<512xf32, #tpu.memory_space<hbm>>
      tpu.enqueue_dma source(%arg9 : memref<512xf32, #tpu.memory_space<vmem>>) target(%dma_start3A_23 : memref<512xf32, #tpu.memory_space<hbm>>) target_semaphore(%run_scoped3A : memref<!tpu.dma_semaphore, #tpu.memory_space<semaphore_mem>>)
      %dma_wait3A = tpu.memref_slice %arg3[%mul3A_21] : memref<16384xf32, #tpu.memory_space<hbm>> -> memref<512xf32, #tpu.memory_space<hbm>>
      %dma_wait3A_24 = tpu.memref_slice %arg3[%mul3A_21] : memref<16384xf32, #tpu.memory_space<hbm>> -> memref<512xf32, #tpu.memory_space<hbm>>
      tpu.wait_dma2 semaphore(%run_scoped3A : memref<!tpu.dma_semaphore, #tpu.memory_space<semaphore_mem>>) src(%arg9 : memref<512xf32, #tpu.memory_space<vmem>>) dst(%dma_wait3A_24 : memref<512xf32, #tpu.memory_space<hbm>>)
      tpu.yield
    }) : () -> ()
    return
  }
}

module attributes {stable_mosaic.version = 14 : i64} {
  func.func @_mask_body(%arg0: i32, %arg1: memref<8x128xf32, #tpu.memory_space<vmem>>, %arg2: memref<8x32768xf32, #tpu.memory_space<vmem>>, %arg3: memref<8x32768xf32, #tpu.memory_space<vmem>>) attributes {dimension_semantics = [#tpu.dimension_semantics<arbitrary>], iteration_bounds = array<i64: 16>, scalar_prefetch = 0 : i64, scratch_operands = 0 : i64, tpu.core_type = #tpu.core_type<tc>, window_params = [{transform_indices = @transform_0, window_bounds = array<i64: 8, 128>}, {transform_indices = @transform_1, window_bounds = array<i64: 8, 32768>}, {transform_indices = @transform_2, window_bounds = array<i64: 8, 32768>}]} {
    %get3A = arith.constant 0 : index
    %get3A_0 = arith.constant 0 : index
    %get3A_1 = vector.load %arg1[%get3A, %get3A_0] : memref<8x128xf32, #tpu.memory_space<vmem>>, vector<8x1xf32>
    %get3A_2 = arith.constant 0 : index
    %get3A_3 = arith.constant 0 : index
    %get3A_4 = vector.load %arg2[%get3A_2, %get3A_3] : memref<8x32768xf32, #tpu.memory_space<vmem>>, vector<8x32768xf32>
    %ge3A = vector.broadcast %get3A_1 : vector<8x1xf32> to vector<8x32768xf32>
    %ge3A_5 = arith.cmpf oge, %get3A_4, %ge3A : vector<8x32768xf32>
    %jit3A = arith.constant 0.000000e+00 : f32
    %broadcast_in_dim3A = vector.broadcast %jit3A : f32 to vector<8x32768xf32>
    %select_n3A = arith.select %ge3A_5, %get3A_4, %broadcast_in_dim3A : vector<8x32768xi1>, vector<8x32768xf32>
    %swap3A = arith.constant 0 : index
    %swap3A_6 = arith.constant 0 : index
    %swap3A_7 = vector.load %arg3[%swap3A, %swap3A_6] : memref<8x32768xf32, #tpu.memory_space<vmem>>, vector<8x32768xf32>
    tpu.vector_store %arg3[%swap3A, %swap3A_6], %select_n3A {strides = array<i32>} : memref<8x32768xf32, #tpu.memory_space<vmem>>, vector<8x32768xf32>,
    return
  }
  func.func @transform_0(%arg0: i32) -> (i32, i32) {
    %c0_i32 = arith.constant 0 : i32
    %c0_i32_0 = arith.constant 0 : i32
    return %arg0, %c0_i32 : i32, i32
  }
  func.func @transform_1(%arg0: i32) -> (i32, i32) {
    %c0_i32 = arith.constant 0 : i32
    %c0_i32_0 = arith.constant 0 : i32
    return %arg0, %c0_i32 : i32, i32
  }
  func.func @transform_2(%arg0: i32) -> (i32, i32) {
    %c0_i32 = arith.constant 0 : i32
    %c0_i32_0 = arith.constant 0 : i32
    return %arg0, %c0_i32 : i32, i32
  }
}

</mosaic_0001>

<sc_bundles>
// kernel: kernel.4.cloned.1.call-start
scs
__scs_entry_jumppad:
0x0: {  	(pc) =	sbr.rel $0x88, $3  }
0x1: {  	(tag) =	ssettag $0x0;
	lr =	simm.s32 $0x1  }
0x2: {  	[smem:$0x3FA0] =	sst lr;
	_ =	strace $0xD0000000  }
0x3: {  	_ = 	snop  }
0x4: {  	_ = 	snop  }
0x5: {  	_ = 	snop  }
0x6: {  	_ = 	snop  }
0x7: {  	_ = 	snop  }
__scs_overlays_trampoline_lowered:
0x8: {  	[smem:$0x3FAF] =	sst s0  }
0x9: {  	[smem:$0x3FB0] =	sst s1  }
0xa: {  	[smem:$0x3FB1] =	sst s2  }
0xb: {  	[smem:$0x3FB2] =	sst s3  }
0xc: {  	[smem:$0x3FB3] =	sst s4  }
0xd: {  	[smem:$0x3FB4] =	sst s5  }
0xe: {  	[smem:$0x3FB5] =	sst s6  }
0xf: {  	[smem:$0x3FB6] =	sst s7  }
0x10: {  	[smem:$0x3FB7] =	sst s8  }
0x11: {  	[smem:$0x3FB8] =	sst s9;
	s0 =	simm.s32 @!p0 $0x0  }
0x12: {  	s1 =	sld [smem:$0x3F9E];
	s0 =	simm.s32 @p0 $0x1  }
0x13: {  	[smem:$0x3FB9] =	sst s0;
	s0 =	simm.s32 @!p1 $0x0  }
0x14: {  	s2 =	sld [smem:$0x3F9D];
	s0 =	simm.s32 @p1 $0x1  }
0x15: {  	[smem:$0x3FBA] =	sst s0;
	s0 =	simm.s32 @!p2 $0x0  }
0x16: {  	s3 =	sld [smem:$0x3FDB];
	s0 =	simm.s32 @p2 $0x1  }
0x17: {  	s4 =	simm.s32 $0x1BF5;
	[smem:$0x3FBC] =	sst s0  }
0x18: {  	s0 =	sld [smem:$0x3F9F];
	_ =	swait.ge [sflag:s4], $0x0  }
0x19: {  	s7 =	sld [smem:$0x3FA0]  }
0x1a: {  	s8 =	sadd.s32 $0xFFFFE003, lr  }
0x1b: {  	s9 =	sadd.s32 $0xFFFFFEF7, lr;
	s5 =	simm.s32 $0xFFFFFFFF;
	p2 =	slt.u32 s8, $0xFFFFF086  }
0x1c: {  	p1 =	slt.u32 s9, $0xF7A;
	s5 =	simm.s32 @!p2 $0x0  }
0x1d: {  	s5 =	simm.s32 @p1 $0x1;
	p0 =	seq.s32 s7, s2  }
0x1e: {  	s7 =	smul.u32 @!p0 $0xF7A, s2;
	p2 =	seq.s32 @!p0 s5, $0x0  }
0x1f: {  	s9 =	smul.u32 $0xF7A, s1;
	s8 =	simm.s32 @!p0 $0x1BF5;
	p2 =	por !p2, p0  }
0x20: {  	[sflag:s8] =	ssyncset.s32 @!p0 $0xFFFFF086;
	s6 =	sadd.s32 @!p0 s3, s7;
	s7 =	simm.s32 @!p0 $0x108  }
0x21: {  	s3 =	sadd.s32 s3, s9;
	s6 =	sadd.s32 @!p0 $0x88, s6;
	s7 =	simm.s32 @p2 $0x1082  }
0x22: {  	[simem:s7], [sflag:s8] =	dma.local @!p0 [hbm:s6], $0xF7A  }
0x23: {  	s9 =	sor.u32 $0xD0000000, s2;
	s6 =	simm.s32 $0x108;
	_ =	swait.ge @!p0 [sflag:s8], $0x0  }
0x24: {  	s3 =	sadd.s32 $0x88, s3;
	s6 =	simm.s32 @!p1 $0x1082;
	[sflag:s4] =	ssyncset.s32 $0xFFFFF086  }
0x25: {  	[simem:s6], [sflag:s4] =	dma.local [hbm:s3], $0xF7A  }
0x26: {  	[smem:$0x3FA0] =	sst s1;
	(tag) =	ssettag s2;
	_ =	strace s9  }
0x27: {  	s1 =	sld [smem:$0x3FB0]  }
0x28: {  	s2 =	sld [smem:$0x3FB1]  }
0x29: {  	s4 =	sld [smem:$0x3FB3]  }
0x2a: {  	p0 =	seq.s32 s5, $0x0;
	s5 =	sld [smem:$0x3FB4]  }
0x2b: {  	s6 =	sld [smem:$0x3FB5]  }
0x2c: {  	s7 =	sld [smem:$0x3FB6]  }
0x2d: {  	s3 =	simm.s32 $0x108;
	s8 =	sld [smem:$0x3FB7]  }
0x2e: {  	s3 =	simm.s32 @!p0 $0x1082;
	s9 =	sld [smem:$0x3FB8]  }
0x2f: {  	lr =	sadd.s32 s0, s3;
	s0 =	sld [smem:$0x3FAF]  }
0x30: {  	s3 =	sld [smem:$0x3FB2]  }
0x31: {  	[smem:$0x3FBB] =	sst s10  }
0x32: {  	s10 =	sld [smem:$0x3FB9];
	_ =	sdelay $0x3  }
0x33: {  	p0 =	seq.s32 s10, $0x1;
	s10 =	sld [smem:$0x3FBB];
	_ =	sdelay $0x3  }
0x34: {  	[smem:$0x3FBB] =	sst s10  }
0x35: {  	s10 =	sld [smem:$0x3FBA];
	_ =	sdelay $0x3  }
0x36: {  	p1 =	seq.s32 s10, $0x1;
	s10 =	sld [smem:$0x3FBB];
	_ =	sdelay $0x3  }
0x37: {  	[smem:$0x3FBB] =	sst s10  }
0x38: {  	s10 =	sld [smem:$0x3FBC]  }
0x39: {  	_ = 	snop;
	(pc) =	sbr.ind lr, $3  }
0x3a: {  	_ = 	snop  }
0x3b: {  	_ = 	snop  }
0x3c: {  	p2 =	seq.s32 s10, $0x1;
	s10 =	sld [smem:$0x3FBB]  }
0x3d: {  	_ =	shalt  }
0x3e: {  	_ =	shalt  }
0x3f: {  	_ =	shalt  }
0x40: {  	_ =	shalt  }
0x41: {  	_ =	shalt  }
0x42: {  	_ =	shalt  }
0x43: {  	_ =	shalt  }
0x44: {  	_ =	shalt  }
0x45: {  	_ =	shalt  }
0x46: {  	_ =	shalt  }
0x47: {  	_ =	shalt  }
0x48: {  	_ =	shalt  }
0x49: {  	_ =	shalt  }
0x4a: {  	_ =	shalt  }
0x4b: {  	_ =	shalt  }
0x4c: {  	_ =	shalt  }
0x4d: {  	_ =	shalt  }
0x4e: {  	_ =	shalt  }
0x4f: {  	_ =	shalt  }
0x50: {  	_ =	shalt  }
0x51: {  	_ =	shalt  }
0x52: {  	_ =	shalt  }
0x53: {  	_ =	shalt  }
0x54: {  	_ =	shalt  }
0x55: {  	_ =	shalt  }
0x56: {  	_ =	shalt  }
0x57: {  	_ =	shalt  }
0x58: {  	_ =	shalt  }
0x59: {  	_ =	shalt  }
0x5a: {  	_ =	shalt  }
0x5b: {  	_ =	shalt  }
0x5c: {  	_ =	shalt  }
0x5d: {  	_ =	shalt  }
0x5e: {  	_ =	shalt  }
0x5f: {  	_ =	shalt  }
0x60: {  	_ =	shalt  }
0x61: {  	_ =	shalt  }
0x62: {  	_ =	shalt  }
0x63: {  	_ =	shalt  }
0x64: {  	_ =	shalt  }
0x65: {  	_ =	shalt  }
0x66: {  	_ =	shalt  }
0x67: {  	_ =	shalt  }
0x68: {  	_ =	shalt  }
0x69: {  	_ =	shalt  }
0x6a: {  	_ =	shalt  }
0x6b: {  	_ =	shalt  }
0x6c: {  	_ =	shalt  }
0x6d: {  	_ =	shalt  }
0x6e: {  	_ =	shalt  }
0x6f: {  	_ =	shalt  }
0x70: {  	_ =	shalt  }
0x71: {  	_ =	shalt  }
0x72: {  	_ =	shalt  }
0x73: {  	_ =	shalt  }
0x74: {  	_ =	shalt  }
0x75: {  	_ =	shalt  }
0x76: {  	_ =	shalt  }
0x77: {  	_ =	shalt  }
0x78: {  	_ =	shalt  }
0x79: {  	_ =	shalt  }
0x7a: {  	_ =	shalt  }
0x7b: {  	_ =	shalt  }
0x7c: {  	_ =	shalt  }
0x7d: {  	_ =	shalt  }
0x7e: {  	_ =	shalt  }
0x7f: {  	_ =	shalt  }
0x80: {  	_ =	shalt  }
0x81: {  	_ =	shalt  }
0x82: {  	_ =	shalt  }
0x83: {  	_ =	shalt  }
0x84: {  	_ =	shalt  }
0x85: {  	_ =	shalt  }
0x86: {  	_ =	shalt  }
0x87: {  	_ =	shalt  }
.Lfunc_end0:
.L_simem_size_0:
called_computation_lowered:
.L_overlay_start_0:
0x88: {  	s2 =	sld [smem:$0x3FD9]  }
0x89: {  	s3 =	sld [smem:$0x3FFE];
	_ =	sdelay $0x1  }
0x8a: {  	s1 =	srdreg.scid  }
0x8b: {  	s0 =	sand.u32 $0x1, s1  }
0x8c: {  	s17 =	sshll.u32 s0, $0xA;
	s2 =	sadd.s32 s3, s2  }
0x8d: {  	s2 =	sadd.s32 s2, s17  }
0x8e: {  	[smem:$0x3FC7] =	sst s2  }
0x8f: {  	_ = 	snop  }
0x90: {  	s2 =	sld [smem:$0x3FD0];
	(tm) =	ssettm $0x1  }
0x91: {  	s18 =	sld [smem:$0x3FFB];
	_ =	sdelay $0x3  }
0x92: {  	_ =	strace s18  }
0x93: {  	s3 =	sld [smem:$0x3FFC];
	_ =	sdelay $0x3  }
0x94: {  	_ =	strace s3  }
0x95: {  	s3 =	sld [smem:$0x3FFD];
	_ =	sdelay $0x3  }
0x96: {  	_ =	strace s3  }
0x97: {  	_ =	strace $0x8FFFFFFF  }
0x98: {  	s19 =	sld [smem:$0x3FDB];
	_ =	sdelay $0x1  }
0x99: {  	s4 =	simm.s32 $_scs_section_size  }
0x9a: {  	s5 =	simm.s32 $_size__tile_overlayer_lowered;
	s6 =	simm.s32 $_tile_overlayer_lowered  }
0x9b: {  	s22 =	simm.s32 $0x1BFF;
	s21 =	sshll.u32 s6, $0x1;
	s3 =	sadd.s32 s4, s19  }
0x9c: {  	s7 =	simm.s32 $0x0;
	s20 =	sshll.u32 s5, $0x1;
	s5 =	sadd.s32 s21, s3  }
0x9d: {  	[timem:s7], [sflag:s22] =	dma.local [hbm:s5], s20  }
0x9e: {  	_ =	swait.ge [sflag:s22], s20  }
0x9f: {  	s4 =	ssub.s32 $0x0, s20;
	[sflag:s22] =	ssyncset.done $0x0  }
0xa0: {  	[sflag:s22] =	ssyncadd.s32 s4;
	_ =	sdelay $0x1  }
0xa1: {  	s23 =	simm.s32 $0x1B8B  }
0xa2: {  	_ =	swait.ge [sflag:s23], $0x1  }
0xa3: {  	[sflag:s23] =	ssyncset.done $0x0  }
0xa4: {  	s25 =	simm.s32 $0x1B8E;
	s24 =	sld [smem:$0x3FFE];
	[sflag:s23] =	ssyncadd.s32 $0xFFFFFFFF  }
0xa5: {  	s26 =	simm.s32 $execute0_lowered;
	[smem:$0x3FD2] =	sst s25  }
0xa6: {  	s5 =	sshll.u32 s26, $0x1;
	_ =	strace $0x80000046;
	[dreg:$0x1] =	wrdreg $0xFFFFFFFF  }
0xa7: {  	s28 =	simm.s32 $_size_execute0_lowered;
	s3 =	sadd.s32 s3, s5;
	[dreg:$0x0] =	wrdreg $0x0  }
0xa8: {  	s5 =	sshll.u32 s28, $0x1;
	[dreg:$0x2] =	wrdreg s3  }
0xa9: {  	[dreg:$0x3] =	wrdreg s5  }
0xaa: {  	[dreg:$0x4] =	wrdreg $0xC0  }
0xab: {  	_ =	task [dreg:s7], $0x5FFFF  }
0xac: {  	[dreg:$0x1] =	wrdreg $0xFFFFFFFF  }
0xad: {  	[dreg:$0x0] =	wrdreg $0x60  }
0xae: {  	[dreg:$0x2] =	wrdreg s2  }
0xaf: {  	[dreg:$0x3] =	wrdreg s24  }
0xb0: {  	[dreg:$0x4] =	wrdreg $0x9  }
0xb1: {  	_ =	task.clear_ibuf [dreg:s7], $0x5FFFF;
	_ =	strace $0x90000046  }
0xb2: {  	s29 =	simm.s32 $0x9;
	_ =	strace $0x80000048  }
0xb3: {  	_ =	swait.ge [sflag:s29], $0x1  }
0xb4: {  	[sflag:s29] =	ssyncadd.s32 $0xFFFFFFFF  }
0xb5: {  	_ =	strace $0x90000048  }
0xb6: {  	_ =	sfence  }
0xb7: {  	s30 =	sld [smem:$0x0];
	_ =	sdelay $0x2  }
0xb8: {  	s31 =	sshll.u32 s1, $0xD;
	s1 =	sshrl.u32 s1, $0x2  }
0xb9: {  	s3 =	sand.u32 $0x4000, s31;
	s1 =	sadd.s32 s1, s30  }
0xba: {  	s0 =	sor.u32 s3, s0;
	s1 =	sshll.u32 s1, $0x11  }
0xbb: {  	s0 =	sor.u32 s1, s0  }
0xbc: {  	s0 =	sadd.s32 $0x8F2B, s0  }
0xbd: {  	[sflag:s0] =	ssyncadd.remote.s32 $0x1  }
0xbe: {  	_ =	sfence.sel $0xFFFF  }
0xbf: {  	[dreg:$0x0] =	wrdreg $0xFFFFFFFF;
	(pc) =	sbr.abs _section_cstart, $3  }
0xc0: {  	[dreg:$0x1] =	wrdreg $0xFFFFFFFF  }
0xc1: {  	_ =	task.clear_ibuf [dreg:s7], $0x2FFFF;
	_ =	strace $0x9FFFFFFF  }
0xc2: {  	(tm) =	ssettm $0x7FFFFFFF  }
0xc3: {  	_ =	shalt  }
tec
execute0_lowered:
.L_overlay_start_1:
0x0: {  	(tag) =	ssettag $0x1  }
0x1: {  	s0 =	rddreg [dreg:$0x0]  }
0x2: {  	s1 =	rddreg [dreg:$0x1];
	s2 =	simm.s32 $0x0;
	s3 =	srdreg.scid  }
0x3: {  	s4 =	stileid.u32;
	s8 =	simm.s32 $0x1;
	s9 =	simm.s32 $0x8000  }
0x4: {  	s10 =	simm.s32 $0x18000;
	s11 =	simm.s32 $0x10000;
	s12 =	simm.s32 $0x2  }
0x5: {  	s14 =	simm.s32 $0x3;
	s3 =	sand.u32 $0x1, s3;
	s4 =	sshll.u32 s4, $0x1  }
0x6: {  	s15 =	simm.s32 $0x0;
	s4 =	sor.u32 s3, s4;
	s3 =	ssub.s32 $0x2, s3  }
0x7: {  	v0 =	vlaneseq.u32;
	s5 =	sshll.u32 s4, $0x6;
	s6 =	sshrl.u32 s3, $0x1;
	s4 =	sshll.u32 s4, $0xE  }
0x8: {  	[smem:$0x7FF] =	sst s2;
	v1 =	vmul.u32 $0x101, v0;
	v5 =	vmul.u32 $0xFFFFFFFF, v0;
	s7 =	ssub.s32 s3, s6;
	s3 =	sadd.s32 s0, s4  }
0x9: {  	v2 =	vimm.s32 $0x0;
	_ =	strace $0x80000047;
	s1 =	sadd.s32 s5, s1;
	s4 =	sadd.s32 $0x1000, s3  }
0xa: {  	v4 =	vimm.s32 $0x1;
	v3 =	vadd.s32 $0x80, v1;
	v5 =	vadd.s32 $0xF, v5;
	s5 =	sadd.s32 $0x2000, s3;
	s6 =	sadd.s32 $0x1600, s1;
	s7 =	smax.u32 s7, $0x1  }
.LBB2_1:
0xb: {  	[tilespmem:s2], [sflag:$0x1] =	stream.linear.gather [hbm4b:s3+s2], $0x8000, $0x38;
	[tilespmem:$0x19380] =	vst v63  }
0xc: {  	p1 =	por $0x1, $0x1;
	s16 =	simm.s32 $0x0  }
.LBB2_2:
0xd: {  	_ =	swait.ge [sflag:s8], $0x8000  }
0xe: {  	s0 =	sshll.u32 s16, $0xD;
	[sflag:s8] =	ssyncset.done $0x0  }
0xf: {  	s1 =	simm.s32 $0x18040;
	s0 =	sadd.s32 s0, s4;
	[sflag:s8] =	ssyncadd.s32 $0xFFFF8000  }
0x10: {  	[tilespmem:s9], [sflag:$0x2] =	stream.linear.gather [hbm4b:s0+s2], $0x8000, $0x38;
	[tilespmem:$0x19380] =	vst v63  }
0x11: {  	[tilespmem:s1+$0xFFFFFFC0] =	vst v2  }
0x12: {  	[tilespmem:s1+$0x30] =	vst v2  }
0x13: {  	[tilespmem:s1+$0x20] =	vst v2  }
0x14: {  	[tilespmem:s1+$0x10] =	vst v2  }
0x15: {  	[tilespmem:s1+$0x0] =	vst v2  }
0x16: {  	[tilespmem:s1+$0xFFFFFFF0] =	vst v2  }
0x17: {  	p0 =	por p1, p1;
	s13 =	simm.s32 $0x0;
	[tilespmem:s1+$0xFFFFFFE0] =	vst v2  }
.LBB2_3:
0x18: {  	s13 =	sadd.s32 $0x8, s13;
	[tilespmem:s1+$0xFFFFFFD0] =	vst v2;
	s1 =	sadd.s32 $0x80, s1;
	s0 =	simm.s32 $0x40  }
0x19: {  	[tilespmem:s1+$0xFFFFFFC0] =	vst v2;
	p1 =	slt.u32 s13, $0x100  }
0x1a: {  	[tilespmem:s1+$0x30] =	vst v2  }
.Ltmp0:
0x1b: {  	[tilespmem:s1+$0x20] =	vst v2;
	(pc) =	sbr.rel @p1 .LBB2_3-.Ltmp0, $4  }
0x1c: {  	[tilespmem:s1+$0x10] =	vst v2  }
0x1d: {  	[tilespmem:s1+$0x0] =	vst v2  }
0x1e: {  	[tilespmem:s1+$0xFFFFFFF0] =	vst v2  }
0x1f: {  	[tilespmem:s1+$0xFFFFFFE0] =	vst v2  }
0x20: {  	[tilespmem:s1+$0xFFFFFFD0] =	vst v2  }
0x21: {  	v6 =	vld [tilespmem:s0+$0x10];
	_ =	sdelay $0x1  }
0x22: {  	v7 =	vld [tilespmem:s0+$0xFFFFFFC0];
	_ =	sdelay $0x1  }
0x23: {  	v8 =	vld [tilespmem:s0+$0x20]  }
0x24: {  	v9 =	vshra.s32 v6, $0x18  }
0x25: {  	v11 =	vld [tilespmem:s0+$0xFFFFFFD0];
	vm0 =	vlt.s32 v6, $0x0;
	v6 =	vxor.u32 $0x7F, v9  }
0x26: {  	v12 =	vld [tilespmem:s0+$0x30];
	v6 =	vsel vm0, v6, v9;
	v9 =	vshra.s32 v7, $0x18  }
0x27: {  	v14 =	vld [tilespmem:s0+$0x0];
	vm0 =	vlt.s32 v7, $0x0;
	v13 =	vadd.s32 v3, v6;
	v6 =	vxor.u32 $0x7F, v9  }
0x28: {  	v7 =	vshra.s32 v8, $0x18;
	v6 =	vsel vm0, v6, v9  }
0x29: {  	vm1 =	vlt.s32 v8, $0x0;
	v9 =	vxor.u32 $0x7F, v7;
	v8 =	vadd.s32 v3, v6;
	v6 =	vld [tilespmem:s0+$0xFFFFFFE0]  }
0x2a: {  	v7 =	vsel vm1, v9, v7  }
0x2b: {  	v10 =	vshra.s32 v11, $0x18;
	v7 =	vadd.s32 v3, v7  }
0x2c: {  	s22 =	simm.s32 $0x0;
	s20 =	simm.s32 $0x19170;
	vm2 =	vlt.s32 v14, $0x0;
	vm0 =	vlt.s32 v12, $0x0;
	v12 =	vshra.s32 v12, $0x18;
	v9 =	vld [tilespmem:s0+$0xFFFFFFF0]  }
0x2d: {  	s21 =	simm.s32 $0x188F8;
	s19 =	simm.s32 $0xF;
	vm1 =	vlt.s32 v11, $0x0;
	v11 =	vxor.u32 $0x7F, v10;
	s0 =	simm.s32 $0xC0;
	[tilespmem:v13+s10+$0x0] =	vst.idx.add.s32.msk $0xffff, v4;
	v13 =	vshra.s32 v14, $0x18  }
.LBB2_5:
0x2e: {  	s22 =	sadd.s32 $0x8, s22;
	[tilespmem:v8+s10+$0x0] =	vst.idx.add.s32.msk $0xffff, v4;
	vm3 =	vlt.s32 v6, $0x0;
	v8 =	vxor.u32 $0x7F, v13;
	v14 =	vxor.u32 $0x7F, v12;
	s18 =	simm.s32 $0x667  }
0x2f: {  	v6 =	vshra.s32 v6, $0x18;
	v15 =	vld [tilespmem:s0+$0x10];
	p1 =	slt.u32 s22, $0x7F8;
	v8 =	vsel vm2, v8, v13;
	v12 =	vsel vm0, v14, v12  }
0x30: {  	v10 =	vsel vm1, v11, v10;
	v11 =	vxor.u32 $0x7F, v6;
	[tilespmem:v7+s10+$0x0] =	vst.idx.add.s32.msk $0xffff, v4;
	v7 =	vadd.s32 v3, v12  }
0x31: {  	v6 =	vsel vm3, v11, v6;
	v8 =	vadd.s32 v3, v8;
	v12 =	vld [tilespmem:s0+$0xFFFFFFC0]  }
0x32: {  	v10 =	vadd.s32 v3, v10;
	v13 =	vadd.s32 v3, v6;
	v11 =	vld [tilespmem:s0+$0xFFFFFFD0];
	v6 =	vshra.s32 v9, $0x18  }
0x33: {  	vm0 =	vlt.s32 v9, $0x0;
	v14 =	vld [tilespmem:s0+$0x20];
	v9 =	vxor.u32 $0x7F, v6  }
0x34: {  	v16 =	vshra.s32 v15, $0x18;
	v17 =	vld [tilespmem:s0+$0x30];
	v9 =	vsel vm0, v9, v6  }
0x35: {  	vm0 =	vlt.s32 v15, $0x0;
	v6 =	vld [tilespmem:s0+$0xFFFFFFE0];
	v15 =	vxor.u32 $0x7F, v16;
	v9 =	vadd.s32 v3, v9  }
0x36: {  	v18 =	vshra.s32 v12, $0x18;
	v15 =	vsel vm0, v15, v16;
	[tilespmem:v8+s10+$0x0] =	vst.idx.add.s32.msk $0xffff, v4  }
0x37: {  	vm0 =	vlt.s32 v12, $0x0;
	v8 =	vxor.u32 $0x7F, v18;
	v12 =	vadd.s32 v3, v15;
	[tilespmem:v7+s10+$0x0] =	vst.idx.add.s32.msk $0xffff, v4  }
0x38: {  	v7 =	vsel vm0, v8, v18;
	v15 =	vld [tilespmem:s0+$0x0];
	vm1 =	vlt.s32 v14, $0x0;
	v14 =	vshra.s32 v14, $0x18  }
.Ltmp1:
0x39: {  	v8 =	vadd.s32 v3, v7;
	v7 =	vxor.u32 $0x7F, v14;
	vm0 =	vlt.s32 v17, $0x0;
	[tilespmem:v10+s10+$0x0] =	vst.idx.add.s32.msk $0xffff, v4;
	(pc) =	sbr.rel @p1 .LBB2_5-.Ltmp1, $4  }
0x3a: {  	v7 =	vsel vm1, v7, v14;
	[tilespmem:v13+s10+$0x0] =	vst.idx.add.s32.msk $0xffff, v4  }
0x3b: {  	v10 =	vshra.s32 v11, $0x18;
	v7 =	vadd.s32 v3, v7;
	[tilespmem:v9+s10+$0x0] =	vst.idx.add.s32.msk $0xffff, v4  }
0x3c: {  	vm1 =	vlt.s32 v11, $0x0;
	v11 =	vxor.u32 $0x7F, v10;
	[tilespmem:v12+s10+$0x0] =	vst.idx.add.s32.msk $0xffff, v4  }
0x3d: {  	s17 =	simm.s32 $0x1;
	v12 =	vshra.s32 v17, $0x18;
	v9 =	vld [tilespmem:s0+$0xFFFFFFF0];
	vm2 =	vlt.s32 v15, $0x0;
	v13 =	vshra.s32 v15, $0x18;
	s0 =	sadd.s32 $0x80, s0  }
0x3e: {  	_ = 	snop  }
0x3f: {  	v14 =	vxor.u32 $0x7F, v13;
	vm14 =	vlt.s32 v6, $0x0;
	v6 =	vshra.s32 v6, $0x18  }
0x40: {  	v10 =	vsel vm1, v11, v10;
	v13 =	vsel vm2, v14, v13;
	v14 =	vxor.u32 $0x7F, v12  }
0x41: {  	v11 =	vxor.u32 $0x7F, v6;
	v10 =	vadd.s32 v3, v10;
	v12 =	vsel vm0, v14, v12  }
0x42: {  	v13 =	vadd.s32 v3, v13;
	v6 =	vsel vm14, v11, v6;
	v11 =	vshra.s32 v9, $0x18  }
0x43: {  	v12 =	vadd.s32 v3, v12;
	vm15 =	vlt.s32 v9, $0x0;
	v9 =	vxor.u32 $0x7F, v11  }
0x44: {  	[tilespmem:v8+s10+$0x0] =	vst.idx.add.s32.msk $0xffff, v4;
	v6 =	vadd.s32 v3, v6;
	v8 =	vsel vm15, v9, v11  }
0x45: {  	[tilespmem:v7+s10+$0x0] =	vst.idx.add.s32.msk $0xffff, v4;
	v7 =	vadd.s32 v3, v8  }
0x46: {  	[tilespmem:v10+s10+$0x0] =	vst.idx.add.s32.msk $0xffff, v4  }
0x47: {  	[tilespmem:v13+s10+$0x0] =	vst.idx.add.s32.msk $0xffff, v4  }
0x48: {  	[tilespmem:v12+s10+$0x0] =	vst.idx.add.s32.msk $0xffff, v4  }
0x49: {  	[tilespmem:v6+s10+$0x0] =	vst.idx.add.s32.msk $0xffff, v4  }
0x4a: {  	[tilespmem:v7+s10+$0x0] =	vst.idx.add.s32.msk $0xffff, v4  }
0x4b: {  	v6 =	vld [tilespmem:s21+$0xFFFFF7F8]  }
0x4c: {  	v7 =	vld [tilespmem:s21+$0xFFFFF8F9]  }
0x4d: {  	v8 =	vld [tilespmem:s21+$0xFFFFF9FA]  }
0x4e: {  	v9 =	vld [tilespmem:s21+$0xFFFFFAFB]  }
0x4f: {  	v10 =	vld [tilespmem:s21+$0xFFFFFBFC]  }
0x50: {  	v11 =	vld [tilespmem:s21+$0xFFFFFCFD]  }
0x51: {  	v12 =	vld [tilespmem:s21+$0xFFFFFDFE];
	v6 =	vadd.s32 v6, v7  }
0x52: {  	v7 =	vld [tilespmem:s21+$0xFFFFFEFF];
	v6 =	vadd.s32 v8, v6  }
0x53: {  	v8 =	vld [tilespmem:s21+$0x0];
	v6 =	vadd.s32 v9, v6  }
0x54: {  	v9 =	vld [tilespmem:s21+$0x101];
	v6 =	vadd.s32 v10, v6  }
0x55: {  	v10 =	vld [tilespmem:s21+$0x202];
	v6 =	vadd.s32 v11, v6  }
0x56: {  	v11 =	vld [tilespmem:s21+$0x303];
	v6 =	vadd.s32 v12, v6  }
0x57: {  	v12 =	vld [tilespmem:s21+$0x404];
	v6 =	vadd.s32 v7, v6  }
0x58: {  	v7 =	vld [tilespmem:s21+$0x505];
	v6 =	vadd.s32 v8, v6  }
0x59: {  	v8 =	vld [tilespmem:s21+$0x606];
	v6 =	vadd.s32 v9, v6  }
0x5a: {  	v9 =	vld [tilespmem:s21+$0x707];
	v6 =	vadd.s32 v10, v6  }
0x5b: {  	v6 =	vadd.s32 v11, v6  }
0x5c: {  	v6 =	vadd.s32 v12, v6  }
0x5d: {  	v6 =	vadd.s32 v7, v6  }
0x5e: {  	v6 =	vadd.s32 v8, v6  }
0x5f: {  	v6 =	vadd.s32 v9, v6  }
0x60: {  	s0 =	simm.s32 $0x188E8;
	[tilespmem:s20+$0x0] =	vst v6;
	(xrf0) =	vadd.scan.msk.s32 $0xffff, v6  }
0x61: {  	v6 =	vld [tilespmem:s0+$0xFFFFF7F8]  }
0x62: {  	v7 =	vld [tilespmem:s0+$0xFFFFF8F9]  }
0x63: {  	v8 =	vld [tilespmem:s0+$0xFFFFF9FA]  }
0x64: {  	v9 =	vld [tilespmem:s0+$0xFFFFFAFB]  }
0x65: {  	v10 =	vld [tilespmem:s0+$0xFFFFFBFC]  }
0x66: {  	v11 =	vld [tilespmem:s0+$0xFFFFFCFD];
	v12, _, _ =	vpop (xrf0)  }
0x67: {  	v13 =	vld [tilespmem:s0+$0xFFFFFDFE];
	v6 =	vadd.s32 v6, v7;
	(v2sf) =	vpush v12, $0xF  }
0x68: {  	v7 =	vld [tilespmem:s0+$0xFFFFFEFF];
	v6 =	vadd.s32 v8, v6  }
0x69: {  	v8 =	vld [tilespmem:s0+$0x0];
	v6 =	vadd.s32 v9, v6  }
0x6a: {  	v9 =	vld [tilespmem:s0+$0x101];
	v6 =	vadd.s32 v10, v6  }
0x6b: {  	v10 =	vld [tilespmem:s0+$0x202];
	v6 =	vadd.s32 v11, v6  }
0x6c: {  	v11 =	vld [tilespmem:s0+$0x303];
	v6 =	vadd.s32 v13, v6  }
0x6d: {  	v12 =	vld [tilespmem:s0+$0x404];
	v6 =	vadd.s32 v7, v6  }
0x6e: {  	v7 =	vld [tilespmem:s0+$0x505];
	v6 =	vadd.s32 v8, v6  }
0x6f: {  	v8 =	vld [tilespmem:s0+$0x606];
	v6 =	vadd.s32 v9, v6  }
0x70: {  	v9 =	vld [tilespmem:s0+$0x707];
	v6 =	vadd.s32 v10, v6  }
0x71: {  	v6 =	vadd.s32 v11, v6  }
0x72: {  	v6 =	vadd.s32 v12, v6  }
0x73: {  	v6 =	vadd.s32 v7, v6  }
0x74: {  	v6 =	vadd.s32 v8, v6  }
0x75: {  	s20 =	simm.s32 $0x19160;
	v6 =	vadd.s32 v9, v6  }
0x76: {  	s24 =	simm.s32 $0x188D8;
	[tilespmem:s20+$0x0] =	vst v6;
	(xrf0) =	vadd.scan.msk.s32 $0xffff, v6;
	s25 =	spop (v2sf)  }
0x77: {  	p1 =	por $0x1, $0x1;
	v6 =	vld [tilespmem:s24+$0xFFFFF7F8];
	p2 =	sge.s32 s25, $0x667  }
0x78: {  	v9 =	vld [tilespmem:s24+$0xFFFFF8F9];
	p2 =	por !p1, !p2  }
0x79: {  	s22 =	simm.s32 $0x0;
	s23 =	simm.s32 $0xE;
	v7 =	vld [tilespmem:s24+$0xFFFFF9FA];
	p2 =	por !p2, !p2  }
0x7a: {  	s21 =	simm.s32 $0x0;
	s0 =	simm.s32 $0xC;
	v8 =	vld [tilespmem:s24+$0xFFFFFAFB];
	p3 =	por !p2, !p2  }
0x7b: {  	v10 =	vld [tilespmem:s24+$0xFFFFFBFC];
	s21 =	smov.u32 @p2 s19;
	s19 =	simm.s32 $0xD;
	p3 =	por @!p1 p2, p2  }
0x7c: {  	v11 =	vld [tilespmem:s24+$0xFFFFFCFD];
	s17 =	smov.u32 @p2 s18;
	s22 =	simm.s32 @p2 $0x1;
	v12, _, _ =	vpop (xrf0);
	s25 =	simm.s32 @!p3 $0x0  }
.LBB2_7:
0x7d: {  	p1 =	sne.s32 s0, $0x0  }
0x7e: {  	v13 =	vld [tilespmem:s24+$0xFFFFFDFE];
	v6 =	vadd.s32 v6, v9;
	(v2sf) =	vpush v12, $0xF;
	s18 =	ssub.s32 s18, s25;
	s1 =	smov.u32 s0;
	s0 =	sadd.s32 $0xFFFFFFFF, s0  }
0x7f: {  	v9 =	vld [tilespmem:s24+$0xFFFFFEFF];
	v6 =	vadd.s32 v7, v6  }
0x80: {  	v7 =	vld [tilespmem:s24+$0x0];
	v6 =	vadd.s32 v8, v6  }
0x81: {  	v8 =	vld [tilespmem:s24+$0x101];
	v6 =	vadd.s32 v10, v6  }
0x82: {  	v10 =	vld [tilespmem:s24+$0x202];
	v6 =	vadd.s32 v11, v6  }
0x83: {  	v11 =	vld [tilespmem:s24+$0x303];
	v6 =	vadd.s32 v13, v6  }
0x84: {  	v12 =	vld [tilespmem:s24+$0x404];
	v6 =	vadd.s32 v9, v6  }
0x85: {  	v9 =	vld [tilespmem:s24+$0x505];
	v6 =	vadd.s32 v7, v6  }
0x86: {  	v7 =	vld [tilespmem:s24+$0x606];
	v6 =	vadd.s32 v8, v6  }
0x87: {  	v8 =	vld [tilespmem:s24+$0x707];
	v6 =	vadd.s32 v10, v6  }
0x88: {  	v6 =	vadd.s32 v11, v6  }
0x89: {  	v6 =	vadd.s32 v12, v6  }
0x8a: {  	v6 =	vadd.s32 v9, v6  }
0x8b: {  	v6 =	vadd.s32 v7, v6  }
0x8c: {  	s20 =	sadd.s32 $0xFFFFFFF0, s20;
	v6 =	vadd.s32 v8, v6  }
0x8d: {  	s24 =	sadd.s32 $0xFFFFFFF0, s24;
	[tilespmem:s20+$0x0] =	vst v6;
	(xrf0) =	vadd.scan.msk.s32 $0xffff, v6;
	s25 =	spop (v2sf)  }
0x8e: {  	p2 =	seq.s32 s22, $0x0;
	v6 =	vld [tilespmem:s24+$0xFFFFF7F8];
	p3 =	sge.s32 s25, s18  }
.Ltmp2:
0x8f: {  	v9 =	vld [tilespmem:s24+$0xFFFFF8F9];
	p3 =	por !p2, !p3;
	(pc) =	sbr.rel @p1 .LBB2_7-.Ltmp2, $4  }
0x90: {  	v7 =	vld [tilespmem:s24+$0xFFFFF9FA];
	p3 =	por !p3, !p3  }
0x91: {  	v8 =	vld [tilespmem:s24+$0xFFFFFAFB];
	s21 =	smov.u32 @p3 s23;
	s17 =	smov.u32 @p3 s18;
	p4 =	por !p3, !p3  }
0x92: {  	s22 =	simm.s32 @p3 $0x1;
	s23 =	smov.u32 s19;
	v10 =	vld [tilespmem:s24+$0xFFFFFBFC];
	p4 =	por @!p2 p3, p3  }
0x93: {  	s19 =	smov.u32 s1;
	v11 =	vld [tilespmem:s24+$0xFFFFFCFD];
	v12, _, _ =	vpop (xrf0);
	s25 =	simm.s32 @!p4 $0x0  }
0x94: {  	v13 =	vld [tilespmem:s24+$0xFFFFFDFE];
	v6 =	vadd.s32 v6, v9  }
0x95: {  	v9 =	vld [tilespmem:s24+$0xFFFFFEFF];
	v6 =	vadd.s32 v7, v6  }
0x96: {  	v7 =	vld [tilespmem:s24+$0x0];
	v6 =	vadd.s32 v8, v6  }
0x97: {  	v8 =	vld [tilespmem:s24+$0x101];
	v6 =	vadd.s32 v10, v6  }
0x98: {  	v10 =	vld [tilespmem:s24+$0x202];
	v6 =	vadd.s32 v11, v6  }
0x99: {  	v11 =	vld [tilespmem:s24+$0x303];
	v6 =	vadd.s32 v13, v6  }
0x9a: {  	v13 =	vld [tilespmem:s24+$0x404];
	v6 =	vadd.s32 v9, v6  }
0x9b: {  	v9 =	vld [tilespmem:s24+$0x505];
	v6 =	vadd.s32 v7, v6  }
0x9c: {  	v7 =	vld [tilespmem:s24+$0x606];
	v6 =	vadd.s32 v8, v6  }
0x9d: {  	v8 =	vld [tilespmem:s24+$0x707];
	v6 =	vadd.s32 v10, v6  }
0x9e: {  	v6 =	vadd.s32 v11, v6  }
0x9f: {  	v6 =	vadd.s32 v13, v6  }
0xa0: {  	v6 =	vadd.s32 v9, v6  }
0xa1: {  	v6 =	vadd.s32 v7, v6  }
0xa2: {  	v6 =	vadd.s32 v8, v6  }
0xa3: {  	(v2sf) =	vpush v12, $0xF;
	(xrf0) =	vadd.scan.msk.s32 $0xffff, v6;
	_ =	sdelay $0x5  }
0xa4: {  	v7, _, _ =	vpop (xrf0)  }
0xa5: {  	(v2sf) =	vpush v7, $0xF;
	_ =	sdelay $0x7  }
0xa6: {  	s1 =	ssub.s32 s18, s25;
	s0 =	spop (v2sf)  }
0xa7: {  	p2 =	seq.s32 s22, $0x0;
	p1 =	sge.s32 s0, s1  }
0xa8: {  	p1 =	por !p2, !p1  }
0xa9: {  	p1 =	por !p1, !p1  }
0xaa: {  	p3 =	por !p1, !p1  }
0xab: {  	p3 =	por @!p2 p1, p1  }
0xac: {  	s0 =	simm.s32 @!p3 $0x0  }
0xad: {  	s22 =	simm.s32 @p1 $0x1;
	s0 =	ssub.s32 s1, s0;
	s13 =	spop (v2sf)  }
0xae: {  	p5 =	seq.s32 s22, $0x0;
	p6 =	sge.s32 s13, s0  }
0xaf: {  	p2 =	por !p5, !p6  }
0xb0: {  	s21 =	smov.u32 @p1 s23;
	p2 =	por !p2, !p2  }
0xb1: {  	s28 =	sadd.s32 $0xFFFFFFF0, s20;
	s21 =	smov.u32 @p2 s19  }
0xb2: {  	[tilespmem:s28+$0x0] =	vst v6;
	s29 =	sshll.u32 s21, $0x4  }
0xb3: {  	v6 =	vld [tilespmem:s29+$0x19080];
	_ =	sdelay $0x4  }
0xb4: {  	v6 =	vperm.xlane v6, v5;
	_ =	sdelay $0x1  }
0xb5: {  	(xrf0) =	vadd.scan.msk.s32 $0xffff, v6;
	_ =	sdelay $0x4  }
0xb6: {  	s17 =	smov.u32 @p1 s1  }
0xb7: {  	s17 =	smov.u32 @p2 s0;
	v7, _, _ =	vpop (xrf0)  }
0xb8: {  	vm0 =	vge.s32 v7, s17  }
0xb9: {  	v8 =	vmctz.xlane vm0;
	_ =	sdelay $0x1  }
0xba: {  	v8 =	vxor.u32 $0x80000000, v8  }
0xbb: {  	(xrf0) =	vmax.scan.msk.u32 $0xffff, v8;
	_ =	sdelay $0x5  }
0xbc: {  	v8, _, _ =	vpop (xrf0)  }
0xbd: {  	(v2sf) =	vpush v8, $0xF;
	_ =	sdelay $0x4  }
0xbe: {  	s30 =	simm.s32 $0x40  }
0xbf: {  	v11 =	vld [tilespmem:s30+$0x30]  }
0xc0: {  	v12 =	vld [tilespmem:s30+$0x0]  }
0xc1: {  	v9 =	vld [tilespmem:s30+$0x20]  }
0xc2: {  	v14 =	vld [tilespmem:s30+$0xFFFFFFF0]  }
0xc3: {  	v15 =	vld [tilespmem:s30+$0xFFFFFFC0]  }
0xc4: {  	v17 =	vld [tilespmem:s30+$0xFFFFFFE0]  }
0xc5: {  	v8 =	vld [tilespmem:s30+$0xFFFFFFD0]  }
0xc6: {  	v18 =	vld [tilespmem:s30+$0x10];
	_ =	sdelay $0x1  }
0xc7: {  	v22 =	vimm.s32 $0x0;
	vm2 =	vlt.s32 v12, $0x0;
	vm3 =	vlt.s32 v9, $0x0;
	s31 =	spop (v2sf)  }
0xc8: {  	v16 =	vxor.u32 $0x7FFFFFFF, v11;
	vm4 =	vlt.s32 v14, $0x0;
	v20 =	vxor.u32 $0x7FFFFFFF, v14;
	s18 =	sxor.u32 $0x80000000, s31  }
0xc9: {  	v21 =	vxor.u32 $0x7FFFFFFF, v15;
	vm0 =	vlt.s32 v8, $0x0;
	v10 =	vxor.u32 $0x7FFFFFFF, v8;
	s1 =	ssub.s32 s29, s18  }
0xca: {  	v24 =	vxor.u32 $0x7FFFFFFF, v17;
	v25 =	vxor.u32 $0x7FFFFFFF, v18;
	v13 =	vsel vm0, v10, v8;
	s20 =	sadd.s32 $0xFFFFFF8F, s1  }
0xcb: {  	vm6 =	vlt.s32 v18, $0x0;
	v8 =	vshra.s32 v13, $0x18;
	v10 =	vmov s20  }
0xcc: {  	v14 =	vsel vm4, v20, v14;
	vm1 =	veq.s32 v8, v10;
	v8 =	vxor.u32 $0x7FFFFFFF, v9  }
0xcd: {  	vm0 =	vlt.s32 v11, $0x0;
	v19 =	vsel vm1, $0x1, v2;
	v9 =	vsel vm3, v8, v9  }
0xce: {  	v8 =	vsel vm0, v16, v11;
	vm0 =	vlt.s32 v15, $0x0;
	v23 =	vmpcnt.ones.xlane vm1  }
0xcf: {  	vm3 =	vlt.s32 v17, $0x0;
	v11 =	vxor.u32 $0x7FFFFFFF, v12;
	v26 =	vshra.s32 v8, $0x18  }
0xd0: {  	v16 =	vsel vm0, v21, v15;
	v21 =	vshra.s32 v9, $0x18;
	(xrf0) =	vadd.scan.msk.s32 $0xffff, v19;
	v11 =	vsel vm2, v11, v12  }
0xd1: {  	v15 =	vsel vm3, v24, v17;
	v12 =	vsel vm6, v25, v18;
	v19 =	vshra.s32 v16, $0x18  }
0xd2: {  	v17 =	vshra.s32 v11, $0x18;
	v18 =	vshra.s32 v15, $0x18;
	vm5 =	veq.s32 v19, v10  }
0xd3: {  	vm4 =	veq.s32 v21, v10;
	v19 =	vsel vm5, $0x1, v2;
	v20 =	vmpcnt.ones.xlane vm5  }
0xd4: {  	vm6 =	veq.s32 v26, v10;
	vm3 =	veq.s32 v18, v10;
	v18 =	vshra.s32 v14, $0x18;
	(xrf0) =	vadd.scan.msk.s32 $0xffff, v19  }
0xd5: {  	v21 =	vmpcnt.ones.xlane vm3;
	vm2 =	veq.s32 v18, v10;
	v19 =	vadd.s32 v22, v20  }
0xd6: {  	vm0 =	veq.s32 v17, v10;
	v18 =	vmpcnt.ones.xlane vm2;
	v17, _, _ =	vpop (xrf0);
	v20 =	vadd.s32 v19, v23  }
0xd7: {  	v24 =	vsel vm4, $0x1, v2;
	v17 =	vadd.s32 v17, v19;
	v19 =	vadd.s32 v20, v21  }
0xd8: {  	(xrf0) =	vadd.scan.msk.s32 $0xffff, v24;
	v21 =	vadd.s32 $0xFFFFFFFF, v17;
	v17 =	vadd.s32 v19, v18;
	v18 =	vsel vm6, $0x1, v2  }
0xd9: {  	v28 =	vshra.s32 v12, $0x18;
	v25 =	vsel vm3, $0x1, v2;
	v24 =	vmpcnt.ones.xlane vm0;
	(xrf0) =	vadd.scan.msk.s32 $0xffff, v18  }
0xda: {  	vm7 =	veq.s32 v28, v10;
	v26 =	vsel vm0, $0x1, v2;
	v27 =	vsel vm2, $0x1, v2;
	v29, _, _ =	vpop (xrf0);
	(xrf0) =	vadd.scan.msk.s32 $0xffff, v25  }
0xdb: {  	v23 =	vmpcnt.ones.xlane vm4;
	v18 =	vadd.s32 v17, v24;
	v22 =	vadd.s32 v29, v22;
	(xrf0) =	vadd.scan.msk.s32 $0xffff, v27  }
0xdc: {  	s19 =	simm.s32 $0x0;
	s21 =	simm.s32 $0xC0;
	v24 =	vsel vm7, $0x1, v2;
	v25 =	vmpcnt.ones.xlane vm7;
	v22 =	vadd.s32 $0xFFFFFFFF, v22;
	(xrf0) =	vadd.scan.msk.s32 $0xffff, v26  }
.LBB2_9:
0xdd: {  	v26 =	vld [tilespmem:s21+$0xFFFFFFD0];
	s19 =	sadd.s32 $0x8, s19;
	[tilespmem:v21+s11+$0x0] =	vst.idx.msk vm1, v13  }
0xde: {  	v21 =	vld [tilespmem:s21+$0x30];
	p1 =	slt.u32 s19, $0x7F8;
	v31 =	vadd.s32 v18, v25;
	v25 =	vmpcnt.ones.xlane vm6;
	v27, _, _ =	vpop (xrf0)  }
0xdf: {  	v28 =	vld [tilespmem:s21+$0x0];
	v27 =	vadd.s32 v27, v31;
	v30 =	vadd.s32 v31, v23;
	v23, _, _ =	vpop (xrf0)  }
0xe0: {  	v29 =	vld [tilespmem:s21+$0x20];
	v27 =	vadd.s32 $0xFFFFFFFF, v27;
	v23 =	vadd.s32 v23, v30;
	v25 =	vadd.s32 v30, v25;
	v13, _, _ =	vpop (xrf0)  }
0xe1: {  	v30 =	vld [tilespmem:s21+$0x10];
	[tilespmem:v22+s11+$0x0] =	vst.idx.msk vm5, v16;
	v16 =	vadd.s32 v13, v20;
	v20 =	vadd.s32 $0xFFFFFFFF, v23;
	v13, _, _ =	vpop (xrf0);
	(xrf0) =	vadd.scan.msk.s32 $0xffff, v24  }
0xe2: {  	vm1 =	vlt.s32 v26, $0x0;
	v22 =	vxor.u32 $0x7FFFFFFF, v26;
	v23 =	vld [tilespmem:s21+$0xFFFFFFF0];
	v19 =	vadd.s32 v13, v19;
	v24, _, _ =	vpop (xrf0)  }
0xe3: {  	v31 =	vld [tilespmem:s21+$0xFFFFFFC0];
	v13 =	vsel vm1, v22, v26;
	vm8 =	vlt.s32 v21, $0x0;
	v19 =	vadd.s32 $0xFFFFFFFF, v19  }
0xe4: {  	v17 =	vadd.s32 v24, v17;
	v22 =	vshra.s32 v13, $0x18;
	vm5 =	vlt.s32 v28, $0x0  }
0xe5: {  	v16 =	vadd.s32 $0xFFFFFFFF, v16;
	vm1 =	veq.s32 v22, v10;
	v22 =	vld [tilespmem:s21+$0xFFFFFFE0];
	vm9 =	vlt.s32 v29, $0x0;
	[tilespmem:v27+s11+$0x0] =	vst.idx.msk vm4, v9  }
0xe6: {  	v26 =	vxor.u32 $0x7FFFFFFF, v21;
	v9 =	vxor.u32 $0x7FFFFFFF, v29;
	v24 =	vsel vm1, $0x1, v2;
	[tilespmem:v20+s11+$0x0] =	vst.idx.msk vm6, v8  }
0xe7: {  	v9 =	vsel vm9, v9, v29;
	vm4 =	vlt.s32 v23, $0x0;
	v20 =	vxor.u32 $0x7FFFFFFF, v23;
	v27, _, _ =	vpop (xrf0)  }
0xe8: {  	v8 =	vsel vm8, v26, v21;
	v29 =	vxor.u32 $0x7FFFFFFF, v31;
	v18 =	vadd.s32 v27, v18  }
0xe9: {  	v21 =	vmpcnt.ones.xlane vm1;
	vm6 =	vlt.s32 v31, $0x0;
	v18 =	vadd.s32 $0xFFFFFFFF, v18  }
0xea: {  	v17 =	vadd.s32 $0xFFFFFFFF, v17;
	v27 =	vxor.u32 $0x7FFFFFFF, v30;
	v26 =	vxor.u32 $0x7FFFFFFF, v22;
	[tilespmem:v16+s11+$0x0] =	vst.idx.msk vm3, v15  }
0xeb: {  	vm8 =	vlt.s32 v30, $0x0;
	v32 =	vshra.s32 v8, $0x18;
	vm3 =	vlt.s32 v22, $0x0  }
0xec: {  	v16 =	vsel vm6, v29, v31;
	v29 =	vxor.u32 $0x7FFFFFFF, v28;
	v31 =	vshra.s32 v9, $0x18;
	(xrf0) =	vadd.scan.msk.s32 $0xffff, v24  }
0xed: {  	v15 =	vsel vm3, v26, v22;
	v22 =	vsel vm5, v29, v28;
	v24 =	vshra.s32 v16, $0x18;
	[tilespmem:v19+s11+$0x0] =	vst.idx.msk vm2, v14  }
0xee: {  	vm5 =	veq.s32 v24, v10;
	v19 =	vshra.s32 v22, $0x18;
	[tilespmem:v18+s11+$0x0] =	vst.idx.msk vm7, v12;
	v12 =	vsel vm8, v27, v30  }
0xef: {  	v14 =	vsel vm4, v20, v23;
	vm4 =	veq.s32 v31, v10;
	v18 =	vshra.s32 v15, $0x18;
	[tilespmem:v17+s11+$0x0] =	vst.idx.msk vm0, v11  }
0xf0: {  	v20 =	vmpcnt.ones.xlane vm5;
	v23 =	vsel vm4, $0x1, v2;
	v17 =	vsel vm5, $0x1, v2;
	v11 =	vmovc v22  }
0xf1: {  	vm3 =	veq.s32 v18, v10;
	v22 =	vshra.s32 v14, $0x18;
	vm0 =	veq.s32 v19, v10;
	(xrf0) =	vadd.scan.msk.s32 $0xffff, v17  }
0xf2: {  	v19 =	vmpcnt.ones.xlane vm3;
	vm2 =	veq.s32 v22, v10;
	v17 =	vadd.s32 v25, v20;
	v18, _, _ =	vpop (xrf0)  }
0xf3: {  	v20 =	vadd.s32 v17, v21;
	v18 =	vadd.s32 v18, v17;
	v17 =	vmpcnt.ones.xlane vm2  }
0xf4: {  	vm6 =	veq.s32 v32, v10;
	v19 =	vadd.s32 v20, v19;
	v21 =	vadd.s32 $0xFFFFFFFF, v18  }
.Ltmp3:
0xf5: {  	v22 =	vsel vm6, $0x1, v2;
	v18 =	vmpcnt.ones.xlane vm0;
	v17 =	vadd.s32 v19, v17;
	(xrf0) =	vadd.scan.msk.s32 $0xffff, v23;
	(pc) =	sbr.rel @p1 .LBB2_9-.Ltmp3, $4  }
0xf6: {  	v24 =	vsel vm3, $0x1, v2;
	v26 =	vsel vm0, $0x1, v2;
	v23 =	vmpcnt.ones.xlane vm4;
	(xrf0) =	vadd.scan.msk.s32 $0xffff, v22  }
0xf7: {  	v27 =	vshra.s32 v12, $0x18;
	v22 =	vsel vm2, $0x1, v2;
	v18 =	vadd.s32 v17, v18;
	v28, _, _ =	vpop (xrf0);
	(xrf0) =	vadd.scan.msk.s32 $0xffff, v24  }
0xf8: {  	vm7 =	veq.s32 v27, v10;
	v24 =	vadd.s32 v28, v25;
	(xrf0) =	vadd.scan.msk.s32 $0xffff, v22  }
0xf9: {  	s21 =	sadd.s32 $0x80, s21;
	v25 =	vmpcnt.ones.xlane vm7;
	v22 =	vadd.s32 $0xFFFFFFFF, v24;
	v24 =	vsel vm7, $0x1, v2;
	(xrf0) =	vadd.scan.msk.s32 $0xffff, v26  }
0xfa: {  	(xrf0) =	vadd.scan.msk.s32 $0xffff, v24  }
0xfb: {  	v10, _, _ =	vpop (xrf0)  }
0xfc: {  	v54 =	vadd.s32 v18, v25;
	v55, _, _ =	vpop (xrf0)  }
0xfd: {  	v10 =	vadd.s32 v10, v54;
	v23 =	vadd.s32 v54, v23;
	v56, _, _ =	vpop (xrf0)  }
0xfe: {  	v10 =	vadd.s32 $0xFFFFFFFF, v10;
	v25 =	vadd.s32 v55, v23;
	v26, _, _ =	vpop (xrf0)  }
0xff: {  	v20 =	vadd.s32 v56, v20;
	v57 =	vadd.s32 $0xFFFFFFFF, v25;
	v58, _, _ =	vpop (xrf0)  }
0x100: {  	v19 =	vadd.s32 v26, v19;
	v20 =	vadd.s32 $0xFFFFFFFF, v20;
	v59, _, _ =	vpop (xrf0)  }
0x101: {  	[tilespmem:v21+s11+$0x0] =	vst.idx.msk vm1, v13;
	v60 =	vadd.s32 $0xFFFFFFFF, v19;
	v61 =	vadd.s32 v59, v18  }
0x102: {  	[tilespmem:v22+s11+$0x0] =	vst.idx.msk vm5, v16;
	v62 =	vadd.s32 v58, v17;
	v63 =	vadd.s32 $0xFFFFFFFF, v61  }
0x103: {  	[tilespmem:v10+s11+$0x0] =	vst.idx.msk vm4, v9;
	v9 =	vadd.s32 $0xFFFFFFFF, v62  }
0x104: {  	[tilespmem:v57+s11+$0x0] =	vst.idx.msk vm6, v8  }
0x105: {  	[tilespmem:v20+s11+$0x0] =	vst.idx.msk vm3, v15  }
0x106: {  	[tilespmem:v60+s11+$0x0] =	vst.idx.msk vm2, v14  }
0x107: {  	[tilespmem:v63+s11+$0x0] =	vst.idx.msk vm7, v12  }
0x108: {  	s0 =	simm.s32 $0x18040;
	[tilespmem:v9+s11+$0x0] =	vst.idx.msk vm0, v11  }
0x109: {  	[tilespmem:s0+$0xFFFFFFC0] =	vst v2  }
0x10a: {  	[tilespmem:s0+$0x30] =	vst v2  }
0x10b: {  	[tilespmem:s0+$0x20] =	vst v2  }
0x10c: {  	[tilespmem:s0+$0x10] =	vst v2  }
0x10d: {  	v8 =	vmpcnt.ones.xlane vm6;
	[tilespmem:s0+$0x0] =	vst v2  }
0x10e: {  	[tilespmem:s0+$0xFFFFFFF0] =	vst v2  }
0x10f: {  	s1 =	simm.s32 $0x0;
	v8 =	vadd.s32 v23, v8;
	[tilespmem:s0+$0xFFFFFFE0] =	vst v2  }
.LBB2_11:
0x110: {  	s1 =	sadd.s32 $0x8, s1;
	[tilespmem:s0+$0xFFFFFFD0] =	vst v2;
	s0 =	sadd.s32 $0x80, s0  }
0x111: {  	[tilespmem:s0+$0xFFFFFFC0] =	vst v2;
	p1 =	slt.u32 s1, $0x100  }
0x112: {  	[tilespmem:s0+$0x30] =	vst v2  }
.Ltmp4:
0x113: {  	[tilespmem:s0+$0x20] =	vst v2;
	(pc) =	sbr.rel @p1 .LBB2_11-.Ltmp4, $4  }
0x114: {  	[tilespmem:s0+$0x10] =	vst v2  }
0x115: {  	[tilespmem:s0+$0x0] =	vst v2  }
0x116: {  	[tilespmem:s0+$0xFFFFFFF0] =	vst v2  }
0x117: {  	[tilespmem:s0+$0xFFFFFFE0] =	vst v2  }
0x118: {  	v9 =	vmov s18  }
0x119: {  	v6 =	vsub.s32 v7, v6;
	vm0 =	veq.s32 v9, v0  }
0x11a: {  	v6 =	vnsel vm0, $0x0, v6  }
0x11b: {  	(xrf0) =	vadd.scan.msk.s32 $0xffff, v6;
	v6 =	vxor.u32 $0x80000000, v8  }
0x11c: {  	(xrf0) =	vmax.scan.msk.u32 $0xffff, v6;
	_ =	sdelay $0x4  }
0x11d: {  	v6, _, _ =	vpop (xrf0)  }
0x11e: {  	(v2sf) =	vpush v6, $0xF;
	v6, _, _ =	vpop (xrf0)  }
0x11f: {  	(v2sf) =	vpush v6, $0xF;
	_ =	sdelay $0xd  }
0x120: {  	s22 =	spop (v2sf)  }
0x121: {  	s1 =	spop (v2sf)  }
0x122: {  	s13 =	sadd.s32 $0x8000000F, s1  }
0x123: {  	s30 =	sand.u32 $0xF, s13  }
0x124: {  	s31 =	sshra.s32 s13, $0x1F;
	p2 =	slt.s32 s13, $0x1;
	p1 =	sne.s32 s30, $0x0  }
0x125: {  	s18 =	sshrl.u32 s31, $0x1C;
	p1 =	por !p2, !p1  }
0x126: {  	s13 =	sadd.s32 s18, s13;
	s18 =	simm.s32 $0x1;
	p1 =	por !p1, !p1  }
0x127: {  	s13 =	sshra.s32 s13, $0x4;
	s18 =	simm.s32 @!p1 $0x0  }
0x128: {  	s18 =	ssub.s32 s13, s18  }
0x129: {  	s13 =	sshrl.u32 s18, $0x1D  }
0x12a: {  	s13 =	sadd.s32 s13, s18  }
0x12b: {  	s19 =	sand.u32 $0xFFFFFFF8, s13  }
0x12c: {  	p1 =	slt.s32 s19, $0x1  }
.Ltmp5:
0x12d: {  	_ = 	snop;
	(pc) =	sbr.rel @p1 .LBB2_16-.Ltmp5, $3  }
0x12e: {  	_ =	sdelay $0x1  }
0x12f: {  	s1 =	sxor.u32 $0x80000000, s1  }
0x130: {  	[tilespmem:s0+$0xFFFFFFD0] =	vst v2;
	v6 =	vmov s1  }
0x131: {  	s0 =	simm.s32 $0x10040  }
0x132: {  	v13 =	vld [tilespmem:s0+$0x0]  }
0x133: {  	v14 =	vld [tilespmem:s0+$0x30]  }
0x134: {  	v15 =	vld [tilespmem:s0+$0x20]  }
0x135: {  	s1 =	simm.s32 $0x50;
	v9 =	vld [tilespmem:s0+$0xFFFFFFC0]  }
0x136: {  	s21 =	simm.s32 $0x70;
	s13 =	simm.s32 $0x20;
	s24 =	simm.s32 $0x10;
	v10 =	vor.u32 s1, v0;
	v16 =	vld [tilespmem:s0+$0xFFFFFFD0]  }
0x137: {  	s23 =	simm.s32 $0x0;
	s30 =	simm.s32 $0x60;
	v11 =	vor.u32 s24, v0;
	v12 =	vor.u32 s13, v0;
	v17 =	vor.u32 s21, v0  }
0x138: {  	v8 =	vor.u32 s23, v0;
	v20 =	vor.u32 s30, v0;
	vm0 =	vlt.s32 v17, v6  }
0x139: {  	p2 =	sgt.s32 s19, $0x8;
	v18 =	vshrl.u32 v13, $0x10;
	v13 =	vshrl.u32 v14, $0x10;
	v14 =	vshrl.u32 v15, $0x10  }
.Ltmp6:
0x13a: {  	v9 =	vshrl.u32 v9, $0x10;
	v15 =	vand.u32 $0xFF, v13;
	v14 =	vand.u32 $0xFF, v14;
	(pc) =	sbr.rel @!p2 .LBB2_15-.Ltmp6, $4  }
0x13b: {  	v19 =	vand.u32 $0xFF, v18;
	v18 =	vld [tilespmem:s0+$0xFFFFFFE0];
	v17 =	vadd.s32 v1, v15;
	v15 =	vshrl.u32 v16, $0x10  }
0x13c: {  	s29 =	simm.s32 $0x30;
	v16 =	vadd.s32 v1, v14;
	v14 =	vand.u32 $0xFF, v15;
	v15 =	vadd.s32 v1, v19;
	v19 =	vld [tilespmem:s0+$0x10]  }
0x13d: {  	s31 =	simm.s32 $0x40;
	v7 =	vor.u32 s29, v0;
	vm1 =	vlt.s32 v20, v6;
	v9 =	vand.u32 $0xFF, v9;
	v13 =	vld [tilespmem:s0+$0xFFFFFFF0]  }
0x13e: {  	s23 =	simm.s32 $0x8;
	s24 =	simm.s32 $0x100C0;
	v20 =	vor.u32 s31, v0;
	v9 =	vadd.s32 v1, v9;
	v14 =	vadd.s32 v1, v14  }
.LBB2_14:
0x13f: {  	v21 =	vld [tilespmem:s24+$0xFFFFFFC0];
	s23 =	sadd.s32 $0x8, s23;
	vm5 =	vlt.s32 v20, v6;
	s21 =	sadd.s32 $0x80, s21  }
0x140: {  	vm2 =	vlt.s32 v11, v6;
	vm3 =	vlt.s32 v12, v6;
	vm4 =	vlt.s32 v10, v6;
	s0 =	sadd.s32 $0xFFFFFFB0, s21;
	v20 =	vld [tilespmem:s24+$0x0];
	s1 =	sadd.s32 $0xFFFFFFE0, s21;
	p2 =	slt.s32 s23, s19  }
0x141: {  	s13 =	sadd.s32 $0xFFFFFF90, s21;
	s25 =	sadd.s32 $0xFFFFFFA0, s21;
	s26 =	sadd.s32 $0xFFFFFFC0, s21;
	v11 =	vshrl.u32 v18, $0x10;
	v10 =	vor.u32 s1, v0;
	v12 =	vshrl.u32 v19, $0x10;
	[tilespmem:v17+s10+$0x0] =	vst.idx.add.s32.msk vm0, v4  }
0x142: {  	v13 =	vshrl.u32 v13, $0x10;
	v11 =	vand.u32 $0xFF, v11;
	v17 =	vld [tilespmem:s24+$0x30];
	v12 =	vand.u32 $0xFF, v12  }
0x143: {  	v13 =	vand.u32 $0xFF, v13;
	v18 =	vadd.s32 v1, v11;
	v19 =	vadd.s32 v1, v12;
	[tilespmem:v16+s10+$0x0] =	vst.idx.add.s32.msk vm1, v4  }
0x144: {  	v22 =	vadd.s32 v1, v13;
	v11 =	vor.u32 s25, v0;
	v12 =	vor.u32 s0, v0;
	v16 =	vld [tilespmem:s24+$0x20]  }
0x145: {  	v23 =	vor.u32 s13, v0;
	v24 =	vor.u32 s26, v0;
	[tilespmem:v15+s10+$0x0] =	vst.idx.add.s32.msk vm5, v4  }
0x146: {  	v15 =	vld [tilespmem:s24+$0xFFFFFFD0]  }
0x147: {  	vm6 =	vlt.s32 v8, v6;
	v8 =	vmovc v23;
	vm5 =	vlt.s32 v7, v6;
	v7 =	vmov v24;
	v13 =	vld [tilespmem:s24+$0xFFFFFFF0]  }
0x148: {  	v23 =	vor.u32 s21, v0;
	v21 =	vshrl.u32 v21, $0x10;
	v20 =	vshrl.u32 v20, $0x10;
	[tilespmem:v19+s10+$0x0] =	vst.idx.add.s32.msk vm4, v4  }
0x149: {  	s0 =	sadd.s32 $0xFFFFFFF0, s21;
	vm0 =	vlt.s32 v23, v6;
	v17 =	vshrl.u32 v17, $0x10;
	v19 =	vand.u32 $0xFF, v21;
	[tilespmem:v18+s10+$0x0] =	vst.idx.add.s32.msk vm3, v4  }
.Ltmp7:
0x14a: {  	v17 =	vand.u32 $0xFF, v17;
	v21 =	vadd.s32 v1, v19;
	v16 =	vshrl.u32 v16, $0x10;
	[tilespmem:v14+s10+$0x0] =	vst.idx.add.s32.msk vm2, v4;
	(pc) =	sbr.rel @p2 .LBB2_14-.Ltmp7, $4  }
0x14b: {  	v17 =	vadd.s32 v1, v17;
	v14 =	vor.u32 s0, v0;
	v16 =	vand.u32 $0xFF, v16;
	v18 =	vld [tilespmem:s24+$0xFFFFFFE0]  }
0x14c: {  	v20 =	vand.u32 $0xFF, v20;
	s0 =	sadd.s32 $0xFFFFFFD0, s21;
	v15 =	vshrl.u32 v15, $0x10;
	v16 =	vadd.s32 v1, v16;
	v19 =	vld [tilespmem:s24+$0x10]  }
0x14d: {  	vm1 =	vlt.s32 v14, v6;
	v23 =	vand.u32 $0xFF, v15;
	v15 =	vadd.s32 v1, v20;
	[tilespmem:v9+s10+$0x0] =	vst.idx.add.s32.msk vm6, v4  }
0x14e: {  	v20 =	vor.u32 s0, v0;
	s24 =	sadd.s32 $0x80, s24;
	v14 =	vadd.s32 v1, v23;
	v9 =	vmov v21;
	[tilespmem:v22+s10+$0x0] =	vst.idx.add.s32.msk vm5, v4  }
.LBB2_15:
0x14f: {  	_ = 	snop  }
0x150: {  	vm2 =	vlt.s32 v20, v6  }
0x151: {  	vm5 =	vlt.s32 v11, v6  }
0x152: {  	vm3 =	vlt.s32 v10, v6;
	vm14 =	vlt.s32 v8, v6;
	v60 =	vshrl.u32 v18, $0x10  }
0x153: {  	vm4 =	vlt.s32 v12, v6;
	v19 =	vshrl.u32 v19, $0x10;
	v10 =	vand.u32 $0xFF, v60  }
0x154: {  	[tilespmem:v17+s10+$0x0] =	vst.idx.add.s32.msk vm0, v4;
	v61 =	vand.u32 $0xFF, v19;
	v10 =	vadd.s32 v1, v10;
	v63 =	vshrl.u32 v13, $0x10  }
0x155: {  	[tilespmem:v16+s10+$0x0] =	vst.idx.add.s32.msk vm1, v4;
	vm15 =	vlt.s32 v7, v6;
	v62 =	vadd.s32 v1, v61;
	v8 =	vand.u32 $0xFF, v63  }
0x156: {  	v7 =	vadd.s32 v1, v8;
	[tilespmem:v15+s10+$0x0] =	vst.idx.add.s32.msk vm2, v4  }
0x157: {  	[tilespmem:v14+s10+$0x0] =	vst.idx.add.s32.msk vm5, v4  }
0x158: {  	[tilespmem:v9+s10+$0x0] =	vst.idx.add.s32.msk vm14, v4  }
0x159: {  	[tilespmem:v10+s10+$0x0] =	vst.idx.add.s32.msk vm4, v4  }
0x15a: {  	[tilespmem:v62+s10+$0x0] =	vst.idx.add.s32.msk vm3, v4  }
0x15b: {  	[tilespmem:v7+s10+$0x0] =	vst.idx.add.s32.msk vm15, v4  }
.LBB2_16:
0x15c: {  	s23 =	ssub.s32 s18, s19  }
0x15d: {  	p2 =	sgt.s32 s23, $0x0  }
.Ltmp8:
0x15e: {  	_ = 	snop;
	(pc) =	sbr.rel @!p2 .LBB2_17-.Ltmp8, $3  }
0x15f: {  	_ =	sdelay $0x1  }
0x160: {  	s0 =	sshll.u32 s19, $0x6  }
0x161: {  	s21 =	sshll.u32 s19, $0x4;
	s24 =	sshra.s32 s0, $0x2  }
0x162: {  	s0 =	sadd.s32 $0x10000, s24;
	s1 =	sshll.u32 s19, $0x4;
	s13 =	smov.u32 s19  }
.LBB2_96:
0x163: {  	v7 =	vld [tilespmem:s0+$0x0];
	_ =	sdelay $0x4  }
0x164: {  	v8 =	vor.u32 s1, v0;
	v7 =	vshrl.u32 v7, $0x10  }
0x165: {  	s13 =	sadd.s32 $0x1, s13;
	vm0 =	vlt.s32 v8, v6;
	v7 =	vand.u32 $0xFF, v7  }
0x166: {  	p2 =	slt.s32 s13, s18;
	v7 =	vadd.s32 v1, v7  }
.Ltmp9:
0x167: {  	_ = 	snop;
	(pc) =	sbr.rel @p2 .LBB2_96-.Ltmp9, $2  }
0x168: {  	_ =	sdelay $0x2  }
0x169: {  	s0 =	sadd.s32 $0x10, s0;
	s1 =	sadd.s32 $0x10, s1;
	[tilespmem:v7+s10+$0x0] =	vst.idx.add.s32.msk vm0, v4  }
.LBB2_17:
0x16a: {  	s1 =	simm.s32 $0x188F8  }
0x16b: {  	v7 =	vld [tilespmem:s1+$0xFFFFF7F8]  }
0x16c: {  	v8 =	vld [tilespmem:s1+$0xFFFFF8F9]  }
0x16d: {  	v9 =	vld [tilespmem:s1+$0xFFFFF9FA]  }
0x16e: {  	v10 =	vld [tilespmem:s1+$0xFFFFFAFB]  }
0x16f: {  	v11 =	vld [tilespmem:s1+$0xFFFFFBFC]  }
0x170: {  	v12 =	vld [tilespmem:s1+$0xFFFFFCFD]  }
0x171: {  	v13 =	vld [tilespmem:s1+$0xFFFFFDFE];
	v7 =	vadd.s32 v7, v8  }
0x172: {  	v8 =	vld [tilespmem:s1+$0xFFFFFEFF];
	v7 =	vadd.s32 v9, v7  }
0x173: {  	v9 =	vld [tilespmem:s1+$0x0];
	v7 =	vadd.s32 v10, v7  }
0x174: {  	v10 =	vld [tilespmem:s1+$0x101];
	v7 =	vadd.s32 v11, v7  }
0x175: {  	v11 =	vld [tilespmem:s1+$0x202];
	v7 =	vadd.s32 v12, v7  }
0x176: {  	v12 =	vld [tilespmem:s1+$0x303];
	v7 =	vadd.s32 v13, v7  }
0x177: {  	v13 =	vld [tilespmem:s1+$0x404];
	v7 =	vadd.s32 v8, v7  }
0x178: {  	v8 =	vld [tilespmem:s1+$0x505];
	v7 =	vadd.s32 v9, v7  }
0x179: {  	v9 =	vld [tilespmem:s1+$0x606];
	v7 =	vadd.s32 v10, v7  }
0x17a: {  	v10 =	vld [tilespmem:s1+$0x707];
	v7 =	vadd.s32 v11, v7  }
0x17b: {  	v7 =	vadd.s32 v12, v7  }
0x17c: {  	v7 =	vadd.s32 v13, v7  }
0x17d: {  	v7 =	vadd.s32 v8, v7  }
0x17e: {  	v7 =	vadd.s32 v9, v7  }
0x17f: {  	s0 =	simm.s32 $0x19170;
	v7 =	vadd.s32 v10, v7  }
0x180: {  	s26 =	simm.s32 $0x188E8;
	[tilespmem:s0+$0x0] =	vst v7;
	(xrf0) =	vadd.scan.msk.s32 $0xffff, v7  }
0x181: {  	v7 =	vld [tilespmem:s26+$0xFFFFF7F8]  }
0x182: {  	v8 =	vld [tilespmem:s26+$0xFFFFF8F9]  }
0x183: {  	v9 =	vld [tilespmem:s26+$0xFFFFF9FA]  }
0x184: {  	v10 =	vld [tilespmem:s26+$0xFFFFFAFB]  }
0x185: {  	v11 =	vld [tilespmem:s26+$0xFFFFFBFC]  }
0x186: {  	v12 =	vld [tilespmem:s26+$0xFFFFFCFD];
	v13, _, _ =	vpop (xrf0)  }
0x187: {  	v14 =	vld [tilespmem:s26+$0xFFFFFDFE];
	v7 =	vadd.s32 v7, v8;
	(v2sf) =	vpush v13, $0xF  }
0x188: {  	v8 =	vld [tilespmem:s26+$0xFFFFFEFF];
	v7 =	vadd.s32 v9, v7  }
0x189: {  	v9 =	vld [tilespmem:s26+$0x0];
	v7 =	vadd.s32 v10, v7  }
0x18a: {  	v10 =	vld [tilespmem:s26+$0x101];
	v7 =	vadd.s32 v11, v7  }
0x18b: {  	v11 =	vld [tilespmem:s26+$0x202];
	v7 =	vadd.s32 v12, v7  }
0x18c: {  	v12 =	vld [tilespmem:s26+$0x303];
	v7 =	vadd.s32 v14, v7  }
0x18d: {  	v13 =	vld [tilespmem:s26+$0x404];
	v7 =	vadd.s32 v8, v7  }
0x18e: {  	v8 =	vld [tilespmem:s26+$0x505];
	v7 =	vadd.s32 v9, v7  }
0x18f: {  	v9 =	vld [tilespmem:s26+$0x606];
	v7 =	vadd.s32 v10, v7  }
0x190: {  	v10 =	vld [tilespmem:s26+$0x707];
	v7 =	vadd.s32 v11, v7  }
0x191: {  	v7 =	vadd.s32 v12, v7  }
0x192: {  	v7 =	vadd.s32 v13, v7  }
0x193: {  	v7 =	vadd.s32 v8, v7  }
0x194: {  	v7 =	vadd.s32 v9, v7  }
0x195: {  	s28 =	simm.s32 $0x19160;
	v7 =	vadd.s32 v10, v7  }
0x196: {  	s25 =	ssub.s32 s17, s22;
	s31 =	simm.s32 $0x188D8;
	[tilespmem:s28+$0x0] =	vst v7;
	(xrf0) =	vadd.scan.msk.s32 $0xffff, v7;
	s0 =	spop (v2sf)  }
0x197: {  	p2 =	por $0x1, $0x1;
	v7 =	vld [tilespmem:s31+$0xFFFFF7F8];
	p3 =	sge.s32 s0, s25  }
0x198: {  	s17 =	simm.s32 $0x0;
	s22 =	simm.s32 $0x1;
	v10 =	vld [tilespmem:s31+$0xFFFFF8F9];
	p3 =	por !p2, !p3  }
0x199: {  	s29 =	simm.s32 $0xF;
	s30 =	simm.s32 $0xE;
	v8 =	vld [tilespmem:s31+$0xFFFFF9FA];
	p3 =	por !p3, !p3  }
0x19a: {  	s1 =	simm.s32 $0xC;
	s26 =	simm.s32 $0x0;
	v9 =	vld [tilespmem:s31+$0xFFFFFAFB];
	p4 =	por !p3, !p3  }
0x19b: {  	v11 =	vld [tilespmem:s31+$0xFFFFFBFC];
	s26 =	smov.u32 @p3 s29;
	s29 =	simm.s32 $0xD;
	p4 =	por @!p2 p3, p3  }
0x19c: {  	v12 =	vld [tilespmem:s31+$0xFFFFFCFD];
	s22 =	smov.u32 @p3 s25;
	s17 =	simm.s32 @p3 $0x1;
	v13, _, _ =	vpop (xrf0);
	s0 =	simm.s32 @!p4 $0x0  }
.LBB2_18:
0x19d: {  	p2 =	sne.s32 s1, $0x0  }
0x19e: {  	v14 =	vld [tilespmem:s31+$0xFFFFFDFE];
	v7 =	vadd.s32 v7, v10;
	(v2sf) =	vpush v13, $0xF;
	s25 =	ssub.s32 s25, s0;
	s13 =	smov.u32 s1;
	s1 =	sadd.s32 $0xFFFFFFFF, s1  }
0x19f: {  	v10 =	vld [tilespmem:s31+$0xFFFFFEFF];
	v7 =	vadd.s32 v8, v7  }
0x1a0: {  	v8 =	vld [tilespmem:s31+$0x0];
	v7 =	vadd.s32 v9, v7  }
0x1a1: {  	v9 =	vld [tilespmem:s31+$0x101];
	v7 =	vadd.s32 v11, v7  }
0x1a2: {  	v11 =	vld [tilespmem:s31+$0x202];
	v7 =	vadd.s32 v12, v7  }
0x1a3: {  	v12 =	vld [tilespmem:s31+$0x303];
	v7 =	vadd.s32 v14, v7  }
0x1a4: {  	v13 =	vld [tilespmem:s31+$0x404];
	v7 =	vadd.s32 v10, v7  }
0x1a5: {  	v10 =	vld [tilespmem:s31+$0x505];
	v7 =	vadd.s32 v8, v7  }
0x1a6: {  	v8 =	vld [tilespmem:s31+$0x606];
	v7 =	vadd.s32 v9, v7  }
0x1a7: {  	v9 =	vld [tilespmem:s31+$0x707];
	v7 =	vadd.s32 v11, v7  }
0x1a8: {  	v7 =	vadd.s32 v12, v7  }
0x1a9: {  	v7 =	vadd.s32 v13, v7  }
0x1aa: {  	v7 =	vadd.s32 v10, v7  }
0x1ab: {  	v7 =	vadd.s32 v8, v7  }
0x1ac: {  	s28 =	sadd.s32 $0xFFFFFFF0, s28;
	v7 =	vadd.s32 v9, v7  }
0x1ad: {  	s31 =	sadd.s32 $0xFFFFFFF0, s31;
	[tilespmem:s28+$0x0] =	vst v7;
	(xrf0) =	vadd.scan.msk.s32 $0xffff, v7;
	s0 =	spop (v2sf)  }
0x1ae: {  	p3 =	seq.s32 s17, $0x0;
	v7 =	vld [tilespmem:s31+$0xFFFFF7F8];
	p4 =	sge.s32 s0, s25  }
.Ltmp10:
0x1af: {  	v10 =	vld [tilespmem:s31+$0xFFFFF8F9];
	p4 =	por !p3, !p4;
	(pc) =	sbr.rel @p2 .LBB2_18-.Ltmp10, $4  }
0x1b0: {  	v8 =	vld [tilespmem:s31+$0xFFFFF9FA];
	p4 =	por !p4, !p4  }
0x1b1: {  	v9 =	vld [tilespmem:s31+$0xFFFFFAFB];
	s26 =	smov.u32 @p4 s30;
	s22 =	smov.u32 @p4 s25;
	p5 =	por !p4, !p4  }
0x1b2: {  	s17 =	simm.s32 @p4 $0x1;
	s30 =	smov.u32 s29;
	v11 =	vld [tilespmem:s31+$0xFFFFFBFC];
	p5 =	por @!p3 p4, p4  }
0x1b3: {  	s29 =	smov.u32 s13;
	v12 =	vld [tilespmem:s31+$0xFFFFFCFD];
	v13, _, _ =	vpop (xrf0);
	s0 =	simm.s32 @!p5 $0x0  }
0x1b4: {  	v14 =	vld [tilespmem:s31+$0xFFFFFDFE];
	v7 =	vadd.s32 v7, v10  }
0x1b5: {  	v55 =	vld [tilespmem:s31+$0xFFFFFEFF];
	v7 =	vadd.s32 v8, v7  }
0x1b6: {  	v8 =	vld [tilespmem:s31+$0x0];
	v7 =	vadd.s32 v9, v7  }
0x1b7: {  	v56 =	vld [tilespmem:s31+$0x101];
	v7 =	vadd.s32 v11, v7  }
0x1b8: {  	v57 =	vld [tilespmem:s31+$0x202];
	v7 =	vadd.s32 v12, v7  }
0x1b9: {  	v58 =	vld [tilespmem:s31+$0x303];
	v7 =	vadd.s32 v14, v7  }
0x1ba: {  	v59 =	vld [tilespmem:s31+$0x404];
	v7 =	vadd.s32 v55, v7  }
0x1bb: {  	v60 =	vld [tilespmem:s31+$0x505];
	v7 =	vadd.s32 v8, v7  }
0x1bc: {  	v8 =	vld [tilespmem:s31+$0x606];
	v7 =	vadd.s32 v56, v7  }
0x1bd: {  	v61 =	vld [tilespmem:s31+$0x707];
	v7 =	vadd.s32 v57, v7  }
0x1be: {  	v7 =	vadd.s32 v58, v7  }
0x1bf: {  	v7 =	vadd.s32 v59, v7  }
0x1c0: {  	v7 =	vadd.s32 v60, v7  }
0x1c1: {  	v7 =	vadd.s32 v8, v7  }
0x1c2: {  	v7 =	vadd.s32 v61, v7  }
0x1c3: {  	(v2sf) =	vpush v13, $0xF;
	(xrf0) =	vadd.scan.msk.s32 $0xffff, v7;
	_ =	sdelay $0x5  }
0x1c4: {  	v8, _, _ =	vpop (xrf0)  }
0x1c5: {  	(v2sf) =	vpush v8, $0xF;
	_ =	sdelay $0x7  }
0x1c6: {  	s0 =	ssub.s32 s25, s0;
	s1 =	spop (v2sf)  }
0x1c7: {  	p3 =	seq.s32 s17, $0x0;
	p2 =	sge.s32 s1, s0  }
0x1c8: {  	p2 =	por !p3, !p2  }
0x1c9: {  	p2 =	por !p2, !p2  }
0x1ca: {  	p4 =	por !p2, !p2  }
0x1cb: {  	p4 =	por @!p3 p2, p2  }
0x1cc: {  	s1 =	simm.s32 @!p4 $0x0  }
0x1cd: {  	s17 =	simm.s32 @p2 $0x1;
	s1 =	ssub.s32 s0, s1;
	s13 =	spop (v2sf)  }
0x1ce: {  	p5 =	seq.s32 s17, $0x0;
	p6 =	sge.s32 s13, s1  }
0x1cf: {  	p3 =	por !p5, !p6  }
0x1d0: {  	s26 =	smov.u32 @p2 s30;
	p3 =	por !p3, !p3  }
0x1d1: {  	s25 =	sadd.s32 $0xFFFFFFF0, s28;
	s26 =	smov.u32 @p3 s29  }
0x1d2: {  	[tilespmem:s25+$0x0] =	vst v7;
	s28 =	sshll.u32 s26, $0x4  }
0x1d3: {  	v7 =	vld [tilespmem:s28+$0x19080];
	_ =	sdelay $0x4  }
0x1d4: {  	v7 =	vperm.xlane v7, v5;
	_ =	sdelay $0x1  }
0x1d5: {  	(xrf0) =	vadd.scan.msk.s32 $0xffff, v7;
	_ =	sdelay $0x4  }
0x1d6: {  	s22 =	smov.u32 @p2 s0  }
0x1d7: {  	s22 =	smov.u32 @p3 s1;
	v8, _, _ =	vpop (xrf0)  }
0x1d8: {  	vm0 =	vge.s32 v8, s22  }
0x1d9: {  	v62 =	vmctz.xlane vm0;
	_ =	sdelay $0x1  }
0x1da: {  	v9 =	vxor.u32 $0x80000000, v62  }
0x1db: {  	(xrf0) =	vmax.scan.msk.u32 $0xffff, v9;
	_ =	sdelay $0x5  }
0x1dc: {  	v9, _, _ =	vpop (xrf0)  }
0x1dd: {  	(v2sf) =	vpush v9, $0xF;
	_ =	sdelay $0xe  }
0x1de: {  	s29 =	spop (v2sf)  }
0x1df: {  	s0 =	sxor.u32 $0x80000000, s29  }
0x1e0: {  	v63 =	vmov s0  }
0x1e1: {  	v7 =	vsub.s32 v8, v7;
	vm15 =	veq.s32 v63, v0  }
0x1e2: {  	v7 =	vnsel vm15, $0x0, v7  }
0x1e3: {  	(xrf0) =	vadd.scan.msk.s32 $0xffff, v7;
	_ =	sdelay $0x5  }
0x1e4: {  	v7, _, _ =	vpop (xrf0)  }
0x1e5: {  	(v2sf) =	vpush v7, $0xF;
	_ =	sdelay $0xa  }
.Ltmp11:
0x1e6: {  	_ = 	snop;
	(pc) =	sbr.rel @p1 .LBB2_20-.Ltmp11, $4  }
0x1e7: {  	s30 =	sshllo.u32 s26, $0x4  }
0x1e8: {  	s31 =	sshll.u32 s20, $0x8;
	s0 =	ssub.s32 s30, s0  }
0x1e9: {  	s17 =	sor.u32 s31, s0  }
0x1ea: {  	v7 =	vmov s17;
	s20 =	spop (v2sf)  }
0x1eb: {  	s0 =	simm.s32 $0x10040  }
0x1ec: {  	s13 =	simm.s32 $0x30;
	v20 =	vld [tilespmem:s0+$0xFFFFFFC0]  }
0x1ed: {  	v15 =	vimm.s32 $0x0;
	s25 =	simm.s32 $0x40;
	s26 =	simm.s32 $0x60;
	s28 =	simm.s32 $0x20;
	v9 =	vor.u32 s13, v0;
	v8 =	vld [tilespmem:s0+$0x20]  }
0x1ee: {  	s29 =	simm.s32 $0x50;
	s30 =	simm.s32 $0x0;
	v11 =	vor.u32 s25, v0;
	v10 =	vld [tilespmem:s0+$0x0];
	v12 =	vor.u32 s26, v0;
	v13 =	vor.u32 s28, v0  }
0x1ef: {  	v14 =	vor.u32 s29, v0;
	v16 =	vor.u32 s30, v0;
	vm1 =	vlt.s32 v9, v6;
	v9 =	vld [tilespmem:s0+$0xFFFFFFF0]  }
0x1f0: {  	s31 =	simm.s32 $0x10;
	vm5 =	vlt.s32 v13, v6;
	vm3 =	vlt.s32 v14, v6;
	vm0 =	vlt.s32 v16, v6  }
0x1f1: {  	s1 =	simm.s32 $0x70;
	vm2 =	vlt.s32 v11, v6;
	v11 =	vor.u32 s31, v0;
	vm6 =	vlt.s32 v12, v6  }
0x1f2: {  	v16 =	vor.u32 s1, v0;
	v12 =	vld [tilespmem:s0+$0xFFFFFFE0];
	vm8 =	vlt.s32 v11, v6;
	v13 =	vshra.s32 v20, $0x10  }
0x1f3: {  	v14 =	vshra.s32 v8, $0x10;
	v11 =	vshra.s32 v10, $0x10;
	vm4 =	veq.s32 v13, v7;
	v13 =	vld [tilespmem:s0+$0x30]  }
0x1f4: {  	v18 =	vshra.s32 v9, $0x10;
	vm7 =	vmand vm0, vm4;
	vm0 =	veq.s32 v14, v7;
	v14 =	vld [tilespmem:s0+$0xFFFFFFD0]  }
0x1f5: {  	vm9 =	vlt.s32 v16, v6;
	vm10 =	veq.s32 v11, v7;
	vm4 =	veq.s32 v18, v7  }
0x1f6: {  	v11 =	vld [tilespmem:s0+$0x10];
	v17 =	vmpcnt.ones.xlane vm7;
	vm0 =	vmand vm6, vm0;
	v16 =	vsel vm7, $0x1, v2  }
0x1f7: {  	vm4 =	vmand vm1, vm4;
	vm1 =	vmand vm2, vm10;
	(xrf0) =	vadd.scan.msk.s32 $0xffff, v16;
	v16 =	vshra.s32 v12, $0x10  }
0x1f8: {  	v21 =	vadd.s32 v15, v17;
	vm6 =	veq.s32 v16, v7;
	v17 =	vshra.s32 v13, $0x10  }
0x1f9: {  	vm2 =	veq.s32 v17, v7;
	v17 =	vsel vm1, $0x1, v2;
	v16 =	vshra.s32 v14, $0x10  }
0x1fa: {  	v18 =	vsel vm4, $0x1, v2;
	vm6 =	vmand vm5, vm6;
	(xrf0) =	vadd.scan.msk.s32 $0xffff, v17;
	vm5 =	veq.s32 v16, v7  }
0x1fb: {  	(xrf0) =	vadd.scan.msk.s32 $0xffff, v18;
	v18 =	vshra.s32 v11, $0x10;
	vm5 =	vmand vm8, vm5  }
0x1fc: {  	vm2 =	vmand vm9, vm2;
	vm15 =	veq.s32 v18, v7;
	v18 =	vmpcnt.ones.xlane vm5  }
0x1fd: {  	v17 =	vsel vm2, $0x1, v2  }
0x1fe: {  	v16 =	vsel vm6, $0x1, v2;
	(xrf0) =	vadd.scan.msk.s32 $0xffff, v17  }
0x1ff: {  	v19 =	vmpcnt.ones.xlane vm6;
	v17 =	vsel vm0, $0x1, v2;
	v22, _, _ =	vpop (xrf0);
	(xrf0) =	vadd.scan.msk.s32 $0xffff, v16  }
0x200: {  	v15 =	vadd.s32 v22, v15;
	(xrf0) =	vadd.scan.msk.s32 $0xffff, v17;
	v17 =	vmpcnt.ones.xlane vm4;
	v22 =	vadd.s32 v21, v18;
	v18, _, _ =	vpop (xrf0)  }
0x201: {  	vm3 =	vmand vm3, vm15;
	v19 =	vadd.s32 v22, v19;
	v24, _, _ =	vpop (xrf0)  }
0x202: {  	v16 =	vsel vm5, $0x1, v2;
	v24 =	vadd.s32 v24, v19;
	v19 =	vadd.s32 v19, v17  }
0x203: {  	v23 =	vsel vm3, $0x1, v2;
	(xrf0) =	vadd.scan.msk.s32 $0xffff, v16;
	v16 =	vmpcnt.ones.xlane vm1  }
0x204: {  	v25 =	vmpcnt.ones.xlane vm3;
	(xrf0) =	vadd.scan.msk.s32 $0xffff, v23;
	v26, _, _ =	vpop (xrf0)  }
0x205: {  	p1 =	sgt.s32 s19, $0x8;
	v15 =	vadd.s32 $0xFFFFFFFF, v15;
	v27 =	vadd.s32 v18, v19;
	v16 =	vadd.s32 v19, v16;
	v19, _, _ =	vpop (xrf0)  }
.Ltmp12:
0x206: {  	v18 =	vadd.s32 $0xFFFFFFFF, v24;
	v24 =	vadd.s32 v19, v22;
	v22 =	vadd.s32 v16, v25;
	(pc) =	sbr.rel @!p1 .LBB2_99-.Ltmp12, $4  }
0x207: {  	v23 =	vmpcnt.ones.xlane vm0  }
0x208: {  	v17 =	vmpcnt.ones.xlane vm2;
	v25, _, _ =	vpop (xrf0)  }
0x209: {  	v19 =	vadd.s32 $0xFFFFFFFF, v27;
	v25 =	vadd.s32 v25, v22;
	v23 =	vadd.s32 v22, v23;
	v22, _, _ =	vpop (xrf0)  }
0x20a: {  	s25 =	simm.s32 $0x8;
	s26 =	simm.s32 $0xF0;
	s28 =	simm.s32 $0x100C0;
	[tilespmem:v15+s11+$0x0] =	vst.idx.msk vm7, v20;
	v20 =	vadd.s32 $0xFFFFFFFF, v25;
	v25 =	vadd.s32 v26, v23;
	v21 =	vadd.s32 v22, v21;
	v22, _, _ =	vpop (xrf0)  }
.LBB2_98:
0x20b: {  	v15 =	vld [tilespmem:s28+$0xFFFFFFC0];
	s0 =	sadd.s32 $0xFFFFFFC0, s26;
	s1 =	sadd.s32 $0xFFFFFFD0, s26;
	s13 =	sadd.s32 $0xFFFFFFF0, s26;
	v24 =	vadd.s32 $0xFFFFFFFF, v24;
	v25 =	vadd.s32 $0xFFFFFFFF, v25;
	v17 =	vadd.s32 v23, v17  }
0x20c: {  	s29 =	sadd.s32 $0xFFFFFFB0, s26;
	s25 =	sadd.s32 $0x8, s25;
	v23 =	vor.u32 s0, v0;
	v26 =	vld [tilespmem:s28+$0x0];
	v27 =	vor.u32 s1, v0;
	s0 =	sadd.s32 $0xFFFFFFE0, s26;
	v28 =	vor.u32 s13, v0  }
0x20d: {  	s1 =	sadd.s32 $0xFFFFFF90, s26;
	v29 =	vor.u32 s29, v0;
	p1 =	slt.s32 s25, s19;
	vm10 =	vlt.s32 v23, v6;
	v23 =	vor.u32 s0, v0;
	v30 =	vld [tilespmem:s28+$0x20];
	[tilespmem:v18+s11+$0x0] =	vst.idx.msk vm4, v9  }
0x20e: {  	v18 =	vor.u32 s1, v0;
	vm9 =	vlt.s32 v29, v6;
	v9 =	vld [tilespmem:s28+$0xFFFFFFF0];
	vm8 =	vlt.s32 v23, v6;
	[tilespmem:v19+s11+$0x0] =	vst.idx.msk vm1, v10  }
0x20f: {  	vm4 =	vlt.s32 v18, v6;
	v19 =	vadd.s32 $0xFFFFFFFF, v21;
	v10 =	vadd.s32 v22, v16;
	v18 =	vld [tilespmem:s28+$0x10];
	[tilespmem:v20+s11+$0x0] =	vst.idx.msk vm0, v8  }
0x210: {  	s0 =	sadd.s32 $0xFFFFFFA0, s26;
	vm1 =	vlt.s32 v27, v6;
	v20 =	vadd.s32 $0xFFFFFFFF, v10;
	v23 =	vshra.s32 v15, $0x10;
	v16 =	vld [tilespmem:s28+$0x30];
	[tilespmem:v24+s11+$0x0] =	vst.idx.msk vm6, v12  }
0x211: {  	v12 =	vor.u32 s0, v0;
	vm6 =	vlt.s32 v28, v6;
	vm0 =	veq.s32 v23, v7;
	v21 =	vld [tilespmem:s28+$0xFFFFFFD0];
	[tilespmem:v25+s11+$0x0] =	vst.idx.msk vm2, v13  }
0x212: {  	v22 =	vor.u32 s26, v0;
	v10 =	vmovc v26;
	vm7 =	vmand vm4, vm0;
	v13 =	vshra.s32 v30, $0x10;
	v8 =	vmovc v30  }
0x213: {  	vm11 =	vlt.s32 v12, v6;
	v23 =	vmpcnt.ones.xlane vm7;
	v12 =	vld [tilespmem:s28+$0xFFFFFFE0];
	v24 =	vshra.s32 v9, $0x10  }
0x214: {  	vm2 =	vlt.s32 v22, v6;
	v25 =	vshra.s32 v10, $0x10;
	vm0 =	veq.s32 v13, v7;
	[tilespmem:v19+s11+$0x0] =	vst.idx.msk vm5, v14  }
0x215: {  	vm5 =	veq.s32 v25, v7;
	vm0 =	vmand vm6, vm0;
	v22 =	vadd.s32 v17, v23;
	[tilespmem:v20+s11+$0x0] =	vst.idx.msk vm3, v11  }
0x216: {  	v20 =	vsel vm7, $0x1, v2;
	vm3 =	veq.s32 v24, v7;
	v19 =	vsel vm0, $0x1, v2;
	v11 =	vmovc v18;
	v13 =	vmovc v16  }
0x217: {  	vm1 =	vmand vm1, vm5;
	vm4 =	vmand vm10, vm3;
	v16 =	vshra.s32 v13, $0x10;
	v14 =	vmovc v21;
	(xrf0) =	vadd.scan.msk.s32 $0xffff, v20  }
0x218: {  	v20 =	vshra.s32 v11, $0x10;
	vm3 =	veq.s32 v16, v7;
	v18 =	vshra.s32 v12, $0x10  }
0x219: {  	v23 =	vsel vm1, $0x1, v2;
	v16 =	vshra.s32 v14, $0x10;
	v21 =	vsel vm4, $0x1, v2  }
0x21a: {  	vm2 =	vmand vm2, vm3;
	vm5 =	veq.s32 v18, v7;
	v18 =	vmpcnt.ones.xlane vm4;
	(xrf0) =	vadd.scan.msk.s32 $0xffff, v23  }
0x21b: {  	vm3 =	veq.s32 v20, v7;
	v20 =	vsel vm2, $0x1, v2;
	vm6 =	vmand vm9, vm5;
	(xrf0) =	vadd.scan.msk.s32 $0xffff, v21  }
0x21c: {  	vm5 =	veq.s32 v16, v7;
	v16 =	vsel vm6, $0x1, v2;
	v21 =	vmpcnt.ones.xlane vm6;
	(xrf0) =	vadd.scan.msk.s32 $0xffff, v20  }
0x21d: {  	vm3 =	vmand vm8, vm3;
	vm5 =	vmand vm11, vm5;
	v20 =	vmpcnt.ones.xlane vm1;
	v23, _, _ =	vpop (xrf0);
	(xrf0) =	vadd.scan.msk.s32 $0xffff, v16  }
0x21e: {  	v16 =	vadd.s32 v23, v17;
	v17 =	vsel vm5, $0x1, v2;
	v23 =	vmpcnt.ones.xlane vm5;
	(xrf0) =	vadd.scan.msk.s32 $0xffff, v19  }
0x21f: {  	v19 =	vadd.s32 $0xFFFFFFFF, v16;
	v16 =	vsel vm3, $0x1, v2;
	(xrf0) =	vadd.scan.msk.s32 $0xffff, v17  }
0x220: {  	v23 =	vadd.s32 v22, v23;
	v24, _, _ =	vpop (xrf0);
	(xrf0) =	vadd.scan.msk.s32 $0xffff, v16  }
0x221: {  	v17 =	vmpcnt.ones.xlane vm2;
	v16 =	vadd.s32 v23, v21;
	v21 =	vmpcnt.ones.xlane vm0;
	v25, _, _ =	vpop (xrf0)  }
.Ltmp13:
0x222: {  	v26 =	vmpcnt.ones.xlane vm3;
	v25 =	vadd.s32 v25, v16;
	v16 =	vadd.s32 v16, v18;
	v27, _, _ =	vpop (xrf0);
	(pc) =	sbr.rel @p1 .LBB2_98-.Ltmp13, $4  }
0x223: {  	v18 =	vadd.s32 $0xFFFFFFFF, v25;
	v25 =	vadd.s32 v24, v16;
	v16 =	vadd.s32 v16, v20;
	v20, _, _ =	vpop (xrf0)  }
0x224: {  	[tilespmem:v19+s11+$0x0] =	vst.idx.msk vm7, v15;
	v24 =	vadd.s32 v20, v23;
	v19 =	vadd.s32 $0xFFFFFFFF, v25;
	v25 =	vadd.s32 v16, v26;
	v20, _, _ =	vpop (xrf0)  }
0x225: {  	v20 =	vadd.s32 v20, v25;
	v23 =	vadd.s32 v25, v21;
	v15, _, _ =	vpop (xrf0)  }
0x226: {  	s26 =	sadd.s32 $0x80, s26;
	s28 =	sadd.s32 $0x80, s28;
	v21 =	vadd.s32 v15, v22;
	v20 =	vadd.s32 $0xFFFFFFFF, v20;
	v25 =	vadd.s32 v27, v23;
	v22, _, _ =	vpop (xrf0)  }
.LBB2_99:
0x227: {  	_ =	sdelay $0x2  }
0x228: {  	v15 =	vadd.s32 $0xFFFFFFFF, v24  }
0x229: {  	v63 =	vadd.s32 $0xFFFFFFFF, v25  }
0x22a: {  	[tilespmem:v18+s11+$0x0] =	vst.idx.msk vm4, v9;
	v9 =	vadd.s32 $0xFFFFFFFF, v21;
	v16 =	vadd.s32 v22, v16  }
0x22b: {  	[tilespmem:v19+s11+$0x0] =	vst.idx.msk vm1, v10;
	v10 =	vadd.s32 $0xFFFFFFFF, v16  }
.Ltmp14:
0x22c: {  	[tilespmem:v20+s11+$0x0] =	vst.idx.msk vm0, v8;
	(pc) =	sbr.rel .LBB2_21-.Ltmp14, $4  }
0x22d: {  	[tilespmem:v15+s11+$0x0] =	vst.idx.msk vm6, v12  }
0x22e: {  	[tilespmem:v63+s11+$0x0] =	vst.idx.msk vm2, v13  }
0x22f: {  	[tilespmem:v9+s11+$0x0] =	vst.idx.msk vm5, v14  }
0x230: {  	v8 =	vadd.s32 v23, v17;
	[tilespmem:v10+s11+$0x0] =	vst.idx.msk vm3, v11  }
.LBB2_20:
0x231: {  	v8 =	vimm.s32 $0x0  }
.LBB2_21:
0x232: {  	p1 =	slt.s32 s23, $0x1  }
.Ltmp15:
0x233: {  	_ = 	snop;
	(pc) =	sbr.rel @p1 .LBB2_24-.Ltmp15, $1  }
0x234: {  	_ =	sdelay $0x3  }
0x235: {  	s0 =	sadd.s32 $0x10000, s24  }
.LBB2_23:
0x236: {  	v9 =	vld [tilespmem:s0+$0x0];
	_ =	sdelay $0x4  }
0x237: {  	v10 =	vor.u32 s21, v0;
	v11 =	vshra.s32 v9, $0x10  }
0x238: {  	vm0 =	vlt.s32 v10, v6;
	vm1 =	veq.s32 v11, v7  }
0x239: {  	vm0 =	vmand vm0, vm1  }
0x23a: {  	v10 =	vsel vm0, $0x1, v2  }
0x23b: {  	(xrf0) =	vadd.scan.msk.s32 $0xffff, v10;
	_ =	sdelay $0x5  }
0x23c: {  	v10, _, _ =	vpop (xrf0)  }
0x23d: {  	s19 =	sadd.s32 $0x1, s19;
	v10 =	vadd.s32 v10, v8  }
0x23e: {  	p1 =	slt.s32 s19, s18;
	v10 =	vadd.s32 $0xFFFFFFFF, v10  }
.Ltmp16:
0x23f: {  	_ = 	snop;
	(pc) =	sbr.rel @p1 .LBB2_23-.Ltmp16, $3  }
0x240: {  	_ = 	snop  }
0x241: {  	v11 =	vmpcnt.ones.xlane vm0;
	_ =	sdelay $0x1  }
0x242: {  	s0 =	sadd.s32 $0x10, s0;
	s21 =	sadd.s32 $0x10, s21;
	v8 =	vadd.s32 v8, v11;
	[tilespmem:v10+s11+$0x0] =	vst.idx.msk vm0, v9  }
.LBB2_24:
0x243: {  	s0 =	simm.s32 $0x18040  }
0x244: {  	[tilespmem:s0+$0xFFFFFFC0] =	vst v2  }
0x245: {  	[tilespmem:s0+$0x30] =	vst v2  }
0x246: {  	[tilespmem:s0+$0x20] =	vst v2  }
0x247: {  	[tilespmem:s0+$0x10] =	vst v2  }
0x248: {  	[tilespmem:s0+$0x0] =	vst v2  }
0x249: {  	[tilespmem:s0+$0xFFFFFFF0] =	vst v2  }
0x24a: {  	s24 =	ssub.s32 s22, s20;
	s1 =	simm.s32 $0x0;
	[tilespmem:s0+$0xFFFFFFE0] =	vst v2  }
.LBB2_25:
0x24b: {  	s1 =	sadd.s32 $0x8, s1;
	[tilespmem:s0+$0xFFFFFFD0] =	vst v2;
	s0 =	sadd.s32 $0x80, s0  }
0x24c: {  	[tilespmem:s0+$0xFFFFFFC0] =	vst v2;
	p1 =	slt.u32 s1, $0x100  }
0x24d: {  	[tilespmem:s0+$0x30] =	vst v2  }
.Ltmp17:
0x24e: {  	[tilespmem:s0+$0x20] =	vst v2;
	(pc) =	sbr.rel @p1 .LBB2_25-.Ltmp17, $4  }
0x24f: {  	[tilespmem:s0+$0x10] =	vst v2  }
0x250: {  	[tilespmem:s0+$0x0] =	vst v2  }
0x251: {  	[tilespmem:s0+$0xFFFFFFF0] =	vst v2  }
0x252: {  	[tilespmem:s0+$0xFFFFFFE0] =	vst v2  }
0x253: {  	v6 =	vxor.u32 $0x80000000, v8  }
0x254: {  	(xrf0) =	vmax.scan.msk.u32 $0xffff, v6;
	_ =	sdelay $0x5  }
0x255: {  	v6, _, _ =	vpop (xrf0)  }
0x256: {  	(v2sf) =	vpush v6, $0xF;
	_ =	sdelay $0xe  }
0x257: {  	s1 =	spop (v2sf)  }
0x258: {  	s13 =	sadd.s32 $0x8000000F, s1  }
0x259: {  	s18 =	sand.u32 $0xF, s13  }
0x25a: {  	s31 =	sshra.s32 s13, $0x1F;
	p2 =	slt.s32 s13, $0x1;
	p1 =	sne.s32 s18, $0x0  }
0x25b: {  	s18 =	sshrl.u32 s31, $0x1C;
	p1 =	por !p2, !p1  }
0x25c: {  	s13 =	sadd.s32 s18, s13;
	s18 =	simm.s32 $0x1;
	p1 =	por !p1, !p1  }
0x25d: {  	s13 =	sshra.s32 s13, $0x4;
	s18 =	simm.s32 @!p1 $0x0  }
0x25e: {  	s18 =	ssub.s32 s13, s18  }
0x25f: {  	s13 =	sshrl.u32 s18, $0x1D  }
0x260: {  	s13 =	sadd.s32 s13, s18  }
0x261: {  	s19 =	sand.u32 $0xFFFFFFF8, s13  }
0x262: {  	p1 =	slt.s32 s19, $0x1  }
.Ltmp18:
0x263: {  	_ = 	snop;
	(pc) =	sbr.rel @p1 .LBB2_30-.Ltmp18, $3  }
0x264: {  	_ =	sdelay $0x1  }
0x265: {  	s1 =	sxor.u32 $0x80000000, s1  }
0x266: {  	[tilespmem:s0+$0xFFFFFFD0] =	vst v2;
	v6 =	vmov s1  }
0x267: {  	s0 =	simm.s32 $0x10040  }
0x268: {  	v13 =	vld [tilespmem:s0+$0x0]  }
0x269: {  	v14 =	vld [tilespmem:s0+$0x30]  }
0x26a: {  	v15 =	vld [tilespmem:s0+$0x20]  }
0x26b: {  	s1 =	simm.s32 $0x50;
	v9 =	vld [tilespmem:s0+$0xFFFFFFC0]  }
0x26c: {  	s20 =	simm.s32 $0x70;
	s13 =	simm.s32 $0x20;
	s22 =	simm.s32 $0x10;
	v10 =	vor.u32 s1, v0;
	v16 =	vld [tilespmem:s0+$0xFFFFFFD0]  }
0x26d: {  	s21 =	simm.s32 $0x0;
	s30 =	simm.s32 $0x60;
	v11 =	vor.u32 s22, v0;
	v12 =	vor.u32 s13, v0;
	v17 =	vor.u32 s20, v0  }
0x26e: {  	v8 =	vor.u32 s21, v0;
	v20 =	vor.u32 s30, v0;
	vm0 =	vlt.s32 v17, v6  }
0x26f: {  	p2 =	sgt.s32 s19, $0x8;
	v18 =	vshrl.u32 v13, $0x8;
	v13 =	vshrl.u32 v14, $0x8;
	v14 =	vshrl.u32 v15, $0x8  }
.Ltmp19:
0x270: {  	v9 =	vshrl.u32 v9, $0x8;
	v15 =	vand.u32 $0xFF, v13;
	v14 =	vand.u32 $0xFF, v14;
	(pc) =	sbr.rel @!p2 .LBB2_29-.Ltmp19, $4  }
0x271: {  	v19 =	vand.u32 $0xFF, v18;
	v18 =	vld [tilespmem:s0+$0xFFFFFFE0];
	v17 =	vadd.s32 v1, v15;
	v15 =	vshrl.u32 v16, $0x8  }
0x272: {  	s29 =	simm.s32 $0x30;
	v16 =	vadd.s32 v1, v14;
	v14 =	vand.u32 $0xFF, v15;
	v15 =	vadd.s32 v1, v19;
	v19 =	vld [tilespmem:s0+$0x10]  }
0x273: {  	s31 =	simm.s32 $0x40;
	v7 =	vor.u32 s29, v0;
	vm1 =	vlt.s32 v20, v6;
	v9 =	vand.u32 $0xFF, v9;
	v13 =	vld [tilespmem:s0+$0xFFFFFFF0]  }
0x274: {  	s21 =	simm.s32 $0x8;
	s22 =	simm.s32 $0x100C0;
	v20 =	vor.u32 s31, v0;
	v9 =	vadd.s32 v1, v9;
	v14 =	vadd.s32 v1, v14  }
.LBB2_28:
0x275: {  	v21 =	vld [tilespmem:s22+$0xFFFFFFC0];
	s21 =	sadd.s32 $0x8, s21;
	vm5 =	vlt.s32 v20, v6;
	s20 =	sadd.s32 $0x80, s20  }
0x276: {  	vm2 =	vlt.s32 v11, v6;
	vm3 =	vlt.s32 v12, v6;
	vm4 =	vlt.s32 v10, v6;
	s0 =	sadd.s32 $0xFFFFFFB0, s20;
	v20 =	vld [tilespmem:s22+$0x0];
	s1 =	sadd.s32 $0xFFFFFFE0, s20;
	p2 =	slt.s32 s21, s19  }
0x277: {  	s13 =	sadd.s32 $0xFFFFFF90, s20;
	s23 =	sadd.s32 $0xFFFFFFA0, s20;
	s25 =	sadd.s32 $0xFFFFFFC0, s20;
	v11 =	vshrl.u32 v18, $0x8;
	v10 =	vor.u32 s1, v0;
	v12 =	vshrl.u32 v19, $0x8;
	[tilespmem:v17+s10+$0x0] =	vst.idx.add.s32.msk vm0, v4  }
0x278: {  	v13 =	vshrl.u32 v13, $0x8;
	v11 =	vand.u32 $0xFF, v11;
	v17 =	vld [tilespmem:s22+$0x30];
	v12 =	vand.u32 $0xFF, v12  }
0x279: {  	v13 =	vand.u32 $0xFF, v13;
	v18 =	vadd.s32 v1, v11;
	v19 =	vadd.s32 v1, v12;
	[tilespmem:v16+s10+$0x0] =	vst.idx.add.s32.msk vm1, v4  }
0x27a: {  	v22 =	vadd.s32 v1, v13;
	v11 =	vor.u32 s23, v0;
	v12 =	vor.u32 s0, v0;
	v16 =	vld [tilespmem:s22+$0x20]  }
0x27b: {  	v23 =	vor.u32 s13, v0;
	v24 =	vor.u32 s25, v0;
	[tilespmem:v15+s10+$0x0] =	vst.idx.add.s32.msk vm5, v4  }
0x27c: {  	v15 =	vld [tilespmem:s22+$0xFFFFFFD0]  }
0x27d: {  	vm6 =	vlt.s32 v8, v6;
	v8 =	vmovc v23;
	vm5 =	vlt.s32 v7, v6;
	v7 =	vmov v24;
	v13 =	vld [tilespmem:s22+$0xFFFFFFF0]  }
0x27e: {  	v23 =	vor.u32 s20, v0;
	v21 =	vshrl.u32 v21, $0x8;
	v20 =	vshrl.u32 v20, $0x8;
	[tilespmem:v19+s10+$0x0] =	vst.idx.add.s32.msk vm4, v4  }
0x27f: {  	s0 =	sadd.s32 $0xFFFFFFF0, s20;
	vm0 =	vlt.s32 v23, v6;
	v17 =	vshrl.u32 v17, $0x8;
	v19 =	vand.u32 $0xFF, v21;
	[tilespmem:v18+s10+$0x0] =	vst.idx.add.s32.msk vm3, v4  }
.Ltmp20:
0x280: {  	v17 =	vand.u32 $0xFF, v17;
	v21 =	vadd.s32 v1, v19;
	v16 =	vshrl.u32 v16, $0x8;
	[tilespmem:v14+s10+$0x0] =	vst.idx.add.s32.msk vm2, v4;
	(pc) =	sbr.rel @p2 .LBB2_28-.Ltmp20, $4  }
0x281: {  	v17 =	vadd.s32 v1, v17;
	v14 =	vor.u32 s0, v0;
	v16 =	vand.u32 $0xFF, v16;
	v18 =	vld [tilespmem:s22+$0xFFFFFFE0]  }
0x282: {  	v20 =	vand.u32 $0xFF, v20;
	s0 =	sadd.s32 $0xFFFFFFD0, s20;
	v15 =	vshrl.u32 v15, $0x8;
	v16 =	vadd.s32 v1, v16;
	v19 =	vld [tilespmem:s22+$0x10]  }
0x283: {  	vm1 =	vlt.s32 v14, v6;
	v23 =	vand.u32 $0xFF, v15;
	v15 =	vadd.s32 v1, v20;
	[tilespmem:v9+s10+$0x0] =	vst.idx.add.s32.msk vm6, v4  }
0x284: {  	v20 =	vor.u32 s0, v0;
	s22 =	sadd.s32 $0x80, s22;
	v14 =	vadd.s32 v1, v23;
	v9 =	vmov v21;
	[tilespmem:v22+s10+$0x0] =	vst.idx.add.s32.msk vm5, v4  }
.LBB2_29:
0x285: {  	_ = 	snop  }
0x286: {  	vm2 =	vlt.s32 v20, v6  }
0x287: {  	vm5 =	vlt.s32 v11, v6  }
0x288: {  	vm3 =	vlt.s32 v10, v6;
	vm14 =	vlt.s32 v8, v6;
	v60 =	vshrl.u32 v18, $0x8  }
0x289: {  	vm4 =	vlt.s32 v12, v6;
	v19 =	vshrl.u32 v19, $0x8;
	v10 =	vand.u32 $0xFF, v60  }
0x28a: {  	[tilespmem:v17+s10+$0x0] =	vst.idx.add.s32.msk vm0, v4;
	v61 =	vand.u32 $0xFF, v19;
	v10 =	vadd.s32 v1, v10;
	v63 =	vshrl.u32 v13, $0x8  }
0x28b: {  	[tilespmem:v16+s10+$0x0] =	vst.idx.add.s32.msk vm1, v4;
	vm15 =	vlt.s32 v7, v6;
	v62 =	vadd.s32 v1, v61;
	v8 =	vand.u32 $0xFF, v63  }
0x28c: {  	v7 =	vadd.s32 v1, v8;
	[tilespmem:v15+s10+$0x0] =	vst.idx.add.s32.msk vm2, v4  }
0x28d: {  	[tilespmem:v14+s10+$0x0] =	vst.idx.add.s32.msk vm5, v4  }
0x28e: {  	[tilespmem:v9+s10+$0x0] =	vst.idx.add.s32.msk vm14, v4  }
0x28f: {  	[tilespmem:v10+s10+$0x0] =	vst.idx.add.s32.msk vm4, v4  }
0x290: {  	[tilespmem:v62+s10+$0x0] =	vst.idx.add.s32.msk vm3, v4  }
0x291: {  	[tilespmem:v7+s10+$0x0] =	vst.idx.add.s32.msk vm15, v4  }
.LBB2_30:
0x292: {  	s22 =	ssub.s32 s18, s19  }
0x293: {  	p2 =	sgt.s32 s22, $0x0  }
.Ltmp21:
0x294: {  	_ = 	snop;
	(pc) =	sbr.rel @!p2 .LBB2_31-.Ltmp21, $3  }
0x295: {  	_ =	sdelay $0x1  }
0x296: {  	s0 =	sshll.u32 s19, $0x6  }
0x297: {  	s20 =	sshll.u32 s19, $0x4;
	s23 =	sshra.s32 s0, $0x2  }
0x298: {  	s0 =	sadd.s32 $0x10000, s23;
	s1 =	sshll.u32 s19, $0x4;
	s13 =	smov.u32 s19  }
.LBB2_101:
0x299: {  	v7 =	vld [tilespmem:s0+$0x0];
	_ =	sdelay $0x4  }
0x29a: {  	v8 =	vor.u32 s1, v0;
	v7 =	vshrl.u32 v7, $0x8  }
0x29b: {  	s13 =	sadd.s32 $0x1, s13;
	vm0 =	vlt.s32 v8, v6;
	v7 =	vand.u32 $0xFF, v7  }
0x29c: {  	p2 =	slt.s32 s13, s18;
	v7 =	vadd.s32 v1, v7  }
.Ltmp22:
0x29d: {  	_ = 	snop;
	(pc) =	sbr.rel @p2 .LBB2_101-.Ltmp22, $2  }
0x29e: {  	_ =	sdelay $0x2  }
0x29f: {  	s0 =	sadd.s32 $0x10, s0;
	s1 =	sadd.s32 $0x10, s1;
	[tilespmem:v7+s10+$0x0] =	vst.idx.add.s32.msk vm0, v4  }
.LBB2_31:
0x2a0: {  	s1 =	simm.s32 $0x188F8  }
0x2a1: {  	v7 =	vld [tilespmem:s1+$0xFFFFF7F8]  }
0x2a2: {  	v8 =	vld [tilespmem:s1+$0xFFFFF8F9]  }
0x2a3: {  	v9 =	vld [tilespmem:s1+$0xFFFFF9FA]  }
0x2a4: {  	v10 =	vld [tilespmem:s1+$0xFFFFFAFB]  }
0x2a5: {  	v11 =	vld [tilespmem:s1+$0xFFFFFBFC]  }
0x2a6: {  	v12 =	vld [tilespmem:s1+$0xFFFFFCFD]  }
0x2a7: {  	v13 =	vld [tilespmem:s1+$0xFFFFFDFE];
	v7 =	vadd.s32 v7, v8  }
0x2a8: {  	v8 =	vld [tilespmem:s1+$0xFFFFFEFF];
	v7 =	vadd.s32 v9, v7  }
0x2a9: {  	v9 =	vld [tilespmem:s1+$0x0];
	v7 =	vadd.s32 v10, v7  }
0x2aa: {  	v10 =	vld [tilespmem:s1+$0x101];
	v7 =	vadd.s32 v11, v7  }
0x2ab: {  	v11 =	vld [tilespmem:s1+$0x202];
	v7 =	vadd.s32 v12, v7  }
0x2ac: {  	v12 =	vld [tilespmem:s1+$0x303];
	v7 =	vadd.s32 v13, v7  }
0x2ad: {  	v13 =	vld [tilespmem:s1+$0x404];
	v7 =	vadd.s32 v8, v7  }
0x2ae: {  	v8 =	vld [tilespmem:s1+$0x505];
	v7 =	vadd.s32 v9, v7  }
0x2af: {  	v9 =	vld [tilespmem:s1+$0x606];
	v7 =	vadd.s32 v10, v7  }
0x2b0: {  	v10 =	vld [tilespmem:s1+$0x707];
	v7 =	vadd.s32 v11, v7  }
0x2b1: {  	v7 =	vadd.s32 v12, v7  }
0x2b2: {  	v7 =	vadd.s32 v13, v7  }
0x2b3: {  	v7 =	vadd.s32 v8, v7  }
0x2b4: {  	v7 =	vadd.s32 v9, v7  }
0x2b5: {  	s0 =	simm.s32 $0x19170;
	v7 =	vadd.s32 v10, v7  }
0x2b6: {  	s26 =	simm.s32 $0x188E8;
	[tilespmem:s0+$0x0] =	vst v7;
	(xrf0) =	vadd.scan.msk.s32 $0xffff, v7  }
0x2b7: {  	v7 =	vld [tilespmem:s26+$0xFFFFF7F8]  }
0x2b8: {  	v8 =	vld [tilespmem:s26+$0xFFFFF8F9]  }
0x2b9: {  	v9 =	vld [tilespmem:s26+$0xFFFFF9FA]  }
0x2ba: {  	v10 =	vld [tilespmem:s26+$0xFFFFFAFB]  }
0x2bb: {  	v11 =	vld [tilespmem:s26+$0xFFFFFBFC]  }
0x2bc: {  	v12 =	vld [tilespmem:s26+$0xFFFFFCFD];
	v13, _, _ =	vpop (xrf0)  }
0x2bd: {  	v14 =	vld [tilespmem:s26+$0xFFFFFDFE];
	v7 =	vadd.s32 v7, v8;
	(v2sf) =	vpush v13, $0xF  }
0x2be: {  	v8 =	vld [tilespmem:s26+$0xFFFFFEFF];
	v7 =	vadd.s32 v9, v7  }
0x2bf: {  	v9 =	vld [tilespmem:s26+$0x0];
	v7 =	vadd.s32 v10, v7  }
0x2c0: {  	v10 =	vld [tilespmem:s26+$0x101];
	v7 =	vadd.s32 v11, v7  }
0x2c1: {  	v11 =	vld [tilespmem:s26+$0x202];
	v7 =	vadd.s32 v12, v7  }
0x2c2: {  	v12 =	vld [tilespmem:s26+$0x303];
	v7 =	vadd.s32 v14, v7  }
0x2c3: {  	v13 =	vld [tilespmem:s26+$0x404];
	v7 =	vadd.s32 v8, v7  }
0x2c4: {  	v8 =	vld [tilespmem:s26+$0x505];
	v7 =	vadd.s32 v9, v7  }
0x2c5: {  	v9 =	vld [tilespmem:s26+$0x606];
	v7 =	vadd.s32 v10, v7  }
0x2c6: {  	v10 =	vld [tilespmem:s26+$0x707];
	v7 =	vadd.s32 v11, v7  }
0x2c7: {  	v7 =	vadd.s32 v12, v7  }
0x2c8: {  	v7 =	vadd.s32 v13, v7  }
0x2c9: {  	v7 =	vadd.s32 v8, v7  }
0x2ca: {  	v7 =	vadd.s32 v9, v7  }
0x2cb: {  	s28 =	simm.s32 $0x19160;
	v7 =	vadd.s32 v10, v7  }
0x2cc: {  	s31 =	simm.s32 $0x188D8;
	[tilespmem:s28+$0x0] =	vst v7;
	(xrf0) =	vadd.scan.msk.s32 $0xffff, v7;
	s0 =	spop (v2sf)  }
0x2cd: {  	p2 =	por $0x1, $0x1;
	v7 =	vld [tilespmem:s31+$0xFFFFF7F8];
	p3 =	sge.s32 s0, s24  }
0x2ce: {  	s25 =	simm.s32 $0x0;
	s21 =	simm.s32 $0x1;
	v10 =	vld [tilespmem:s31+$0xFFFFF8F9];
	p3 =	por !p2, !p3  }
0x2cf: {  	s29 =	simm.s32 $0xF;
	s30 =	simm.s32 $0xE;
	v8 =	vld [tilespmem:s31+$0xFFFFF9FA];
	p3 =	por !p3, !p3  }
0x2d0: {  	s1 =	simm.s32 $0xC;
	s26 =	simm.s32 $0x0;
	v9 =	vld [tilespmem:s31+$0xFFFFFAFB];
	p4 =	por !p3, !p3  }
0x2d1: {  	v11 =	vld [tilespmem:s31+$0xFFFFFBFC];
	s26 =	smov.u32 @p3 s29;
	s29 =	simm.s32 $0xD;
	p4 =	por @!p2 p3, p3  }
0x2d2: {  	v12 =	vld [tilespmem:s31+$0xFFFFFCFD];
	s21 =	smov.u32 @p3 s24;
	s25 =	simm.s32 @p3 $0x1;
	v13, _, _ =	vpop (xrf0);
	s0 =	simm.s32 @!p4 $0x0  }
.LBB2_32:
0x2d3: {  	p2 =	sne.s32 s1, $0x0  }
0x2d4: {  	v14 =	vld [tilespmem:s31+$0xFFFFFDFE];
	v7 =	vadd.s32 v7, v10;
	(v2sf) =	vpush v13, $0xF;
	s24 =	ssub.s32 s24, s0;
	s13 =	smov.u32 s1;
	s1 =	sadd.s32 $0xFFFFFFFF, s1  }
0x2d5: {  	v10 =	vld [tilespmem:s31+$0xFFFFFEFF];
	v7 =	vadd.s32 v8, v7  }
0x2d6: {  	v8 =	vld [tilespmem:s31+$0x0];
	v7 =	vadd.s32 v9, v7  }
0x2d7: {  	v9 =	vld [tilespmem:s31+$0x101];
	v7 =	vadd.s32 v11, v7  }
0x2d8: {  	v11 =	vld [tilespmem:s31+$0x202];
	v7 =	vadd.s32 v12, v7  }
0x2d9: {  	v12 =	vld [tilespmem:s31+$0x303];
	v7 =	vadd.s32 v14, v7  }
0x2da: {  	v13 =	vld [tilespmem:s31+$0x404];
	v7 =	vadd.s32 v10, v7  }
0x2db: {  	v10 =	vld [tilespmem:s31+$0x505];
	v7 =	vadd.s32 v8, v7  }
0x2dc: {  	v8 =	vld [tilespmem:s31+$0x606];
	v7 =	vadd.s32 v9, v7  }
0x2dd: {  	v9 =	vld [tilespmem:s31+$0x707];
	v7 =	vadd.s32 v11, v7  }
0x2de: {  	v7 =	vadd.s32 v12, v7  }
0x2df: {  	v7 =	vadd.s32 v13, v7  }
0x2e0: {  	v7 =	vadd.s32 v10, v7  }
0x2e1: {  	v7 =	vadd.s32 v8, v7  }
0x2e2: {  	s28 =	sadd.s32 $0xFFFFFFF0, s28;
	v7 =	vadd.s32 v9, v7  }
0x2e3: {  	s31 =	sadd.s32 $0xFFFFFFF0, s31;
	[tilespmem:s28+$0x0] =	vst v7;
	(xrf0) =	vadd.scan.msk.s32 $0xffff, v7;
	s0 =	spop (v2sf)  }
0x2e4: {  	p3 =	seq.s32 s25, $0x0;
	v7 =	vld [tilespmem:s31+$0xFFFFF7F8];
	p4 =	sge.s32 s0, s24  }
.Ltmp23:
0x2e5: {  	v10 =	vld [tilespmem:s31+$0xFFFFF8F9];
	p4 =	por !p3, !p4;
	(pc) =	sbr.rel @p2 .LBB2_32-.Ltmp23, $4  }
0x2e6: {  	v8 =	vld [tilespmem:s31+$0xFFFFF9FA];
	p4 =	por !p4, !p4  }
0x2e7: {  	v9 =	vld [tilespmem:s31+$0xFFFFFAFB];
	s26 =	smov.u32 @p4 s30;
	s21 =	smov.u32 @p4 s24;
	p5 =	por !p4, !p4  }
0x2e8: {  	s25 =	simm.s32 @p4 $0x1;
	s30 =	smov.u32 s29;
	v11 =	vld [tilespmem:s31+$0xFFFFFBFC];
	p5 =	por @!p3 p4, p4  }
0x2e9: {  	s29 =	smov.u32 s13;
	v12 =	vld [tilespmem:s31+$0xFFFFFCFD];
	v13, _, _ =	vpop (xrf0);
	s0 =	simm.s32 @!p5 $0x0  }
0x2ea: {  	v14 =	vld [tilespmem:s31+$0xFFFFFDFE];
	v7 =	vadd.s32 v7, v10  }
0x2eb: {  	v55 =	vld [tilespmem:s31+$0xFFFFFEFF];
	v7 =	vadd.s32 v8, v7  }
0x2ec: {  	v8 =	vld [tilespmem:s31+$0x0];
	v7 =	vadd.s32 v9, v7  }
0x2ed: {  	v56 =	vld [tilespmem:s31+$0x101];
	v7 =	vadd.s32 v11, v7  }
0x2ee: {  	v57 =	vld [tilespmem:s31+$0x202];
	v7 =	vadd.s32 v12, v7  }
0x2ef: {  	v58 =	vld [tilespmem:s31+$0x303];
	v7 =	vadd.s32 v14, v7  }
0x2f0: {  	v59 =	vld [tilespmem:s31+$0x404];
	v7 =	vadd.s32 v55, v7  }
0x2f1: {  	v60 =	vld [tilespmem:s31+$0x505];
	v7 =	vadd.s32 v8, v7  }
0x2f2: {  	v8 =	vld [tilespmem:s31+$0x606];
	v7 =	vadd.s32 v56, v7  }
0x2f3: {  	v61 =	vld [tilespmem:s31+$0x707];
	v7 =	vadd.s32 v57, v7  }
0x2f4: {  	v7 =	vadd.s32 v58, v7  }
0x2f5: {  	v7 =	vadd.s32 v59, v7  }
0x2f6: {  	v7 =	vadd.s32 v60, v7  }
0x2f7: {  	v7 =	vadd.s32 v8, v7  }
0x2f8: {  	v7 =	vadd.s32 v61, v7  }
0x2f9: {  	(v2sf) =	vpush v13, $0xF;
	(xrf0) =	vadd.scan.msk.s32 $0xffff, v7;
	_ =	sdelay $0x5  }
0x2fa: {  	v8, _, _ =	vpop (xrf0)  }
0x2fb: {  	(v2sf) =	vpush v8, $0xF;
	_ =	sdelay $0x7  }
0x2fc: {  	s0 =	ssub.s32 s24, s0;
	s1 =	spop (v2sf)  }
0x2fd: {  	p3 =	seq.s32 s25, $0x0;
	p2 =	sge.s32 s1, s0  }
0x2fe: {  	p2 =	por !p3, !p2  }
0x2ff: {  	p2 =	por !p2, !p2  }
0x300: {  	p4 =	por !p2, !p2  }
0x301: {  	p4 =	por @!p3 p2, p2  }
0x302: {  	s1 =	simm.s32 @!p4 $0x0  }
0x303: {  	s25 =	simm.s32 @p2 $0x1;
	s1 =	ssub.s32 s0, s1;
	s13 =	spop (v2sf)  }
0x304: {  	p5 =	seq.s32 s25, $0x0;
	p6 =	sge.s32 s13, s1  }
0x305: {  	p3 =	por !p5, !p6  }
0x306: {  	s26 =	smov.u32 @p2 s30;
	p3 =	por !p3, !p3  }
0x307: {  	s25 =	sadd.s32 $0xFFFFFFF0, s28;
	s26 =	smov.u32 @p3 s29  }
0x308: {  	[tilespmem:s25+$0x0] =	vst v7;
	s28 =	sshll.u32 s26, $0x4  }
0x309: {  	v7 =	vld [tilespmem:s28+$0x19080];
	_ =	sdelay $0x4  }
0x30a: {  	v7 =	vperm.xlane v7, v5;
	_ =	sdelay $0x1  }
0x30b: {  	(xrf0) =	vadd.scan.msk.s32 $0xffff, v7;
	_ =	sdelay $0x4  }
0x30c: {  	s21 =	smov.u32 @p2 s0  }
0x30d: {  	s21 =	smov.u32 @p3 s1;
	v8, _, _ =	vpop (xrf0)  }
0x30e: {  	vm0 =	vge.s32 v8, s21  }
0x30f: {  	v62 =	vmctz.xlane vm0;
	_ =	sdelay $0x1  }
0x310: {  	v9 =	vxor.u32 $0x80000000, v62  }
0x311: {  	(xrf0) =	vmax.scan.msk.u32 $0xffff, v9;
	_ =	sdelay $0x5  }
0x312: {  	v9, _, _ =	vpop (xrf0)  }
0x313: {  	(v2sf) =	vpush v9, $0xF;
	_ =	sdelay $0xe  }
0x314: {  	s29 =	spop (v2sf)  }
0x315: {  	s0 =	sxor.u32 $0x80000000, s29  }
0x316: {  	v63 =	vmov s0  }
0x317: {  	v7 =	vsub.s32 v8, v7;
	vm15 =	veq.s32 v63, v0  }
0x318: {  	v7 =	vnsel vm15, $0x0, v7  }
0x319: {  	(xrf0) =	vadd.scan.msk.s32 $0xffff, v7;
	_ =	sdelay $0x5  }
0x31a: {  	v7, _, _ =	vpop (xrf0)  }
0x31b: {  	(v2sf) =	vpush v7, $0xF;
	_ =	sdelay $0xa  }
.Ltmp24:
0x31c: {  	_ = 	snop;
	(pc) =	sbr.rel @p1 .LBB2_34-.Ltmp24, $4  }
0x31d: {  	s30 =	sshllo.u32 s26, $0x4  }
0x31e: {  	s31 =	sshll.u32 s17, $0x8;
	s0 =	ssub.s32 s30, s0  }
0x31f: {  	s17 =	sor.u32 s31, s0  }
0x320: {  	v7 =	vmov s17;
	s24 =	spop (v2sf)  }
0x321: {  	s0 =	simm.s32 $0x10040  }
0x322: {  	s13 =	simm.s32 $0x30;
	v20 =	vld [tilespmem:s0+$0xFFFFFFC0]  }
0x323: {  	v15 =	vimm.s32 $0x0;
	s25 =	simm.s32 $0x40;
	s26 =	simm.s32 $0x60;
	s28 =	simm.s32 $0x20;
	v9 =	vor.u32 s13, v0;
	v8 =	vld [tilespmem:s0+$0x20]  }
0x324: {  	s29 =	simm.s32 $0x50;
	s30 =	simm.s32 $0x0;
	v11 =	vor.u32 s25, v0;
	v10 =	vld [tilespmem:s0+$0x0];
	v12 =	vor.u32 s26, v0;
	v13 =	vor.u32 s28, v0  }
0x325: {  	v14 =	vor.u32 s29, v0;
	v16 =	vor.u32 s30, v0;
	vm1 =	vlt.s32 v9, v6;
	v9 =	vld [tilespmem:s0+$0xFFFFFFF0]  }
0x326: {  	s31 =	simm.s32 $0x10;
	vm5 =	vlt.s32 v13, v6;
	vm3 =	vlt.s32 v14, v6;
	vm0 =	vlt.s32 v16, v6  }
0x327: {  	s1 =	simm.s32 $0x70;
	vm2 =	vlt.s32 v11, v6;
	v11 =	vor.u32 s31, v0;
	vm6 =	vlt.s32 v12, v6  }
0x328: {  	v16 =	vor.u32 s1, v0;
	v12 =	vld [tilespmem:s0+$0xFFFFFFE0];
	vm8 =	vlt.s32 v11, v6;
	v13 =	vshra.s32 v20, $0x8  }
0x329: {  	v14 =	vshra.s32 v8, $0x8;
	v11 =	vshra.s32 v10, $0x8;
	vm4 =	veq.s32 v13, v7;
	v13 =	vld [tilespmem:s0+$0x30]  }
0x32a: {  	v18 =	vshra.s32 v9, $0x8;
	vm7 =	vmand vm0, vm4;
	vm0 =	veq.s32 v14, v7;
	v14 =	vld [tilespmem:s0+$0xFFFFFFD0]  }
0x32b: {  	vm9 =	vlt.s32 v16, v6;
	vm10 =	veq.s32 v11, v7;
	vm4 =	veq.s32 v18, v7  }
0x32c: {  	v11 =	vld [tilespmem:s0+$0x10];
	v17 =	vmpcnt.ones.xlane vm7;
	vm0 =	vmand vm6, vm0;
	v16 =	vsel vm7, $0x1, v2  }
0x32d: {  	vm4 =	vmand vm1, vm4;
	vm1 =	vmand vm2, vm10;
	(xrf0) =	vadd.scan.msk.s32 $0xffff, v16;
	v16 =	vshra.s32 v12, $0x8  }
0x32e: {  	v21 =	vadd.s32 v15, v17;
	vm6 =	veq.s32 v16, v7;
	v17 =	vshra.s32 v13, $0x8  }
0x32f: {  	vm2 =	veq.s32 v17, v7;
	v17 =	vsel vm1, $0x1, v2;
	v16 =	vshra.s32 v14, $0x8  }
0x330: {  	v18 =	vsel vm4, $0x1, v2;
	vm6 =	vmand vm5, vm6;
	(xrf0) =	vadd.scan.msk.s32 $0xffff, v17;
	vm5 =	veq.s32 v16, v7  }
0x331: {  	(xrf0) =	vadd.scan.msk.s32 $0xffff, v18;
	v18 =	vshra.s32 v11, $0x8;
	vm5 =	vmand vm8, vm5  }
0x332: {  	vm2 =	vmand vm9, vm2;
	vm15 =	veq.s32 v18, v7;
	v18 =	vmpcnt.ones.xlane vm5  }
0x333: {  	v17 =	vsel vm2, $0x1, v2  }
0x334: {  	v16 =	vsel vm6, $0x1, v2;
	(xrf0) =	vadd.scan.msk.s32 $0xffff, v17  }
0x335: {  	v19 =	vmpcnt.ones.xlane vm6;
	v17 =	vsel vm0, $0x1, v2;
	v22, _, _ =	vpop (xrf0);
	(xrf0) =	vadd.scan.msk.s32 $0xffff, v16  }
0x336: {  	v15 =	vadd.s32 v22, v15;
	(xrf0) =	vadd.scan.msk.s32 $0xffff, v17;
	v17 =	vmpcnt.ones.xlane vm4;
	v22 =	vadd.s32 v21, v18;
	v18, _, _ =	vpop (xrf0)  }
0x337: {  	vm3 =	vmand vm3, vm15;
	v19 =	vadd.s32 v22, v19;
	v24, _, _ =	vpop (xrf0)  }
0x338: {  	v16 =	vsel vm5, $0x1, v2;
	v24 =	vadd.s32 v24, v19;
	v19 =	vadd.s32 v19, v17  }
0x339: {  	v23 =	vsel vm3, $0x1, v2;
	(xrf0) =	vadd.scan.msk.s32 $0xffff, v16;
	v16 =	vmpcnt.ones.xlane vm1  }
0x33a: {  	v25 =	vmpcnt.ones.xlane vm3;
	(xrf0) =	vadd.scan.msk.s32 $0xffff, v23;
	v26, _, _ =	vpop (xrf0)  }
0x33b: {  	p1 =	sgt.s32 s19, $0x8;
	v15 =	vadd.s32 $0xFFFFFFFF, v15;
	v27 =	vadd.s32 v18, v19;
	v16 =	vadd.s32 v19, v16;
	v19, _, _ =	vpop (xrf0)  }
.Ltmp25:
0x33c: {  	v18 =	vadd.s32 $0xFFFFFFFF, v24;
	v24 =	vadd.s32 v19, v22;
	v22 =	vadd.s32 v16, v25;
	(pc) =	sbr.rel @!p1 .LBB2_104-.Ltmp25, $4  }
0x33d: {  	v23 =	vmpcnt.ones.xlane vm0  }
0x33e: {  	v17 =	vmpcnt.ones.xlane vm2;
	v25, _, _ =	vpop (xrf0)  }
0x33f: {  	v19 =	vadd.s32 $0xFFFFFFFF, v27;
	v25 =	vadd.s32 v25, v22;
	v23 =	vadd.s32 v22, v23;
	v22, _, _ =	vpop (xrf0)  }
0x340: {  	s25 =	simm.s32 $0x8;
	s26 =	simm.s32 $0xF0;
	s28 =	simm.s32 $0x100C0;
	[tilespmem:v15+s11+$0x0] =	vst.idx.msk vm7, v20;
	v20 =	vadd.s32 $0xFFFFFFFF, v25;
	v25 =	vadd.s32 v26, v23;
	v21 =	vadd.s32 v22, v21;
	v22, _, _ =	vpop (xrf0)  }
.LBB2_103:
0x341: {  	v15 =	vld [tilespmem:s28+$0xFFFFFFC0];
	s0 =	sadd.s32 $0xFFFFFFC0, s26;
	s1 =	sadd.s32 $0xFFFFFFD0, s26;
	s13 =	sadd.s32 $0xFFFFFFF0, s26;
	v24 =	vadd.s32 $0xFFFFFFFF, v24;
	v25 =	vadd.s32 $0xFFFFFFFF, v25;
	v17 =	vadd.s32 v23, v17  }
0x342: {  	s29 =	sadd.s32 $0xFFFFFFB0, s26;
	s25 =	sadd.s32 $0x8, s25;
	v23 =	vor.u32 s0, v0;
	v26 =	vld [tilespmem:s28+$0x0];
	v27 =	vor.u32 s1, v0;
	s0 =	sadd.s32 $0xFFFFFFE0, s26;
	v28 =	vor.u32 s13, v0  }
0x343: {  	s1 =	sadd.s32 $0xFFFFFF90, s26;
	v29 =	vor.u32 s29, v0;
	p1 =	slt.s32 s25, s19;
	vm10 =	vlt.s32 v23, v6;
	v23 =	vor.u32 s0, v0;
	v30 =	vld [tilespmem:s28+$0x20];
	[tilespmem:v18+s11+$0x0] =	vst.idx.msk vm4, v9  }
0x344: {  	v18 =	vor.u32 s1, v0;
	vm9 =	vlt.s32 v29, v6;
	v9 =	vld [tilespmem:s28+$0xFFFFFFF0];
	vm8 =	vlt.s32 v23, v6;
	[tilespmem:v19+s11+$0x0] =	vst.idx.msk vm1, v10  }
0x345: {  	vm4 =	vlt.s32 v18, v6;
	v19 =	vadd.s32 $0xFFFFFFFF, v21;
	v10 =	vadd.s32 v22, v16;
	v18 =	vld [tilespmem:s28+$0x10];
	[tilespmem:v20+s11+$0x0] =	vst.idx.msk vm0, v8  }
0x346: {  	s0 =	sadd.s32 $0xFFFFFFA0, s26;
	vm1 =	vlt.s32 v27, v6;
	v20 =	vadd.s32 $0xFFFFFFFF, v10;
	v23 =	vshra.s32 v15, $0x8;
	v16 =	vld [tilespmem:s28+$0x30];
	[tilespmem:v24+s11+$0x0] =	vst.idx.msk vm6, v12  }
0x347: {  	v12 =	vor.u32 s0, v0;
	vm6 =	vlt.s32 v28, v6;
	vm0 =	veq.s32 v23, v7;
	v21 =	vld [tilespmem:s28+$0xFFFFFFD0];
	[tilespmem:v25+s11+$0x0] =	vst.idx.msk vm2, v13  }
0x348: {  	v22 =	vor.u32 s26, v0;
	v10 =	vmovc v26;
	vm7 =	vmand vm4, vm0;
	v13 =	vshra.s32 v30, $0x8;
	v8 =	vmovc v30  }
0x349: {  	vm11 =	vlt.s32 v12, v6;
	v23 =	vmpcnt.ones.xlane vm7;
	v12 =	vld [tilespmem:s28+$0xFFFFFFE0];
	v24 =	vshra.s32 v9, $0x8  }
0x34a: {  	vm2 =	vlt.s32 v22, v6;
	v25 =	vshra.s32 v10, $0x8;
	vm0 =	veq.s32 v13, v7;
	[tilespmem:v19+s11+$0x0] =	vst.idx.msk vm5, v14  }
0x34b: {  	vm5 =	veq.s32 v25, v7;
	vm0 =	vmand vm6, vm0;
	v22 =	vadd.s32 v17, v23;
	[tilespmem:v20+s11+$0x0] =	vst.idx.msk vm3, v11  }
0x34c: {  	v20 =	vsel vm7, $0x1, v2;
	vm3 =	veq.s32 v24, v7;
	v19 =	vsel vm0, $0x1, v2;
	v11 =	vmovc v18;
	v13 =	vmovc v16  }
0x34d: {  	vm1 =	vmand vm1, vm5;
	vm4 =	vmand vm10, vm3;
	v16 =	vshra.s32 v13, $0x8;
	v14 =	vmovc v21;
	(xrf0) =	vadd.scan.msk.s32 $0xffff, v20  }
0x34e: {  	v20 =	vshra.s32 v11, $0x8;
	vm3 =	veq.s32 v16, v7;
	v18 =	vshra.s32 v12, $0x8  }
0x34f: {  	v23 =	vsel vm1, $0x1, v2;
	v16 =	vshra.s32 v14, $0x8;
	v21 =	vsel vm4, $0x1, v2  }
0x350: {  	vm2 =	vmand vm2, vm3;
	vm5 =	veq.s32 v18, v7;
	v18 =	vmpcnt.ones.xlane vm4;
	(xrf0) =	vadd.scan.msk.s32 $0xffff, v23  }
0x351: {  	vm3 =	veq.s32 v20, v7;
	v20 =	vsel vm2, $0x1, v2;
	vm6 =	vmand vm9, vm5;
	(xrf0) =	vadd.scan.msk.s32 $0xffff, v21  }
0x352: {  	vm5 =	veq.s32 v16, v7;
	v16 =	vsel vm6, $0x1, v2;
	v21 =	vmpcnt.ones.xlane vm6;
	(xrf0) =	vadd.scan.msk.s32 $0xffff, v20  }
0x353: {  	vm3 =	vmand vm8, vm3;
	vm5 =	vmand vm11, vm5;
	v20 =	vmpcnt.ones.xlane vm1;
	v23, _, _ =	vpop (xrf0);
	(xrf0) =	vadd.scan.msk.s32 $0xffff, v16  }
0x354: {  	v16 =	vadd.s32 v23, v17;
	v17 =	vsel vm5, $0x1, v2;
	v23 =	vmpcnt.ones.xlane vm5;
	(xrf0) =	vadd.scan.msk.s32 $0xffff, v19  }
0x355: {  	v19 =	vadd.s32 $0xFFFFFFFF, v16;
	v16 =	vsel vm3, $0x1, v2;
	(xrf0) =	vadd.scan.msk.s32 $0xffff, v17  }
0x356: {  	v23 =	vadd.s32 v22, v23;
	v24, _, _ =	vpop (xrf0);
	(xrf0) =	vadd.scan.msk.s32 $0xffff, v16  }
0x357: {  	v17 =	vmpcnt.ones.xlane vm2;
	v16 =	vadd.s32 v23, v21;
	v21 =	vmpcnt.ones.xlane vm0;
	v25, _, _ =	vpop (xrf0)  }
.Ltmp26:
0x358: {  	v26 =	vmpcnt.ones.xlane vm3;
	v25 =	vadd.s32 v25, v16;
	v16 =	vadd.s32 v16, v18;
	v27, _, _ =	vpop (xrf0);
	(pc) =	sbr.rel @p1 .LBB2_103-.Ltmp26, $4  }
0x359: {  	v18 =	vadd.s32 $0xFFFFFFFF, v25;
	v25 =	vadd.s32 v24, v16;
	v16 =	vadd.s32 v16, v20;
	v20, _, _ =	vpop (xrf0)  }
0x35a: {  	[tilespmem:v19+s11+$0x0] =	vst.idx.msk vm7, v15;
	v24 =	vadd.s32 v20, v23;
	v19 =	vadd.s32 $0xFFFFFFFF, v25;
	v25 =	vadd.s32 v16, v26;
	v20, _, _ =	vpop (xrf0)  }
0x35b: {  	v20 =	vadd.s32 v20, v25;
	v23 =	vadd.s32 v25, v21;
	v15, _, _ =	vpop (xrf0)  }
0x35c: {  	s26 =	sadd.s32 $0x80, s26;
	s28 =	sadd.s32 $0x80, s28;
	v21 =	vadd.s32 v15, v22;
	v20 =	vadd.s32 $0xFFFFFFFF, v20;
	v25 =	vadd.s32 v27, v23;
	v22, _, _ =	vpop (xrf0)  }
.LBB2_104:
0x35d: {  	_ =	sdelay $0x2  }
0x35e: {  	v15 =	vadd.s32 $0xFFFFFFFF, v24  }
0x35f: {  	v63 =	vadd.s32 $0xFFFFFFFF, v25  }
0x360: {  	[tilespmem:v18+s11+$0x0] =	vst.idx.msk vm4, v9;
	v9 =	vadd.s32 $0xFFFFFFFF, v21;
	v16 =	vadd.s32 v22, v16  }
0x361: {  	[tilespmem:v19+s11+$0x0] =	vst.idx.msk vm1, v10;
	v10 =	vadd.s32 $0xFFFFFFFF, v16  }
.Ltmp27:
0x362: {  	[tilespmem:v20+s11+$0x0] =	vst.idx.msk vm0, v8;
	(pc) =	sbr.rel .LBB2_35-.Ltmp27, $4  }
0x363: {  	[tilespmem:v15+s11+$0x0] =	vst.idx.msk vm6, v12  }
0x364: {  	[tilespmem:v63+s11+$0x0] =	vst.idx.msk vm2, v13  }
0x365: {  	[tilespmem:v9+s11+$0x0] =	vst.idx.msk vm5, v14  }
0x366: {  	v8 =	vadd.s32 v23, v17;
	[tilespmem:v10+s11+$0x0] =	vst.idx.msk vm3, v11  }
.LBB2_34:
0x367: {  	v8 =	vimm.s32 $0x0  }
.LBB2_35:
0x368: {  	p1 =	slt.s32 s22, $0x1  }
.Ltmp28:
0x369: {  	_ = 	snop;
	(pc) =	sbr.rel @p1 .LBB2_38-.Ltmp28, $1  }
0x36a: {  	_ =	sdelay $0x3  }
0x36b: {  	s0 =	sadd.s32 $0x10000, s23  }
.LBB2_37:
0x36c: {  	v9 =	vld [tilespmem:s0+$0x0];
	_ =	sdelay $0x4  }
0x36d: {  	v10 =	vor.u32 s20, v0;
	v11 =	vshra.s32 v9, $0x8  }
0x36e: {  	vm0 =	vlt.s32 v10, v6;
	vm1 =	veq.s32 v11, v7  }
0x36f: {  	vm0 =	vmand vm0, vm1  }
0x370: {  	v10 =	vsel vm0, $0x1, v2  }
0x371: {  	(xrf0) =	vadd.scan.msk.s32 $0xffff, v10;
	_ =	sdelay $0x5  }
0x372: {  	v10, _, _ =	vpop (xrf0)  }
0x373: {  	s19 =	sadd.s32 $0x1, s19;
	v10 =	vadd.s32 v10, v8  }
0x374: {  	p1 =	slt.s32 s19, s18;
	v10 =	vadd.s32 $0xFFFFFFFF, v10  }
.Ltmp29:
0x375: {  	_ = 	snop;
	(pc) =	sbr.rel @p1 .LBB2_37-.Ltmp29, $3  }
0x376: {  	_ = 	snop  }
0x377: {  	v11 =	vmpcnt.ones.xlane vm0;
	_ =	sdelay $0x1  }
0x378: {  	s0 =	sadd.s32 $0x10, s0;
	s20 =	sadd.s32 $0x10, s20;
	v8 =	vadd.s32 v8, v11;
	[tilespmem:v10+s11+$0x0] =	vst.idx.msk vm0, v9  }
.LBB2_38:
0x379: {  	s0 =	simm.s32 $0x18040  }
0x37a: {  	[tilespmem:s0+$0xFFFFFFC0] =	vst v2  }
0x37b: {  	[tilespmem:s0+$0x30] =	vst v2  }
0x37c: {  	[tilespmem:s0+$0x20] =	vst v2  }
0x37d: {  	[tilespmem:s0+$0x10] =	vst v2  }
0x37e: {  	[tilespmem:s0+$0x0] =	vst v2  }
0x37f: {  	[tilespmem:s0+$0xFFFFFFF0] =	vst v2  }
0x380: {  	s18 =	ssub.s32 s21, s24;
	s1 =	simm.s32 $0x0;
	[tilespmem:s0+$0xFFFFFFE0] =	vst v2  }
.LBB2_39:
0x381: {  	s1 =	sadd.s32 $0x8, s1;
	[tilespmem:s0+$0xFFFFFFD0] =	vst v2;
	s0 =	sadd.s32 $0x80, s0  }
0x382: {  	[tilespmem:s0+$0xFFFFFFC0] =	vst v2;
	p1 =	slt.u32 s1, $0x100  }
0x383: {  	[tilespmem:s0+$0x30] =	vst v2  }
.Ltmp30:
0x384: {  	[tilespmem:s0+$0x20] =	vst v2;
	(pc) =	sbr.rel @p1 .LBB2_39-.Ltmp30, $4  }
0x385: {  	[tilespmem:s0+$0x10] =	vst v2  }
0x386: {  	[tilespmem:s0+$0x0] =	vst v2  }
0x387: {  	[tilespmem:s0+$0xFFFFFFF0] =	vst v2  }
0x388: {  	[tilespmem:s0+$0xFFFFFFE0] =	vst v2  }
0x389: {  	v6 =	vxor.u32 $0x80000000, v8  }
0x38a: {  	(xrf0) =	vmax.scan.msk.u32 $0xffff, v6;
	_ =	sdelay $0x5  }
0x38b: {  	v6, _, _ =	vpop (xrf0)  }
0x38c: {  	(v2sf) =	vpush v6, $0xF;
	_ =	sdelay $0xe  }
0x38d: {  	s1 =	spop (v2sf)  }
0x38e: {  	s13 =	sadd.s32 $0x8000000F, s1  }
0x38f: {  	s19 =	sand.u32 $0xF, s13  }
0x390: {  	s31 =	sshra.s32 s13, $0x1F;
	p2 =	slt.s32 s13, $0x1;
	p1 =	sne.s32 s19, $0x0  }
0x391: {  	s19 =	sshrl.u32 s31, $0x1C;
	p1 =	por !p2, !p1  }
0x392: {  	s13 =	sadd.s32 s19, s13;
	s19 =	simm.s32 $0x1;
	p1 =	por !p1, !p1  }
0x393: {  	s13 =	sshra.s32 s13, $0x4;
	s19 =	simm.s32 @!p1 $0x0  }
0x394: {  	s19 =	ssub.s32 s13, s19  }
0x395: {  	s13 =	sshrl.u32 s19, $0x1D  }
0x396: {  	s13 =	sadd.s32 s13, s19  }
0x397: {  	s20 =	sand.u32 $0xFFFFFFF8, s13  }
0x398: {  	p1 =	slt.s32 s20, $0x1  }
.Ltmp31:
0x399: {  	_ = 	snop;
	(pc) =	sbr.rel @p1 .LBB2_44-.Ltmp31, $3  }
0x39a: {  	_ =	sdelay $0x1  }
0x39b: {  	s1 =	sxor.u32 $0x80000000, s1  }
0x39c: {  	[tilespmem:s0+$0xFFFFFFD0] =	vst v2;
	v6 =	vmov s1  }
0x39d: {  	s0 =	simm.s32 $0x10040  }
0x39e: {  	v7 =	vld [tilespmem:s0+$0xFFFFFFD0]  }
0x39f: {  	v9 =	vld [tilespmem:s0+$0xFFFFFFC0]  }
0x3a0: {  	v10 =	vld [tilespmem:s0+$0x30]  }
0x3a1: {  	s1 =	simm.s32 $0x10;
	v12 =	vld [tilespmem:s0+$0x20]  }
0x3a2: {  	v8 =	vor.u32 s1, v0;
	v15 =	vld [tilespmem:s0+$0x0]  }
0x3a3: {  	s21 =	simm.s32 $0x70;
	s29 =	simm.s32 $0x0;
	vm2 =	vlt.s32 v8, v6;
	v11 =	vand.u32 $0xFF, v7  }
0x3a4: {  	s13 =	simm.s32 $0x30;
	p1 =	sgt.s32 s20, $0x8;
	v17 =	vld [tilespmem:s0+$0xFFFFFFE0];
	v13 =	vor.u32 s21, v0;
	v8 =	vor.u32 s29, v0;
	v16 =	vadd.s32 v1, v11  }
.Ltmp32:
0x3a5: {  	s30 =	simm.s32 $0x60;
	vm0 =	vlt.s32 v13, v6;
	v7 =	vor.u32 s13, v0;
	v10 =	vand.u32 $0xFF, v10;
	(pc) =	sbr.rel @!p1 .LBB2_43-.Ltmp32, $4  }
0x3a6: {  	v11 =	vadd.s32 v1, v10;
	v10 =	vand.u32 $0xFF, v12;
	v12 =	vor.u32 s30, v0  }
0x3a7: {  	s31 =	simm.s32 $0x20;
	v13 =	vld [tilespmem:s0+$0x10];
	v9 =	vand.u32 $0xFF, v9;
	v18 =	vand.u32 $0xFF, v15;
	vm1 =	vlt.s32 v12, v6  }
0x3a8: {  	s22 =	simm.s32 $0x8;
	v14 =	vld [tilespmem:s0+$0xFFFFFFF0];
	v9 =	vadd.s32 v1, v9;
	v10 =	vadd.s32 v1, v10;
	v12 =	vor.u32 s31, v0  }
0x3a9: {  	s23 =	simm.s32 $0x50;
	s1 =	simm.s32 $0x40;
	s0 =	simm.s32 $0x100C0;
	v15 =	vand.u32 $0xFF, v17;
	[tilespmem:v16+s10+$0x0] =	vst.idx.add.s32.msk vm2, v4;
	vm2 =	vlt.s32 v12, v6;
	v12 =	vadd.s32 v1, v18  }
.LBB2_42:
0x3aa: {  	v16 =	vld [tilespmem:s0+$0xFFFFFFD0];
	s22 =	sadd.s32 $0x8, s22;
	v15 =	vadd.s32 v1, v15;
	v17 =	vor.u32 s1, v0;
	s21 =	sadd.s32 $0x80, s21  }
0x3ab: {  	s1 =	sadd.s32 $0xFFFFFF90, s21;
	s13 =	sadd.s32 $0xFFFFFFC0, s21;
	p1 =	slt.s32 s22, s20;
	vm3 =	vlt.s32 v17, v6;
	[tilespmem:v11+s10+$0x0] =	vst.idx.add.s32.msk vm0, v4  }
0x3ac: {  	v11 =	vld [tilespmem:s0+$0xFFFFFFC0];
	v17 =	vor.u32 s1, v0;
	v18 =	vor.u32 s13, v0;
	s1 =	sadd.s32 $0xFFFFFFE0, s21;
	v13 =	vand.u32 $0xFF, v13  }
0x3ad: {  	vm0 =	vlt.s32 v8, v6;
	v14 =	vand.u32 $0xFF, v14;
	[tilespmem:v10+s10+$0x0] =	vst.idx.add.s32.msk vm1, v4;
	v8 =	vmov v17  }
0x3ae: {  	v17 =	vor.u32 s23, v0;
	s23 =	smov.u32 s1;
	v10 =	vld [tilespmem:s0+$0x30]  }
0x3af: {  	vm1 =	vlt.s32 v7, v6;
	v7 =	vmov v18;
	[tilespmem:v15+s10+$0x0] =	vst.idx.add.s32.msk vm2, v4;
	vm2 =	vlt.s32 v17, v6  }
0x3b0: {  	v13 =	vadd.s32 v1, v13;
	v14 =	vadd.s32 v1, v14;
	v15 =	vld [tilespmem:s0+$0x20]  }
0x3b1: {  	s1 =	sadd.s32 $0xFFFFFFA0, s21;
	[tilespmem:v12+s10+$0x0] =	vst.idx.add.s32.msk vm3, v4  }
0x3b2: {  	v18 =	vor.u32 s21, v0;
	v12 =	vor.u32 s1, v0;
	v17 =	vld [tilespmem:s0+$0x0]  }
0x3b3: {  	s1 =	sadd.s32 $0xFFFFFFF0, s21;
	vm3 =	vlt.s32 v12, v6;
	v12 =	vand.u32 $0xFF, v16;
	v10 =	vand.u32 $0xFF, v10;
	[tilespmem:v9+s10+$0x0] =	vst.idx.add.s32.msk vm0, v4  }
0x3b4: {  	v9 =	vand.u32 $0xFF, v11;
	v12 =	vadd.s32 v1, v12;
	v16 =	vld [tilespmem:s0+$0xFFFFFFE0];
	v11 =	vadd.s32 v1, v10  }
.Ltmp33:
0x3b5: {  	vm0 =	vlt.s32 v18, v6;
	v9 =	vadd.s32 v1, v9;
	v10 =	vand.u32 $0xFF, v15;
	[tilespmem:v14+s10+$0x0] =	vst.idx.add.s32.msk vm1, v4;
	(pc) =	sbr.rel @p1 .LBB2_42-.Ltmp33, $4  }
0x3b6: {  	v14 =	vor.u32 s1, v0;
	v10 =	vadd.s32 v1, v10;
	[tilespmem:v13+s10+$0x0] =	vst.idx.add.s32.msk vm2, v4  }
0x3b7: {  	s1 =	sadd.s32 $0xFFFFFFB0, s21;
	vm1 =	vlt.s32 v14, v6;
	v13 =	vld [tilespmem:s0+$0x10]  }
0x3b8: {  	v15 =	vor.u32 s1, v0;
	v17 =	vand.u32 $0xFF, v17;
	v14 =	vld [tilespmem:s0+$0xFFFFFFF0]  }
0x3b9: {  	s1 =	sadd.s32 $0xFFFFFFD0, s21;
	vm2 =	vlt.s32 v15, v6;
	s0 =	sadd.s32 $0x80, s0;
	[tilespmem:v12+s10+$0x0] =	vst.idx.add.s32.msk vm3, v4;
	v15 =	vand.u32 $0xFF, v16;
	v12 =	vadd.s32 v1, v17  }
.LBB2_43:
0x3ba: {  	_ =	sdelay $0x1  }
0x3bb: {  	v16 =	vor.u32 s1, v0;
	v15 =	vadd.s32 v1, v15;
	vm4 =	vlt.s32 v8, v6  }
0x3bc: {  	v63 =	vor.u32 s23, v0;
	vm3 =	vlt.s32 v16, v6  }
0x3bd: {  	vm5 =	vlt.s32 v7, v6;
	vm15 =	vlt.s32 v63, v6;
	v7 =	vand.u32 $0xFF, v13  }
0x3be: {  	[tilespmem:v11+s10+$0x0] =	vst.idx.add.s32.msk vm0, v4;
	v8 =	vand.u32 $0xFF, v14;
	v7 =	vadd.s32 v1, v7  }
0x3bf: {  	[tilespmem:v10+s10+$0x0] =	vst.idx.add.s32.msk vm1, v4;
	v8 =	vadd.s32 v1, v8  }
0x3c0: {  	[tilespmem:v15+s10+$0x0] =	vst.idx.add.s32.msk vm2, v4  }
0x3c1: {  	[tilespmem:v9+s10+$0x0] =	vst.idx.add.s32.msk vm4, v4  }
0x3c2: {  	[tilespmem:v12+s10+$0x0] =	vst.idx.add.s32.msk vm3, v4  }
0x3c3: {  	[tilespmem:v7+s10+$0x0] =	vst.idx.add.s32.msk vm15, v4  }
0x3c4: {  	[tilespmem:v8+s10+$0x0] =	vst.idx.add.s32.msk vm5, v4  }
.LBB2_44:
0x3c5: {  	s0 =	ssub.s32 s19, s20  }
0x3c6: {  	p1 =	sgt.s32 s0, $0x0  }
.Ltmp34:
0x3c7: {  	_ = 	snop;
	(pc) =	sbr.rel @!p1 .LBB2_45-.Ltmp34, $1  }
0x3c8: {  	_ =	sdelay $0x3  }
0x3c9: {  	s0 =	sshll.u32 s20, $0x6  }
0x3ca: {  	s0 =	sshra.s32 s0, $0x2  }
0x3cb: {  	s1 =	sshll.u32 s20, $0x4;
	s0 =	sadd.s32 $0x10000, s0  }
.LBB2_106:
0x3cc: {  	v7 =	vld [tilespmem:s0+$0x0];
	_ =	sdelay $0x3  }
0x3cd: {  	v8 =	vor.u32 s1, v0  }
0x3ce: {  	s20 =	sadd.s32 $0x1, s20;
	vm0 =	vlt.s32 v8, v6;
	v7 =	vand.u32 $0xFF, v7  }
0x3cf: {  	p1 =	slt.s32 s20, s19;
	v7 =	vadd.s32 v1, v7  }
.Ltmp35:
0x3d0: {  	_ = 	snop;
	(pc) =	sbr.rel @p1 .LBB2_106-.Ltmp35, $2  }
0x3d1: {  	_ =	sdelay $0x2  }
0x3d2: {  	s0 =	sadd.s32 $0x10, s0;
	s1 =	sadd.s32 $0x10, s1;
	[tilespmem:v7+s10+$0x0] =	vst.idx.add.s32.msk vm0, v4  }
.LBB2_45:
0x3d3: {  	s1 =	simm.s32 $0x188F8  }
0x3d4: {  	v6 =	vld [tilespmem:s1+$0xFFFFF7F8]  }
0x3d5: {  	v7 =	vld [tilespmem:s1+$0xFFFFF8F9]  }
0x3d6: {  	v8 =	vld [tilespmem:s1+$0xFFFFF9FA]  }
0x3d7: {  	v9 =	vld [tilespmem:s1+$0xFFFFFAFB]  }
0x3d8: {  	v10 =	vld [tilespmem:s1+$0xFFFFFBFC]  }
0x3d9: {  	v11 =	vld [tilespmem:s1+$0xFFFFFCFD]  }
0x3da: {  	v12 =	vld [tilespmem:s1+$0xFFFFFDFE];
	v6 =	vadd.s32 v6, v7  }
0x3db: {  	v7 =	vld [tilespmem:s1+$0xFFFFFEFF];
	v6 =	vadd.s32 v8, v6  }
0x3dc: {  	v8 =	vld [tilespmem:s1+$0x0];
	v6 =	vadd.s32 v9, v6  }
0x3dd: {  	v9 =	vld [tilespmem:s1+$0x101];
	v6 =	vadd.s32 v10, v6  }
0x3de: {  	v10 =	vld [tilespmem:s1+$0x202];
	v6 =	vadd.s32 v11, v6  }
0x3df: {  	v11 =	vld [tilespmem:s1+$0x303];
	v6 =	vadd.s32 v12, v6  }
0x3e0: {  	v12 =	vld [tilespmem:s1+$0x404];
	v6 =	vadd.s32 v7, v6  }
0x3e1: {  	v7 =	vld [tilespmem:s1+$0x505];
	v6 =	vadd.s32 v8, v6  }
0x3e2: {  	v8 =	vld [tilespmem:s1+$0x606];
	v6 =	vadd.s32 v9, v6  }
0x3e3: {  	v9 =	vld [tilespmem:s1+$0x707];
	v6 =	vadd.s32 v10, v6  }
0x3e4: {  	v6 =	vadd.s32 v11, v6  }
0x3e5: {  	v6 =	vadd.s32 v12, v6  }
0x3e6: {  	v6 =	vadd.s32 v7, v6  }
0x3e7: {  	v6 =	vadd.s32 v8, v6  }
0x3e8: {  	s0 =	simm.s32 $0x19170;
	v6 =	vadd.s32 v9, v6  }
0x3e9: {  	s31 =	simm.s32 $0x188E8;
	[tilespmem:s0+$0x0] =	vst v6;
	(xrf0) =	vadd.scan.msk.s32 $0xffff, v6  }
0x3ea: {  	v6 =	vld [tilespmem:s31+$0xFFFFF7F8]  }
0x3eb: {  	v7 =	vld [tilespmem:s31+$0xFFFFF8F9]  }
0x3ec: {  	v8 =	vld [tilespmem:s31+$0xFFFFF9FA]  }
0x3ed: {  	v9 =	vld [tilespmem:s31+$0xFFFFFAFB]  }
0x3ee: {  	v10 =	vld [tilespmem:s31+$0xFFFFFBFC]  }
0x3ef: {  	v11 =	vld [tilespmem:s31+$0xFFFFFCFD];
	v12, _, _ =	vpop (xrf0)  }
0x3f0: {  	v13 =	vld [tilespmem:s31+$0xFFFFFDFE];
	v6 =	vadd.s32 v6, v7;
	(v2sf) =	vpush v12, $0xF  }
0x3f1: {  	v7 =	vld [tilespmem:s31+$0xFFFFFEFF];
	v6 =	vadd.s32 v8, v6  }
0x3f2: {  	v8 =	vld [tilespmem:s31+$0x0];
	v6 =	vadd.s32 v9, v6  }
0x3f3: {  	v9 =	vld [tilespmem:s31+$0x101];
	v6 =	vadd.s32 v10, v6  }
0x3f4: {  	v10 =	vld [tilespmem:s31+$0x202];
	v6 =	vadd.s32 v11, v6  }
0x3f5: {  	v11 =	vld [tilespmem:s31+$0x303];
	v6 =	vadd.s32 v13, v6  }
0x3f6: {  	v12 =	vld [tilespmem:s31+$0x404];
	v6 =	vadd.s32 v7, v6  }
0x3f7: {  	v7 =	vld [tilespmem:s31+$0x505];
	v6 =	vadd.s32 v8, v6  }
0x3f8: {  	v8 =	vld [tilespmem:s31+$0x606];
	v6 =	vadd.s32 v9, v6  }
0x3f9: {  	v9 =	vld [tilespmem:s31+$0x707];
	v6 =	vadd.s32 v10, v6  }
0x3fa: {  	v6 =	vadd.s32 v11, v6  }
0x3fb: {  	v6 =	vadd.s32 v12, v6  }
0x3fc: {  	v6 =	vadd.s32 v7, v6  }
0x3fd: {  	v6 =	vadd.s32 v8, v6  }
0x3fe: {  	s21 =	simm.s32 $0x19160;
	v6 =	vadd.s32 v9, v6  }
0x3ff: {  	s25 =	simm.s32 $0x188D8;
	[tilespmem:s21+$0x0] =	vst v6;
	(xrf0) =	vadd.scan.msk.s32 $0xffff, v6;
	s0 =	spop (v2sf)  }
0x400: {  	p1 =	por $0x1, $0x1;
	v6 =	vld [tilespmem:s25+$0xFFFFF7F8];
	p2 =	sge.s32 s0, s18  }
0x401: {  	s20 =	simm.s32 $0x0;
	s19 =	simm.s32 $0x1;
	v9 =	vld [tilespmem:s25+$0xFFFFF8F9];
	p2 =	por !p1, !p2  }
0x402: {  	s23 =	simm.s32 $0xF;
	s22 =	simm.s32 $0x0;
	v7 =	vld [tilespmem:s25+$0xFFFFF9FA];
	p2 =	por !p2, !p2  }
0x403: {  	s24 =	simm.s32 $0xE;
	s1 =	simm.s32 $0xC;
	v8 =	vld [tilespmem:s25+$0xFFFFFAFB];
	p3 =	por !p2, !p2  }
0x404: {  	v10 =	vld [tilespmem:s25+$0xFFFFFBFC];
	s22 =	smov.u32 @p2 s23;
	s23 =	simm.s32 $0xD;
	p3 =	por @!p1 p2, p2  }
0x405: {  	v11 =	vld [tilespmem:s25+$0xFFFFFCFD];
	s19 =	smov.u32 @p2 s18;
	s20 =	simm.s32 @p2 $0x1;
	v12, _, _ =	vpop (xrf0);
	s0 =	simm.s32 @!p3 $0x0  }
.LBB2_46:
0x406: {  	p1 =	sne.s32 s1, $0x0  }
0x407: {  	v13 =	vld [tilespmem:s25+$0xFFFFFDFE];
	v6 =	vadd.s32 v6, v9;
	(v2sf) =	vpush v12, $0xF;
	s18 =	ssub.s32 s18, s0;
	s13 =	smov.u32 s1;
	s1 =	sadd.s32 $0xFFFFFFFF, s1  }
0x408: {  	v9 =	vld [tilespmem:s25+$0xFFFFFEFF];
	v6 =	vadd.s32 v7, v6  }
0x409: {  	v7 =	vld [tilespmem:s25+$0x0];
	v6 =	vadd.s32 v8, v6  }
0x40a: {  	v8 =	vld [tilespmem:s25+$0x101];
	v6 =	vadd.s32 v10, v6  }
0x40b: {  	v10 =	vld [tilespmem:s25+$0x202];
	v6 =	vadd.s32 v11, v6  }
0x40c: {  	v11 =	vld [tilespmem:s25+$0x303];
	v6 =	vadd.s32 v13, v6  }
0x40d: {  	v12 =	vld [tilespmem:s25+$0x404];
	v6 =	vadd.s32 v9, v6  }
0x40e: {  	v9 =	vld [tilespmem:s25+$0x505];
	v6 =	vadd.s32 v7, v6  }
0x40f: {  	v7 =	vld [tilespmem:s25+$0x606];
	v6 =	vadd.s32 v8, v6  }
0x410: {  	v8 =	vld [tilespmem:s25+$0x707];
	v6 =	vadd.s32 v10, v6  }
0x411: {  	v6 =	vadd.s32 v11, v6  }
0x412: {  	v6 =	vadd.s32 v12, v6  }
0x413: {  	v6 =	vadd.s32 v9, v6  }
0x414: {  	v6 =	vadd.s32 v7, v6  }
0x415: {  	s21 =	sadd.s32 $0xFFFFFFF0, s21;
	v6 =	vadd.s32 v8, v6  }
0x416: {  	s25 =	sadd.s32 $0xFFFFFFF0, s25;
	[tilespmem:s21+$0x0] =	vst v6;
	(xrf0) =	vadd.scan.msk.s32 $0xffff, v6;
	s0 =	spop (v2sf)  }
0x417: {  	p2 =	seq.s32 s20, $0x0;
	v6 =	vld [tilespmem:s25+$0xFFFFF7F8];
	p3 =	sge.s32 s0, s18  }
.Ltmp36:
0x418: {  	v9 =	vld [tilespmem:s25+$0xFFFFF8F9];
	p3 =	por !p2, !p3;
	(pc) =	sbr.rel @p1 .LBB2_46-.Ltmp36, $4  }
0x419: {  	v7 =	vld [tilespmem:s25+$0xFFFFF9FA];
	p3 =	por !p3, !p3  }
0x41a: {  	v8 =	vld [tilespmem:s25+$0xFFFFFAFB];
	s22 =	smov.u32 @p3 s24;
	s19 =	smov.u32 @p3 s18;
	p4 =	por !p3, !p3  }
0x41b: {  	s20 =	simm.s32 @p3 $0x1;
	s24 =	smov.u32 s23;
	v10 =	vld [tilespmem:s25+$0xFFFFFBFC];
	p4 =	por @!p2 p3, p3  }
0x41c: {  	s23 =	smov.u32 s13;
	v11 =	vld [tilespmem:s25+$0xFFFFFCFD];
	v12, _, _ =	vpop (xrf0);
	s0 =	simm.s32 @!p4 $0x0  }
0x41d: {  	v13 =	vld [tilespmem:s25+$0xFFFFFDFE];
	v6 =	vadd.s32 v6, v9  }
0x41e: {  	v57 =	vld [tilespmem:s25+$0xFFFFFEFF];
	v6 =	vadd.s32 v7, v6  }
0x41f: {  	v7 =	vld [tilespmem:s25+$0x0];
	v6 =	vadd.s32 v8, v6  }
0x420: {  	v58 =	vld [tilespmem:s25+$0x101];
	v6 =	vadd.s32 v10, v6  }
0x421: {  	v59 =	vld [tilespmem:s25+$0x202];
	v6 =	vadd.s32 v11, v6  }
0x422: {  	v60 =	vld [tilespmem:s25+$0x303];
	v6 =	vadd.s32 v13, v6  }
0x423: {  	v61 =	vld [tilespmem:s25+$0x404];
	v6 =	vadd.s32 v57, v6  }
0x424: {  	v62 =	vld [tilespmem:s25+$0x505];
	v6 =	vadd.s32 v7, v6  }
0x425: {  	v7 =	vld [tilespmem:s25+$0x606];
	v6 =	vadd.s32 v58, v6  }
0x426: {  	v63 =	vld [tilespmem:s25+$0x707];
	v6 =	vadd.s32 v59, v6  }
0x427: {  	v6 =	vadd.s32 v60, v6  }
0x428: {  	v6 =	vadd.s32 v61, v6  }
0x429: {  	v6 =	vadd.s32 v62, v6  }
0x42a: {  	v6 =	vadd.s32 v7, v6  }
0x42b: {  	v6 =	vadd.s32 v63, v6  }
0x42c: {  	(v2sf) =	vpush v12, $0xF;
	(xrf0) =	vadd.scan.msk.s32 $0xffff, v6;
	_ =	sdelay $0x5  }
0x42d: {  	v7, _, _ =	vpop (xrf0)  }
0x42e: {  	(v2sf) =	vpush v7, $0xF;
	_ =	sdelay $0x7  }
0x42f: {  	s0 =	ssub.s32 s18, s0;
	s1 =	spop (v2sf)  }
0x430: {  	p2 =	seq.s32 s20, $0x0;
	p1 =	sge.s32 s1, s0  }
0x431: {  	p1 =	por !p2, !p1  }
0x432: {  	p1 =	por !p1, !p1  }
0x433: {  	p3 =	por !p1, !p1  }
0x434: {  	p3 =	por @!p2 p1, p1  }
0x435: {  	s1 =	simm.s32 @!p3 $0x0  }
0x436: {  	s20 =	simm.s32 @p1 $0x1;
	s1 =	ssub.s32 s0, s1;
	s13 =	spop (v2sf)  }
0x437: {  	p5 =	seq.s32 s20, $0x0;
	p6 =	sge.s32 s13, s1  }
0x438: {  	p2 =	por !p5, !p6  }
0x439: {  	s22 =	smov.u32 @p1 s24;
	p2 =	por !p2, !p2  }
0x43a: {  	s26 =	sadd.s32 $0xFFFFFFF0, s21;
	s22 =	smov.u32 @p2 s23  }
0x43b: {  	[tilespmem:s26+$0x0] =	vst v6;
	s28 =	sshll.u32 s22, $0x4  }
0x43c: {  	v6 =	vld [tilespmem:s28+$0x19080];
	_ =	sdelay $0x4  }
0x43d: {  	v6 =	vperm.xlane v6, v5;
	_ =	sdelay $0x1  }
0x43e: {  	(xrf0) =	vadd.scan.msk.s32 $0xffff, v6;
	_ =	sdelay $0x4  }
0x43f: {  	s19 =	smov.u32 @p1 s0  }
0x440: {  	s19 =	smov.u32 @p2 s1;
	v6, _, _ =	vpop (xrf0)  }
0x441: {  	vm0 =	vge.s32 v6, s19  }
0x442: {  	v6 =	vmctz.xlane vm0;
	_ =	sdelay $0x1  }
0x443: {  	v6 =	vxor.u32 $0x80000000, v6  }
0x444: {  	(xrf0) =	vmax.scan.msk.u32 $0xffff, v6;
	_ =	sdelay $0x5  }
0x445: {  	v6, _, _ =	vpop (xrf0)  }
0x446: {  	(v2sf) =	vpush v6, $0xF;
	_ =	sdelay $0xe  }
0x447: {  	s29 =	spop (v2sf)  }
0x448: {  	s0 =	sxor.u32 $0x7FFFFFFF, s29  }
0x449: {  	s0 =	sadd.s32 s28, s0  }
0x44a: {  	s30 =	sshll.u32 s17, $0x8;
	s0 =	sadd.s32 $0x10, s0  }
0x44b: {  	s0 =	sor.u32 s30, s0  }
0x44c: {  	v6 =	vmov s0  }
0x44d: {  	s31 =	sshll.u32 s16, $0x8;
	v7 =	vxor.u32 $0x7FFFFFFF, v6;
	vm15 =	vlt.s32 v6, $0x0  }
0x44e: {  	s16 =	sand.u32 $0x3FFFFF00, s31;
	v6 =	vnsel vm15, s0, v7  }
0x44f: {  	[tilespmem:s16+$0x19180] =	vst v6  }
0x450: {  	[tilespmem:s16+$0x19190] =	vst v6  }
0x451: {  	[tilespmem:s16+$0x191A0] =	vst v6  }
0x452: {  	[tilespmem:s16+$0x191B0] =	vst v6  }
0x453: {  	[tilespmem:s16+$0x191C0] =	vst v6  }
0x454: {  	[tilespmem:s16+$0x191D0] =	vst v6  }
0x455: {  	[tilespmem:s16+$0x191E0] =	vst v6  }
0x456: {  	[tilespmem:s16+$0x191F0] =	vst v6  }
0x457: {  	_ =	swait.ge [sflag:s12], $0x8000  }
0x458: {  	[sflag:s12] =	ssyncset.done $0x0  }
0x459: {  	s1 =	simm.s32 $0x18040;
	s0 =	simm.s32 @p0 $0x0;
	[sflag:s12] =	ssyncadd.s32 $0xFFFF8000  }
0x45a: {  	[tilespmem:s0], [sflag:$0x1] =	stream.linear.gather @p0 [hbm4b:s5+s0], $0x8000, $0x38;
	[tilespmem:$0x19380] =	vst v63  }
0x45b: {  	[tilespmem:s1+$0xFFFFFFC0] =	vst v2  }
0x45c: {  	[tilespmem:s1+$0x30] =	vst v2  }
0x45d: {  	[tilespmem:s1+$0x20] =	vst v2  }
0x45e: {  	[tilespmem:s1+$0x10] =	vst v2  }
0x45f: {  	[tilespmem:s1+$0x0] =	vst v2  }
0x460: {  	[tilespmem:s1+$0xFFFFFFF0] =	vst v2  }
0x461: {  	s13 =	simm.s32 $0x0;
	[tilespmem:s1+$0xFFFFFFE0] =	vst v2  }
.LBB2_48:
0x462: {  	s13 =	sadd.s32 $0x8, s13;
	[tilespmem:s1+$0xFFFFFFD0] =	vst v2;
	s1 =	sadd.s32 $0x80, s1;
	s0 =	simm.s32 $0x8040  }
0x463: {  	[tilespmem:s1+$0xFFFFFFC0] =	vst v2;
	p1 =	slt.u32 s13, $0x100  }
0x464: {  	[tilespmem:s1+$0x30] =	vst v2  }
.Ltmp37:
0x465: {  	[tilespmem:s1+$0x20] =	vst v2;
	(pc) =	sbr.rel @p1 .LBB2_48-.Ltmp37, $4  }
0x466: {  	[tilespmem:s1+$0x10] =	vst v2  }
0x467: {  	[tilespmem:s1+$0x0] =	vst v2  }
0x468: {  	[tilespmem:s1+$0xFFFFFFF0] =	vst v2  }
0x469: {  	[tilespmem:s1+$0xFFFFFFE0] =	vst v2  }
0x46a: {  	[tilespmem:s1+$0xFFFFFFD0] =	vst v2  }
0x46b: {  	v6 =	vld [tilespmem:s0+$0x10];
	_ =	sdelay $0x1  }
0x46c: {  	v7 =	vld [tilespmem:s0+$0xFFFFFFC0];
	_ =	sdelay $0x1  }
0x46d: {  	v8 =	vld [tilespmem:s0+$0x20]  }
0x46e: {  	v9 =	vshra.s32 v6, $0x18  }
0x46f: {  	v11 =	vld [tilespmem:s0+$0xFFFFFFD0];
	vm0 =	vlt.s32 v6, $0x0;
	v6 =	vxor.u32 $0x7F, v9  }
0x470: {  	v12 =	vld [tilespmem:s0+$0x30];
	v6 =	vsel vm0, v6, v9;
	v9 =	vshra.s32 v7, $0x18  }
0x471: {  	v14 =	vld [tilespmem:s0+$0x0];
	vm0 =	vlt.s32 v7, $0x0;
	v13 =	vadd.s32 v3, v6;
	v6 =	vxor.u32 $0x7F, v9  }
0x472: {  	v7 =	vshra.s32 v8, $0x18;
	v6 =	vsel vm0, v6, v9  }
0x473: {  	vm1 =	vlt.s32 v8, $0x0;
	v9 =	vxor.u32 $0x7F, v7;
	v8 =	vadd.s32 v3, v6;
	v6 =	vld [tilespmem:s0+$0xFFFFFFE0]  }
0x474: {  	v7 =	vsel vm1, v9, v7  }
0x475: {  	v10 =	vshra.s32 v11, $0x18;
	v7 =	vadd.s32 v3, v7  }
0x476: {  	vm2 =	vlt.s32 v14, $0x0;
	vm0 =	vlt.s32 v12, $0x0;
	v12 =	vshra.s32 v12, $0x18;
	v9 =	vld [tilespmem:s0+$0xFFFFFFF0]  }
0x477: {  	s18 =	simm.s32 $0x0;
	vm1 =	vlt.s32 v11, $0x0;
	v11 =	vxor.u32 $0x7F, v10;
	s0 =	simm.s32 $0x80C0;
	[tilespmem:v13+s10+$0x0] =	vst.idx.add.s32.msk $0xffff, v4;
	v13 =	vshra.s32 v14, $0x18  }
.LBB2_50:
0x478: {  	s18 =	sadd.s32 $0x8, s18;
	[tilespmem:v8+s10+$0x0] =	vst.idx.add.s32.msk $0xffff, v4;
	vm3 =	vlt.s32 v6, $0x0;
	v8 =	vxor.u32 $0x7F, v13;
	v14 =	vxor.u32 $0x7F, v12  }
0x479: {  	v6 =	vshra.s32 v6, $0x18;
	v15 =	vld [tilespmem:s0+$0x10];
	p1 =	slt.u32 s18, $0x7F8;
	v8 =	vsel vm2, v8, v13;
	v12 =	vsel vm0, v14, v12  }
0x47a: {  	v10 =	vsel vm1, v11, v10;
	v11 =	vxor.u32 $0x7F, v6;
	[tilespmem:v7+s10+$0x0] =	vst.idx.add.s32.msk $0xffff, v4;
	v7 =	vadd.s32 v3, v12  }
0x47b: {  	v6 =	vsel vm3, v11, v6;
	v8 =	vadd.s32 v3, v8;
	v12 =	vld [tilespmem:s0+$0xFFFFFFC0]  }
0x47c: {  	v10 =	vadd.s32 v3, v10;
	v13 =	vadd.s32 v3, v6;
	v11 =	vld [tilespmem:s0+$0xFFFFFFD0];
	v6 =	vshra.s32 v9, $0x18  }
0x47d: {  	vm0 =	vlt.s32 v9, $0x0;
	v14 =	vld [tilespmem:s0+$0x20];
	v9 =	vxor.u32 $0x7F, v6  }
0x47e: {  	v16 =	vshra.s32 v15, $0x18;
	v17 =	vld [tilespmem:s0+$0x30];
	v9 =	vsel vm0, v9, v6  }
0x47f: {  	vm0 =	vlt.s32 v15, $0x0;
	v6 =	vld [tilespmem:s0+$0xFFFFFFE0];
	v15 =	vxor.u32 $0x7F, v16;
	v9 =	vadd.s32 v3, v9  }
0x480: {  	v18 =	vshra.s32 v12, $0x18;
	v15 =	vsel vm0, v15, v16;
	[tilespmem:v8+s10+$0x0] =	vst.idx.add.s32.msk $0xffff, v4  }
0x481: {  	vm0 =	vlt.s32 v12, $0x0;
	v8 =	vxor.u32 $0x7F, v18;
	v12 =	vadd.s32 v3, v15;
	[tilespmem:v7+s10+$0x0] =	vst.idx.add.s32.msk $0xffff, v4  }
0x482: {  	v7 =	vsel vm0, v8, v18;
	v15 =	vld [tilespmem:s0+$0x0];
	vm1 =	vlt.s32 v14, $0x0;
	v14 =	vshra.s32 v14, $0x18  }
.Ltmp38:
0x483: {  	v8 =	vadd.s32 v3, v7;
	v7 =	vxor.u32 $0x7F, v14;
	vm0 =	vlt.s32 v17, $0x0;
	[tilespmem:v10+s10+$0x0] =	vst.idx.add.s32.msk $0xffff, v4;
	(pc) =	sbr.rel @p1 .LBB2_50-.Ltmp38, $4  }
0x484: {  	v7 =	vsel vm1, v7, v14;
	[tilespmem:v13+s10+$0x0] =	vst.idx.add.s32.msk $0xffff, v4  }
0x485: {  	v10 =	vshra.s32 v11, $0x18;
	v7 =	vadd.s32 v3, v7;
	[tilespmem:v9+s10+$0x0] =	vst.idx.add.s32.msk $0xffff, v4  }
0x486: {  	s1 =	simm.s32 $0x19170;
	s13 =	simm.s32 $0x188F8;
	vm1 =	vlt.s32 v11, $0x0;
	v11 =	vxor.u32 $0x7F, v10;
	[tilespmem:v12+s10+$0x0] =	vst.idx.add.s32.msk $0xffff, v4  }
0x487: {  	s17 =	simm.s32 $0x1;
	s21 =	simm.s32 $0xF;
	v12 =	vshra.s32 v17, $0x18;
	v9 =	vld [tilespmem:s0+$0xFFFFFFF0];
	vm2 =	vlt.s32 v15, $0x0;
	v13 =	vshra.s32 v15, $0x18;
	s0 =	sadd.s32 $0x80, s0  }
0x488: {  	_ = 	snop  }
0x489: {  	v14 =	vxor.u32 $0x7F, v13;
	vm14 =	vlt.s32 v6, $0x0;
	v6 =	vshra.s32 v6, $0x18  }
0x48a: {  	v10 =	vsel vm1, v11, v10;
	v13 =	vsel vm2, v14, v13;
	v14 =	vxor.u32 $0x7F, v12  }
0x48b: {  	v11 =	vxor.u32 $0x7F, v6;
	v10 =	vadd.s32 v3, v10;
	v12 =	vsel vm0, v14, v12  }
0x48c: {  	v13 =	vadd.s32 v3, v13;
	v6 =	vsel vm14, v11, v6;
	v11 =	vshra.s32 v9, $0x18  }
0x48d: {  	v12 =	vadd.s32 v3, v12;
	vm15 =	vlt.s32 v9, $0x0;
	v9 =	vxor.u32 $0x7F, v11  }
0x48e: {  	[tilespmem:v8+s10+$0x0] =	vst.idx.add.s32.msk $0xffff, v4;
	v6 =	vadd.s32 v3, v6;
	v8 =	vsel vm15, v9, v11  }
0x48f: {  	[tilespmem:v7+s10+$0x0] =	vst.idx.add.s32.msk $0xffff, v4;
	v7 =	vadd.s32 v3, v8  }
0x490: {  	[tilespmem:v10+s10+$0x0] =	vst.idx.add.s32.msk $0xffff, v4  }
0x491: {  	[tilespmem:v13+s10+$0x0] =	vst.idx.add.s32.msk $0xffff, v4  }
0x492: {  	[tilespmem:v12+s10+$0x0] =	vst.idx.add.s32.msk $0xffff, v4  }
0x493: {  	[tilespmem:v6+s10+$0x0] =	vst.idx.add.s32.msk $0xffff, v4  }
0x494: {  	[tilespmem:v7+s10+$0x0] =	vst.idx.add.s32.msk $0xffff, v4  }
0x495: {  	v6 =	vld [tilespmem:s13+$0xFFFFF7F8]  }
0x496: {  	v7 =	vld [tilespmem:s13+$0xFFFFF8F9]  }
0x497: {  	v8 =	vld [tilespmem:s13+$0xFFFFF9FA]  }
0x498: {  	v9 =	vld [tilespmem:s13+$0xFFFFFAFB]  }
0x499: {  	v10 =	vld [tilespmem:s13+$0xFFFFFBFC]  }
0x49a: {  	v11 =	vld [tilespmem:s13+$0xFFFFFCFD]  }
0x49b: {  	v12 =	vld [tilespmem:s13+$0xFFFFFDFE];
	v6 =	vadd.s32 v6, v7  }
0x49c: {  	v7 =	vld [tilespmem:s13+$0xFFFFFEFF];
	v6 =	vadd.s32 v8, v6  }
0x49d: {  	v8 =	vld [tilespmem:s13+$0x0];
	v6 =	vadd.s32 v9, v6  }
0x49e: {  	v9 =	vld [tilespmem:s13+$0x101];
	v6 =	vadd.s32 v10, v6  }
0x49f: {  	v10 =	vld [tilespmem:s13+$0x202];
	v6 =	vadd.s32 v11, v6  }
0x4a0: {  	v11 =	vld [tilespmem:s13+$0x303];
	v6 =	vadd.s32 v12, v6  }
0x4a1: {  	v12 =	vld [tilespmem:s13+$0x404];
	v6 =	vadd.s32 v7, v6  }
0x4a2: {  	v7 =	vld [tilespmem:s13+$0x505];
	v6 =	vadd.s32 v8, v6  }
0x4a3: {  	v8 =	vld [tilespmem:s13+$0x606];
	v6 =	vadd.s32 v9, v6  }
0x4a4: {  	v9 =	vld [tilespmem:s13+$0x707];
	v6 =	vadd.s32 v10, v6  }
0x4a5: {  	v6 =	vadd.s32 v11, v6  }
0x4a6: {  	v6 =	vadd.s32 v12, v6  }
0x4a7: {  	v6 =	vadd.s32 v7, v6  }
0x4a8: {  	v6 =	vadd.s32 v8, v6  }
0x4a9: {  	v6 =	vadd.s32 v9, v6  }
0x4aa: {  	s0 =	simm.s32 $0x188E8;
	[tilespmem:s1+$0x0] =	vst v6;
	(xrf0) =	vadd.scan.msk.s32 $0xffff, v6  }
0x4ab: {  	v6 =	vld [tilespmem:s0+$0xFFFFF7F8]  }
0x4ac: {  	v7 =	vld [tilespmem:s0+$0xFFFFF8F9]  }
0x4ad: {  	v8 =	vld [tilespmem:s0+$0xFFFFF9FA]  }
0x4ae: {  	v9 =	vld [tilespmem:s0+$0xFFFFFAFB]  }
0x4af: {  	v10 =	vld [tilespmem:s0+$0xFFFFFBFC]  }
0x4b0: {  	v11 =	vld [tilespmem:s0+$0xFFFFFCFD];
	v12, _, _ =	vpop (xrf0)  }
0x4b1: {  	v13 =	vld [tilespmem:s0+$0xFFFFFDFE];
	v6 =	vadd.s32 v6, v7;
	(v2sf) =	vpush v12, $0xF  }
0x4b2: {  	v7 =	vld [tilespmem:s0+$0xFFFFFEFF];
	v6 =	vadd.s32 v8, v6  }
0x4b3: {  	v8 =	vld [tilespmem:s0+$0x0];
	v6 =	vadd.s32 v9, v6  }
0x4b4: {  	v9 =	vld [tilespmem:s0+$0x101];
	v6 =	vadd.s32 v10, v6  }
0x4b5: {  	v10 =	vld [tilespmem:s0+$0x202];
	v6 =	vadd.s32 v11, v6  }
0x4b6: {  	v11 =	vld [tilespmem:s0+$0x303];
	v6 =	vadd.s32 v13, v6  }
0x4b7: {  	v12 =	vld [tilespmem:s0+$0x404];
	v6 =	vadd.s32 v7, v6  }
0x4b8: {  	v7 =	vld [tilespmem:s0+$0x505];
	v6 =	vadd.s32 v8, v6  }
0x4b9: {  	v8 =	vld [tilespmem:s0+$0x606];
	v6 =	vadd.s32 v9, v6  }
0x4ba: {  	v9 =	vld [tilespmem:s0+$0x707];
	v6 =	vadd.s32 v10, v6  }
0x4bb: {  	v6 =	vadd.s32 v11, v6  }
0x4bc: {  	v6 =	vadd.s32 v12, v6  }
0x4bd: {  	v6 =	vadd.s32 v7, v6  }
0x4be: {  	v6 =	vadd.s32 v8, v6  }
0x4bf: {  	s18 =	simm.s32 $0x19160;
	v6 =	vadd.s32 v9, v6  }
0x4c0: {  	s24 =	simm.s32 $0x188D8;
	[tilespmem:s18+$0x0] =	vst v6;
	(xrf0) =	vadd.scan.msk.s32 $0xffff, v6;
	s25 =	spop (v2sf)  }
0x4c1: {  	p1 =	por $0x1, $0x1;
	v6 =	vld [tilespmem:s24+$0xFFFFF7F8];
	p2 =	sge.s32 s25, $0x667  }
0x4c2: {  	s23 =	simm.s32 $0x667;
	v9 =	vld [tilespmem:s24+$0xFFFFF8F9];
	p2 =	por !p1, !p2  }
0x4c3: {  	s20 =	simm.s32 $0x0;
	s19 =	simm.s32 $0x0;
	v7 =	vld [tilespmem:s24+$0xFFFFF9FA];
	p2 =	por !p2, !p2  }
0x4c4: {  	s22 =	simm.s32 $0xE;
	s0 =	simm.s32 $0xC;
	v8 =	vld [tilespmem:s24+$0xFFFFFAFB];
	p3 =	por !p2, !p2  }
0x4c5: {  	v10 =	vld [tilespmem:s24+$0xFFFFFBFC];
	s19 =	smov.u32 @p2 s21;
	s21 =	simm.s32 $0xD;
	p3 =	por @!p1 p2, p2  }
0x4c6: {  	v11 =	vld [tilespmem:s24+$0xFFFFFCFD];
	s17 =	smov.u32 @p2 s23;
	s20 =	simm.s32 @p2 $0x1;
	v12, _, _ =	vpop (xrf0);
	s25 =	simm.s32 @!p3 $0x0  }
.LBB2_52:
0x4c7: {  	p1 =	sne.s32 s0, $0x0  }
0x4c8: {  	v13 =	vld [tilespmem:s24+$0xFFFFFDFE];
	v6 =	vadd.s32 v6, v9;
	(v2sf) =	vpush v12, $0xF;
	s23 =	ssub.s32 s23, s25;
	s1 =	smov.u32 s0;
	s0 =	sadd.s32 $0xFFFFFFFF, s0  }
0x4c9: {  	v9 =	vld [tilespmem:s24+$0xFFFFFEFF];
	v6 =	vadd.s32 v7, v6  }
0x4ca: {  	v7 =	vld [tilespmem:s24+$0x0];
	v6 =	vadd.s32 v8, v6  }
0x4cb: {  	v8 =	vld [tilespmem:s24+$0x101];
	v6 =	vadd.s32 v10, v6  }
0x4cc: {  	v10 =	vld [tilespmem:s24+$0x202];
	v6 =	vadd.s32 v11, v6  }
0x4cd: {  	v11 =	vld [tilespmem:s24+$0x303];
	v6 =	vadd.s32 v13, v6  }
0x4ce: {  	v12 =	vld [tilespmem:s24+$0x404];
	v6 =	vadd.s32 v9, v6  }
0x4cf: {  	v9 =	vld [tilespmem:s24+$0x505];
	v6 =	vadd.s32 v7, v6  }
0x4d0: {  	v7 =	vld [tilespmem:s24+$0x606];
	v6 =	vadd.s32 v8, v6  }
0x4d1: {  	v8 =	vld [tilespmem:s24+$0x707];
	v6 =	vadd.s32 v10, v6  }
0x4d2: {  	v6 =	vadd.s32 v11, v6  }
0x4d3: {  	v6 =	vadd.s32 v12, v6  }
0x4d4: {  	v6 =	vadd.s32 v9, v6  }
0x4d5: {  	v6 =	vadd.s32 v7, v6  }
0x4d6: {  	s18 =	sadd.s32 $0xFFFFFFF0, s18;
	v6 =	vadd.s32 v8, v6  }
0x4d7: {  	s24 =	sadd.s32 $0xFFFFFFF0, s24;
	[tilespmem:s18+$0x0] =	vst v6;
	(xrf0) =	vadd.scan.msk.s32 $0xffff, v6;
	s25 =	spop (v2sf)  }
0x4d8: {  	p2 =	seq.s32 s20, $0x0;
	v6 =	vld [tilespmem:s24+$0xFFFFF7F8];
	p3 =	sge.s32 s25, s23  }
.Ltmp39:
0x4d9: {  	v9 =	vld [tilespmem:s24+$0xFFFFF8F9];
	p3 =	por !p2, !p3;
	(pc) =	sbr.rel @p1 .LBB2_52-.Ltmp39, $4  }
0x4da: {  	v7 =	vld [tilespmem:s24+$0xFFFFF9FA];
	p3 =	por !p3, !p3  }
0x4db: {  	v8 =	vld [tilespmem:s24+$0xFFFFFAFB];
	s19 =	smov.u32 @p3 s22;
	s17 =	smov.u32 @p3 s23;
	p4 =	por !p3, !p3  }
0x4dc: {  	s20 =	simm.s32 @p3 $0x1;
	s22 =	smov.u32 s21;
	v10 =	vld [tilespmem:s24+$0xFFFFFBFC];
	p4 =	por @!p2 p3, p3  }
0x4dd: {  	s21 =	smov.u32 s1;
	v11 =	vld [tilespmem:s24+$0xFFFFFCFD];
	v12, _, _ =	vpop (xrf0);
	s25 =	simm.s32 @!p4 $0x0  }
0x4de: {  	v13 =	vld [tilespmem:s24+$0xFFFFFDFE];
	v6 =	vadd.s32 v6, v9  }
0x4df: {  	v9 =	vld [tilespmem:s24+$0xFFFFFEFF];
	v6 =	vadd.s32 v7, v6  }
0x4e0: {  	v7 =	vld [tilespmem:s24+$0x0];
	v6 =	vadd.s32 v8, v6  }
0x4e1: {  	v8 =	vld [tilespmem:s24+$0x101];
	v6 =	vadd.s32 v10, v6  }
0x4e2: {  	v10 =	vld [tilespmem:s24+$0x202];
	v6 =	vadd.s32 v11, v6  }
0x4e3: {  	v11 =	vld [tilespmem:s24+$0x303];
	v6 =	vadd.s32 v13, v6  }
0x4e4: {  	v13 =	vld [tilespmem:s24+$0x404];
	v6 =	vadd.s32 v9, v6  }
0x4e5: {  	v9 =	vld [tilespmem:s24+$0x505];
	v6 =	vadd.s32 v7, v6  }
0x4e6: {  	v7 =	vld [tilespmem:s24+$0x606];
	v6 =	vadd.s32 v8, v6  }
0x4e7: {  	v8 =	vld [tilespmem:s24+$0x707];
	v6 =	vadd.s32 v10, v6  }
0x4e8: {  	v6 =	vadd.s32 v11, v6  }
0x4e9: {  	v6 =	vadd.s32 v13, v6  }
0x4ea: {  	v6 =	vadd.s32 v9, v6  }
0x4eb: {  	v6 =	vadd.s32 v7, v6  }
0x4ec: {  	v6 =	vadd.s32 v8, v6  }
0x4ed: {  	(v2sf) =	vpush v12, $0xF;
	(xrf0) =	vadd.scan.msk.s32 $0xffff, v6;
	_ =	sdelay $0x5  }
0x4ee: {  	v7, _, _ =	vpop (xrf0)  }
0x4ef: {  	(v2sf) =	vpush v7, $0xF;
	_ =	sdelay $0x7  }
0x4f0: {  	s1 =	ssub.s32 s23, s25;
	s0 =	spop (v2sf)  }
0x4f1: {  	p2 =	seq.s32 s20, $0x0;
	p1 =	sge.s32 s0, s1  }
0x4f2: {  	p1 =	por !p2, !p1  }
0x4f3: {  	p1 =	por !p1, !p1  }
0x4f4: {  	p3 =	por !p1, !p1  }
0x4f5: {  	p3 =	por @!p2 p1, p1  }
0x4f6: {  	s0 =	simm.s32 @!p3 $0x0  }
0x4f7: {  	s20 =	simm.s32 @p1 $0x1;
	s0 =	ssub.s32 s1, s0;
	s13 =	spop (v2sf)  }
0x4f8: {  	p5 =	seq.s32 s20, $0x0;
	p6 =	sge.s32 s13, s0  }
0x4f9: {  	p2 =	por !p5, !p6  }
0x4fa: {  	s19 =	smov.u32 @p1 s22;
	p2 =	por !p2, !p2  }
0x4fb: {  	s28 =	sadd.s32 $0xFFFFFFF0, s18;
	s19 =	smov.u32 @p2 s21  }
0x4fc: {  	[tilespmem:s28+$0x0] =	vst v6;
	s29 =	sshll.u32 s19, $0x4  }
0x4fd: {  	v6 =	vld [tilespmem:s29+$0x19080];
	_ =	sdelay $0x4  }
0x4fe: {  	v6 =	vperm.xlane v6, v5;
	_ =	sdelay $0x1  }
0x4ff: {  	(xrf0) =	vadd.scan.msk.s32 $0xffff, v6;
	_ =	sdelay $0x4  }
0x500: {  	s17 =	smov.u32 @p1 s1  }
0x501: {  	s17 =	smov.u32 @p2 s0;
	v7, _, _ =	vpop (xrf0)  }
0x502: {  	vm0 =	vge.s32 v7, s17  }
0x503: {  	v8 =	vmctz.xlane vm0;
	_ =	sdelay $0x1  }
0x504: {  	v8 =	vxor.u32 $0x80000000, v8  }
0x505: {  	(xrf0) =	vmax.scan.msk.u32 $0xffff, v8;
	_ =	sdelay $0x5  }
0x506: {  	v8, _, _ =	vpop (xrf0)  }
0x507: {  	(v2sf) =	vpush v8, $0xF;
	_ =	sdelay $0x4  }
0x508: {  	s30 =	simm.s32 $0x8040  }
0x509: {  	v11 =	vld [tilespmem:s30+$0x30]  }
0x50a: {  	v12 =	vld [tilespmem:s30+$0x0]  }
0x50b: {  	v9 =	vld [tilespmem:s30+$0x20]  }
0x50c: {  	v14 =	vld [tilespmem:s30+$0xFFFFFFF0]  }
0x50d: {  	v15 =	vld [tilespmem:s30+$0xFFFFFFC0]  }
0x50e: {  	v17 =	vld [tilespmem:s30+$0xFFFFFFE0]  }
0x50f: {  	v8 =	vld [tilespmem:s30+$0xFFFFFFD0]  }
0x510: {  	v18 =	vld [tilespmem:s30+$0x10];
	_ =	sdelay $0x1  }
0x511: {  	v22 =	vimm.s32 $0x0;
	vm2 =	vlt.s32 v12, $0x0;
	vm3 =	vlt.s32 v9, $0x0;
	s31 =	spop (v2sf)  }
0x512: {  	v16 =	vxor.u32 $0x7FFFFFFF, v11;
	vm4 =	vlt.s32 v14, $0x0;
	v20 =	vxor.u32 $0x7FFFFFFF, v14;
	s18 =	sxor.u32 $0x80000000, s31  }
0x513: {  	v21 =	vxor.u32 $0x7FFFFFFF, v15;
	vm0 =	vlt.s32 v8, $0x0;
	v10 =	vxor.u32 $0x7FFFFFFF, v8;
	s1 =	ssub.s32 s29, s18  }
0x514: {  	v24 =	vxor.u32 $0x7FFFFFFF, v17;
	v25 =	vxor.u32 $0x7FFFFFFF, v18;
	v13 =	vsel vm0, v10, v8;
	s20 =	sadd.s32 $0xFFFFFF8F, s1  }
0x515: {  	vm6 =	vlt.s32 v18, $0x0;
	v8 =	vshra.s32 v13, $0x18;
	v10 =	vmov s20  }
0x516: {  	v14 =	vsel vm4, v20, v14;
	vm1 =	veq.s32 v8, v10;
	v8 =	vxor.u32 $0x7FFFFFFF, v9  }
0x517: {  	vm0 =	vlt.s32 v11, $0x0;
	v19 =	vsel vm1, $0x1, v2;
	v9 =	vsel vm3, v8, v9  }
0x518: {  	v8 =	vsel vm0, v16, v11;
	vm0 =	vlt.s32 v15, $0x0;
	v23 =	vmpcnt.ones.xlane vm1  }
0x519: {  	vm3 =	vlt.s32 v17, $0x0;
	v11 =	vxor.u32 $0x7FFFFFFF, v12;
	v26 =	vshra.s32 v8, $0x18  }
0x51a: {  	v16 =	vsel vm0, v21, v15;
	v21 =	vshra.s32 v9, $0x18;
	(xrf0) =	vadd.scan.msk.s32 $0xffff, v19;
	v11 =	vsel vm2, v11, v12  }
0x51b: {  	v15 =	vsel vm3, v24, v17;
	v12 =	vsel vm6, v25, v18;
	v19 =	vshra.s32 v16, $0x18  }
0x51c: {  	v17 =	vshra.s32 v11, $0x18;
	v18 =	vshra.s32 v15, $0x18;
	vm5 =	veq.s32 v19, v10  }
0x51d: {  	vm4 =	veq.s32 v21, v10;
	v19 =	vsel vm5, $0x1, v2;
	v20 =	vmpcnt.ones.xlane vm5  }
0x51e: {  	vm6 =	veq.s32 v26, v10;
	vm3 =	veq.s32 v18, v10;
	v18 =	vshra.s32 v14, $0x18;
	(xrf0) =	vadd.scan.msk.s32 $0xffff, v19  }
0x51f: {  	v21 =	vmpcnt.ones.xlane vm3;
	vm2 =	veq.s32 v18, v10;
	v19 =	vadd.s32 v22, v20  }
0x520: {  	vm0 =	veq.s32 v17, v10;
	v18 =	vmpcnt.ones.xlane vm2;
	v17, _, _ =	vpop (xrf0);
	v20 =	vadd.s32 v19, v23  }
0x521: {  	v24 =	vsel vm4, $0x1, v2;
	v17 =	vadd.s32 v17, v19;
	v19 =	vadd.s32 v20, v21  }
0x522: {  	(xrf0) =	vadd.scan.msk.s32 $0xffff, v24;
	v21 =	vadd.s32 $0xFFFFFFFF, v17;
	v17 =	vadd.s32 v19, v18;
	v18 =	vsel vm6, $0x1, v2  }
0x523: {  	v28 =	vshra.s32 v12, $0x18;
	v25 =	vsel vm3, $0x1, v2;
	v24 =	vmpcnt.ones.xlane vm0;
	(xrf0) =	vadd.scan.msk.s32 $0xffff, v18  }
0x524: {  	vm7 =	veq.s32 v28, v10;
	v26 =	vsel vm0, $0x1, v2;
	v27 =	vsel vm2, $0x1, v2;
	v29, _, _ =	vpop (xrf0);
	(xrf0) =	vadd.scan.msk.s32 $0xffff, v25  }
0x525: {  	v23 =	vmpcnt.ones.xlane vm4;
	v18 =	vadd.s32 v17, v24;
	v22 =	vadd.s32 v29, v22;
	(xrf0) =	vadd.scan.msk.s32 $0xffff, v27  }
0x526: {  	s21 =	simm.s32 $0x80C0;
	s19 =	simm.s32 $0x0;
	v24 =	vsel vm7, $0x1, v2;
	v25 =	vmpcnt.ones.xlane vm7;
	v22 =	vadd.s32 $0xFFFFFFFF, v22;
	(xrf0) =	vadd.scan.msk.s32 $0xffff, v26  }
.LBB2_54:
0x527: {  	v26 =	vld [tilespmem:s21+$0xFFFFFFD0];
	s19 =	sadd.s32 $0x8, s19;
	[tilespmem:v21+s11+$0x0] =	vst.idx.msk vm1, v13  }
0x528: {  	v21 =	vld [tilespmem:s21+$0x30];
	p1 =	slt.u32 s19, $0x7F8;
	v31 =	vadd.s32 v18, v25;
	v25 =	vmpcnt.ones.xlane vm6;
	v27, _, _ =	vpop (xrf0)  }
0x529: {  	v28 =	vld [tilespmem:s21+$0x0];
	v27 =	vadd.s32 v27, v31;
	v30 =	vadd.s32 v31, v23;
	v23, _, _ =	vpop (xrf0)  }
0x52a: {  	v29 =	vld [tilespmem:s21+$0x20];
	v27 =	vadd.s32 $0xFFFFFFFF, v27;
	v23 =	vadd.s32 v23, v30;
	v25 =	vadd.s32 v30, v25;
	v13, _, _ =	vpop (xrf0)  }
0x52b: {  	v30 =	vld [tilespmem:s21+$0x10];
	[tilespmem:v22+s11+$0x0] =	vst.idx.msk vm5, v16;
	v16 =	vadd.s32 v13, v20;
	v20 =	vadd.s32 $0xFFFFFFFF, v23;
	v13, _, _ =	vpop (xrf0);
	(xrf0) =	vadd.scan.msk.s32 $0xffff, v24  }
0x52c: {  	vm1 =	vlt.s32 v26, $0x0;
	v22 =	vxor.u32 $0x7FFFFFFF, v26;
	v23 =	vld [tilespmem:s21+$0xFFFFFFF0];
	v19 =	vadd.s32 v13, v19;
	v24, _, _ =	vpop (xrf0)  }
0x52d: {  	v31 =	vld [tilespmem:s21+$0xFFFFFFC0];
	v13 =	vsel vm1, v22, v26;
	vm8 =	vlt.s32 v21, $0x0;
	v19 =	vadd.s32 $0xFFFFFFFF, v19  }
0x52e: {  	v17 =	vadd.s32 v24, v17;
	v22 =	vshra.s32 v13, $0x18;
	vm5 =	vlt.s32 v28, $0x0  }
0x52f: {  	v16 =	vadd.s32 $0xFFFFFFFF, v16;
	vm1 =	veq.s32 v22, v10;
	v22 =	vld [tilespmem:s21+$0xFFFFFFE0];
	vm9 =	vlt.s32 v29, $0x0;
	[tilespmem:v27+s11+$0x0] =	vst.idx.msk vm4, v9  }
0x530: {  	v26 =	vxor.u32 $0x7FFFFFFF, v21;
	v9 =	vxor.u32 $0x7FFFFFFF, v29;
	v24 =	vsel vm1, $0x1, v2;
	[tilespmem:v20+s11+$0x0] =	vst.idx.msk vm6, v8  }
0x531: {  	v9 =	vsel vm9, v9, v29;
	vm4 =	vlt.s32 v23, $0x0;
	v20 =	vxor.u32 $0x7FFFFFFF, v23;
	v27, _, _ =	vpop (xrf0)  }
0x532: {  	v8 =	vsel vm8, v26, v21;
	v29 =	vxor.u32 $0x7FFFFFFF, v31;
	v18 =	vadd.s32 v27, v18  }
0x533: {  	v21 =	vmpcnt.ones.xlane vm1;
	vm6 =	vlt.s32 v31, $0x0;
	v18 =	vadd.s32 $0xFFFFFFFF, v18  }
0x534: {  	v17 =	vadd.s32 $0xFFFFFFFF, v17;
	v27 =	vxor.u32 $0x7FFFFFFF, v30;
	v26 =	vxor.u32 $0x7FFFFFFF, v22;
	[tilespmem:v16+s11+$0x0] =	vst.idx.msk vm3, v15  }
0x535: {  	vm8 =	vlt.s32 v30, $0x0;
	v32 =	vshra.s32 v8, $0x18;
	vm3 =	vlt.s32 v22, $0x0  }
0x536: {  	v16 =	vsel vm6, v29, v31;
	v29 =	vxor.u32 $0x7FFFFFFF, v28;
	v31 =	vshra.s32 v9, $0x18;
	(xrf0) =	vadd.scan.msk.s32 $0xffff, v24  }
0x537: {  	v15 =	vsel vm3, v26, v22;
	v22 =	vsel vm5, v29, v28;
	v24 =	vshra.s32 v16, $0x18;
	[tilespmem:v19+s11+$0x0] =	vst.idx.msk vm2, v14  }
0x538: {  	vm5 =	veq.s32 v24, v10;
	v19 =	vshra.s32 v22, $0x18;
	[tilespmem:v18+s11+$0x0] =	vst.idx.msk vm7, v12;
	v12 =	vsel vm8, v27, v30  }
0x539: {  	v14 =	vsel vm4, v20, v23;
	vm4 =	veq.s32 v31, v10;
	v18 =	vshra.s32 v15, $0x18;
	[tilespmem:v17+s11+$0x0] =	vst.idx.msk vm0, v11  }
0x53a: {  	v20 =	vmpcnt.ones.xlane vm5;
	v23 =	vsel vm4, $0x1, v2;
	v17 =	vsel vm5, $0x1, v2;
	v11 =	vmovc v22  }
0x53b: {  	vm3 =	veq.s32 v18, v10;
	v22 =	vshra.s32 v14, $0x18;
	vm0 =	veq.s32 v19, v10;
	(xrf0) =	vadd.scan.msk.s32 $0xffff, v17  }
0x53c: {  	v19 =	vmpcnt.ones.xlane vm3;
	vm2 =	veq.s32 v22, v10;
	v17 =	vadd.s32 v25, v20;
	v18, _, _ =	vpop (xrf0)  }
0x53d: {  	v20 =	vadd.s32 v17, v21;
	v18 =	vadd.s32 v18, v17;
	v17 =	vmpcnt.ones.xlane vm2  }
0x53e: {  	vm6 =	veq.s32 v32, v10;
	v19 =	vadd.s32 v20, v19;
	v21 =	vadd.s32 $0xFFFFFFFF, v18  }
.Ltmp40:
0x53f: {  	v22 =	vsel vm6, $0x1, v2;
	v18 =	vmpcnt.ones.xlane vm0;
	v17 =	vadd.s32 v19, v17;
	(xrf0) =	vadd.scan.msk.s32 $0xffff, v23;
	(pc) =	sbr.rel @p1 .LBB2_54-.Ltmp40, $4  }
0x540: {  	v24 =	vsel vm3, $0x1, v2;
	v26 =	vsel vm0, $0x1, v2;
	v23 =	vmpcnt.ones.xlane vm4;
	(xrf0) =	vadd.scan.msk.s32 $0xffff, v22  }
0x541: {  	v27 =	vshra.s32 v12, $0x18;
	v22 =	vsel vm2, $0x1, v2;
	v18 =	vadd.s32 v17, v18;
	v28, _, _ =	vpop (xrf0);
	(xrf0) =	vadd.scan.msk.s32 $0xffff, v24  }
0x542: {  	vm7 =	veq.s32 v27, v10;
	v24 =	vadd.s32 v28, v25;
	(xrf0) =	vadd.scan.msk.s32 $0xffff, v22  }
0x543: {  	s21 =	sadd.s32 $0x80, s21;
	v25 =	vmpcnt.ones.xlane vm7;
	v22 =	vadd.s32 $0xFFFFFFFF, v24;
	v24 =	vsel vm7, $0x1, v2;
	(xrf0) =	vadd.scan.msk.s32 $0xffff, v26  }
0x544: {  	(xrf0) =	vadd.scan.msk.s32 $0xffff, v24  }
0x545: {  	v10, _, _ =	vpop (xrf0)  }
0x546: {  	v54 =	vadd.s32 v18, v25;
	v55, _, _ =	vpop (xrf0)  }
0x547: {  	v10 =	vadd.s32 v10, v54;
	v23 =	vadd.s32 v54, v23;
	v56, _, _ =	vpop (xrf0)  }
0x548: {  	v10 =	vadd.s32 $0xFFFFFFFF, v10;
	v25 =	vadd.s32 v55, v23;
	v26, _, _ =	vpop (xrf0)  }
0x549: {  	v20 =	vadd.s32 v56, v20;
	v57 =	vadd.s32 $0xFFFFFFFF, v25;
	v58, _, _ =	vpop (xrf0)  }
0x54a: {  	v19 =	vadd.s32 v26, v19;
	v20 =	vadd.s32 $0xFFFFFFFF, v20;
	v59, _, _ =	vpop (xrf0)  }
0x54b: {  	[tilespmem:v21+s11+$0x0] =	vst.idx.msk vm1, v13;
	v60 =	vadd.s32 $0xFFFFFFFF, v19;
	v61 =	vadd.s32 v59, v18  }
0x54c: {  	[tilespmem:v22+s11+$0x0] =	vst.idx.msk vm5, v16;
	v62 =	vadd.s32 v58, v17;
	v63 =	vadd.s32 $0xFFFFFFFF, v61  }
0x54d: {  	[tilespmem:v10+s11+$0x0] =	vst.idx.msk vm4, v9;
	v9 =	vadd.s32 $0xFFFFFFFF, v62  }
0x54e: {  	[tilespmem:v57+s11+$0x0] =	vst.idx.msk vm6, v8  }
0x54f: {  	[tilespmem:v20+s11+$0x0] =	vst.idx.msk vm3, v15  }
0x550: {  	[tilespmem:v60+s11+$0x0] =	vst.idx.msk vm2, v14  }
0x551: {  	[tilespmem:v63+s11+$0x0] =	vst.idx.msk vm7, v12  }
0x552: {  	s0 =	simm.s32 $0x18040;
	[tilespmem:v9+s11+$0x0] =	vst.idx.msk vm0, v11  }
0x553: {  	[tilespmem:s0+$0xFFFFFFC0] =	vst v2  }
0x554: {  	[tilespmem:s0+$0x30] =	vst v2  }
0x555: {  	[tilespmem:s0+$0x20] =	vst v2  }
0x556: {  	[tilespmem:s0+$0x10] =	vst v2  }
0x557: {  	v8 =	vmpcnt.ones.xlane vm6;
	[tilespmem:s0+$0x0] =	vst v2  }
0x558: {  	[tilespmem:s0+$0xFFFFFFF0] =	vst v2  }
0x559: {  	s1 =	simm.s32 $0x0;
	v8 =	vadd.s32 v23, v8;
	[tilespmem:s0+$0xFFFFFFE0] =	vst v2  }
.LBB2_56:
0x55a: {  	s1 =	sadd.s32 $0x8, s1;
	[tilespmem:s0+$0xFFFFFFD0] =	vst v2;
	s0 =	sadd.s32 $0x80, s0  }
0x55b: {  	[tilespmem:s0+$0xFFFFFFC0] =	vst v2;
	p1 =	slt.u32 s1, $0x100  }
0x55c: {  	[tilespmem:s0+$0x30] =	vst v2  }
.Ltmp41:
0x55d: {  	[tilespmem:s0+$0x20] =	vst v2;
	(pc) =	sbr.rel @p1 .LBB2_56-.Ltmp41, $4  }
0x55e: {  	[tilespmem:s0+$0x10] =	vst v2  }
0x55f: {  	[tilespmem:s0+$0x0] =	vst v2  }
0x560: {  	[tilespmem:s0+$0xFFFFFFF0] =	vst v2  }
0x561: {  	[tilespmem:s0+$0xFFFFFFE0] =	vst v2  }
0x562: {  	v9 =	vmov s18  }
0x563: {  	v6 =	vsub.s32 v7, v6;
	vm0 =	veq.s32 v9, v0  }
0x564: {  	v6 =	vnsel vm0, $0x0, v6  }
0x565: {  	(xrf0) =	vadd.scan.msk.s32 $0xffff, v6;
	v6 =	vxor.u32 $0x80000000, v8  }
0x566: {  	(xrf0) =	vmax.scan.msk.u32 $0xffff, v6;
	_ =	sdelay $0x4  }
0x567: {  	v6, _, _ =	vpop (xrf0)  }
0x568: {  	(v2sf) =	vpush v6, $0xF;
	v6, _, _ =	vpop (xrf0)  }
0x569: {  	(v2sf) =	vpush v6, $0xF;
	_ =	sdelay $0xd  }
0x56a: {  	s22 =	spop (v2sf)  }
0x56b: {  	s1 =	spop (v2sf)  }
0x56c: {  	s13 =	sadd.s32 $0x8000000F, s1  }
0x56d: {  	s30 =	sand.u32 $0xF, s13  }
0x56e: {  	s31 =	sshra.s32 s13, $0x1F;
	p2 =	slt.s32 s13, $0x1;
	p1 =	sne.s32 s30, $0x0  }
0x56f: {  	s18 =	sshrl.u32 s31, $0x1C;
	p1 =	por !p2, !p1  }
0x570: {  	s13 =	sadd.s32 s18, s13;
	s18 =	simm.s32 $0x1;
	p1 =	por !p1, !p1  }
0x571: {  	s13 =	sshra.s32 s13, $0x4;
	s18 =	simm.s32 @!p1 $0x0  }
0x572: {  	s18 =	ssub.s32 s13, s18  }
0x573: {  	s13 =	sshrl.u32 s18, $0x1D  }
0x574: {  	s13 =	sadd.s32 s13, s18  }
0x575: {  	s19 =	sand.u32 $0xFFFFFFF8, s13  }
0x576: {  	p1 =	slt.s32 s19, $0x1  }
.Ltmp42:
0x577: {  	_ = 	snop;
	(pc) =	sbr.rel @p1 .LBB2_61-.Ltmp42, $3  }
0x578: {  	_ =	sdelay $0x1  }
0x579: {  	s1 =	sxor.u32 $0x80000000, s1  }
0x57a: {  	[tilespmem:s0+$0xFFFFFFD0] =	vst v2;
	v6 =	vmov s1  }
0x57b: {  	s0 =	simm.s32 $0x10040  }
0x57c: {  	v13 =	vld [tilespmem:s0+$0x0]  }
0x57d: {  	v14 =	vld [tilespmem:s0+$0x30]  }
0x57e: {  	v15 =	vld [tilespmem:s0+$0x20]  }
0x57f: {  	s1 =	simm.s32 $0x50;
	v9 =	vld [tilespmem:s0+$0xFFFFFFC0]  }
0x580: {  	s21 =	simm.s32 $0x70;
	s13 =	simm.s32 $0x20;
	s24 =	simm.s32 $0x10;
	v10 =	vor.u32 s1, v0;
	v16 =	vld [tilespmem:s0+$0xFFFFFFD0]  }
0x581: {  	s23 =	simm.s32 $0x0;
	s30 =	simm.s32 $0x60;
	v11 =	vor.u32 s24, v0;
	v12 =	vor.u32 s13, v0;
	v17 =	vor.u32 s21, v0  }
0x582: {  	v8 =	vor.u32 s23, v0;
	v20 =	vor.u32 s30, v0;
	vm0 =	vlt.s32 v17, v6  }
0x583: {  	p2 =	sgt.s32 s19, $0x8;
	v18 =	vshrl.u32 v13, $0x10;
	v13 =	vshrl.u32 v14, $0x10;
	v14 =	vshrl.u32 v15, $0x10  }
.Ltmp43:
0x584: {  	v9 =	vshrl.u32 v9, $0x10;
	v15 =	vand.u32 $0xFF, v13;
	v14 =	vand.u32 $0xFF, v14;
	(pc) =	sbr.rel @!p2 .LBB2_60-.Ltmp43, $4  }
0x585: {  	v19 =	vand.u32 $0xFF, v18;
	v18 =	vld [tilespmem:s0+$0xFFFFFFE0];
	v17 =	vadd.s32 v1, v15;
	v15 =	vshrl.u32 v16, $0x10  }
0x586: {  	s29 =	simm.s32 $0x30;
	v16 =	vadd.s32 v1, v14;
	v14 =	vand.u32 $0xFF, v15;
	v15 =	vadd.s32 v1, v19;
	v19 =	vld [tilespmem:s0+$0x10]  }
0x587: {  	s31 =	simm.s32 $0x40;
	v7 =	vor.u32 s29, v0;
	vm1 =	vlt.s32 v20, v6;
	v9 =	vand.u32 $0xFF, v9;
	v13 =	vld [tilespmem:s0+$0xFFFFFFF0]  }
0x588: {  	s23 =	simm.s32 $0x8;
	s24 =	simm.s32 $0x100C0;
	v20 =	vor.u32 s31, v0;
	v9 =	vadd.s32 v1, v9;
	v14 =	vadd.s32 v1, v14  }
.LBB2_59:
0x589: {  	v21 =	vld [tilespmem:s24+$0xFFFFFFC0];
	s23 =	sadd.s32 $0x8, s23;
	vm5 =	vlt.s32 v20, v6;
	s21 =	sadd.s32 $0x80, s21  }
0x58a: {  	vm2 =	vlt.s32 v11, v6;
	vm3 =	vlt.s32 v12, v6;
	vm4 =	vlt.s32 v10, v6;
	s0 =	sadd.s32 $0xFFFFFFB0, s21;
	v20 =	vld [tilespmem:s24+$0x0];
	s1 =	sadd.s32 $0xFFFFFFE0, s21;
	p2 =	slt.s32 s23, s19  }
0x58b: {  	s13 =	sadd.s32 $0xFFFFFF90, s21;
	s25 =	sadd.s32 $0xFFFFFFA0, s21;
	s26 =	sadd.s32 $0xFFFFFFC0, s21;
	v11 =	vshrl.u32 v18, $0x10;
	v10 =	vor.u32 s1, v0;
	v12 =	vshrl.u32 v19, $0x10;
	[tilespmem:v17+s10+$0x0] =	vst.idx.add.s32.msk vm0, v4  }
0x58c: {  	v13 =	vshrl.u32 v13, $0x10;
	v11 =	vand.u32 $0xFF, v11;
	v17 =	vld [tilespmem:s24+$0x30];
	v12 =	vand.u32 $0xFF, v12  }
0x58d: {  	v13 =	vand.u32 $0xFF, v13;
	v18 =	vadd.s32 v1, v11;
	v19 =	vadd.s32 v1, v12;
	[tilespmem:v16+s10+$0x0] =	vst.idx.add.s32.msk vm1, v4  }
0x58e: {  	v22 =	vadd.s32 v1, v13;
	v11 =	vor.u32 s25, v0;
	v12 =	vor.u32 s0, v0;
	v16 =	vld [tilespmem:s24+$0x20]  }
0x58f: {  	v23 =	vor.u32 s13, v0;
	v24 =	vor.u32 s26, v0;
	[tilespmem:v15+s10+$0x0] =	vst.idx.add.s32.msk vm5, v4  }
0x590: {  	v15 =	vld [tilespmem:s24+$0xFFFFFFD0]  }
0x591: {  	vm6 =	vlt.s32 v8, v6;
	v8 =	vmovc v23;
	vm5 =	vlt.s32 v7, v6;
	v7 =	vmov v24;
	v13 =	vld [tilespmem:s24+$0xFFFFFFF0]  }
0x592: {  	v23 =	vor.u32 s21, v0;
	v21 =	vshrl.u32 v21, $0x10;
	v20 =	vshrl.u32 v20, $0x10;
	[tilespmem:v19+s10+$0x0] =	vst.idx.add.s32.msk vm4, v4  }
0x593: {  	s0 =	sadd.s32 $0xFFFFFFF0, s21;
	vm0 =	vlt.s32 v23, v6;
	v17 =	vshrl.u32 v17, $0x10;
	v19 =	vand.u32 $0xFF, v21;
	[tilespmem:v18+s10+$0x0] =	vst.idx.add.s32.msk vm3, v4  }
.Ltmp44:
0x594: {  	v17 =	vand.u32 $0xFF, v17;
	v21 =	vadd.s32 v1, v19;
	v16 =	vshrl.u32 v16, $0x10;
	[tilespmem:v14+s10+$0x0] =	vst.idx.add.s32.msk vm2, v4;
	(pc) =	sbr.rel @p2 .LBB2_59-.Ltmp44, $4  }
0x595: {  	v17 =	vadd.s32 v1, v17;
	v14 =	vor.u32 s0, v0;
	v16 =	vand.u32 $0xFF, v16;
	v18 =	vld [tilespmem:s24+$0xFFFFFFE0]  }
0x596: {  	v20 =	vand.u32 $0xFF, v20;
	s0 =	sadd.s32 $0xFFFFFFD0, s21;
	v15 =	vshrl.u32 v15, $0x10;
	v16 =	vadd.s32 v1, v16;
	v19 =	vld [tilespmem:s24+$0x10]  }
0x597: {  	vm1 =	vlt.s32 v14, v6;
	v23 =	vand.u32 $0xFF, v15;
	v15 =	vadd.s32 v1, v20;
	[tilespmem:v9+s10+$0x0] =	vst.idx.add.s32.msk vm6, v4  }
0x598: {  	v20 =	vor.u32 s0, v0;
	s24 =	sadd.s32 $0x80, s24;
	v14 =	vadd.s32 v1, v23;
	v9 =	vmov v21;
	[tilespmem:v22+s10+$0x0] =	vst.idx.add.s32.msk vm5, v4  }
.LBB2_60:
0x599: {  	_ = 	snop  }
0x59a: {  	vm2 =	vlt.s32 v20, v6  }
0x59b: {  	vm5 =	vlt.s32 v11, v6  }
0x59c: {  	vm3 =	vlt.s32 v10, v6;
	vm14 =	vlt.s32 v8, v6;
	v60 =	vshrl.u32 v18, $0x10  }
0x59d: {  	vm4 =	vlt.s32 v12, v6;
	v19 =	vshrl.u32 v19, $0x10;
	v10 =	vand.u32 $0xFF, v60  }
0x59e: {  	[tilespmem:v17+s10+$0x0] =	vst.idx.add.s32.msk vm0, v4;
	v61 =	vand.u32 $0xFF, v19;
	v10 =	vadd.s32 v1, v10;
	v63 =	vshrl.u32 v13, $0x10  }
0x59f: {  	[tilespmem:v16+s10+$0x0] =	vst.idx.add.s32.msk vm1, v4;
	vm15 =	vlt.s32 v7, v6;
	v62 =	vadd.s32 v1, v61;
	v8 =	vand.u32 $0xFF, v63  }
0x5a0: {  	v7 =	vadd.s32 v1, v8;
	[tilespmem:v15+s10+$0x0] =	vst.idx.add.s32.msk vm2, v4  }
0x5a1: {  	[tilespmem:v14+s10+$0x0] =	vst.idx.add.s32.msk vm5, v4  }
0x5a2: {  	[tilespmem:v9+s10+$0x0] =	vst.idx.add.s32.msk vm14, v4  }
0x5a3: {  	[tilespmem:v10+s10+$0x0] =	vst.idx.add.s32.msk vm4, v4  }
0x5a4: {  	[tilespmem:v62+s10+$0x0] =	vst.idx.add.s32.msk vm3, v4  }
0x5a5: {  	[tilespmem:v7+s10+$0x0] =	vst.idx.add.s32.msk vm15, v4  }
.LBB2_61:
0x5a6: {  	s23 =	ssub.s32 s18, s19  }
0x5a7: {  	p2 =	sgt.s32 s23, $0x0  }
.Ltmp45:
0x5a8: {  	_ = 	snop;
	(pc) =	sbr.rel @!p2 .LBB2_62-.Ltmp45, $3  }
0x5a9: {  	_ =	sdelay $0x1  }
0x5aa: {  	s0 =	sshll.u32 s19, $0x6  }
0x5ab: {  	s21 =	sshll.u32 s19, $0x4;
	s24 =	sshra.s32 s0, $0x2  }
0x5ac: {  	s0 =	sadd.s32 $0x10000, s24;
	s1 =	sshll.u32 s19, $0x4;
	s13 =	smov.u32 s19  }
.LBB2_108:
0x5ad: {  	v7 =	vld [tilespmem:s0+$0x0];
	_ =	sdelay $0x4  }
0x5ae: {  	v8 =	vor.u32 s1, v0;
	v7 =	vshrl.u32 v7, $0x10  }
0x5af: {  	s13 =	sadd.s32 $0x1, s13;
	vm0 =	vlt.s32 v8, v6;
	v7 =	vand.u32 $0xFF, v7  }
0x5b0: {  	p2 =	slt.s32 s13, s18;
	v7 =	vadd.s32 v1, v7  }
.Ltmp46:
0x5b1: {  	_ = 	snop;
	(pc) =	sbr.rel @p2 .LBB2_108-.Ltmp46, $2  }
0x5b2: {  	_ =	sdelay $0x2  }
0x5b3: {  	s0 =	sadd.s32 $0x10, s0;
	s1 =	sadd.s32 $0x10, s1;
	[tilespmem:v7+s10+$0x0] =	vst.idx.add.s32.msk vm0, v4  }
.LBB2_62:
0x5b4: {  	s1 =	simm.s32 $0x188F8  }
0x5b5: {  	v7 =	vld [tilespmem:s1+$0xFFFFF7F8]  }
0x5b6: {  	v8 =	vld [tilespmem:s1+$0xFFFFF8F9]  }
0x5b7: {  	v9 =	vld [tilespmem:s1+$0xFFFFF9FA]  }
0x5b8: {  	v10 =	vld [tilespmem:s1+$0xFFFFFAFB]  }
0x5b9: {  	v11 =	vld [tilespmem:s1+$0xFFFFFBFC]  }
0x5ba: {  	v12 =	vld [tilespmem:s1+$0xFFFFFCFD]  }
0x5bb: {  	v13 =	vld [tilespmem:s1+$0xFFFFFDFE];
	v7 =	vadd.s32 v7, v8  }
0x5bc: {  	v8 =	vld [tilespmem:s1+$0xFFFFFEFF];
	v7 =	vadd.s32 v9, v7  }
0x5bd: {  	v9 =	vld [tilespmem:s1+$0x0];
	v7 =	vadd.s32 v10, v7  }
0x5be: {  	v10 =	vld [tilespmem:s1+$0x101];
	v7 =	vadd.s32 v11, v7  }
0x5bf: {  	v11 =	vld [tilespmem:s1+$0x202];
	v7 =	vadd.s32 v12, v7  }
0x5c0: {  	v12 =	vld [tilespmem:s1+$0x303];
	v7 =	vadd.s32 v13, v7  }
0x5c1: {  	v13 =	vld [tilespmem:s1+$0x404];
	v7 =	vadd.s32 v8, v7  }
0x5c2: {  	v8 =	vld [tilespmem:s1+$0x505];
	v7 =	vadd.s32 v9, v7  }
0x5c3: {  	v9 =	vld [tilespmem:s1+$0x606];
	v7 =	vadd.s32 v10, v7  }
0x5c4: {  	v10 =	vld [tilespmem:s1+$0x707];
	v7 =	vadd.s32 v11, v7  }
0x5c5: {  	v7 =	vadd.s32 v12, v7  }
0x5c6: {  	v7 =	vadd.s32 v13, v7  }
0x5c7: {  	v7 =	vadd.s32 v8, v7  }
0x5c8: {  	v7 =	vadd.s32 v9, v7  }
0x5c9: {  	s0 =	simm.s32 $0x19170;
	v7 =	vadd.s32 v10, v7  }
0x5ca: {  	s26 =	simm.s32 $0x188E8;
	[tilespmem:s0+$0x0] =	vst v7;
	(xrf0) =	vadd.scan.msk.s32 $0xffff, v7  }
0x5cb: {  	v7 =	vld [tilespmem:s26+$0xFFFFF7F8]  }
0x5cc: {  	v8 =	vld [tilespmem:s26+$0xFFFFF8F9]  }
0x5cd: {  	v9 =	vld [tilespmem:s26+$0xFFFFF9FA]  }
0x5ce: {  	v10 =	vld [tilespmem:s26+$0xFFFFFAFB]  }
0x5cf: {  	v11 =	vld [tilespmem:s26+$0xFFFFFBFC]  }
0x5d0: {  	v12 =	vld [tilespmem:s26+$0xFFFFFCFD];
	v13, _, _ =	vpop (xrf0)  }
0x5d1: {  	v14 =	vld [tilespmem:s26+$0xFFFFFDFE];
	v7 =	vadd.s32 v7, v8;
	(v2sf) =	vpush v13, $0xF  }
0x5d2: {  	v8 =	vld [tilespmem:s26+$0xFFFFFEFF];
	v7 =	vadd.s32 v9, v7  }
0x5d3: {  	v9 =	vld [tilespmem:s26+$0x0];
	v7 =	vadd.s32 v10, v7  }
0x5d4: {  	v10 =	vld [tilespmem:s26+$0x101];
	v7 =	vadd.s32 v11, v7  }
0x5d5: {  	v11 =	vld [tilespmem:s26+$0x202];
	v7 =	vadd.s32 v12, v7  }
0x5d6: {  	v12 =	vld [tilespmem:s26+$0x303];
	v7 =	vadd.s32 v14, v7  }
0x5d7: {  	v13 =	vld [tilespmem:s26+$0x404];
	v7 =	vadd.s32 v8, v7  }
0x5d8: {  	v8 =	vld [tilespmem:s26+$0x505];
	v7 =	vadd.s32 v9, v7  }
0x5d9: {  	v9 =	vld [tilespmem:s26+$0x606];
	v7 =	vadd.s32 v10, v7  }
0x5da: {  	v10 =	vld [tilespmem:s26+$0x707];
	v7 =	vadd.s32 v11, v7  }
0x5db: {  	v7 =	vadd.s32 v12, v7  }
0x5dc: {  	v7 =	vadd.s32 v13, v7  }
0x5dd: {  	v7 =	vadd.s32 v8, v7  }
0x5de: {  	v7 =	vadd.s32 v9, v7  }
0x5df: {  	s28 =	simm.s32 $0x19160;
	v7 =	vadd.s32 v10, v7  }
0x5e0: {  	s25 =	ssub.s32 s17, s22;
	s31 =	simm.s32 $0x188D8;
	[tilespmem:s28+$0x0] =	vst v7;
	(xrf0) =	vadd.scan.msk.s32 $0xffff, v7;
	s0 =	spop (v2sf)  }
0x5e1: {  	p2 =	por $0x1, $0x1;
	v7 =	vld [tilespmem:s31+$0xFFFFF7F8];
	p3 =	sge.s32 s0, s25  }
0x5e2: {  	s17 =	simm.s32 $0x0;
	s22 =	simm.s32 $0x1;
	v10 =	vld [tilespmem:s31+$0xFFFFF8F9];
	p3 =	por !p2, !p3  }
0x5e3: {  	s29 =	simm.s32 $0xF;
	s30 =	simm.s32 $0xE;
	v8 =	vld [tilespmem:s31+$0xFFFFF9FA];
	p3 =	por !p3, !p3  }
0x5e4: {  	s1 =	simm.s32 $0xC;
	s26 =	simm.s32 $0x0;
	v9 =	vld [tilespmem:s31+$0xFFFFFAFB];
	p4 =	por !p3, !p3  }
0x5e5: {  	v11 =	vld [tilespmem:s31+$0xFFFFFBFC];
	s26 =	smov.u32 @p3 s29;
	s29 =	simm.s32 $0xD;
	p4 =	por @!p2 p3, p3  }
0x5e6: {  	v12 =	vld [tilespmem:s31+$0xFFFFFCFD];
	s22 =	smov.u32 @p3 s25;
	s17 =	simm.s32 @p3 $0x1;
	v13, _, _ =	vpop (xrf0);
	s0 =	simm.s32 @!p4 $0x0  }
.LBB2_63:
0x5e7: {  	p2 =	sne.s32 s1, $0x0  }
0x5e8: {  	v14 =	vld [tilespmem:s31+$0xFFFFFDFE];
	v7 =	vadd.s32 v7, v10;
	(v2sf) =	vpush v13, $0xF;
	s25 =	ssub.s32 s25, s0;
	s13 =	smov.u32 s1;
	s1 =	sadd.s32 $0xFFFFFFFF, s1  }
0x5e9: {  	v10 =	vld [tilespmem:s31+$0xFFFFFEFF];
	v7 =	vadd.s32 v8, v7  }
0x5ea: {  	v8 =	vld [tilespmem:s31+$0x0];
	v7 =	vadd.s32 v9, v7  }
0x5eb: {  	v9 =	vld [tilespmem:s31+$0x101];
	v7 =	vadd.s32 v11, v7  }
0x5ec: {  	v11 =	vld [tilespmem:s31+$0x202];
	v7 =	vadd.s32 v12, v7  }
0x5ed: {  	v12 =	vld [tilespmem:s31+$0x303];
	v7 =	vadd.s32 v14, v7  }
0x5ee: {  	v13 =	vld [tilespmem:s31+$0x404];
	v7 =	vadd.s32 v10, v7  }
0x5ef: {  	v10 =	vld [tilespmem:s31+$0x505];
	v7 =	vadd.s32 v8, v7  }
0x5f0: {  	v8 =	vld [tilespmem:s31+$0x606];
	v7 =	vadd.s32 v9, v7  }
0x5f1: {  	v9 =	vld [tilespmem:s31+$0x707];
	v7 =	vadd.s32 v11, v7  }
0x5f2: {  	v7 =	vadd.s32 v12, v7  }
0x5f3: {  	v7 =	vadd.s32 v13, v7  }
0x5f4: {  	v7 =	vadd.s32 v10, v7  }
0x5f5: {  	v7 =	vadd.s32 v8, v7  }
0x5f6: {  	s28 =	sadd.s32 $0xFFFFFFF0, s28;
	v7 =	vadd.s32 v9, v7  }
0x5f7: {  	s31 =	sadd.s32 $0xFFFFFFF0, s31;
	[tilespmem:s28+$0x0] =	vst v7;
	(xrf0) =	vadd.scan.msk.s32 $0xffff, v7;
	s0 =	spop (v2sf)  }
0x5f8: {  	p3 =	seq.s32 s17, $0x0;
	v7 =	vld [tilespmem:s31+$0xFFFFF7F8];
	p4 =	sge.s32 s0, s25  }
.Ltmp47:
0x5f9: {  	v10 =	vld [tilespmem:s31+$0xFFFFF8F9];
	p4 =	por !p3, !p4;
	(pc) =	sbr.rel @p2 .LBB2_63-.Ltmp47, $4  }
0x5fa: {  	v8 =	vld [tilespmem:s31+$0xFFFFF9FA];
	p4 =	por !p4, !p4  }
0x5fb: {  	v9 =	vld [tilespmem:s31+$0xFFFFFAFB];
	s26 =	smov.u32 @p4 s30;
	s22 =	smov.u32 @p4 s25;
	p5 =	por !p4, !p4  }
0x5fc: {  	s17 =	simm.s32 @p4 $0x1;
	s30 =	smov.u32 s29;
	v11 =	vld [tilespmem:s31+$0xFFFFFBFC];
	p5 =	por @!p3 p4, p4  }
0x5fd: {  	s29 =	smov.u32 s13;
	v12 =	vld [tilespmem:s31+$0xFFFFFCFD];
	v13, _, _ =	vpop (xrf0);
	s0 =	simm.s32 @!p5 $0x0  }
0x5fe: {  	v14 =	vld [tilespmem:s31+$0xFFFFFDFE];
	v7 =	vadd.s32 v7, v10  }
0x5ff: {  	v55 =	vld [tilespmem:s31+$0xFFFFFEFF];
	v7 =	vadd.s32 v8, v7  }
0x600: {  	v8 =	vld [tilespmem:s31+$0x0];
	v7 =	vadd.s32 v9, v7  }
0x601: {  	v56 =	vld [tilespmem:s31+$0x101];
	v7 =	vadd.s32 v11, v7  }
0x602: {  	v57 =	vld [tilespmem:s31+$0x202];
	v7 =	vadd.s32 v12, v7  }
0x603: {  	v58 =	vld [tilespmem:s31+$0x303];
	v7 =	vadd.s32 v14, v7  }
0x604: {  	v59 =	vld [tilespmem:s31+$0x404];
	v7 =	vadd.s32 v55, v7  }
0x605: {  	v60 =	vld [tilespmem:s31+$0x505];
	v7 =	vadd.s32 v8, v7  }
0x606: {  	v8 =	vld [tilespmem:s31+$0x606];
	v7 =	vadd.s32 v56, v7  }
0x607: {  	v61 =	vld [tilespmem:s31+$0x707];
	v7 =	vadd.s32 v57, v7  }
0x608: {  	v7 =	vadd.s32 v58, v7  }
0x609: {  	v7 =	vadd.s32 v59, v7  }
0x60a: {  	v7 =	vadd.s32 v60, v7  }
0x60b: {  	v7 =	vadd.s32 v8, v7  }
0x60c: {  	v7 =	vadd.s32 v61, v7  }
0x60d: {  	(v2sf) =	vpush v13, $0xF;
	(xrf0) =	vadd.scan.msk.s32 $0xffff, v7;
	_ =	sdelay $0x5  }
0x60e: {  	v8, _, _ =	vpop (xrf0)  }
0x60f: {  	(v2sf) =	vpush v8, $0xF;
	_ =	sdelay $0x7  }
0x610: {  	s0 =	ssub.s32 s25, s0;
	s1 =	spop (v2sf)  }
0x611: {  	p3 =	seq.s32 s17, $0x0;
	p2 =	sge.s32 s1, s0  }
0x612: {  	p2 =	por !p3, !p2  }
0x613: {  	p2 =	por !p2, !p2  }
0x614: {  	p4 =	por !p2, !p2  }
0x615: {  	p4 =	por @!p3 p2, p2  }
0x616: {  	s1 =	simm.s32 @!p4 $0x0  }
0x617: {  	s17 =	simm.s32 @p2 $0x1;
	s1 =	ssub.s32 s0, s1;
	s13 =	spop (v2sf)  }
0x618: {  	p5 =	seq.s32 s17, $0x0;
	p6 =	sge.s32 s13, s1  }
0x619: {  	p3 =	por !p5, !p6  }
0x61a: {  	s26 =	smov.u32 @p2 s30;
	p3 =	por !p3, !p3  }
0x61b: {  	s25 =	sadd.s32 $0xFFFFFFF0, s28;
	s26 =	smov.u32 @p3 s29  }
0x61c: {  	[tilespmem:s25+$0x0] =	vst v7;
	s28 =	sshll.u32 s26, $0x4  }
0x61d: {  	v7 =	vld [tilespmem:s28+$0x19080];
	_ =	sdelay $0x4  }
0x61e: {  	v7 =	vperm.xlane v7, v5;
	_ =	sdelay $0x1  }
0x61f: {  	(xrf0) =	vadd.scan.msk.s32 $0xffff, v7;
	_ =	sdelay $0x4  }
0x620: {  	s22 =	smov.u32 @p2 s0  }
0x621: {  	s22 =	smov.u32 @p3 s1;
	v8, _, _ =	vpop (xrf0)  }
0x622: {  	vm0 =	vge.s32 v8, s22  }
0x623: {  	v62 =	vmctz.xlane vm0;
	_ =	sdelay $0x1  }
0x624: {  	v9 =	vxor.u32 $0x80000000, v62  }
0x625: {  	(xrf0) =	vmax.scan.msk.u32 $0xffff, v9;
	_ =	sdelay $0x5  }
0x626: {  	v9, _, _ =	vpop (xrf0)  }
0x627: {  	(v2sf) =	vpush v9, $0xF;
	_ =	sdelay $0xe  }
0x628: {  	s29 =	spop (v2sf)  }
0x629: {  	s0 =	sxor.u32 $0x80000000, s29  }
0x62a: {  	v63 =	vmov s0  }
0x62b: {  	v7 =	vsub.s32 v8, v7;
	vm15 =	veq.s32 v63, v0  }
0x62c: {  	v7 =	vnsel vm15, $0x0, v7  }
0x62d: {  	(xrf0) =	vadd.scan.msk.s32 $0xffff, v7;
	_ =	sdelay $0x5  }
0x62e: {  	v7, _, _ =	vpop (xrf0)  }
0x62f: {  	(v2sf) =	vpush v7, $0xF;
	_ =	sdelay $0xa  }
.Ltmp48:
0x630: {  	_ = 	snop;
	(pc) =	sbr.rel @p1 .LBB2_65-.Ltmp48, $4  }
0x631: {  	s30 =	sshllo.u32 s26, $0x4  }
0x632: {  	s31 =	sshll.u32 s20, $0x8;
	s0 =	ssub.s32 s30, s0  }
0x633: {  	s17 =	sor.u32 s31, s0  }
0x634: {  	v7 =	vmov s17;
	s20 =	spop (v2sf)  }
0x635: {  	s0 =	simm.s32 $0x10040  }
0x636: {  	s13 =	simm.s32 $0x30;
	v20 =	vld [tilespmem:s0+$0xFFFFFFC0]  }
0x637: {  	v15 =	vimm.s32 $0x0;
	s25 =	simm.s32 $0x40;
	s26 =	simm.s32 $0x60;
	s28 =	simm.s32 $0x20;
	v9 =	vor.u32 s13, v0;
	v8 =	vld [tilespmem:s0+$0x20]  }
0x638: {  	s29 =	simm.s32 $0x50;
	s30 =	simm.s32 $0x0;
	v11 =	vor.u32 s25, v0;
	v10 =	vld [tilespmem:s0+$0x0];
	v12 =	vor.u32 s26, v0;
	v13 =	vor.u32 s28, v0  }
0x639: {  	v14 =	vor.u32 s29, v0;
	v16 =	vor.u32 s30, v0;
	vm1 =	vlt.s32 v9, v6;
	v9 =	vld [tilespmem:s0+$0xFFFFFFF0]  }
0x63a: {  	s31 =	simm.s32 $0x10;
	vm5 =	vlt.s32 v13, v6;
	vm3 =	vlt.s32 v14, v6;
	vm0 =	vlt.s32 v16, v6  }
0x63b: {  	s1 =	simm.s32 $0x70;
	vm2 =	vlt.s32 v11, v6;
	v11 =	vor.u32 s31, v0;
	vm6 =	vlt.s32 v12, v6  }
0x63c: {  	v16 =	vor.u32 s1, v0;
	v12 =	vld [tilespmem:s0+$0xFFFFFFE0];
	vm8 =	vlt.s32 v11, v6;
	v13 =	vshra.s32 v20, $0x10  }
0x63d: {  	v14 =	vshra.s32 v8, $0x10;
	v11 =	vshra.s32 v10, $0x10;
	vm4 =	veq.s32 v13, v7;
	v13 =	vld [tilespmem:s0+$0x30]  }
0x63e: {  	v18 =	vshra.s32 v9, $0x10;
	vm7 =	vmand vm0, vm4;
	vm0 =	veq.s32 v14, v7;
	v14 =	vld [tilespmem:s0+$0xFFFFFFD0]  }
0x63f: {  	vm9 =	vlt.s32 v16, v6;
	vm10 =	veq.s32 v11, v7;
	vm4 =	veq.s32 v18, v7  }
0x640: {  	v11 =	vld [tilespmem:s0+$0x10];
	v17 =	vmpcnt.ones.xlane vm7;
	vm0 =	vmand vm6, vm0;
	v16 =	vsel vm7, $0x1, v2  }
0x641: {  	vm4 =	vmand vm1, vm4;
	vm1 =	vmand vm2, vm10;
	(xrf0) =	vadd.scan.msk.s32 $0xffff, v16;
	v16 =	vshra.s32 v12, $0x10  }
0x642: {  	v21 =	vadd.s32 v15, v17;
	vm6 =	veq.s32 v16, v7;
	v17 =	vshra.s32 v13, $0x10  }
0x643: {  	vm2 =	veq.s32 v17, v7;
	v17 =	vsel vm1, $0x1, v2;
	v16 =	vshra.s32 v14, $0x10  }
0x644: {  	v18 =	vsel vm4, $0x1, v2;
	vm6 =	vmand vm5, vm6;
	(xrf0) =	vadd.scan.msk.s32 $0xffff, v17;
	vm5 =	veq.s32 v16, v7  }
0x645: {  	(xrf0) =	vadd.scan.msk.s32 $0xffff, v18;
	v18 =	vshra.s32 v11, $0x10;
	vm5 =	vmand vm8, vm5  }
0x646: {  	vm2 =	vmand vm9, vm2;
	vm15 =	veq.s32 v18, v7;
	v18 =	vmpcnt.ones.xlane vm5  }
0x647: {  	v17 =	vsel vm2, $0x1, v2  }
0x648: {  	v16 =	vsel vm6, $0x1, v2;
	(xrf0) =	vadd.scan.msk.s32 $0xffff, v17  }
0x649: {  	v19 =	vmpcnt.ones.xlane vm6;
	v17 =	vsel vm0, $0x1, v2;
	v22, _, _ =	vpop (xrf0);
	(xrf0) =	vadd.scan.msk.s32 $0xffff, v16  }
0x64a: {  	v15 =	vadd.s32 v22, v15;
	(xrf0) =	vadd.scan.msk.s32 $0xffff, v17;
	v17 =	vmpcnt.ones.xlane vm4;
	v22 =	vadd.s32 v21, v18;
	v18, _, _ =	vpop (xrf0)  }
0x64b: {  	vm3 =	vmand vm3, vm15;
	v19 =	vadd.s32 v22, v19;
	v24, _, _ =	vpop (xrf0)  }
0x64c: {  	v16 =	vsel vm5, $0x1, v2;
	v24 =	vadd.s32 v24, v19;
	v19 =	vadd.s32 v19, v17  }
0x64d: {  	v23 =	vsel vm3, $0x1, v2;
	(xrf0) =	vadd.scan.msk.s32 $0xffff, v16;
	v16 =	vmpcnt.ones.xlane vm1  }
0x64e: {  	v25 =	vmpcnt.ones.xlane vm3;
	(xrf0) =	vadd.scan.msk.s32 $0xffff, v23;
	v26, _, _ =	vpop (xrf0)  }
0x64f: {  	p1 =	sgt.s32 s19, $0x8;
	v15 =	vadd.s32 $0xFFFFFFFF, v15;
	v27 =	vadd.s32 v18, v19;
	v16 =	vadd.s32 v19, v16;
	v19, _, _ =	vpop (xrf0)  }
.Ltmp49:
0x650: {  	v18 =	vadd.s32 $0xFFFFFFFF, v24;
	v24 =	vadd.s32 v19, v22;
	v22 =	vadd.s32 v16, v25;
	(pc) =	sbr.rel @!p1 .LBB2_111-.Ltmp49, $4  }
0x651: {  	v23 =	vmpcnt.ones.xlane vm0  }
0x652: {  	v17 =	vmpcnt.ones.xlane vm2;
	v25, _, _ =	vpop (xrf0)  }
0x653: {  	v19 =	vadd.s32 $0xFFFFFFFF, v27;
	v25 =	vadd.s32 v25, v22;
	v23 =	vadd.s32 v22, v23;
	v22, _, _ =	vpop (xrf0)  }
0x654: {  	s25 =	simm.s32 $0x8;
	s26 =	simm.s32 $0xF0;
	s28 =	simm.s32 $0x100C0;
	[tilespmem:v15+s11+$0x0] =	vst.idx.msk vm7, v20;
	v20 =	vadd.s32 $0xFFFFFFFF, v25;
	v25 =	vadd.s32 v26, v23;
	v21 =	vadd.s32 v22, v21;
	v22, _, _ =	vpop (xrf0)  }
.LBB2_110:
0x655: {  	v15 =	vld [tilespmem:s28+$0xFFFFFFC0];
	s0 =	sadd.s32 $0xFFFFFFC0, s26;
	s1 =	sadd.s32 $0xFFFFFFD0, s26;
	s13 =	sadd.s32 $0xFFFFFFF0, s26;
	v24 =	vadd.s32 $0xFFFFFFFF, v24;
	v25 =	vadd.s32 $0xFFFFFFFF, v25;
	v17 =	vadd.s32 v23, v17  }
0x656: {  	s29 =	sadd.s32 $0xFFFFFFB0, s26;
	s25 =	sadd.s32 $0x8, s25;
	v23 =	vor.u32 s0, v0;
	v26 =	vld [tilespmem:s28+$0x0];
	v27 =	vor.u32 s1, v0;
	s0 =	sadd.s32 $0xFFFFFFE0, s26;
	v28 =	vor.u32 s13, v0  }
0x657: {  	s1 =	sadd.s32 $0xFFFFFF90, s26;
	v29 =	vor.u32 s29, v0;
	p1 =	slt.s32 s25, s19;
	vm10 =	vlt.s32 v23, v6;
	v23 =	vor.u32 s0, v0;
	v30 =	vld [tilespmem:s28+$0x20];
	[tilespmem:v18+s11+$0x0] =	vst.idx.msk vm4, v9  }
0x658: {  	v18 =	vor.u32 s1, v0;
	vm9 =	vlt.s32 v29, v6;
	v9 =	vld [tilespmem:s28+$0xFFFFFFF0];
	vm8 =	vlt.s32 v23, v6;
	[tilespmem:v19+s11+$0x0] =	vst.idx.msk vm1, v10  }
0x659: {  	vm4 =	vlt.s32 v18, v6;
	v19 =	vadd.s32 $0xFFFFFFFF, v21;
	v10 =	vadd.s32 v22, v16;
	v18 =	vld [tilespmem:s28+$0x10];
	[tilespmem:v20+s11+$0x0] =	vst.idx.msk vm0, v8  }
0x65a: {  	s0 =	sadd.s32 $0xFFFFFFA0, s26;
	vm1 =	vlt.s32 v27, v6;
	v20 =	vadd.s32 $0xFFFFFFFF, v10;
	v23 =	vshra.s32 v15, $0x10;
	v16 =	vld [tilespmem:s28+$0x30];
	[tilespmem:v24+s11+$0x0] =	vst.idx.msk vm6, v12  }
0x65b: {  	v12 =	vor.u32 s0, v0;
	vm6 =	vlt.s32 v28, v6;
	vm0 =	veq.s32 v23, v7;
	v21 =	vld [tilespmem:s28+$0xFFFFFFD0];
	[tilespmem:v25+s11+$0x0] =	vst.idx.msk vm2, v13  }
0x65c: {  	v22 =	vor.u32 s26, v0;
	v10 =	vmovc v26;
	vm7 =	vmand vm4, vm0;
	v13 =	vshra.s32 v30, $0x10;
	v8 =	vmovc v30  }
0x65d: {  	vm11 =	vlt.s32 v12, v6;
	v23 =	vmpcnt.ones.xlane vm7;
	v12 =	vld [tilespmem:s28+$0xFFFFFFE0];
	v24 =	vshra.s32 v9, $0x10  }
0x65e: {  	vm2 =	vlt.s32 v22, v6;
	v25 =	vshra.s32 v10, $0x10;
	vm0 =	veq.s32 v13, v7;
	[tilespmem:v19+s11+$0x0] =	vst.idx.msk vm5, v14  }
0x65f: {  	vm5 =	veq.s32 v25, v7;
	vm0 =	vmand vm6, vm0;
	v22 =	vadd.s32 v17, v23;
	[tilespmem:v20+s11+$0x0] =	vst.idx.msk vm3, v11  }
0x660: {  	v20 =	vsel vm7, $0x1, v2;
	vm3 =	veq.s32 v24, v7;
	v19 =	vsel vm0, $0x1, v2;
	v11 =	vmovc v18;
	v13 =	vmovc v16  }
0x661: {  	vm1 =	vmand vm1, vm5;
	vm4 =	vmand vm10, vm3;
	v16 =	vshra.s32 v13, $0x10;
	v14 =	vmovc v21;
	(xrf0) =	vadd.scan.msk.s32 $0xffff, v20  }
0x662: {  	v20 =	vshra.s32 v11, $0x10;
	vm3 =	veq.s32 v16, v7;
	v18 =	vshra.s32 v12, $0x10  }
0x663: {  	v23 =	vsel vm1, $0x1, v2;
	v16 =	vshra.s32 v14, $0x10;
	v21 =	vsel vm4, $0x1, v2  }
0x664: {  	vm2 =	vmand vm2, vm3;
	vm5 =	veq.s32 v18, v7;
	v18 =	vmpcnt.ones.xlane vm4;
	(xrf0) =	vadd.scan.msk.s32 $0xffff, v23  }
0x665: {  	vm3 =	veq.s32 v20, v7;
	v20 =	vsel vm2, $0x1, v2;
	vm6 =	vmand vm9, vm5;
	(xrf0) =	vadd.scan.msk.s32 $0xffff, v21  }
0x666: {  	vm5 =	veq.s32 v16, v7;
	v16 =	vsel vm6, $0x1, v2;
	v21 =	vmpcnt.ones.xlane vm6;
	(xrf0) =	vadd.scan.msk.s32 $0xffff, v20  }
0x667: {  	vm3 =	vmand vm8, vm3;
	vm5 =	vmand vm11, vm5;
	v20 =	vmpcnt.ones.xlane vm1;
	v23, _, _ =	vpop (xrf0);
	(xrf0) =	vadd.scan.msk.s32 $0xffff, v16  }
0x668: {  	v16 =	vadd.s32 v23, v17;
	v17 =	vsel vm5, $0x1, v2;
	v23 =	vmpcnt.ones.xlane vm5;
	(xrf0) =	vadd.scan.msk.s32 $0xffff, v19  }
0x669: {  	v19 =	vadd.s32 $0xFFFFFFFF, v16;
	v16 =	vsel vm3, $0x1, v2;
	(xrf0) =	vadd.scan.msk.s32 $0xffff, v17  }
0x66a: {  	v23 =	vadd.s32 v22, v23;
	v24, _, _ =	vpop (xrf0);
	(xrf0) =	vadd.scan.msk.s32 $0xffff, v16  }
0x66b: {  	v17 =	vmpcnt.ones.xlane vm2;
	v16 =	vadd.s32 v23, v21;
	v21 =	vmpcnt.ones.xlane vm0;
	v25, _, _ =	vpop (xrf0)  }
.Ltmp50:
0x66c: {  	v26 =	vmpcnt.ones.xlane vm3;
	v25 =	vadd.s32 v25, v16;
	v16 =	vadd.s32 v16, v18;
	v27, _, _ =	vpop (xrf0);
	(pc) =	sbr.rel @p1 .LBB2_110-.Ltmp50, $4  }
0x66d: {  	v18 =	vadd.s32 $0xFFFFFFFF, v25;
	v25 =	vadd.s32 v24, v16;
	v16 =	vadd.s32 v16, v20;
	v20, _, _ =	vpop (xrf0)  }
0x66e: {  	[tilespmem:v19+s11+$0x0] =	vst.idx.msk vm7, v15;
	v24 =	vadd.s32 v20, v23;
	v19 =	vadd.s32 $0xFFFFFFFF, v25;
	v25 =	vadd.s32 v16, v26;
	v20, _, _ =	vpop (xrf0)  }
0x66f: {  	v20 =	vadd.s32 v20, v25;
	v23 =	vadd.s32 v25, v21;
	v15, _, _ =	vpop (xrf0)  }
0x670: {  	s26 =	sadd.s32 $0x80, s26;
	s28 =	sadd.s32 $0x80, s28;
	v21 =	vadd.s32 v15, v22;
	v20 =	vadd.s32 $0xFFFFFFFF, v20;
	v25 =	vadd.s32 v27, v23;
	v22, _, _ =	vpop (xrf0)  }
.LBB2_111:
0x671: {  	_ =	sdelay $0x2  }
0x672: {  	v15 =	vadd.s32 $0xFFFFFFFF, v24  }
0x673: {  	v63 =	vadd.s32 $0xFFFFFFFF, v25  }
0x674: {  	[tilespmem:v18+s11+$0x0] =	vst.idx.msk vm4, v9;
	v9 =	vadd.s32 $0xFFFFFFFF, v21;
	v16 =	vadd.s32 v22, v16  }
0x675: {  	[tilespmem:v19+s11+$0x0] =	vst.idx.msk vm1, v10;
	v10 =	vadd.s32 $0xFFFFFFFF, v16  }
.Ltmp51:
0x676: {  	[tilespmem:v20+s11+$0x0] =	vst.idx.msk vm0, v8;
	(pc) =	sbr.rel .LBB2_66-.Ltmp51, $4  }
0x677: {  	[tilespmem:v15+s11+$0x0] =	vst.idx.msk vm6, v12  }
0x678: {  	[tilespmem:v63+s11+$0x0] =	vst.idx.msk vm2, v13  }
0x679: {  	[tilespmem:v9+s11+$0x0] =	vst.idx.msk vm5, v14  }
0x67a: {  	v8 =	vadd.s32 v23, v17;
	[tilespmem:v10+s11+$0x0] =	vst.idx.msk vm3, v11  }
.LBB2_65:
0x67b: {  	v8 =	vimm.s32 $0x0  }
.LBB2_66:
0x67c: {  	p1 =	slt.s32 s23, $0x1  }
.Ltmp52:
0x67d: {  	_ = 	snop;
	(pc) =	sbr.rel @p1 .LBB2_69-.Ltmp52, $1  }
0x67e: {  	_ =	sdelay $0x3  }
0x67f: {  	s0 =	sadd.s32 $0x10000, s24  }
.LBB2_68:
0x680: {  	v9 =	vld [tilespmem:s0+$0x0];
	_ =	sdelay $0x4  }
0x681: {  	v10 =	vor.u32 s21, v0;
	v11 =	vshra.s32 v9, $0x10  }
0x682: {  	vm0 =	vlt.s32 v10, v6;
	vm1 =	veq.s32 v11, v7  }
0x683: {  	vm0 =	vmand vm0, vm1  }
0x684: {  	v10 =	vsel vm0, $0x1, v2  }
0x685: {  	(xrf0) =	vadd.scan.msk.s32 $0xffff, v10;
	_ =	sdelay $0x5  }
0x686: {  	v10, _, _ =	vpop (xrf0)  }
0x687: {  	s19 =	sadd.s32 $0x1, s19;
	v10 =	vadd.s32 v10, v8  }
0x688: {  	p1 =	slt.s32 s19, s18;
	v10 =	vadd.s32 $0xFFFFFFFF, v10  }
.Ltmp53:
0x689: {  	_ = 	snop;
	(pc) =	sbr.rel @p1 .LBB2_68-.Ltmp53, $3  }
0x68a: {  	_ = 	snop  }
0x68b: {  	v11 =	vmpcnt.ones.xlane vm0;
	_ =	sdelay $0x1  }
0x68c: {  	s0 =	sadd.s32 $0x10, s0;
	s21 =	sadd.s32 $0x10, s21;
	v8 =	vadd.s32 v8, v11;
	[tilespmem:v10+s11+$0x0] =	vst.idx.msk vm0, v9  }
.LBB2_69:
0x68d: {  	s0 =	simm.s32 $0x18040  }
0x68e: {  	[tilespmem:s0+$0xFFFFFFC0] =	vst v2  }
0x68f: {  	[tilespmem:s0+$0x30] =	vst v2  }
0x690: {  	[tilespmem:s0+$0x20] =	vst v2  }
0x691: {  	[tilespmem:s0+$0x10] =	vst v2  }
0x692: {  	[tilespmem:s0+$0x0] =	vst v2  }
0x693: {  	[tilespmem:s0+$0xFFFFFFF0] =	vst v2  }
0x694: {  	s24 =	ssub.s32 s22, s20;
	s1 =	simm.s32 $0x0;
	[tilespmem:s0+$0xFFFFFFE0] =	vst v2  }
.LBB2_70:
0x695: {  	s1 =	sadd.s32 $0x8, s1;
	[tilespmem:s0+$0xFFFFFFD0] =	vst v2;
	s0 =	sadd.s32 $0x80, s0  }
0x696: {  	[tilespmem:s0+$0xFFFFFFC0] =	vst v2;
	p1 =	slt.u32 s1, $0x100  }
0x697: {  	[tilespmem:s0+$0x30] =	vst v2  }
.Ltmp54:
0x698: {  	[tilespmem:s0+$0x20] =	vst v2;
	(pc) =	sbr.rel @p1 .LBB2_70-.Ltmp54, $4  }
0x699: {  	[tilespmem:s0+$0x10] =	vst v2  }
0x69a: {  	[tilespmem:s0+$0x0] =	vst v2  }
0x69b: {  	[tilespmem:s0+$0xFFFFFFF0] =	vst v2  }
0x69c: {  	[tilespmem:s0+$0xFFFFFFE0] =	vst v2  }
0x69d: {  	v6 =	vxor.u32 $0x80000000, v8  }
0x69e: {  	(xrf0) =	vmax.scan.msk.u32 $0xffff, v6;
	_ =	sdelay $0x5  }
0x69f: {  	v6, _, _ =	vpop (xrf0)  }
0x6a0: {  	(v2sf) =	vpush v6, $0xF;
	_ =	sdelay $0xe  }
0x6a1: {  	s1 =	spop (v2sf)  }
0x6a2: {  	s13 =	sadd.s32 $0x8000000F, s1  }
0x6a3: {  	s18 =	sand.u32 $0xF, s13  }
0x6a4: {  	s31 =	sshra.s32 s13, $0x1F;
	p2 =	slt.s32 s13, $0x1;
	p1 =	sne.s32 s18, $0x0  }
0x6a5: {  	s18 =	sshrl.u32 s31, $0x1C;
	p1 =	por !p2, !p1  }
0x6a6: {  	s13 =	sadd.s32 s18, s13;
	s18 =	simm.s32 $0x1;
	p1 =	por !p1, !p1  }
0x6a7: {  	s13 =	sshra.s32 s13, $0x4;
	s18 =	simm.s32 @!p1 $0x0  }
0x6a8: {  	s18 =	ssub.s32 s13, s18  }
0x6a9: {  	s13 =	sshrl.u32 s18, $0x1D  }
0x6aa: {  	s13 =	sadd.s32 s13, s18  }
0x6ab: {  	s19 =	sand.u32 $0xFFFFFFF8, s13  }
0x6ac: {  	p1 =	slt.s32 s19, $0x1  }
.Ltmp55:
0x6ad: {  	_ = 	snop;
	(pc) =	sbr.rel @p1 .LBB2_75-.Ltmp55, $3  }
0x6ae: {  	_ =	sdelay $0x1  }
0x6af: {  	s1 =	sxor.u32 $0x80000000, s1  }
0x6b0: {  	[tilespmem:s0+$0xFFFFFFD0] =	vst v2;
	v6 =	vmov s1  }
0x6b1: {  	s0 =	simm.s32 $0x10040  }
0x6b2: {  	v13 =	vld [tilespmem:s0+$0x0]  }
0x6b3: {  	v14 =	vld [tilespmem:s0+$0x30]  }
0x6b4: {  	v15 =	vld [tilespmem:s0+$0x20]  }
0x6b5: {  	s1 =	simm.s32 $0x50;
	v9 =	vld [tilespmem:s0+$0xFFFFFFC0]  }
0x6b6: {  	s20 =	simm.s32 $0x70;
	s13 =	simm.s32 $0x20;
	s22 =	simm.s32 $0x10;
	v10 =	vor.u32 s1, v0;
	v16 =	vld [tilespmem:s0+$0xFFFFFFD0]  }
0x6b7: {  	s21 =	simm.s32 $0x0;
	s30 =	simm.s32 $0x60;
	v11 =	vor.u32 s22, v0;
	v12 =	vor.u32 s13, v0;
	v17 =	vor.u32 s20, v0  }
0x6b8: {  	v8 =	vor.u32 s21, v0;
	v20 =	vor.u32 s30, v0;
	vm0 =	vlt.s32 v17, v6  }
0x6b9: {  	p2 =	sgt.s32 s19, $0x8;
	v18 =	vshrl.u32 v13, $0x8;
	v13 =	vshrl.u32 v14, $0x8;
	v14 =	vshrl.u32 v15, $0x8  }
.Ltmp56:
0x6ba: {  	v9 =	vshrl.u32 v9, $0x8;
	v15 =	vand.u32 $0xFF, v13;
	v14 =	vand.u32 $0xFF, v14;
	(pc) =	sbr.rel @!p2 .LBB2_74-.Ltmp56, $4  }
0x6bb: {  	v19 =	vand.u32 $0xFF, v18;
	v18 =	vld [tilespmem:s0+$0xFFFFFFE0];
	v17 =	vadd.s32 v1, v15;
	v15 =	vshrl.u32 v16, $0x8  }
0x6bc: {  	s29 =	simm.s32 $0x30;
	v16 =	vadd.s32 v1, v14;
	v14 =	vand.u32 $0xFF, v15;
	v15 =	vadd.s32 v1, v19;
	v19 =	vld [tilespmem:s0+$0x10]  }
0x6bd: {  	s31 =	simm.s32 $0x40;
	v7 =	vor.u32 s29, v0;
	vm1 =	vlt.s32 v20, v6;
	v9 =	vand.u32 $0xFF, v9;
	v13 =	vld [tilespmem:s0+$0xFFFFFFF0]  }
0x6be: {  	s21 =	simm.s32 $0x8;
	s22 =	simm.s32 $0x100C0;
	v20 =	vor.u32 s31, v0;
	v9 =	vadd.s32 v1, v9;
	v14 =	vadd.s32 v1, v14  }
.LBB2_73:
0x6bf: {  	v21 =	vld [tilespmem:s22+$0xFFFFFFC0];
	s21 =	sadd.s32 $0x8, s21;
	vm5 =	vlt.s32 v20, v6;
	s20 =	sadd.s32 $0x80, s20  }
0x6c0: {  	vm2 =	vlt.s32 v11, v6;
	vm3 =	vlt.s32 v12, v6;
	vm4 =	vlt.s32 v10, v6;
	s0 =	sadd.s32 $0xFFFFFFB0, s20;
	v20 =	vld [tilespmem:s22+$0x0];
	s1 =	sadd.s32 $0xFFFFFFE0, s20;
	p2 =	slt.s32 s21, s19  }
0x6c1: {  	s13 =	sadd.s32 $0xFFFFFF90, s20;
	s23 =	sadd.s32 $0xFFFFFFA0, s20;
	s25 =	sadd.s32 $0xFFFFFFC0, s20;
	v11 =	vshrl.u32 v18, $0x8;
	v10 =	vor.u32 s1, v0;
	v12 =	vshrl.u32 v19, $0x8;
	[tilespmem:v17+s10+$0x0] =	vst.idx.add.s32.msk vm0, v4  }
0x6c2: {  	v13 =	vshrl.u32 v13, $0x8;
	v11 =	vand.u32 $0xFF, v11;
	v17 =	vld [tilespmem:s22+$0x30];
	v12 =	vand.u32 $0xFF, v12  }
0x6c3: {  	v13 =	vand.u32 $0xFF, v13;
	v18 =	vadd.s32 v1, v11;
	v19 =	vadd.s32 v1, v12;
	[tilespmem:v16+s10+$0x0] =	vst.idx.add.s32.msk vm1, v4  }
0x6c4: {  	v22 =	vadd.s32 v1, v13;
	v11 =	vor.u32 s23, v0;
	v12 =	vor.u32 s0, v0;
	v16 =	vld [tilespmem:s22+$0x20]  }
0x6c5: {  	v23 =	vor.u32 s13, v0;
	v24 =	vor.u32 s25, v0;
	[tilespmem:v15+s10+$0x0] =	vst.idx.add.s32.msk vm5, v4  }
0x6c6: {  	v15 =	vld [tilespmem:s22+$0xFFFFFFD0]  }
0x6c7: {  	vm6 =	vlt.s32 v8, v6;
	v8 =	vmovc v23;
	vm5 =	vlt.s32 v7, v6;
	v7 =	vmov v24;
	v13 =	vld [tilespmem:s22+$0xFFFFFFF0]  }
0x6c8: {  	v23 =	vor.u32 s20, v0;
	v21 =	vshrl.u32 v21, $0x8;
	v20 =	vshrl.u32 v20, $0x8;
	[tilespmem:v19+s10+$0x0] =	vst.idx.add.s32.msk vm4, v4  }
0x6c9: {  	s0 =	sadd.s32 $0xFFFFFFF0, s20;
	vm0 =	vlt.s32 v23, v6;
	v17 =	vshrl.u32 v17, $0x8;
	v19 =	vand.u32 $0xFF, v21;
	[tilespmem:v18+s10+$0x0] =	vst.idx.add.s32.msk vm3, v4  }
.Ltmp57:
0x6ca: {  	v17 =	vand.u32 $0xFF, v17;
	v21 =	vadd.s32 v1, v19;
	v16 =	vshrl.u32 v16, $0x8;
	[tilespmem:v14+s10+$0x0] =	vst.idx.add.s32.msk vm2, v4;
	(pc) =	sbr.rel @p2 .LBB2_73-.Ltmp57, $4  }
0x6cb: {  	v17 =	vadd.s32 v1, v17;
	v14 =	vor.u32 s0, v0;
	v16 =	vand.u32 $0xFF, v16;
	v18 =	vld [tilespmem:s22+$0xFFFFFFE0]  }
0x6cc: {  	v20 =	vand.u32 $0xFF, v20;
	s0 =	sadd.s32 $0xFFFFFFD0, s20;
	v15 =	vshrl.u32 v15, $0x8;
	v16 =	vadd.s32 v1, v16;
	v19 =	vld [tilespmem:s22+$0x10]  }
0x6cd: {  	vm1 =	vlt.s32 v14, v6;
	v23 =	vand.u32 $0xFF, v15;
	v15 =	vadd.s32 v1, v20;
	[tilespmem:v9+s10+$0x0] =	vst.idx.add.s32.msk vm6, v4  }
0x6ce: {  	v20 =	vor.u32 s0, v0;
	s22 =	sadd.s32 $0x80, s22;
	v14 =	vadd.s32 v1, v23;
	v9 =	vmov v21;
	[tilespmem:v22+s10+$0x0] =	vst.idx.add.s32.msk vm5, v4  }
.LBB2_74:
0x6cf: {  	_ = 	snop  }
0x6d0: {  	vm2 =	vlt.s32 v20, v6  }
0x6d1: {  	vm5 =	vlt.s32 v11, v6  }
0x6d2: {  	vm3 =	vlt.s32 v10, v6;
	vm14 =	vlt.s32 v8, v6;
	v60 =	vshrl.u32 v18, $0x8  }
0x6d3: {  	vm4 =	vlt.s32 v12, v6;
	v19 =	vshrl.u32 v19, $0x8;
	v10 =	vand.u32 $0xFF, v60  }
0x6d4: {  	[tilespmem:v17+s10+$0x0] =	vst.idx.add.s32.msk vm0, v4;
	v61 =	vand.u32 $0xFF, v19;
	v10 =	vadd.s32 v1, v10;
	v63 =	vshrl.u32 v13, $0x8  }
0x6d5: {  	[tilespmem:v16+s10+$0x0] =	vst.idx.add.s32.msk vm1, v4;
	vm15 =	vlt.s32 v7, v6;
	v62 =	vadd.s32 v1, v61;
	v8 =	vand.u32 $0xFF, v63  }
0x6d6: {  	v7 =	vadd.s32 v1, v8;
	[tilespmem:v15+s10+$0x0] =	vst.idx.add.s32.msk vm2, v4  }
0x6d7: {  	[tilespmem:v14+s10+$0x0] =	vst.idx.add.s32.msk vm5, v4  }
0x6d8: {  	[tilespmem:v9+s10+$0x0] =	vst.idx.add.s32.msk vm14, v4  }
0x6d9: {  	[tilespmem:v10+s10+$0x0] =	vst.idx.add.s32.msk vm4, v4  }
0x6da: {  	[tilespmem:v62+s10+$0x0] =	vst.idx.add.s32.msk vm3, v4  }
0x6db: {  	[tilespmem:v7+s10+$0x0] =	vst.idx.add.s32.msk vm15, v4  }
.LBB2_75:
0x6dc: {  	s22 =	ssub.s32 s18, s19  }
0x6dd: {  	p2 =	sgt.s32 s22, $0x0  }
.Ltmp58:
0x6de: {  	_ = 	snop;
	(pc) =	sbr.rel @!p2 .LBB2_76-.Ltmp58, $3  }
0x6df: {  	_ =	sdelay $0x1  }
0x6e0: {  	s0 =	sshll.u32 s19, $0x6  }
0x6e1: {  	s20 =	sshll.u32 s19, $0x4;
	s23 =	sshra.s32 s0, $0x2  }
0x6e2: {  	s0 =	sadd.s32 $0x10000, s23;
	s1 =	sshll.u32 s19, $0x4;
	s13 =	smov.u32 s19  }
.LBB2_113:
0x6e3: {  	v7 =	vld [tilespmem:s0+$0x0];
	_ =	sdelay $0x4  }
0x6e4: {  	v8 =	vor.u32 s1, v0;
	v7 =	vshrl.u32 v7, $0x8  }
0x6e5: {  	s13 =	sadd.s32 $0x1, s13;
	vm0 =	vlt.s32 v8, v6;
	v7 =	vand.u32 $0xFF, v7  }
0x6e6: {  	p2 =	slt.s32 s13, s18;
	v7 =	vadd.s32 v1, v7  }
.Ltmp59:
0x6e7: {  	_ = 	snop;
	(pc) =	sbr.rel @p2 .LBB2_113-.Ltmp59, $2  }
0x6e8: {  	_ =	sdelay $0x2  }
0x6e9: {  	s0 =	sadd.s32 $0x10, s0;
	s1 =	sadd.s32 $0x10, s1;
	[tilespmem:v7+s10+$0x0] =	vst.idx.add.s32.msk vm0, v4  }
.LBB2_76:
0x6ea: {  	s1 =	simm.s32 $0x188F8  }
0x6eb: {  	v7 =	vld [tilespmem:s1+$0xFFFFF7F8]  }
0x6ec: {  	v8 =	vld [tilespmem:s1+$0xFFFFF8F9]  }
0x6ed: {  	v9 =	vld [tilespmem:s1+$0xFFFFF9FA]  }
0x6ee: {  	v10 =	vld [tilespmem:s1+$0xFFFFFAFB]  }
0x6ef: {  	v11 =	vld [tilespmem:s1+$0xFFFFFBFC]  }
0x6f0: {  	v12 =	vld [tilespmem:s1+$0xFFFFFCFD]  }
0x6f1: {  	v13 =	vld [tilespmem:s1+$0xFFFFFDFE];
	v7 =	vadd.s32 v7, v8  }
0x6f2: {  	v8 =	vld [tilespmem:s1+$0xFFFFFEFF];
	v7 =	vadd.s32 v9, v7  }
0x6f3: {  	v9 =	vld [tilespmem:s1+$0x0];
	v7 =	vadd.s32 v10, v7  }
0x6f4: {  	v10 =	vld [tilespmem:s1+$0x101];
	v7 =	vadd.s32 v11, v7  }
0x6f5: {  	v11 =	vld [tilespmem:s1+$0x202];
	v7 =	vadd.s32 v12, v7  }
0x6f6: {  	v12 =	vld [tilespmem:s1+$0x303];
	v7 =	vadd.s32 v13, v7  }
0x6f7: {  	v13 =	vld [tilespmem:s1+$0x404];
	v7 =	vadd.s32 v8, v7  }
0x6f8: {  	v8 =	vld [tilespmem:s1+$0x505];
	v7 =	vadd.s32 v9, v7  }
0x6f9: {  	v9 =	vld [tilespmem:s1+$0x606];
	v7 =	vadd.s32 v10, v7  }
0x6fa: {  	v10 =	vld [tilespmem:s1+$0x707];
	v7 =	vadd.s32 v11, v7  }
0x6fb: {  	v7 =	vadd.s32 v12, v7  }
0x6fc: {  	v7 =	vadd.s32 v13, v7  }
0x6fd: {  	v7 =	vadd.s32 v8, v7  }
0x6fe: {  	v7 =	vadd.s32 v9, v7  }
0x6ff: {  	s0 =	simm.s32 $0x19170;
	v7 =	vadd.s32 v10, v7  }
0x700: {  	s26 =	simm.s32 $0x188E8;
	[tilespmem:s0+$0x0] =	vst v7;
	(xrf0) =	vadd.scan.msk.s32 $0xffff, v7  }
0x701: {  	v7 =	vld [tilespmem:s26+$0xFFFFF7F8]  }
0x702: {  	v8 =	vld [tilespmem:s26+$0xFFFFF8F9]  }
0x703: {  	v9 =	vld [tilespmem:s26+$0xFFFFF9FA]  }
0x704: {  	v10 =	vld [tilespmem:s26+$0xFFFFFAFB]  }
0x705: {  	v11 =	vld [tilespmem:s26+$0xFFFFFBFC]  }
0x706: {  	v12 =	vld [tilespmem:s26+$0xFFFFFCFD];
	v13, _, _ =	vpop (xrf0)  }
0x707: {  	v14 =	vld [tilespmem:s26+$0xFFFFFDFE];
	v7 =	vadd.s32 v7, v8;
	(v2sf) =	vpush v13, $0xF  }
0x708: {  	v8 =	vld [tilespmem:s26+$0xFFFFFEFF];
	v7 =	vadd.s32 v9, v7  }
0x709: {  	v9 =	vld [tilespmem:s26+$0x0];
	v7 =	vadd.s32 v10, v7  }
0x70a: {  	v10 =	vld [tilespmem:s26+$0x101];
	v7 =	vadd.s32 v11, v7  }
0x70b: {  	v11 =	vld [tilespmem:s26+$0x202];
	v7 =	vadd.s32 v12, v7  }
0x70c: {  	v12 =	vld [tilespmem:s26+$0x303];
	v7 =	vadd.s32 v14, v7  }
0x70d: {  	v13 =	vld [tilespmem:s26+$0x404];
	v7 =	vadd.s32 v8, v7  }
0x70e: {  	v8 =	vld [tilespmem:s26+$0x505];
	v7 =	vadd.s32 v9, v7  }
0x70f: {  	v9 =	vld [tilespmem:s26+$0x606];
	v7 =	vadd.s32 v10, v7  }
0x710: {  	v10 =	vld [tilespmem:s26+$0x707];
	v7 =	vadd.s32 v11, v7  }
0x711: {  	v7 =	vadd.s32 v12, v7  }
0x712: {  	v7 =	vadd.s32 v13, v7  }
0x713: {  	v7 =	vadd.s32 v8, v7  }
0x714: {  	v7 =	vadd.s32 v9, v7  }
0x715: {  	s28 =	simm.s32 $0x19160;
	v7 =	vadd.s32 v10, v7  }
0x716: {  	s31 =	simm.s32 $0x188D8;
	[tilespmem:s28+$0x0] =	vst v7;
	(xrf0) =	vadd.scan.msk.s32 $0xffff, v7;
	s0 =	spop (v2sf)  }
0x717: {  	p2 =	por $0x1, $0x1;
	v7 =	vld [tilespmem:s31+$0xFFFFF7F8];
	p3 =	sge.s32 s0, s24  }
0x718: {  	s25 =	simm.s32 $0x0;
	s21 =	simm.s32 $0x1;
	v10 =	vld [tilespmem:s31+$0xFFFFF8F9];
	p3 =	por !p2, !p3  }
0x719: {  	s29 =	simm.s32 $0xF;
	s30 =	simm.s32 $0xE;
	v8 =	vld [tilespmem:s31+$0xFFFFF9FA];
	p3 =	por !p3, !p3  }
0x71a: {  	s1 =	simm.s32 $0xC;
	s26 =	simm.s32 $0x0;
	v9 =	vld [tilespmem:s31+$0xFFFFFAFB];
	p4 =	por !p3, !p3  }
0x71b: {  	v11 =	vld [tilespmem:s31+$0xFFFFFBFC];
	s26 =	smov.u32 @p3 s29;
	s29 =	simm.s32 $0xD;
	p4 =	por @!p2 p3, p3  }
0x71c: {  	v12 =	vld [tilespmem:s31+$0xFFFFFCFD];
	s21 =	smov.u32 @p3 s24;
	s25 =	simm.s32 @p3 $0x1;
	v13, _, _ =	vpop (xrf0);
	s0 =	simm.s32 @!p4 $0x0  }
.LBB2_77:
0x71d: {  	p2 =	sne.s32 s1, $0x0  }
0x71e: {  	v14 =	vld [tilespmem:s31+$0xFFFFFDFE];
	v7 =	vadd.s32 v7, v10;
	(v2sf) =	vpush v13, $0xF;
	s24 =	ssub.s32 s24, s0;
	s13 =	smov.u32 s1;
	s1 =	sadd.s32 $0xFFFFFFFF, s1  }
0x71f: {  	v10 =	vld [tilespmem:s31+$0xFFFFFEFF];
	v7 =	vadd.s32 v8, v7  }
0x720: {  	v8 =	vld [tilespmem:s31+$0x0];
	v7 =	vadd.s32 v9, v7  }
0x721: {  	v9 =	vld [tilespmem:s31+$0x101];
	v7 =	vadd.s32 v11, v7  }
0x722: {  	v11 =	vld [tilespmem:s31+$0x202];
	v7 =	vadd.s32 v12, v7  }
0x723: {  	v12 =	vld [tilespmem:s31+$0x303];
	v7 =	vadd.s32 v14, v7  }
0x724: {  	v13 =	vld [tilespmem:s31+$0x404];
	v7 =	vadd.s32 v10, v7  }
0x725: {  	v10 =	vld [tilespmem:s31+$0x505];
	v7 =	vadd.s32 v8, v7  }
0x726: {  	v8 =	vld [tilespmem:s31+$0x606];
	v7 =	vadd.s32 v9, v7  }
0x727: {  	v9 =	vld [tilespmem:s31+$0x707];
	v7 =	vadd.s32 v11, v7  }
0x728: {  	v7 =	vadd.s32 v12, v7  }
0x729: {  	v7 =	vadd.s32 v13, v7  }
0x72a: {  	v7 =	vadd.s32 v10, v7  }
0x72b: {  	v7 =	vadd.s32 v8, v7  }
0x72c: {  	s28 =	sadd.s32 $0xFFFFFFF0, s28;
	v7 =	vadd.s32 v9, v7  }
0x72d: {  	s31 =	sadd.s32 $0xFFFFFFF0, s31;
	[tilespmem:s28+$0x0] =	vst v7;
	(xrf0) =	vadd.scan.msk.s32 $0xffff, v7;
	s0 =	spop (v2sf)  }
0x72e: {  	p3 =	seq.s32 s25, $0x0;
	v7 =	vld [tilespmem:s31+$0xFFFFF7F8];
	p4 =	sge.s32 s0, s24  }
.Ltmp60:
0x72f: {  	v10 =	vld [tilespmem:s31+$0xFFFFF8F9];
	p4 =	por !p3, !p4;
	(pc) =	sbr.rel @p2 .LBB2_77-.Ltmp60, $4  }
0x730: {  	v8 =	vld [tilespmem:s31+$0xFFFFF9FA];
	p4 =	por !p4, !p4  }
0x731: {  	v9 =	vld [tilespmem:s31+$0xFFFFFAFB];
	s26 =	smov.u32 @p4 s30;
	s21 =	smov.u32 @p4 s24;
	p5 =	por !p4, !p4  }
0x732: {  	s25 =	simm.s32 @p4 $0x1;
	s30 =	smov.u32 s29;
	v11 =	vld [tilespmem:s31+$0xFFFFFBFC];
	p5 =	por @!p3 p4, p4  }
0x733: {  	s29 =	smov.u32 s13;
	v12 =	vld [tilespmem:s31+$0xFFFFFCFD];
	v13, _, _ =	vpop (xrf0);
	s0 =	simm.s32 @!p5 $0x0  }
0x734: {  	v14 =	vld [tilespmem:s31+$0xFFFFFDFE];
	v7 =	vadd.s32 v7, v10  }
0x735: {  	v55 =	vld [tilespmem:s31+$0xFFFFFEFF];
	v7 =	vadd.s32 v8, v7  }
0x736: {  	v8 =	vld [tilespmem:s31+$0x0];
	v7 =	vadd.s32 v9, v7  }
0x737: {  	v56 =	vld [tilespmem:s31+$0x101];
	v7 =	vadd.s32 v11, v7  }
0x738: {  	v57 =	vld [tilespmem:s31+$0x202];
	v7 =	vadd.s32 v12, v7  }
0x739: {  	v58 =	vld [tilespmem:s31+$0x303];
	v7 =	vadd.s32 v14, v7  }
0x73a: {  	v59 =	vld [tilespmem:s31+$0x404];
	v7 =	vadd.s32 v55, v7  }
0x73b: {  	v60 =	vld [tilespmem:s31+$0x505];
	v7 =	vadd.s32 v8, v7  }
0x73c: {  	v8 =	vld [tilespmem:s31+$0x606];
	v7 =	vadd.s32 v56, v7  }
0x73d: {  	v61 =	vld [tilespmem:s31+$0x707];
	v7 =	vadd.s32 v57, v7  }
0x73e: {  	v7 =	vadd.s32 v58, v7  }
0x73f: {  	v7 =	vadd.s32 v59, v7  }
0x740: {  	v7 =	vadd.s32 v60, v7  }
0x741: {  	v7 =	vadd.s32 v8, v7  }
0x742: {  	v7 =	vadd.s32 v61, v7  }
0x743: {  	(v2sf) =	vpush v13, $0xF;
	(xrf0) =	vadd.scan.msk.s32 $0xffff, v7;
	_ =	sdelay $0x5  }
0x744: {  	v8, _, _ =	vpop (xrf0)  }
0x745: {  	(v2sf) =	vpush v8, $0xF;
	_ =	sdelay $0x7  }
0x746: {  	s0 =	ssub.s32 s24, s0;
	s1 =	spop (v2sf)  }
0x747: {  	p3 =	seq.s32 s25, $0x0;
	p2 =	sge.s32 s1, s0  }
0x748: {  	p2 =	por !p3, !p2  }
0x749: {  	p2 =	por !p2, !p2  }
0x74a: {  	p4 =	por !p2, !p2  }
0x74b: {  	p4 =	por @!p3 p2, p2  }
0x74c: {  	s1 =	simm.s32 @!p4 $0x0  }
0x74d: {  	s25 =	simm.s32 @p2 $0x1;
	s1 =	ssub.s32 s0, s1;
	s13 =	spop (v2sf)  }
0x74e: {  	p5 =	seq.s32 s25, $0x0;
	p6 =	sge.s32 s13, s1  }
0x74f: {  	p3 =	por !p5, !p6  }
0x750: {  	s26 =	smov.u32 @p2 s30;
	p3 =	por !p3, !p3  }
0x751: {  	s25 =	sadd.s32 $0xFFFFFFF0, s28;
	s26 =	smov.u32 @p3 s29  }
0x752: {  	[tilespmem:s25+$0x0] =	vst v7;
	s28 =	sshll.u32 s26, $0x4  }
0x753: {  	v7 =	vld [tilespmem:s28+$0x19080];
	_ =	sdelay $0x4  }
0x754: {  	v7 =	vperm.xlane v7, v5;
	_ =	sdelay $0x1  }
0x755: {  	(xrf0) =	vadd.scan.msk.s32 $0xffff, v7;
	_ =	sdelay $0x4  }
0x756: {  	s21 =	smov.u32 @p2 s0  }
0x757: {  	s21 =	smov.u32 @p3 s1;
	v8, _, _ =	vpop (xrf0)  }
0x758: {  	vm0 =	vge.s32 v8, s21  }
0x759: {  	v62 =	vmctz.xlane vm0;
	_ =	sdelay $0x1  }
0x75a: {  	v9 =	vxor.u32 $0x80000000, v62  }
0x75b: {  	(xrf0) =	vmax.scan.msk.u32 $0xffff, v9;
	_ =	sdelay $0x5  }
0x75c: {  	v9, _, _ =	vpop (xrf0)  }
0x75d: {  	(v2sf) =	vpush v9, $0xF;
	_ =	sdelay $0xe  }
0x75e: {  	s29 =	spop (v2sf)  }
0x75f: {  	s0 =	sxor.u32 $0x80000000, s29  }
0x760: {  	v63 =	vmov s0  }
0x761: {  	v7 =	vsub.s32 v8, v7;
	vm15 =	veq.s32 v63, v0  }
0x762: {  	v7 =	vnsel vm15, $0x0, v7  }
0x763: {  	(xrf0) =	vadd.scan.msk.s32 $0xffff, v7;
	_ =	sdelay $0x5  }
0x764: {  	v7, _, _ =	vpop (xrf0)  }
0x765: {  	(v2sf) =	vpush v7, $0xF;
	_ =	sdelay $0xa  }
.Ltmp61:
0x766: {  	_ = 	snop;
	(pc) =	sbr.rel @p1 .LBB2_79-.Ltmp61, $4  }
0x767: {  	s30 =	sshllo.u32 s26, $0x4  }
0x768: {  	s31 =	sshll.u32 s17, $0x8;
	s0 =	ssub.s32 s30, s0  }
0x769: {  	s17 =	sor.u32 s31, s0  }
0x76a: {  	v7 =	vmov s17;
	s24 =	spop (v2sf)  }
0x76b: {  	s0 =	simm.s32 $0x10040  }
0x76c: {  	s13 =	simm.s32 $0x30;
	v20 =	vld [tilespmem:s0+$0xFFFFFFC0]  }
0x76d: {  	v15 =	vimm.s32 $0x0;
	s25 =	simm.s32 $0x40;
	s26 =	simm.s32 $0x60;
	s28 =	simm.s32 $0x20;
	v9 =	vor.u32 s13, v0;
	v8 =	vld [tilespmem:s0+$0x20]  }
0x76e: {  	s29 =	simm.s32 $0x50;
	s30 =	simm.s32 $0x0;
	v11 =	vor.u32 s25, v0;
	v10 =	vld [tilespmem:s0+$0x0];
	v12 =	vor.u32 s26, v0;
	v13 =	vor.u32 s28, v0  }
0x76f: {  	v14 =	vor.u32 s29, v0;
	v16 =	vor.u32 s30, v0;
	vm1 =	vlt.s32 v9, v6;
	v9 =	vld [tilespmem:s0+$0xFFFFFFF0]  }
0x770: {  	s31 =	simm.s32 $0x10;
	vm5 =	vlt.s32 v13, v6;
	vm3 =	vlt.s32 v14, v6;
	vm0 =	vlt.s32 v16, v6  }
0x771: {  	s1 =	simm.s32 $0x70;
	vm2 =	vlt.s32 v11, v6;
	v11 =	vor.u32 s31, v0;
	vm6 =	vlt.s32 v12, v6  }
0x772: {  	v16 =	vor.u32 s1, v0;
	v12 =	vld [tilespmem:s0+$0xFFFFFFE0];
	vm8 =	vlt.s32 v11, v6;
	v13 =	vshra.s32 v20, $0x8  }
0x773: {  	v14 =	vshra.s32 v8, $0x8;
	v11 =	vshra.s32 v10, $0x8;
	vm4 =	veq.s32 v13, v7;
	v13 =	vld [tilespmem:s0+$0x30]  }
0x774: {  	v18 =	vshra.s32 v9, $0x8;
	vm7 =	vmand vm0, vm4;
	vm0 =	veq.s32 v14, v7;
	v14 =	vld [tilespmem:s0+$0xFFFFFFD0]  }
0x775: {  	vm9 =	vlt.s32 v16, v6;
	vm10 =	veq.s32 v11, v7;
	vm4 =	veq.s32 v18, v7  }
0x776: {  	v11 =	vld [tilespmem:s0+$0x10];
	v17 =	vmpcnt.ones.xlane vm7;
	vm0 =	vmand vm6, vm0;
	v16 =	vsel vm7, $0x1, v2  }
0x777: {  	vm4 =	vmand vm1, vm4;
	vm1 =	vmand vm2, vm10;
	(xrf0) =	vadd.scan.msk.s32 $0xffff, v16;
	v16 =	vshra.s32 v12, $0x8  }
0x778: {  	v21 =	vadd.s32 v15, v17;
	vm6 =	veq.s32 v16, v7;
	v17 =	vshra.s32 v13, $0x8  }
0x779: {  	vm2 =	veq.s32 v17, v7;
	v17 =	vsel vm1, $0x1, v2;
	v16 =	vshra.s32 v14, $0x8  }
0x77a: {  	v18 =	vsel vm4, $0x1, v2;
	vm6 =	vmand vm5, vm6;
	(xrf0) =	vadd.scan.msk.s32 $0xffff, v17;
	vm5 =	veq.s32 v16, v7  }
0x77b: {  	(xrf0) =	vadd.scan.msk.s32 $0xffff, v18;
	v18 =	vshra.s32 v11, $0x8;
	vm5 =	vmand vm8, vm5  }
0x77c: {  	vm2 =	vmand vm9, vm2;
	vm15 =	veq.s32 v18, v7;
	v18 =	vmpcnt.ones.xlane vm5  }
0x77d: {  	v17 =	vsel vm2, $0x1, v2  }
0x77e: {  	v16 =	vsel vm6, $0x1, v2;
	(xrf0) =	vadd.scan.msk.s32 $0xffff, v17  }
0x77f: {  	v19 =	vmpcnt.ones.xlane vm6;
	v17 =	vsel vm0, $0x1, v2;
	v22, _, _ =	vpop (xrf0);
	(xrf0) =	vadd.scan.msk.s32 $0xffff, v16  }
0x780: {  	v15 =	vadd.s32 v22, v15;
	(xrf0) =	vadd.scan.msk.s32 $0xffff, v17;
	v17 =	vmpcnt.ones.xlane vm4;
	v22 =	vadd.s32 v21, v18;
	v18, _, _ =	vpop (xrf0)  }
0x781: {  	vm3 =	vmand vm3, vm15;
	v19 =	vadd.s32 v22, v19;
	v24, _, _ =	vpop (xrf0)  }
0x782: {  	v16 =	vsel vm5, $0x1, v2;
	v24 =	vadd.s32 v24, v19;
	v19 =	vadd.s32 v19, v17  }
0x783: {  	v23 =	vsel vm3, $0x1, v2;
	(xrf0) =	vadd.scan.msk.s32 $0xffff, v16;
	v16 =	vmpcnt.ones.xlane vm1  }
0x784: {  	v25 =	vmpcnt.ones.xlane vm3;
	(xrf0) =	vadd.scan.msk.s32 $0xffff, v23;
	v26, _, _ =	vpop (xrf0)  }
0x785: {  	p1 =	sgt.s32 s19, $0x8;
	v15 =	vadd.s32 $0xFFFFFFFF, v15;
	v27 =	vadd.s32 v18, v19;
	v16 =	vadd.s32 v19, v16;
	v19, _, _ =	vpop (xrf0)  }
.Ltmp62:
0x786: {  	v18 =	vadd.s32 $0xFFFFFFFF, v24;
	v24 =	vadd.s32 v19, v22;
	v22 =	vadd.s32 v16, v25;
	(pc) =	sbr.rel @!p1 .LBB2_116-.Ltmp62, $4  }
0x787: {  	v23 =	vmpcnt.ones.xlane vm0  }
0x788: {  	v17 =	vmpcnt.ones.xlane vm2;
	v25, _, _ =	vpop (xrf0)  }
0x789: {  	v19 =	vadd.s32 $0xFFFFFFFF, v27;
	v25 =	vadd.s32 v25, v22;
	v23 =	vadd.s32 v22, v23;
	v22, _, _ =	vpop (xrf0)  }
0x78a: {  	s25 =	simm.s32 $0x8;
	s26 =	simm.s32 $0xF0;
	s28 =	simm.s32 $0x100C0;
	[tilespmem:v15+s11+$0x0] =	vst.idx.msk vm7, v20;
	v20 =	vadd.s32 $0xFFFFFFFF, v25;
	v25 =	vadd.s32 v26, v23;
	v21 =	vadd.s32 v22, v21;
	v22, _, _ =	vpop (xrf0)  }
.LBB2_115:
0x78b: {  	v15 =	vld [tilespmem:s28+$0xFFFFFFC0];
	s0 =	sadd.s32 $0xFFFFFFC0, s26;
	s1 =	sadd.s32 $0xFFFFFFD0, s26;
	s13 =	sadd.s32 $0xFFFFFFF0, s26;
	v24 =	vadd.s32 $0xFFFFFFFF, v24;
	v25 =	vadd.s32 $0xFFFFFFFF, v25;
	v17 =	vadd.s32 v23, v17  }
0x78c: {  	s29 =	sadd.s32 $0xFFFFFFB0, s26;
	s25 =	sadd.s32 $0x8, s25;
	v23 =	vor.u32 s0, v0;
	v26 =	vld [tilespmem:s28+$0x0];
	v27 =	vor.u32 s1, v0;
	s0 =	sadd.s32 $0xFFFFFFE0, s26;
	v28 =	vor.u32 s13, v0  }
0x78d: {  	s1 =	sadd.s32 $0xFFFFFF90, s26;
	v29 =	vor.u32 s29, v0;
	p1 =	slt.s32 s25, s19;
	vm10 =	vlt.s32 v23, v6;
	v23 =	vor.u32 s0, v0;
	v30 =	vld [tilespmem:s28+$0x20];
	[tilespmem:v18+s11+$0x0] =	vst.idx.msk vm4, v9  }
0x78e: {  	v18 =	vor.u32 s1, v0;
	vm9 =	vlt.s32 v29, v6;
	v9 =	vld [tilespmem:s28+$0xFFFFFFF0];
	vm8 =	vlt.s32 v23, v6;
	[tilespmem:v19+s11+$0x0] =	vst.idx.msk vm1, v10  }
0x78f: {  	vm4 =	vlt.s32 v18, v6;
	v19 =	vadd.s32 $0xFFFFFFFF, v21;
	v10 =	vadd.s32 v22, v16;
	v18 =	vld [tilespmem:s28+$0x10];
	[tilespmem:v20+s11+$0x0] =	vst.idx.msk vm0, v8  }
0x790: {  	s0 =	sadd.s32 $0xFFFFFFA0, s26;
	vm1 =	vlt.s32 v27, v6;
	v20 =	vadd.s32 $0xFFFFFFFF, v10;
	v23 =	vshra.s32 v15, $0x8;
	v16 =	vld [tilespmem:s28+$0x30];
	[tilespmem:v24+s11+$0x0] =	vst.idx.msk vm6, v12  }
0x791: {  	v12 =	vor.u32 s0, v0;
	vm6 =	vlt.s32 v28, v6;
	vm0 =	veq.s32 v23, v7;
	v21 =	vld [tilespmem:s28+$0xFFFFFFD0];
	[tilespmem:v25+s11+$0x0] =	vst.idx.msk vm2, v13  }
0x792: {  	v22 =	vor.u32 s26, v0;
	v10 =	vmovc v26;
	vm7 =	vmand vm4, vm0;
	v13 =	vshra.s32 v30, $0x8;
	v8 =	vmovc v30  }
0x793: {  	vm11 =	vlt.s32 v12, v6;
	v23 =	vmpcnt.ones.xlane vm7;
	v12 =	vld [tilespmem:s28+$0xFFFFFFE0];
	v24 =	vshra.s32 v9, $0x8  }
0x794: {  	vm2 =	vlt.s32 v22, v6;
	v25 =	vshra.s32 v10, $0x8;
	vm0 =	veq.s32 v13, v7;
	[tilespmem:v19+s11+$0x0] =	vst.idx.msk vm5, v14  }
0x795: {  	vm5 =	veq.s32 v25, v7;
	vm0 =	vmand vm6, vm0;
	v22 =	vadd.s32 v17, v23;
	[tilespmem:v20+s11+$0x0] =	vst.idx.msk vm3, v11  }
0x796: {  	v20 =	vsel vm7, $0x1, v2;
	vm3 =	veq.s32 v24, v7;
	v19 =	vsel vm0, $0x1, v2;
	v11 =	vmovc v18;
	v13 =	vmovc v16  }
0x797: {  	vm1 =	vmand vm1, vm5;
	vm4 =	vmand vm10, vm3;
	v16 =	vshra.s32 v13, $0x8;
	v14 =	vmovc v21;
	(xrf0) =	vadd.scan.msk.s32 $0xffff, v20  }
0x798: {  	v20 =	vshra.s32 v11, $0x8;
	vm3 =	veq.s32 v16, v7;
	v18 =	vshra.s32 v12, $0x8  }
0x799: {  	v23 =	vsel vm1, $0x1, v2;
	v16 =	vshra.s32 v14, $0x8;
	v21 =	vsel vm4, $0x1, v2  }
0x79a: {  	vm2 =	vmand vm2, vm3;
	vm5 =	veq.s32 v18, v7;
	v18 =	vmpcnt.ones.xlane vm4;
	(xrf0) =	vadd.scan.msk.s32 $0xffff, v23  }
0x79b: {  	vm3 =	veq.s32 v20, v7;
	v20 =	vsel vm2, $0x1, v2;
	vm6 =	vmand vm9, vm5;
	(xrf0) =	vadd.scan.msk.s32 $0xffff, v21  }
0x79c: {  	vm5 =	veq.s32 v16, v7;
	v16 =	vsel vm6, $0x1, v2;
	v21 =	vmpcnt.ones.xlane vm6;
	(xrf0) =	vadd.scan.msk.s32 $0xffff, v20  }
0x79d: {  	vm3 =	vmand vm8, vm3;
	vm5 =	vmand vm11, vm5;
	v20 =	vmpcnt.ones.xlane vm1;
	v23, _, _ =	vpop (xrf0);
	(xrf0) =	vadd.scan.msk.s32 $0xffff, v16  }
0x79e: {  	v16 =	vadd.s32 v23, v17;
	v17 =	vsel vm5, $0x1, v2;
	v23 =	vmpcnt.ones.xlane vm5;
	(xrf0) =	vadd.scan.msk.s32 $0xffff, v19  }
0x79f: {  	v19 =	vadd.s32 $0xFFFFFFFF, v16;
	v16 =	vsel vm3, $0x1, v2;
	(xrf0) =	vadd.scan.msk.s32 $0xffff, v17  }
0x7a0: {  	v23 =	vadd.s32 v22, v23;
	v24, _, _ =	vpop (xrf0);
	(xrf0) =	vadd.scan.msk.s32 $0xffff, v16  }
0x7a1: {  	v17 =	vmpcnt.ones.xlane vm2;
	v16 =	vadd.s32 v23, v21;
	v21 =	vmpcnt.ones.xlane vm0;
	v25, _, _ =	vpop (xrf0)  }
.Ltmp63:
0x7a2: {  	v26 =	vmpcnt.ones.xlane vm3;
	v25 =	vadd.s32 v25, v16;
	v16 =	vadd.s32 v16, v18;
	v27, _, _ =	vpop (xrf0);
	(pc) =	sbr.rel @p1 .LBB2_115-.Ltmp63, $4  }
0x7a3: {  	v18 =	vadd.s32 $0xFFFFFFFF, v25;
	v25 =	vadd.s32 v24, v16;
	v16 =	vadd.s32 v16, v20;
	v20, _, _ =	vpop (xrf0)  }
0x7a4: {  	[tilespmem:v19+s11+$0x0] =	vst.idx.msk vm7, v15;
	v24 =	vadd.s32 v20, v23;
	v19 =	vadd.s32 $0xFFFFFFFF, v25;
	v25 =	vadd.s32 v16, v26;
	v20, _, _ =	vpop (xrf0)  }
0x7a5: {  	v20 =	vadd.s32 v20, v25;
	v23 =	vadd.s32 v25, v21;
	v15, _, _ =	vpop (xrf0)  }
0x7a6: {  	s26 =	sadd.s32 $0x80, s26;
	s28 =	sadd.s32 $0x80, s28;
	v21 =	vadd.s32 v15, v22;
	v20 =	vadd.s32 $0xFFFFFFFF, v20;
	v25 =	vadd.s32 v27, v23;
	v22, _, _ =	vpop (xrf0)  }
.LBB2_116:
0x7a7: {  	_ =	sdelay $0x2  }
0x7a8: {  	v15 =	vadd.s32 $0xFFFFFFFF, v24  }
0x7a9: {  	v63 =	vadd.s32 $0xFFFFFFFF, v25  }
0x7aa: {  	[tilespmem:v18+s11+$0x0] =	vst.idx.msk vm4, v9;
	v9 =	vadd.s32 $0xFFFFFFFF, v21;
	v16 =	vadd.s32 v22, v16  }
0x7ab: {  	[tilespmem:v19+s11+$0x0] =	vst.idx.msk vm1, v10;
	v10 =	vadd.s32 $0xFFFFFFFF, v16  }
.Ltmp64:
0x7ac: {  	[tilespmem:v20+s11+$0x0] =	vst.idx.msk vm0, v8;
	(pc) =	sbr.rel .LBB2_80-.Ltmp64, $4  }
0x7ad: {  	[tilespmem:v15+s11+$0x0] =	vst.idx.msk vm6, v12  }
0x7ae: {  	[tilespmem:v63+s11+$0x0] =	vst.idx.msk vm2, v13  }
0x7af: {  	[tilespmem:v9+s11+$0x0] =	vst.idx.msk vm5, v14  }
0x7b0: {  	v8 =	vadd.s32 v23, v17;
	[tilespmem:v10+s11+$0x0] =	vst.idx.msk vm3, v11  }
.LBB2_79:
0x7b1: {  	v8 =	vimm.s32 $0x0  }
.LBB2_80:
0x7b2: {  	p1 =	slt.s32 s22, $0x1  }
.Ltmp65:
0x7b3: {  	_ = 	snop;
	(pc) =	sbr.rel @p1 .LBB2_83-.Ltmp65, $1  }
0x7b4: {  	_ =	sdelay $0x3  }
0x7b5: {  	s0 =	sadd.s32 $0x10000, s23  }
.LBB2_82:
0x7b6: {  	v9 =	vld [tilespmem:s0+$0x0];
	_ =	sdelay $0x4  }
0x7b7: {  	v10 =	vor.u32 s20, v0;
	v11 =	vshra.s32 v9, $0x8  }
0x7b8: {  	vm0 =	vlt.s32 v10, v6;
	vm1 =	veq.s32 v11, v7  }
0x7b9: {  	vm0 =	vmand vm0, vm1  }
0x7ba: {  	v10 =	vsel vm0, $0x1, v2  }
0x7bb: {  	(xrf0) =	vadd.scan.msk.s32 $0xffff, v10;
	_ =	sdelay $0x5  }
0x7bc: {  	v10, _, _ =	vpop (xrf0)  }
0x7bd: {  	s19 =	sadd.s32 $0x1, s19;
	v10 =	vadd.s32 v10, v8  }
0x7be: {  	p1 =	slt.s32 s19, s18;
	v10 =	vadd.s32 $0xFFFFFFFF, v10  }
.Ltmp66:
0x7bf: {  	_ = 	snop;
	(pc) =	sbr.rel @p1 .LBB2_82-.Ltmp66, $3  }
0x7c0: {  	_ = 	snop  }
0x7c1: {  	v11 =	vmpcnt.ones.xlane vm0;
	_ =	sdelay $0x1  }
0x7c2: {  	s0 =	sadd.s32 $0x10, s0;
	s20 =	sadd.s32 $0x10, s20;
	v8 =	vadd.s32 v8, v11;
	[tilespmem:v10+s11+$0x0] =	vst.idx.msk vm0, v9  }
.LBB2_83:
0x7c3: {  	s0 =	simm.s32 $0x18040  }
0x7c4: {  	[tilespmem:s0+$0xFFFFFFC0] =	vst v2  }
0x7c5: {  	[tilespmem:s0+$0x30] =	vst v2  }
0x7c6: {  	[tilespmem:s0+$0x20] =	vst v2  }
0x7c7: {  	[tilespmem:s0+$0x10] =	vst v2  }
0x7c8: {  	[tilespmem:s0+$0x0] =	vst v2  }
0x7c9: {  	[tilespmem:s0+$0xFFFFFFF0] =	vst v2  }
0x7ca: {  	s18 =	ssub.s32 s21, s24;
	s1 =	simm.s32 $0x0;
	[tilespmem:s0+$0xFFFFFFE0] =	vst v2  }
.LBB2_84:
0x7cb: {  	s1 =	sadd.s32 $0x8, s1;
	[tilespmem:s0+$0xFFFFFFD0] =	vst v2;
	s0 =	sadd.s32 $0x80, s0  }
0x7cc: {  	[tilespmem:s0+$0xFFFFFFC0] =	vst v2;
	p1 =	slt.u32 s1, $0x100  }
0x7cd: {  	[tilespmem:s0+$0x30] =	vst v2  }
.Ltmp67:
0x7ce: {  	[tilespmem:s0+$0x20] =	vst v2;
	(pc) =	sbr.rel @p1 .LBB2_84-.Ltmp67, $4  }
0x7cf: {  	[tilespmem:s0+$0x10] =	vst v2  }
0x7d0: {  	[tilespmem:s0+$0x0] =	vst v2  }
0x7d1: {  	[tilespmem:s0+$0xFFFFFFF0] =	vst v2  }
0x7d2: {  	[tilespmem:s0+$0xFFFFFFE0] =	vst v2  }
0x7d3: {  	v6 =	vxor.u32 $0x80000000, v8  }
0x7d4: {  	(xrf0) =	vmax.scan.msk.u32 $0xffff, v6;
	_ =	sdelay $0x5  }
0x7d5: {  	v6, _, _ =	vpop (xrf0)  }
0x7d6: {  	(v2sf) =	vpush v6, $0xF;
	_ =	sdelay $0xe  }
0x7d7: {  	s1 =	spop (v2sf)  }
0x7d8: {  	s13 =	sadd.s32 $0x8000000F, s1  }
0x7d9: {  	s19 =	sand.u32 $0xF, s13  }
0x7da: {  	s31 =	sshra.s32 s13, $0x1F;
	p2 =	slt.s32 s13, $0x1;
	p1 =	sne.s32 s19, $0x0  }
0x7db: {  	s19 =	sshrl.u32 s31, $0x1C;
	p1 =	por !p2, !p1  }
0x7dc: {  	s13 =	sadd.s32 s19, s13;
	s19 =	simm.s32 $0x1;
	p1 =	por !p1, !p1  }
0x7dd: {  	s13 =	sshra.s32 s13, $0x4;
	s19 =	simm.s32 @!p1 $0x0  }
0x7de: {  	s19 =	ssub.s32 s13, s19  }
0x7df: {  	s13 =	sshrl.u32 s19, $0x1D  }
0x7e0: {  	s13 =	sadd.s32 s13, s19  }
0x7e1: {  	s20 =	sand.u32 $0xFFFFFFF8, s13  }
0x7e2: {  	p1 =	slt.s32 s20, $0x1  }
.Ltmp68:
0x7e3: {  	_ = 	snop;
	(pc) =	sbr.rel @p1 .LBB2_89-.Ltmp68, $3  }
0x7e4: {  	_ =	sdelay $0x1  }
0x7e5: {  	s1 =	sxor.u32 $0x80000000, s1  }
0x7e6: {  	[tilespmem:s0+$0xFFFFFFD0] =	vst v2;
	v6 =	vmov s1  }
0x7e7: {  	s0 =	simm.s32 $0x10040  }
0x7e8: {  	v7 =	vld [tilespmem:s0+$0xFFFFFFD0]  }
0x7e9: {  	v9 =	vld [tilespmem:s0+$0xFFFFFFC0]  }
0x7ea: {  	v10 =	vld [tilespmem:s0+$0x30]  }
0x7eb: {  	s1 =	simm.s32 $0x10;
	v12 =	vld [tilespmem:s0+$0x20]  }
0x7ec: {  	v8 =	vor.u32 s1, v0;
	v15 =	vld [tilespmem:s0+$0x0]  }
0x7ed: {  	s21 =	simm.s32 $0x70;
	s29 =	simm.s32 $0x0;
	vm2 =	vlt.s32 v8, v6;
	v11 =	vand.u32 $0xFF, v7  }
0x7ee: {  	s13 =	simm.s32 $0x30;
	p1 =	sgt.s32 s20, $0x8;
	v17 =	vld [tilespmem:s0+$0xFFFFFFE0];
	v13 =	vor.u32 s21, v0;
	v8 =	vor.u32 s29, v0;
	v16 =	vadd.s32 v1, v11  }
.Ltmp69:
0x7ef: {  	s30 =	simm.s32 $0x60;
	vm0 =	vlt.s32 v13, v6;
	v7 =	vor.u32 s13, v0;
	v10 =	vand.u32 $0xFF, v10;
	(pc) =	sbr.rel @!p1 .LBB2_88-.Ltmp69, $4  }
0x7f0: {  	v11 =	vadd.s32 v1, v10;
	v10 =	vand.u32 $0xFF, v12;
	v12 =	vor.u32 s30, v0  }
0x7f1: {  	s31 =	simm.s32 $0x20;
	v13 =	vld [tilespmem:s0+$0x10];
	v9 =	vand.u32 $0xFF, v9;
	v18 =	vand.u32 $0xFF, v15;
	vm1 =	vlt.s32 v12, v6  }
0x7f2: {  	s22 =	simm.s32 $0x8;
	v14 =	vld [tilespmem:s0+$0xFFFFFFF0];
	v9 =	vadd.s32 v1, v9;
	v10 =	vadd.s32 v1, v10;
	v12 =	vor.u32 s31, v0  }
0x7f3: {  	s23 =	simm.s32 $0x50;
	s1 =	simm.s32 $0x40;
	s0 =	simm.s32 $0x100C0;
	v15 =	vand.u32 $0xFF, v17;
	[tilespmem:v16+s10+$0x0] =	vst.idx.add.s32.msk vm2, v4;
	vm2 =	vlt.s32 v12, v6;
	v12 =	vadd.s32 v1, v18  }
.LBB2_87:
0x7f4: {  	v16 =	vld [tilespmem:s0+$0xFFFFFFD0];
	s22 =	sadd.s32 $0x8, s22;
	v15 =	vadd.s32 v1, v15;
	v17 =	vor.u32 s1, v0;
	s21 =	sadd.s32 $0x80, s21  }
0x7f5: {  	s1 =	sadd.s32 $0xFFFFFF90, s21;
	s13 =	sadd.s32 $0xFFFFFFC0, s21;
	p1 =	slt.s32 s22, s20;
	vm3 =	vlt.s32 v17, v6;
	[tilespmem:v11+s10+$0x0] =	vst.idx.add.s32.msk vm0, v4  }
0x7f6: {  	v11 =	vld [tilespmem:s0+$0xFFFFFFC0];
	v17 =	vor.u32 s1, v0;
	v18 =	vor.u32 s13, v0;
	s1 =	sadd.s32 $0xFFFFFFE0, s21;
	v13 =	vand.u32 $0xFF, v13  }
0x7f7: {  	vm0 =	vlt.s32 v8, v6;
	v14 =	vand.u32 $0xFF, v14;
	[tilespmem:v10+s10+$0x0] =	vst.idx.add.s32.msk vm1, v4;
	v8 =	vmov v17  }
0x7f8: {  	v17 =	vor.u32 s23, v0;
	s23 =	smov.u32 s1;
	v10 =	vld [tilespmem:s0+$0x30]  }
0x7f9: {  	vm1 =	vlt.s32 v7, v6;
	v7 =	vmov v18;
	[tilespmem:v15+s10+$0x0] =	vst.idx.add.s32.msk vm2, v4;
	vm2 =	vlt.s32 v17, v6  }
0x7fa: {  	v13 =	vadd.s32 v1, v13;
	v14 =	vadd.s32 v1, v14;
	v15 =	vld [tilespmem:s0+$0x20]  }
0x7fb: {  	s1 =	sadd.s32 $0xFFFFFFA0, s21;
	[tilespmem:v12+s10+$0x0] =	vst.idx.add.s32.msk vm3, v4  }
0x7fc: {  	v18 =	vor.u32 s21, v0;
	v12 =	vor.u32 s1, v0;
	v17 =	vld [tilespmem:s0+$0x0]  }
0x7fd: {  	s1 =	sadd.s32 $0xFFFFFFF0, s21;
	vm3 =	vlt.s32 v12, v6;
	v12 =	vand.u32 $0xFF, v16;
	v10 =	vand.u32 $0xFF, v10;
	[tilespmem:v9+s10+$0x0] =	vst.idx.add.s32.msk vm0, v4  }
0x7fe: {  	v9 =	vand.u32 $0xFF, v11;
	v12 =	vadd.s32 v1, v12;
	v16 =	vld [tilespmem:s0+$0xFFFFFFE0];
	v11 =	vadd.s32 v1, v10  }
.Ltmp70:
0x7ff: {  	vm0 =	vlt.s32 v18, v6;
	v9 =	vadd.s32 v1, v9;
	v10 =	vand.u32 $0xFF, v15;
	[tilespmem:v14+s10+$0x0] =	vst.idx.add.s32.msk vm1, v4;
	(pc) =	sbr.rel @p1 .LBB2_87-.Ltmp70, $4  }
0x800: {  	v14 =	vor.u32 s1, v0;
	v10 =	vadd.s32 v1, v10;
	[tilespmem:v13+s10+$0x0] =	vst.idx.add.s32.msk vm2, v4  }
0x801: {  	s1 =	sadd.s32 $0xFFFFFFB0, s21;
	vm1 =	vlt.s32 v14, v6;
	v13 =	vld [tilespmem:s0+$0x10]  }
0x802: {  	v15 =	vor.u32 s1, v0;
	v17 =	vand.u32 $0xFF, v17;
	v14 =	vld [tilespmem:s0+$0xFFFFFFF0]  }
0x803: {  	s1 =	sadd.s32 $0xFFFFFFD0, s21;
	vm2 =	vlt.s32 v15, v6;
	s0 =	sadd.s32 $0x80, s0;
	[tilespmem:v12+s10+$0x0] =	vst.idx.add.s32.msk vm3, v4;
	v15 =	vand.u32 $0xFF, v16;
	v12 =	vadd.s32 v1, v17  }
.LBB2_88:
0x804: {  	_ =	sdelay $0x1  }
0x805: {  	v16 =	vor.u32 s1, v0;
	v15 =	vadd.s32 v1, v15;
	vm4 =	vlt.s32 v8, v6  }
0x806: {  	v63 =	vor.u32 s23, v0;
	vm3 =	vlt.s32 v16, v6  }
0x807: {  	vm5 =	vlt.s32 v7, v6;
	vm15 =	vlt.s32 v63, v6;
	v7 =	vand.u32 $0xFF, v13  }
0x808: {  	[tilespmem:v11+s10+$0x0] =	vst.idx.add.s32.msk vm0, v4;
	v8 =	vand.u32 $0xFF, v14;
	v7 =	vadd.s32 v1, v7  }
0x809: {  	[tilespmem:v10+s10+$0x0] =	vst.idx.add.s32.msk vm1, v4;
	v8 =	vadd.s32 v1, v8  }
0x80a: {  	[tilespmem:v15+s10+$0x0] =	vst.idx.add.s32.msk vm2, v4  }
0x80b: {  	[tilespmem:v9+s10+$0x0] =	vst.idx.add.s32.msk vm4, v4  }
0x80c: {  	[tilespmem:v12+s10+$0x0] =	vst.idx.add.s32.msk vm3, v4  }
0x80d: {  	[tilespmem:v7+s10+$0x0] =	vst.idx.add.s32.msk vm15, v4  }
0x80e: {  	[tilespmem:v8+s10+$0x0] =	vst.idx.add.s32.msk vm5, v4  }
.LBB2_89:
0x80f: {  	s0 =	ssub.s32 s19, s20  }
0x810: {  	p1 =	sgt.s32 s0, $0x0  }
.Ltmp71:
0x811: {  	_ = 	snop;
	(pc) =	sbr.rel @!p1 .LBB2_90-.Ltmp71, $1  }
0x812: {  	_ =	sdelay $0x3  }
0x813: {  	s0 =	sshll.u32 s20, $0x6  }
0x814: {  	s0 =	sshra.s32 s0, $0x2  }
0x815: {  	s1 =	sshll.u32 s20, $0x4;
	s0 =	sadd.s32 $0x10000, s0  }
.LBB2_118:
0x816: {  	v7 =	vld [tilespmem:s0+$0x0];
	_ =	sdelay $0x3  }
0x817: {  	v8 =	vor.u32 s1, v0  }
0x818: {  	s20 =	sadd.s32 $0x1, s20;
	vm0 =	vlt.s32 v8, v6;
	v7 =	vand.u32 $0xFF, v7  }
0x819: {  	p1 =	slt.s32 s20, s19;
	v7 =	vadd.s32 v1, v7  }
.Ltmp72:
0x81a: {  	_ = 	snop;
	(pc) =	sbr.rel @p1 .LBB2_118-.Ltmp72, $2  }
0x81b: {  	_ =	sdelay $0x2  }
0x81c: {  	s0 =	sadd.s32 $0x10, s0;
	s1 =	sadd.s32 $0x10, s1;
	[tilespmem:v7+s10+$0x0] =	vst.idx.add.s32.msk vm0, v4  }
.LBB2_90:
0x81d: {  	s1 =	simm.s32 $0x188F8  }
0x81e: {  	v6 =	vld [tilespmem:s1+$0xFFFFF7F8]  }
0x81f: {  	v7 =	vld [tilespmem:s1+$0xFFFFF8F9]  }
0x820: {  	v8 =	vld [tilespmem:s1+$0xFFFFF9FA]  }
0x821: {  	v9 =	vld [tilespmem:s1+$0xFFFFFAFB]  }
0x822: {  	v10 =	vld [tilespmem:s1+$0xFFFFFBFC]  }
0x823: {  	v11 =	vld [tilespmem:s1+$0xFFFFFCFD]  }
0x824: {  	v12 =	vld [tilespmem:s1+$0xFFFFFDFE];
	v6 =	vadd.s32 v6, v7  }
0x825: {  	v7 =	vld [tilespmem:s1+$0xFFFFFEFF];
	v6 =	vadd.s32 v8, v6  }
0x826: {  	v8 =	vld [tilespmem:s1+$0x0];
	v6 =	vadd.s32 v9, v6  }
0x827: {  	v9 =	vld [tilespmem:s1+$0x101];
	v6 =	vadd.s32 v10, v6  }
0x828: {  	v10 =	vld [tilespmem:s1+$0x202];
	v6 =	vadd.s32 v11, v6  }
0x829: {  	v11 =	vld [tilespmem:s1+$0x303];
	v6 =	vadd.s32 v12, v6  }
0x82a: {  	v12 =	vld [tilespmem:s1+$0x404];
	v6 =	vadd.s32 v7, v6  }
0x82b: {  	v7 =	vld [tilespmem:s1+$0x505];
	v6 =	vadd.s32 v8, v6  }
0x82c: {  	v8 =	vld [tilespmem:s1+$0x606];
	v6 =	vadd.s32 v9, v6  }
0x82d: {  	v9 =	vld [tilespmem:s1+$0x707];
	v6 =	vadd.s32 v10, v6  }
0x82e: {  	v6 =	vadd.s32 v11, v6  }
0x82f: {  	v6 =	vadd.s32 v12, v6  }
0x830: {  	v6 =	vadd.s32 v7, v6  }
0x831: {  	v6 =	vadd.s32 v8, v6  }
0x832: {  	s0 =	simm.s32 $0x19170;
	v6 =	vadd.s32 v9, v6  }
0x833: {  	s31 =	simm.s32 $0x188E8;
	[tilespmem:s0+$0x0] =	vst v6;
	(xrf0) =	vadd.scan.msk.s32 $0xffff, v6  }
0x834: {  	v6 =	vld [tilespmem:s31+$0xFFFFF7F8]  }
0x835: {  	v7 =	vld [tilespmem:s31+$0xFFFFF8F9]  }
0x836: {  	v8 =	vld [tilespmem:s31+$0xFFFFF9FA]  }
0x837: {  	v9 =	vld [tilespmem:s31+$0xFFFFFAFB]  }
0x838: {  	v10 =	vld [tilespmem:s31+$0xFFFFFBFC]  }
0x839: {  	v11 =	vld [tilespmem:s31+$0xFFFFFCFD];
	v12, _, _ =	vpop (xrf0)  }
0x83a: {  	v13 =	vld [tilespmem:s31+$0xFFFFFDFE];
	v6 =	vadd.s32 v6, v7;
	(v2sf) =	vpush v12, $0xF  }
0x83b: {  	v7 =	vld [tilespmem:s31+$0xFFFFFEFF];
	v6 =	vadd.s32 v8, v6  }
0x83c: {  	v8 =	vld [tilespmem:s31+$0x0];
	v6 =	vadd.s32 v9, v6  }
0x83d: {  	v9 =	vld [tilespmem:s31+$0x101];
	v6 =	vadd.s32 v10, v6  }
0x83e: {  	v10 =	vld [tilespmem:s31+$0x202];
	v6 =	vadd.s32 v11, v6  }
0x83f: {  	v11 =	vld [tilespmem:s31+$0x303];
	v6 =	vadd.s32 v13, v6  }
0x840: {  	v12 =	vld [tilespmem:s31+$0x404];
	v6 =	vadd.s32 v7, v6  }
0x841: {  	v7 =	vld [tilespmem:s31+$0x505];
	v6 =	vadd.s32 v8, v6  }
0x842: {  	v8 =	vld [tilespmem:s31+$0x606];
	v6 =	vadd.s32 v9, v6  }
0x843: {  	v9 =	vld [tilespmem:s31+$0x707];
	v6 =	vadd.s32 v10, v6  }
0x844: {  	v6 =	vadd.s32 v11, v6  }
0x845: {  	v6 =	vadd.s32 v12, v6  }
0x846: {  	v6 =	vadd.s32 v7, v6  }
0x847: {  	v6 =	vadd.s32 v8, v6  }
0x848: {  	s21 =	simm.s32 $0x19160;
	v6 =	vadd.s32 v9, v6  }
0x849: {  	s25 =	simm.s32 $0x188D8;
	[tilespmem:s21+$0x0] =	vst v6;
	(xrf0) =	vadd.scan.msk.s32 $0xffff, v6;
	s0 =	spop (v2sf)  }
0x84a: {  	p1 =	por $0x1, $0x1;
	v6 =	vld [tilespmem:s25+$0xFFFFF7F8];
	p2 =	sge.s32 s0, s18  }
0x84b: {  	s20 =	simm.s32 $0x0;
	s19 =	simm.s32 $0x1;
	v9 =	vld [tilespmem:s25+$0xFFFFF8F9];
	p2 =	por !p1, !p2  }
0x84c: {  	s23 =	simm.s32 $0xF;
	s22 =	simm.s32 $0x0;
	v7 =	vld [tilespmem:s25+$0xFFFFF9FA];
	p2 =	por !p2, !p2  }
0x84d: {  	s24 =	simm.s32 $0xE;
	s1 =	simm.s32 $0xC;
	v8 =	vld [tilespmem:s25+$0xFFFFFAFB];
	p3 =	por !p2, !p2  }
0x84e: {  	v10 =	vld [tilespmem:s25+$0xFFFFFBFC];
	s22 =	smov.u32 @p2 s23;
	s23 =	simm.s32 $0xD;
	p3 =	por @!p1 p2, p2  }
0x84f: {  	v11 =	vld [tilespmem:s25+$0xFFFFFCFD];
	s19 =	smov.u32 @p2 s18;
	s20 =	simm.s32 @p2 $0x1;
	v12, _, _ =	vpop (xrf0);
	s0 =	simm.s32 @!p3 $0x0  }
.LBB2_91:
0x850: {  	p1 =	sne.s32 s1, $0x0  }
0x851: {  	v13 =	vld [tilespmem:s25+$0xFFFFFDFE];
	v6 =	vadd.s32 v6, v9;
	(v2sf) =	vpush v12, $0xF;
	s18 =	ssub.s32 s18, s0;
	s13 =	smov.u32 s1;
	s1 =	sadd.s32 $0xFFFFFFFF, s1  }
0x852: {  	v9 =	vld [tilespmem:s25+$0xFFFFFEFF];
	v6 =	vadd.s32 v7, v6  }
0x853: {  	v7 =	vld [tilespmem:s25+$0x0];
	v6 =	vadd.s32 v8, v6  }
0x854: {  	v8 =	vld [tilespmem:s25+$0x101];
	v6 =	vadd.s32 v10, v6  }
0x855: {  	v10 =	vld [tilespmem:s25+$0x202];
	v6 =	vadd.s32 v11, v6  }
0x856: {  	v11 =	vld [tilespmem:s25+$0x303];
	v6 =	vadd.s32 v13, v6  }
0x857: {  	v12 =	vld [tilespmem:s25+$0x404];
	v6 =	vadd.s32 v9, v6  }
0x858: {  	v9 =	vld [tilespmem:s25+$0x505];
	v6 =	vadd.s32 v7, v6  }
0x859: {  	v7 =	vld [tilespmem:s25+$0x606];
	v6 =	vadd.s32 v8, v6  }
0x85a: {  	v8 =	vld [tilespmem:s25+$0x707];
	v6 =	vadd.s32 v10, v6  }
0x85b: {  	v6 =	vadd.s32 v11, v6  }
0x85c: {  	v6 =	vadd.s32 v12, v6  }
0x85d: {  	v6 =	vadd.s32 v9, v6  }
0x85e: {  	v6 =	vadd.s32 v7, v6  }
0x85f: {  	s21 =	sadd.s32 $0xFFFFFFF0, s21;
	v6 =	vadd.s32 v8, v6  }
0x860: {  	s25 =	sadd.s32 $0xFFFFFFF0, s25;
	[tilespmem:s21+$0x0] =	vst v6;
	(xrf0) =	vadd.scan.msk.s32 $0xffff, v6;
	s0 =	spop (v2sf)  }
0x861: {  	p2 =	seq.s32 s20, $0x0;
	v6 =	vld [tilespmem:s25+$0xFFFFF7F8];
	p3 =	sge.s32 s0, s18  }
.Ltmp73:
0x862: {  	v9 =	vld [tilespmem:s25+$0xFFFFF8F9];
	p3 =	por !p2, !p3;
	(pc) =	sbr.rel @p1 .LBB2_91-.Ltmp73, $4  }
0x863: {  	v7 =	vld [tilespmem:s25+$0xFFFFF9FA];
	p3 =	por !p3, !p3  }
0x864: {  	v8 =	vld [tilespmem:s25+$0xFFFFFAFB];
	s22 =	smov.u32 @p3 s24;
	s19 =	smov.u32 @p3 s18;
	p4 =	por !p3, !p3  }
0x865: {  	s20 =	simm.s32 @p3 $0x1;
	s24 =	smov.u32 s23;
	v10 =	vld [tilespmem:s25+$0xFFFFFBFC];
	p4 =	por @!p2 p3, p3  }
0x866: {  	s23 =	smov.u32 s13;
	v11 =	vld [tilespmem:s25+$0xFFFFFCFD];
	v12, _, _ =	vpop (xrf0);
	s0 =	simm.s32 @!p4 $0x0  }
0x867: {  	v13 =	vld [tilespmem:s25+$0xFFFFFDFE];
	v6 =	vadd.s32 v6, v9  }
0x868: {  	v57 =	vld [tilespmem:s25+$0xFFFFFEFF];
	v6 =	vadd.s32 v7, v6  }
0x869: {  	v7 =	vld [tilespmem:s25+$0x0];
	v6 =	vadd.s32 v8, v6  }
0x86a: {  	v58 =	vld [tilespmem:s25+$0x101];
	v6 =	vadd.s32 v10, v6  }
0x86b: {  	v59 =	vld [tilespmem:s25+$0x202];
	v6 =	vadd.s32 v11, v6  }
0x86c: {  	v60 =	vld [tilespmem:s25+$0x303];
	v6 =	vadd.s32 v13, v6  }
0x86d: {  	v61 =	vld [tilespmem:s25+$0x404];
	v6 =	vadd.s32 v57, v6  }
0x86e: {  	v62 =	vld [tilespmem:s25+$0x505];
	v6 =	vadd.s32 v7, v6  }
0x86f: {  	v7 =	vld [tilespmem:s25+$0x606];
	v6 =	vadd.s32 v58, v6  }
0x870: {  	v63 =	vld [tilespmem:s25+$0x707];
	v6 =	vadd.s32 v59, v6  }
0x871: {  	v6 =	vadd.s32 v60, v6  }
0x872: {  	v6 =	vadd.s32 v61, v6  }
0x873: {  	v6 =	vadd.s32 v62, v6  }
0x874: {  	v6 =	vadd.s32 v7, v6  }
0x875: {  	v6 =	vadd.s32 v63, v6  }
0x876: {  	(v2sf) =	vpush v12, $0xF;
	(xrf0) =	vadd.scan.msk.s32 $0xffff, v6;
	_ =	sdelay $0x5  }
0x877: {  	v7, _, _ =	vpop (xrf0)  }
0x878: {  	(v2sf) =	vpush v7, $0xF;
	_ =	sdelay $0x7  }
0x879: {  	s0 =	ssub.s32 s18, s0;
	s1 =	spop (v2sf)  }
0x87a: {  	p2 =	seq.s32 s20, $0x0;
	p1 =	sge.s32 s1, s0  }
0x87b: {  	p1 =	por !p2, !p1  }
0x87c: {  	p1 =	por !p1, !p1  }
0x87d: {  	p3 =	por !p1, !p1  }
0x87e: {  	p3 =	por @!p2 p1, p1  }
0x87f: {  	s1 =	simm.s32 @!p3 $0x0  }
0x880: {  	s20 =	simm.s32 @p1 $0x1;
	s1 =	ssub.s32 s0, s1;
	s13 =	spop (v2sf)  }
0x881: {  	p5 =	seq.s32 s20, $0x0;
	p6 =	sge.s32 s13, s1  }
0x882: {  	p2 =	por !p5, !p6  }
0x883: {  	s22 =	smov.u32 @p1 s24;
	p2 =	por !p2, !p2  }
0x884: {  	s28 =	sadd.s32 $0xFFFFFFF0, s21;
	s22 =	smov.u32 @p2 s23  }
0x885: {  	[tilespmem:s28+$0x0] =	vst v6;
	s29 =	sshll.u32 s22, $0x4  }
0x886: {  	v6 =	vld [tilespmem:s29+$0x19080];
	_ =	sdelay $0x4  }
0x887: {  	v6 =	vperm.xlane v6, v5;
	_ =	sdelay $0x1  }
0x888: {  	(xrf0) =	vadd.scan.msk.s32 $0xffff, v6;
	_ =	sdelay $0x4  }
0x889: {  	s19 =	smov.u32 @p1 s0  }
0x88a: {  	s19 =	smov.u32 @p2 s1;
	v6, _, _ =	vpop (xrf0)  }
0x88b: {  	vm0 =	vge.s32 v6, s19  }
0x88c: {  	v6 =	vmctz.xlane vm0;
	_ =	sdelay $0x1  }
0x88d: {  	v6 =	vxor.u32 $0x80000000, v6  }
0x88e: {  	(xrf0) =	vmax.scan.msk.u32 $0xffff, v6;
	_ =	sdelay $0x5  }
0x88f: {  	v6, _, _ =	vpop (xrf0)  }
0x890: {  	(v2sf) =	vpush v6, $0xF;
	_ =	sdelay $0xe  }
0x891: {  	s30 =	spop (v2sf)  }
0x892: {  	s0 =	sxor.u32 $0x7FFFFFFF, s30  }
0x893: {  	s0 =	sadd.s32 s29, s0  }
0x894: {  	s31 =	sshll.u32 s17, $0x8;
	s0 =	sadd.s32 $0x10, s0  }
0x895: {  	s0 =	sor.u32 s31, s0  }
0x896: {  	v6 =	vmov s0  }
0x897: {  	v7 =	vxor.u32 $0x7FFFFFFF, v6;
	vm15 =	vlt.s32 v6, $0x0  }
0x898: {  	v6 =	vnsel vm15, s0, v7  }
0x899: {  	[tilespmem:s16+$0x19200] =	vst v6  }
0x89a: {  	[tilespmem:s16+$0x19210] =	vst v6  }
0x89b: {  	[tilespmem:s16+$0x19220] =	vst v6  }
.Ltmp74:
0x89c: {  	[tilespmem:s16+$0x19230] =	vst v6;
	(pc) =	sbr.rel @p0 .LBB2_2-.Ltmp74, $4  }
0x89d: {  	[tilespmem:s16+$0x19240] =	vst v6  }
0x89e: {  	[tilespmem:s16+$0x19250] =	vst v6  }
0x89f: {  	[tilespmem:s16+$0x19260] =	vst v6  }
0x8a0: {  	p1 =	por $0x0, $0x0;
	[tilespmem:s16+$0x19270] =	vst v6;
	s16 =	simm.s32 $0x1  }
0x8a1: {  	s15 =	sadd.s32 $0x1, s15  }
0x8a2: {  	p0 =	sne.s32 s15, s7  }
.Ltmp75:
0x8a3: {  	s0 =	simm.s32 $0x19180;
	(pc) =	sbr.rel @p0 .LBB2_1-.Ltmp75, $4  }
0x8a4: {  	[hbm4b:s6+s2] =	stream.linear.scatter [tilespmem:s0], [sflag:$0x3], $0x200, $0x38;
	[tilespmem:$0x19380] =	vst v63  }
0x8a5: {  	_ =	swait.ge [sflag:s14], $0x200  }
0x8a6: {  	[sflag:s14] =	ssyncset.done $0x0  }
0x8a7: {  	[sflag:s14] =	ssyncadd.s32 $0xFFFFFE00  }
0x8a8: {  	_ =	sfence.sel $0x180000  }
0x8a9: {  	[bflag:$0x0] =	sbarrier.arrive $0xFFFF  }
0x8aa: {  	_ =	strace $0x90000047  }
0x8ab: {  	s0 =	stileid.u32;
	[bflag:$0x2] =	sbarrier.arrive $0xFFFF  }
0x8ac: {  	p0 =	sne.s32 s0, $0x0;
	s0 =	rddreg [dreg:$0x2]  }
0x8ad: {  	s0 =	sadd.s32 @!p0 $0x100000, s0  }
0x8ae: {  	[sflag:s0] =	ssyncadd.tile.s32 @!p0 $0x1;
	_ =	shalt  }
.Lfunc_end2:
_tile_overlayer_lowered:
.L_overlay_start_2:
0x8af: {  	(tag) =	ssettag $0x2  }
0x8b0: {  	s0 =	rddreg [dreg:$0x0];
	s2 =	stileid.u32  }
0x8b1: {  	s1 =	rddreg [dreg:$0x1];
	p0 =	sne.s32 s2, $0x0  }
0x8b2: {  	s3 =	rddreg [dreg:$0x2];
	[bflag:$0x3] =	sbarrier.arrive $0xFFFF;
	s2 =	simm.s32 @!p0 $0x1C03  }
0x8b3: {  	[timem:s3], [sflag:s2] =	dma.local @!p0 [hbm:s0], s1  }
0x8b4: {  	s0 =	simm.s32 @!p0 $0x3  }
0x8b5: {  	_ =	swait.ge @!p0 [sflag:s0], s1  }
0x8b6: {  	s1 =	ssub.s32 @!p0 $0x0, s1;
	[sflag:s0] =	ssyncset.done @!p0 $0x0  }
0x8b7: {  	[sflag:s0] =	ssyncadd.s32 @!p0 s1  }
0x8b8: {  	[bflag:$0x3] =	sbarrier.arrive $0xFFFF  }
0x8b9: {  	_ =	shalt  }

</sc_bundles>
